<compile_context>
chip_gen: v7x
topology: tpu7x:2x2x1
jax: 0.10.2.dev20260603
libtpu: 0.0.44.dev20260713+nightly
codegen_flags: <defaults>
</compile_context>

<pallas_src>
import jax
import jax.numpy as jnp
from jax import lax
from jax.experimental import pallas as pl
from jax.experimental.pallas import tpu as pltpu
from jax.experimental.pallas import tpu_sc as plsc

NC = 2
NS = 16
L = 16
NW = NC * NS
B = 16384
D = 32
NM = 100000
MB = 128
NFULL = NM // MB
TAIL = NM - NFULL * MB
BPW = B // NW
ICH = 128
NCH = BPW // ICH
NBUF = 4

_MESH = dict(core_axis_name="c", subcore_axis_name="s",
             num_cores=NC, num_subcores=NS)


def _relayout_body(ut_hbm, vt_hbm, utail_hbm, vtail_hbm, u_out, v_out,
                   blk2, stage2, in_sem, out_sem):
    c = lax.axis_index("c")
    s = lax.axis_index("s")
    wid = s * NC + c
    lanes = lax.iota(jnp.int32, L)

    def do_table(t_hbm, tail_hbm, t_out):
        nrounds = -(-NFULL // NW)

        def start_in(r):
            beta = r * NW + wid

            @pl.when(beta < NFULL)
            def _():
                pltpu.async_copy(t_hbm.at[:, pl.ds(beta * MB, MB)],
                                 blk2.at[pl.ds((r % NBUF) * D, D)], in_sem)

        for r0 in range(NBUF - 1):
            start_in(r0)

        def round_fn(r, carry):
            beta = r * NW + wid
            par = r % NBUF

            @pl.when(beta < NFULL)
            def _():
                m0 = beta * MB
                pltpu.make_async_copy(t_hbm.at[:, pl.ds(m0, MB)],
                                      blk2.at[pl.ds(par * D, D)],
                                      in_sem).wait()
                start_in(r + NBUF - 1)
                @pl.when(r >= NBUF)
                def _():
                    b2 = (r - NBUF) * NW + wid
                    pltpu.make_async_copy(
                        stage2.at[par],
                        t_out.at[pl.ds(b2 * MB * D, MB * D)],
                        out_sem).wait()
                parv = jnp.full((L,), par, jnp.int32)
                lanes32 = lanes * D

                @plsc.parallel_loop(0, MB, step=L, unroll=4)
                def _(rho0):
                    rho = rho0 + lanes
                    rho32 = rho0 * D + lanes32
                    for c0 in range(D):
                        cl = (c0 + lanes) & (D - 1)
                        val = plsc.load_gather(blk2, [par * D + cl, rho])
                        plsc.store_scatter(stage2, [parv, rho32 + cl], val)
                pltpu.async_copy(stage2.at[par],
                                 t_out.at[pl.ds(m0 * D, MB * D)],
                                 out_sem)
            return carry

        lax.fori_loop(0, nrounds, round_fn, 0)

        for r in range(max(nrounds - NBUF - 1, 0), nrounds):
            beta = r * NW + wid

            @pl.when((beta < NFULL) & (beta + NBUF * NW >= NFULL))
            def _(r=r, beta=beta):
                pltpu.make_async_copy(
                    stage2.at[r % NBUF],
                    t_out.at[pl.ds(beta * MB * D, MB * D)],
                    out_sem).wait()

        @pl.when(wid == 0)
        def _():
            pltpu.sync_copy(tail_hbm, stage2.at[0, pl.ds(0, TAIL * D)])
            pltpu.sync_copy(stage2.at[0, pl.ds(0, TAIL * D)],
                            t_out.at[pl.ds(NFULL * MB * D, TAIL * D)])

    do_table(ut_hbm, utail_hbm, u_out)
    do_table(vt_hbm, vtail_hbm, v_out)


def _gather_body(i_hbm, j_hbm, k_hbm, u_hbm, v_hbm, out_hbm,
                 idx_i, idx_j, idx_k, rows_u, rows_vj, rows_vk, out_v, sem):
    c = lax.axis_index("c")
    s = lax.axis_index("s")
    wid = s * NC + c
    base = wid * BPW

    pltpu.sync_copy(i_hbm.at[pl.ds(base, BPW)], idx_i)
    pltpu.sync_copy(j_hbm.at[pl.ds(base, BPW)], idx_j)
    pltpu.sync_copy(k_hbm.at[pl.ds(base, BPW)], idx_k)

    copies = []
    for q in range(NCH):
        isl = pl.ds(q * ICH, ICH)
        sl = pl.ds(q * ICH, ICH)
        copies.append(pltpu.async_copy(u_hbm.at[idx_i.at[isl]], rows_u.at[sl], sem))
        copies.append(pltpu.async_copy(v_hbm.at[idx_j.at[isl]], rows_vj.at[sl], sem))
        copies.append(pltpu.async_copy(v_hbm.at[idx_k.at[isl]], rows_vk.at[sl], sem))
    for cp in copies:
        cp.wait()

    lanes = lax.iota(jnp.int32, L)

    def chunk(cidx, carry):
        rbase = cidx * L
        rows = rbase + lanes
        accj = jnp.zeros((L,), jnp.float32)
        acck = jnp.zeros((L,), jnp.float32)
        for d in range(D):
            col = (lanes + d) & (D - 1)
            u = plsc.load_gather(rows_u, [rows, col])
            vj = plsc.load_gather(rows_vj, [rows, col])
            vk = plsc.load_gather(rows_vk, [rows, col])
            dj = u - vj
            dk = u - vk
            accj = accj + dj * dj
            acck = acck + dk * dk
        x = acck - accj
        out_v[pl.ds(rbase, L)] = 1.0 / (1.0 + jnp.exp(-x))
        return carry

    lax.fori_loop(0, BPW // L, chunk, 0)
    pltpu.sync_copy(out_v, out_hbm.at[pl.ds(base, BPW)])


@jax.jit
def kernel(i, j, k, U, V):
    relayout = pl.kernel(
        _relayout_body,
        out_type=(jax.ShapeDtypeStruct((NM * D,), jnp.float32),
                  jax.ShapeDtypeStruct((NM * D,), jnp.float32)),
        mesh=plsc.VectorSubcoreMesh(**_MESH),
        scratch_types=[
            pltpu.VMEM((NBUF * D, MB), jnp.float32),
            pltpu.VMEM((NBUF, MB * D), jnp.float32),
            pltpu.SemaphoreType.DMA,
            pltpu.SemaphoreType.DMA,
        ],
        compiler_params=pltpu.CompilerParams(
            needs_layout_passes=False, use_tc_tiling_on_sc=True),
    )
    u_tail = U[NFULL * MB:, :].reshape(TAIL * D)
    v_tail = V[NFULL * MB:, :].reshape(TAIL * D)
    U_lin, V_lin = relayout(U.T, V.T, u_tail, v_tail)

    gather = pl.kernel(
        _gather_body,
        out_type=jax.ShapeDtypeStruct((B,), jnp.float32),
        mesh=plsc.VectorSubcoreMesh(**_MESH),
        scratch_types=[
            pltpu.VMEM((BPW,), jnp.int32),
            pltpu.VMEM((BPW,), jnp.int32),
            pltpu.VMEM((BPW,), jnp.int32),
            pltpu.VMEM((BPW, D), jnp.float32),
            pltpu.VMEM((BPW, D), jnp.float32),
            pltpu.VMEM((BPW, D), jnp.float32),
            pltpu.VMEM((BPW,), jnp.float32),
            pltpu.SemaphoreType.DMA,
        ],
        compiler_params=pltpu.CompilerParams(
            needs_layout_passes=False, use_tc_tiling_on_sc=False),
    )
    return gather(i, j, k, U_lin.reshape(NM, D), V_lin.reshape(NM, D))

# --- scband reference (transcript-rebuilt; emitter-appended) ---
"""Pipeline reference for scband-vector-bt-norm-38122129719990 (READ-ONLY COPY).

The authoritative reference and input builder live on the scoring server;
editing this copy changes nothing except your own understanding.
"""

import jax, jax.numpy as jnp
import numpy as np

NUM_MODELS = 100000
D = 32
BATCH = 16384


def setup_inputs(seed: int = 0) -> dict:
    key = jax.random.key(seed)
    k_i, k_j, k_k, k_u, k_v = jax.random.split(key, 5)
    i = jax.random.randint(k_i, (BATCH,), 0, NUM_MODELS, dtype=jnp.int64 if jax.config.jax_enable_x64 else jnp.int32).astype(jnp.int32)
    j = jax.random.randint(k_j, (BATCH,), 0, NUM_MODELS).astype(jnp.int32)
    k = jax.random.randint(k_k, (BATCH,), 0, NUM_MODELS).astype(jnp.int32)
    U = jax.random.normal(k_u, (NUM_MODELS, D), dtype=jnp.float32) * 0.1
    V = jax.random.normal(k_v, (NUM_MODELS, D), dtype=jnp.float32) * 0.1
    return {"i": i, "j": j, "k": k, "U": U, "V": V}


def reference(i, j, k, U, V):
    # Embedding lookups (gathers)
    u_i = jnp.take(U, i, axis=0)
    v_j = jnp.take(V, j, axis=0)
    v_k = jnp.take(V, k, axis=0)
    score_j = -jnp.sum((u_i - v_j) ** 2, axis=-1)
    score_k = -jnp.sum((u_i - v_k) ** 2, axis=-1)
    return jax.nn.sigmoid(score_j - score_k)

if __name__ == "__main__":
    import jax
    _d = setup_inputs()
    print(jax.jit(kernel)(*tuple(_d.values())))

</pallas_src>

<mosaic_0001>
#map = affine_map<(d0, d1) -> (0, 0)>
#map1 = affine_map<(d0, d1) -> (0)>
module attributes {stable_mosaic.version = 14 : i64} {
  func.func @_relayout_body(%arg0: i32, %arg1: i32, %arg2: memref<32x100000xf32, #tpu.memory_space<hbm>>, %arg3: memref<32x100000xf32, #tpu.memory_space<hbm>>, %arg4: memref<1024xf32, #tpu.memory_space<hbm>>, %arg5: memref<1024xf32, #tpu.memory_space<hbm>>, %arg6: memref<3200000xf32, #tpu.memory_space<hbm>>, %arg7: memref<3200000xf32, #tpu.memory_space<hbm>>, %arg8: memref<128x128xf32, #tpu.memory_space<vmem>>, %arg9: memref<4x4096xf32, #tpu.memory_space<vmem>>, %arg10: memref<!tpu.dma_semaphore, #tpu.memory_space<semaphore_mem>>, %arg11: memref<!tpu.dma_semaphore, #tpu.memory_space<semaphore_mem>>) attributes {dimension_semantics = [#tpu.dimension_semantics<core_parallel>, #tpu.dimension_semantics<subcore_parallel>], iteration_bounds = array<i64: 2, 16>, scalar_prefetch = 0 : i64, scratch_operands = 4 : i64, tpu.core_type = #tpu.core_type<sc_vector_subcore>, window_params = [{transform_indices = #map}, {transform_indices = #map}, {transform_indices = #map1}, {transform_indices = #map1}, {transform_indices = #map1}, {transform_indices = #map1}]} {
    %mul3A = arith.constant 2 : i32
    %mul3A_0 = arith.muli %arg1, %mul3A : i32
    %add3A = arith.addi %mul3A_0, %arg0 : i32
    %iota3A = tpu.iota {dimensions = array<i32: 0>} : vector<16xi32>
    %add3A_1 = arith.constant 0 : i32
    %add3A_2 = arith.addi %add3A_1, %add3A : i32
    %lt3A = arith.constant 781 : i32
    %lt3A_3 = arith.cmpi slt, %add3A_2, %lt3A : i32
    %convert_element_type3A = arith.extui %lt3A_3 : i1 to i32
    %cond3A = arith.constant 0 : i32
    %cond3A_4 = arith.cmpi ne, %convert_element_type3A, %cond3A : i32
    scf.if %cond3A_4 {
      %mul3A_178 = arith.constant 128 : i32
      %mul3A_179 = arith.muli %add3A_2, %mul3A_178 : i32
      %dma_start3A = arith.constant 0 : i32
      %dma_start3A_180 = arith.constant 0 : i32
      %dma_start3A_181 = tpu.memref_slice %arg8[%dma_start3A, %dma_start3A_180] : memref<128x128xf32, #tpu.memory_space<vmem>> -> memref<32x128xf32, #tpu.memory_space<vmem>>
      %dma_start3A_182 = arith.constant 0 : i32
      %dma_start3A_183 = tpu.memref_slice %arg2[%dma_start3A_182, %mul3A_179] : memref<32x100000xf32, #tpu.memory_space<hbm>> -> memref<32x128xf32, #tpu.memory_space<hbm>>
      %dma_start3A_184 = arith.constant 0 : i32
      %dma_start3A_185 = arith.constant 0 : i32
      %dma_start3A_186 = tpu.memref_slice %arg8[%dma_start3A_184, %dma_start3A_185] : memref<128x128xf32, #tpu.memory_space<vmem>> -> memref<32x128xf32, #tpu.memory_space<vmem>>
      %dma_start3A_187 = arith.constant 0 : i32
      %dma_start3A_188 = tpu.memref_slice %arg2[%dma_start3A_187, %mul3A_179] : memref<32x100000xf32, #tpu.memory_space<hbm>> -> memref<32x128xf32, #tpu.memory_space<hbm>>
      tpu.enqueue_dma source(%dma_start3A_188 : memref<32x128xf32, #tpu.memory_space<hbm>>) target(%dma_start3A_186 : memref<32x128xf32, #tpu.memory_space<vmem>>) target_semaphore(%arg10 : memref<!tpu.dma_semaphore, #tpu.memory_space<semaphore_mem>>)
    } else {
    }
    %add3A_5 = arith.constant 32 : i32
    %add3A_6 = arith.addi %add3A_5, %add3A : i32
    %lt3A_7 = arith.constant 781 : i32
    %lt3A_8 = arith.cmpi slt, %add3A_6, %lt3A_7 : i32
    %convert_element_type3A_9 = arith.extui %lt3A_8 : i1 to i32
    %cond3A_10 = arith.constant 0 : i32
    %cond3A_11 = arith.cmpi ne, %convert_element_type3A_9, %cond3A_10 : i32
    scf.if %cond3A_11 {
      %mul3A_178 = arith.constant 128 : i32
      %mul3A_179 = arith.muli %add3A_6, %mul3A_178 : i32
      %dma_start3A = arith.constant 32 : i32
      %dma_start3A_180 = arith.constant 0 : i32
      %dma_start3A_181 = tpu.memref_slice %arg8[%dma_start3A, %dma_start3A_180] : memref<128x128xf32, #tpu.memory_space<vmem>> -> memref<32x128xf32, #tpu.memory_space<vmem>>
      %dma_start3A_182 = arith.constant 0 : i32
      %dma_start3A_183 = tpu.memref_slice %arg2[%dma_start3A_182, %mul3A_179] : memref<32x100000xf32, #tpu.memory_space<hbm>> -> memref<32x128xf32, #tpu.memory_space<hbm>>
      %dma_start3A_184 = arith.constant 32 : i32
      %dma_start3A_185 = arith.constant 0 : i32
      %dma_start3A_186 = tpu.memref_slice %arg8[%dma_start3A_184, %dma_start3A_185] : memref<128x128xf32, #tpu.memory_space<vmem>> -> memref<32x128xf32, #tpu.memory_space<vmem>>
      %dma_start3A_187 = arith.constant 0 : i32
      %dma_start3A_188 = tpu.memref_slice %arg2[%dma_start3A_187, %mul3A_179] : memref<32x100000xf32, #tpu.memory_space<hbm>> -> memref<32x128xf32, #tpu.memory_space<hbm>>
      tpu.enqueue_dma source(%dma_start3A_188 : memref<32x128xf32, #tpu.memory_space<hbm>>) target(%dma_start3A_186 : memref<32x128xf32, #tpu.memory_space<vmem>>) target_semaphore(%arg10 : memref<!tpu.dma_semaphore, #tpu.memory_space<semaphore_mem>>)
    } else {
    }
    %add3A_12 = arith.constant 64 : i32
    %add3A_13 = arith.addi %add3A_12, %add3A : i32
    %lt3A_14 = arith.constant 781 : i32
    %lt3A_15 = arith.cmpi slt, %add3A_13, %lt3A_14 : i32
    %convert_element_type3A_16 = arith.extui %lt3A_15 : i1 to i32
    %cond3A_17 = arith.constant 0 : i32
    %cond3A_18 = arith.cmpi ne, %convert_element_type3A_16, %cond3A_17 : i32
    scf.if %cond3A_18 {
      %mul3A_178 = arith.constant 128 : i32
      %mul3A_179 = arith.muli %add3A_13, %mul3A_178 : i32
      %dma_start3A = arith.constant 64 : i32
      %dma_start3A_180 = arith.constant 0 : i32
      %dma_start3A_181 = tpu.memref_slice %arg8[%dma_start3A, %dma_start3A_180] : memref<128x128xf32, #tpu.memory_space<vmem>> -> memref<32x128xf32, #tpu.memory_space<vmem>>
      %dma_start3A_182 = arith.constant 0 : i32
      %dma_start3A_183 = tpu.memref_slice %arg2[%dma_start3A_182, %mul3A_179] : memref<32x100000xf32, #tpu.memory_space<hbm>> -> memref<32x128xf32, #tpu.memory_space<hbm>>
      %dma_start3A_184 = arith.constant 64 : i32
      %dma_start3A_185 = arith.constant 0 : i32
      %dma_start3A_186 = tpu.memref_slice %arg8[%dma_start3A_184, %dma_start3A_185] : memref<128x128xf32, #tpu.memory_space<vmem>> -> memref<32x128xf32, #tpu.memory_space<vmem>>
      %dma_start3A_187 = arith.constant 0 : i32
      %dma_start3A_188 = tpu.memref_slice %arg2[%dma_start3A_187, %mul3A_179] : memref<32x100000xf32, #tpu.memory_space<hbm>> -> memref<32x128xf32, #tpu.memory_space<hbm>>
      tpu.enqueue_dma source(%dma_start3A_188 : memref<32x128xf32, #tpu.memory_space<hbm>>) target(%dma_start3A_186 : memref<32x128xf32, #tpu.memory_space<vmem>>) target_semaphore(%arg10 : memref<!tpu.dma_semaphore, #tpu.memory_space<semaphore_mem>>)
    } else {
    }
    %scan3A = arith.constant 0 : i32
    %scan3A_19 = arith.constant 0 : i32
    %scan3A_20 = arith.constant 25 : i32
    %scan3A_21 = arith.addi %scan3A_19, %scan3A_20 : i32
    %scan3A_22 = arith.constant 1 : i32
    scf.for %scan3A_178 = %scan3A_19 to %scan3A_21 step %scan3A_22  : i32 {
      %mul3A_179 = arith.constant 32 : i32
      %mul3A_180 = arith.muli %scan3A_178, %mul3A_179 : i32
      %add3A_181 = arith.addi %mul3A_180, %add3A : i32
      %jit3A = arith.constant 4 : i32
      %eq3A_182 = arith.constant 0 : i32
      %eq3A_183 = arith.cmpi eq, %jit3A, %eq3A_182 : i32
      %jit3A_184 = arith.constant 1 : i32
      %select_n3A = arith.select %eq3A_183, %jit3A_184, %jit3A : i32
      %rem3A = arith.remsi %scan3A_178, %select_n3A : i32
      %ne3A = arith.constant 0 : i32
      %ne3A_185 = arith.cmpi ne, %rem3A, %ne3A : i32
      %lt3A_186 = arith.constant 0 : i32
      %lt3A_187 = arith.cmpi slt, %rem3A, %lt3A_186 : i32
      %lt3A_188 = arith.constant 0 : i32
      %lt3A_189 = arith.cmpi slt, %select_n3A, %lt3A_188 : i32
      %ne3A_190 = arith.xori %lt3A_187, %lt3A_189 : i1
      %and3A_191 = arith.andi %ne3A_190, %ne3A_185 : i1
      %add3A_192 = arith.addi %rem3A, %select_n3A : i32
      %select_n3A_193 = arith.select %and3A_191, %add3A_192, %rem3A : i32
      %lt3A_194 = arith.constant 781 : i32
      %lt3A_195 = arith.cmpi slt, %add3A_181, %lt3A_194 : i32
      %convert_element_type3A_196 = arith.extui %lt3A_195 : i1 to i32
      %cond3A_197 = arith.constant 0 : i32
      %cond3A_198 = arith.cmpi ne, %convert_element_type3A_196, %cond3A_197 : i32
      scf.if %cond3A_198 {
        %mul3A_199 = arith.constant 128 : i32
        %mul3A_200 = arith.muli %add3A_181, %mul3A_199 : i32
        %mul3A_201 = arith.constant 32 : i32
        %mul3A_202 = arith.muli %select_n3A_193, %mul3A_201 : i32
        %dma_wait3A = arith.constant 0 : i32
        %dma_wait3A_203 = tpu.memref_slice %arg8[%mul3A_202, %dma_wait3A] : memref<128x128xf32, #tpu.memory_space<vmem>> -> memref<32x128xf32, #tpu.memory_space<vmem>>
        %dma_wait3A_204 = arith.constant 0 : i32
        %dma_wait3A_205 = tpu.memref_slice %arg2[%dma_wait3A_204, %mul3A_200] : memref<32x100000xf32, #tpu.memory_space<hbm>> -> memref<32x128xf32, #tpu.memory_space<hbm>>
        %dma_wait3A_206 = arith.constant 0 : i32
        %dma_wait3A_207 = tpu.memref_slice %arg8[%mul3A_202, %dma_wait3A_206] : memref<128x128xf32, #tpu.memory_space<vmem>> -> memref<32x128xf32, #tpu.memory_space<vmem>>
        %dma_wait3A_208 = arith.constant 0 : i32
        %dma_wait3A_209 = tpu.memref_slice %arg2[%dma_wait3A_208, %mul3A_200] : memref<32x100000xf32, #tpu.memory_space<hbm>> -> memref<32x128xf32, #tpu.memory_space<hbm>>
        tpu.wait_dma2 semaphore(%arg10 : memref<!tpu.dma_semaphore, #tpu.memory_space<semaphore_mem>>) src(%dma_wait3A_209 : memref<32x128xf32, #tpu.memory_space<hbm>>) dst(%dma_wait3A_207 : memref<32x128xf32, #tpu.memory_space<vmem>>)
        %add3A_210 = arith.constant 4 : i32
        %add3A_211 = arith.addi %scan3A_178, %add3A_210 : i32
        %sub3A = arith.constant 1 : i32
        %sub3A_212 = arith.subi %add3A_211, %sub3A : i32
        %mul3A_213 = arith.constant 32 : i32
        %mul3A_214 = arith.muli %sub3A_212, %mul3A_213 : i32
        %add3A_215 = arith.addi %mul3A_214, %add3A : i32
        %lt3A_216 = arith.constant 781 : i32
        %lt3A_217 = arith.cmpi slt, %add3A_215, %lt3A_216 : i32
        %convert_element_type3A_218 = arith.extui %lt3A_217 : i1 to i32
        %cond3A_219 = arith.constant 0 : i32
        %cond3A_220 = arith.cmpi ne, %convert_element_type3A_218, %cond3A_219 : i32
        scf.if %cond3A_220 {
          %mul3A_240 = arith.constant 128 : i32
          %mul3A_241 = arith.muli %add3A_215, %mul3A_240 : i32
          %jit3A_242 = arith.constant 4 : i32
          %eq3A_243 = arith.constant 0 : i32
          %eq3A_244 = arith.cmpi eq, %jit3A_242, %eq3A_243 : i32
          %jit3A_245 = arith.constant 1 : i32
          %select_n3A_246 = arith.select %eq3A_244, %jit3A_245, %jit3A_242 : i32
          %rem3A_247 = arith.remsi %sub3A_212, %select_n3A_246 : i32
          %ne3A_248 = arith.constant 0 : i32
          %ne3A_249 = arith.cmpi ne, %rem3A_247, %ne3A_248 : i32
          %lt3A_250 = arith.constant 0 : i32
          %lt3A_251 = arith.cmpi slt, %rem3A_247, %lt3A_250 : i32
          %lt3A_252 = arith.constant 0 : i32
          %lt3A_253 = arith.cmpi slt, %select_n3A_246, %lt3A_252 : i32
          %ne3A_254 = arith.xori %lt3A_251, %lt3A_253 : i1
          %and3A_255 = arith.andi %ne3A_254, %ne3A_249 : i1
          %add3A_256 = arith.addi %rem3A_247, %select_n3A_246 : i32
          %select_n3A_257 = arith.select %and3A_255, %add3A_256, %rem3A_247 : i32
          %mul3A_258 = arith.constant 32 : i32
          %mul3A_259 = arith.muli %select_n3A_257, %mul3A_258 : i32
          %dma_start3A_260 = arith.constant 0 : i32
          %dma_start3A_261 = tpu.memref_slice %arg8[%mul3A_259, %dma_start3A_260] : memref<128x128xf32, #tpu.memory_space<vmem>> -> memref<32x128xf32, #tpu.memory_space<vmem>>
          %dma_start3A_262 = arith.constant 0 : i32
          %dma_start3A_263 = tpu.memref_slice %arg2[%dma_start3A_262, %mul3A_241] : memref<32x100000xf32, #tpu.memory_space<hbm>> -> memref<32x128xf32, #tpu.memory_space<hbm>>
          %dma_start3A_264 = arith.constant 0 : i32
          %dma_start3A_265 = tpu.memref_slice %arg8[%mul3A_259, %dma_start3A_264] : memref<128x128xf32, #tpu.memory_space<vmem>> -> memref<32x128xf32, #tpu.memory_space<vmem>>
          %dma_start3A_266 = arith.constant 0 : i32
          %dma_start3A_267 = tpu.memref_slice %arg2[%dma_start3A_266, %mul3A_241] : memref<32x100000xf32, #tpu.memory_space<hbm>> -> memref<32x128xf32, #tpu.memory_space<hbm>>
          tpu.enqueue_dma source(%dma_start3A_267 : memref<32x128xf32, #tpu.memory_space<hbm>>) target(%dma_start3A_265 : memref<32x128xf32, #tpu.memory_space<vmem>>) target_semaphore(%arg10 : memref<!tpu.dma_semaphore, #tpu.memory_space<semaphore_mem>>)
        } else {
        }
        %ge3A_221 = arith.constant 4 : i32
        %ge3A_222 = arith.cmpi sge, %scan3A_178, %ge3A_221 : i32
        %convert_element_type3A_223 = arith.extui %ge3A_222 : i1 to i32
        %cond3A_224 = arith.constant 0 : i32
        %cond3A_225 = arith.cmpi ne, %convert_element_type3A_223, %cond3A_224 : i32
        scf.if %cond3A_225 {
          %sub3A_240 = arith.constant 4 : i32
          %sub3A_241 = arith.subi %scan3A_178, %sub3A_240 : i32
          %mul3A_242 = arith.constant 32 : i32
          %mul3A_243 = arith.muli %sub3A_241, %mul3A_242 : i32
          %add3A_244 = arith.addi %mul3A_243, %add3A : i32
          %mul3A_245 = arith.constant 128 : i32
          %mul3A_246 = arith.muli %add3A_244, %mul3A_245 : i32
          %mul3A_247 = arith.constant 32 : i32
          %mul3A_248 = arith.muli %mul3A_246, %mul3A_247 : i32
          %dma_wait3A_249 = arith.constant 0 : i32
          %dma_wait3A_250 = tpu.memref_slice %arg9[%select_n3A_193, %dma_wait3A_249] : memref<4x4096xf32, #tpu.memory_space<vmem>> -> memref<1x4096xf32, #tpu.memory_space<vmem>>
          %dma_wait3A_251 = tpu.memref_squeeze %dma_wait3A_250 : memref<1x4096xf32, #tpu.memory_space<vmem>> -> memref<4096xf32, #tpu.memory_space<vmem>>
          %dma_wait3A_252 = tpu.memref_slice %arg6[%mul3A_248] : memref<3200000xf32, #tpu.memory_space<hbm>> -> memref<4096xf32, #tpu.memory_space<hbm>>
          %dma_wait3A_253 = tpu.memref_slice %arg6[%mul3A_248] : memref<3200000xf32, #tpu.memory_space<hbm>> -> memref<4096xf32, #tpu.memory_space<hbm>>
          %dma_wait3A_254 = arith.constant 0 : i32
          %dma_wait3A_255 = tpu.memref_slice %arg9[%select_n3A_193, %dma_wait3A_254] : memref<4x4096xf32, #tpu.memory_space<vmem>> -> memref<1x4096xf32, #tpu.memory_space<vmem>>
          %dma_wait3A_256 = tpu.memref_squeeze %dma_wait3A_255 : memref<1x4096xf32, #tpu.memory_space<vmem>> -> memref<4096xf32, #tpu.memory_space<vmem>>
          tpu.wait_dma2 semaphore(%arg11 : memref<!tpu.dma_semaphore, #tpu.memory_space<semaphore_mem>>) src(%dma_wait3A_256 : memref<4096xf32, #tpu.memory_space<vmem>>) dst(%dma_wait3A_253 : memref<4096xf32, #tpu.memory_space<hbm>>)
        } else {
        }
        %broadcast_in_dim3A = vector.broadcast %select_n3A_193 : i32 to vector<16xi32>
        %mul3A_226 = arith.constant 32 : i32
        %mul3A_227 = vector.broadcast %mul3A_226 : i32 to vector<16xi32>
        %mul3A_228 = arith.muli %iota3A, %mul3A_227 : vector<16xi32>
        %parallel_loop3A = arith.constant 0 : i32
        %parallel_loop3A_229 = arith.constant 128 : i32
        %parallel_loop3A_230 = arith.constant 16 : i32
        scf.for %parallel_loop3A_240 = %parallel_loop3A to %parallel_loop3A_229 step %parallel_loop3A_230  : i32 {
          %parallel_loop3A_241 = vector.broadcast %parallel_loop3A_240 : i32 to vector<16xi32>
          %parallel_loop3A_242 = arith.addi %parallel_loop3A_241, %iota3A : vector<16xi32>
          %parallel_loop3A_243 = arith.constant 32 : i32
          %parallel_loop3A_244 = arith.muli %parallel_loop3A_240, %parallel_loop3A_243 : i32
          %parallel_loop3A_245 = vector.broadcast %parallel_loop3A_244 : i32 to vector<16xi32>
          %parallel_loop3A_246 = arith.addi %parallel_loop3A_245, %mul3A_228 : vector<16xi32>
          %parallel_loop3A_247 = arith.constant 0 : i32
          %parallel_loop3A_248 = vector.broadcast %parallel_loop3A_247 : i32 to vector<16xi32>
          %parallel_loop3A_249 = arith.addi %parallel_loop3A_248, %iota3A : vector<16xi32>
          %parallel_loop3A_250 = arith.constant 31 : i32
          %parallel_loop3A_251 = vector.broadcast %parallel_loop3A_250 : i32 to vector<16xi32>
          %parallel_loop3A_252 = arith.andi %parallel_loop3A_249, %parallel_loop3A_251 : vector<16xi32>
          %parallel_loop3A_253 = arith.constant 32 : i32
          %parallel_loop3A_254 = arith.muli %select_n3A_193, %parallel_loop3A_253 : i32
          %parallel_loop3A_255 = vector.broadcast %parallel_loop3A_254 : i32 to vector<16xi32>
          %parallel_loop3A_256 = arith.addi %parallel_loop3A_255, %parallel_loop3A_252 : vector<16xi32>
          %parallel_loop3A_257 = tpu.vector_load_idx %arg8[%parallel_loop3A_256, %parallel_loop3A_242] : memref<128x128xf32, #tpu.memory_space<vmem>>[vector<16xi32>, vector<16xi32>], vector<16xf32>,
          %parallel_loop3A_258 = arith.addi %parallel_loop3A_246, %parallel_loop3A_252 : vector<16xi32>
          tpu.vector_store_idx %arg9[%broadcast_in_dim3A, %parallel_loop3A_258], %parallel_loop3A_257 : memref<4x4096xf32, #tpu.memory_space<vmem>>[vector<16xi32>, vector<16xi32>], vector<16xf32>,
          %parallel_loop3A_259 = arith.constant 1 : i32
          %parallel_loop3A_260 = vector.broadcast %parallel_loop3A_259 : i32 to vector<16xi32>
          %parallel_loop3A_261 = arith.addi %parallel_loop3A_260, %iota3A : vector<16xi32>
          %parallel_loop3A_262 = arith.constant 31 : i32
          %parallel_loop3A_263 = vector.broadcast %parallel_loop3A_262 : i32 to vector<16xi32>
          %parallel_loop3A_264 = arith.andi %parallel_loop3A_261, %parallel_loop3A_263 : vector<16xi32>
          %parallel_loop3A_265 = arith.constant 32 : i32
          %parallel_loop3A_266 = arith.muli %select_n3A_193, %parallel_loop3A_265 : i32
          %parallel_loop3A_267 = vector.broadcast %parallel_loop3A_266 : i32 to vector<16xi32>
          %parallel_loop3A_268 = arith.addi %parallel_loop3A_267, %parallel_loop3A_264 : vector<16xi32>
          %parallel_loop3A_269 = tpu.vector_load_idx %arg8[%parallel_loop3A_268, %parallel_loop3A_242] : memref<128x128xf32, #tpu.memory_space<vmem>>[vector<16xi32>, vector<16xi32>], vector<16xf32>,
          %parallel_loop3A_270 = arith.addi %parallel_loop3A_246, %parallel_loop3A_264 : vector<16xi32>
          tpu.vector_store_idx %arg9[%broadcast_in_dim3A, %parallel_loop3A_270], %parallel_loop3A_269 : memref<4x4096xf32, #tpu.memory_space<vmem>>[vector<16xi32>, vector<16xi32>], vector<16xf32>,
          %parallel_loop3A_271 = arith.constant 2 : i32
          %parallel_loop3A_272 = vector.broadcast %parallel_loop3A_271 : i32 to vector<16xi32>
          %parallel_loop3A_273 = arith.addi %parallel_loop3A_272, %iota3A : vector<16xi32>
          %parallel_loop3A_274 = arith.constant 31 : i32
          %parallel_loop3A_275 = vector.broadcast %parallel_loop3A_274 : i32 to vector<16xi32>
          %parallel_loop3A_276 = arith.andi %parallel_loop3A_273, %parallel_loop3A_275 : vector<16xi32>
          %parallel_loop3A_277 = arith.constant 32 : i32
          %parallel_loop3A_278 = arith.muli %select_n3A_193, %parallel_loop3A_277 : i32
          %parallel_loop3A_279 = vector.broadcast %parallel_loop3A_278 : i32 to vector<16xi32>
          %parallel_loop3A_280 = arith.addi %parallel_loop3A_279, %parallel_loop3A_276 : vector<16xi32>
          %parallel_loop3A_281 = tpu.vector_load_idx %arg8[%parallel_loop3A_280, %parallel_loop3A_242] : memref<128x128xf32, #tpu.memory_space<vmem>>[vector<16xi32>, vector<16xi32>], vector<16xf32>,
          %parallel_loop3A_282 = arith.addi %parallel_loop3A_246, %parallel_loop3A_276 : vector<16xi32>
          tpu.vector_store_idx %arg9[%broadcast_in_dim3A, %parallel_loop3A_282], %parallel_loop3A_281 : memref<4x4096xf32, #tpu.memory_space<vmem>>[vector<16xi32>, vector<16xi32>], vector<16xf32>,
          %parallel_loop3A_283 = arith.constant 3 : i32
          %parallel_loop3A_284 = vector.broadcast %parallel_loop3A_283 : i32 to vector<16xi32>
          %parallel_loop3A_285 = arith.addi %parallel_loop3A_284, %iota3A : vector<16xi32>
          %parallel_loop3A_286 = arith.constant 31 : i32
          %parallel_loop3A_287 = vector.broadcast %parallel_loop3A_286 : i32 to vector<16xi32>
          %parallel_loop3A_288 = arith.andi %parallel_loop3A_285, %parallel_loop3A_287 : vector<16xi32>
          %parallel_loop3A_289 = arith.constant 32 : i32
          %parallel_loop3A_290 = arith.muli %select_n3A_193, %parallel_loop3A_289 : i32
          %parallel_loop3A_291 = vector.broadcast %parallel_loop3A_290 : i32 to vector<16xi32>
          %parallel_loop3A_292 = arith.addi %parallel_loop3A_291, %parallel_loop3A_288 : vector<16xi32>
          %parallel_loop3A_293 = tpu.vector_load_idx %arg8[%parallel_loop3A_292, %parallel_loop3A_242] : memref<128x128xf32, #tpu.memory_space<vmem>>[vector<16xi32>, vector<16xi32>], vector<16xf32>,
          %parallel_loop3A_294 = arith.addi %parallel_loop3A_246, %parallel_loop3A_288 : vector<16xi32>
          tpu.vector_store_idx %arg9[%broadcast_in_dim3A, %parallel_loop3A_294], %parallel_loop3A_293 : memref<4x4096xf32, #tpu.memory_space<vmem>>[vector<16xi32>, vector<16xi32>], vector<16xf32>,
          %parallel_loop3A_295 = arith.constant 4 : i32
          %parallel_loop3A_296 = vector.broadcast %parallel_loop3A_295 : i32 to vector<16xi32>
          %parallel_loop3A_297 = arith.addi %parallel_loop3A_296, %iota3A : vector<16xi32>
          %parallel_loop3A_298 = arith.constant 31 : i32
          %parallel_loop3A_299 = vector.broadcast %parallel_loop3A_298 : i32 to vector<16xi32>
          %parallel_loop3A_300 = arith.andi %parallel_loop3A_297, %parallel_loop3A_299 : vector<16xi32>
          %parallel_loop3A_301 = arith.constant 32 : i32
          %parallel_loop3A_302 = arith.muli %select_n3A_193, %parallel_loop3A_301 : i32
          %parallel_loop3A_303 = vector.broadcast %parallel_loop3A_302 : i32 to vector<16xi32>
          %parallel_loop3A_304 = arith.addi %parallel_loop3A_303, %parallel_loop3A_300 : vector<16xi32>
          %parallel_loop3A_305 = tpu.vector_load_idx %arg8[%parallel_loop3A_304, %parallel_loop3A_242] : memref<128x128xf32, #tpu.memory_space<vmem>>[vector<16xi32>, vector<16xi32>], vector<16xf32>,
          %parallel_loop3A_306 = arith.addi %parallel_loop3A_246, %parallel_loop3A_300 : vector<16xi32>
          tpu.vector_store_idx %arg9[%broadcast_in_dim3A, %parallel_loop3A_306], %parallel_loop3A_305 : memref<4x4096xf32, #tpu.memory_space<vmem>>[vector<16xi32>, vector<16xi32>], vector<16xf32>,
          %parallel_loop3A_307 = arith.constant 5 : i32
          %parallel_loop3A_308 = vector.broadcast %parallel_loop3A_307 : i32 to vector<16xi32>
          %parallel_loop3A_309 = arith.addi %parallel_loop3A_308, %iota3A : vector<16xi32>
          %parallel_loop3A_310 = arith.constant 31 : i32
          %parallel_loop3A_311 = vector.broadcast %parallel_loop3A_310 : i32 to vector<16xi32>
          %parallel_loop3A_312 = arith.andi %parallel_loop3A_309, %parallel_loop3A_311 : vector<16xi32>
          %parallel_loop3A_313 = arith.constant 32 : i32
          %parallel_loop3A_314 = arith.muli %select_n3A_193, %parallel_loop3A_313 : i32
          %parallel_loop3A_315 = vector.broadcast %parallel_loop3A_314 : i32 to vector<16xi32>
          %parallel_loop3A_316 = arith.addi %parallel_loop3A_315, %parallel_loop3A_312 : vector<16xi32>
          %parallel_loop3A_317 = tpu.vector_load_idx %arg8[%parallel_loop3A_316, %parallel_loop3A_242] : memref<128x128xf32, #tpu.memory_space<vmem>>[vector<16xi32>, vector<16xi32>], vector<16xf32>,
          %parallel_loop3A_318 = arith.addi %parallel_loop3A_246, %parallel_loop3A_312 : vector<16xi32>
          tpu.vector_store_idx %arg9[%broadcast_in_dim3A, %parallel_loop3A_318], %parallel_loop3A_317 : memref<4x4096xf32, #tpu.memory_space<vmem>>[vector<16xi32>, vector<16xi32>], vector<16xf32>,
          %parallel_loop3A_319 = arith.constant 6 : i32
          %parallel_loop3A_320 = vector.broadcast %parallel_loop3A_319 : i32 to vector<16xi32>
          %parallel_loop3A_321 = arith.addi %parallel_loop3A_320, %iota3A : vector<16xi32>
          %parallel_loop3A_322 = arith.constant 31 : i32
          %parallel_loop3A_323 = vector.broadcast %parallel_loop3A_322 : i32 to vector<16xi32>
          %parallel_loop3A_324 = arith.andi %parallel_loop3A_321, %parallel_loop3A_323 : vector<16xi32>
          %parallel_loop3A_325 = arith.constant 32 : i32
          %parallel_loop3A_326 = arith.muli %select_n3A_193, %parallel_loop3A_325 : i32
          %parallel_loop3A_327 = vector.broadcast %parallel_loop3A_326 : i32 to vector<16xi32>
          %parallel_loop3A_328 = arith.addi %parallel_loop3A_327, %parallel_loop3A_324 : vector<16xi32>
          %parallel_loop3A_329 = tpu.vector_load_idx %arg8[%parallel_loop3A_328, %parallel_loop3A_242] : memref<128x128xf32, #tpu.memory_space<vmem>>[vector<16xi32>, vector<16xi32>], vector<16xf32>,
          %parallel_loop3A_330 = arith.addi %parallel_loop3A_246, %parallel_loop3A_324 : vector<16xi32>
          tpu.vector_store_idx %arg9[%broadcast_in_dim3A, %parallel_loop3A_330], %parallel_loop3A_329 : memref<4x4096xf32, #tpu.memory_space<vmem>>[vector<16xi32>, vector<16xi32>], vector<16xf32>,
          %parallel_loop3A_331 = arith.constant 7 : i32
          %parallel_loop3A_332 = vector.broadcast %parallel_loop3A_331 : i32 to vector<16xi32>
          %parallel_loop3A_333 = arith.addi %parallel_loop3A_332, %iota3A : vector<16xi32>
          %parallel_loop3A_334 = arith.constant 31 : i32
          %parallel_loop3A_335 = vector.broadcast %parallel_loop3A_334 : i32 to vector<16xi32>
          %parallel_loop3A_336 = arith.andi %parallel_loop3A_333, %parallel_loop3A_335 : vector<16xi32>
          %parallel_loop3A_337 = arith.constant 32 : i32
          %parallel_loop3A_338 = arith.muli %select_n3A_193, %parallel_loop3A_337 : i32
          %parallel_loop3A_339 = vector.broadcast %parallel_loop3A_338 : i32 to vector<16xi32>
          %parallel_loop3A_340 = arith.addi %parallel_loop3A_339, %parallel_loop3A_336 : vector<16xi32>
          %parallel_loop3A_341 = tpu.vector_load_idx %arg8[%parallel_loop3A_340, %parallel_loop3A_242] : memref<128x128xf32, #tpu.memory_space<vmem>>[vector<16xi32>, vector<16xi32>], vector<16xf32>,
          %parallel_loop3A_342 = arith.addi %parallel_loop3A_246, %parallel_loop3A_336 : vector<16xi32>
          tpu.vector_store_idx %arg9[%broadcast_in_dim3A, %parallel_loop3A_342], %parallel_loop3A_341 : memref<4x4096xf32, #tpu.memory_space<vmem>>[vector<16xi32>, vector<16xi32>], vector<16xf32>,
          %parallel_loop3A_343 = arith.constant 8 : i32
          %parallel_loop3A_344 = vector.broadcast %parallel_loop3A_343 : i32 to vector<16xi32>
          %parallel_loop3A_345 = arith.addi %parallel_loop3A_344, %iota3A : vector<16xi32>
          %parallel_loop3A_346 = arith.constant 31 : i32
          %parallel_loop3A_347 = vector.broadcast %parallel_loop3A_346 : i32 to vector<16xi32>
          %parallel_loop3A_348 = arith.andi %parallel_loop3A_345, %parallel_loop3A_347 : vector<16xi32>
          %parallel_loop3A_349 = arith.constant 32 : i32
          %parallel_loop3A_350 = arith.muli %select_n3A_193, %parallel_loop3A_349 : i32
          %parallel_loop3A_351 = vector.broadcast %parallel_loop3A_350 : i32 to vector<16xi32>
          %parallel_loop3A_352 = arith.addi %parallel_loop3A_351, %parallel_loop3A_348 : vector<16xi32>
          %parallel_loop3A_353 = tpu.vector_load_idx %arg8[%parallel_loop3A_352, %parallel_loop3A_242] : memref<128x128xf32, #tpu.memory_space<vmem>>[vector<16xi32>, vector<16xi32>], vector<16xf32>,
          %parallel_loop3A_354 = arith.addi %parallel_loop3A_246, %parallel_loop3A_348 : vector<16xi32>
          tpu.vector_store_idx %arg9[%broadcast_in_dim3A, %parallel_loop3A_354], %parallel_loop3A_353 : memref<4x4096xf32, #tpu.memory_space<vmem>>[vector<16xi32>, vector<16xi32>], vector<16xf32>,
          %parallel_loop3A_355 = arith.constant 9 : i32
          %parallel_loop3A_356 = vector.broadcast %parallel_loop3A_355 : i32 to vector<16xi32>
          %parallel_loop3A_357 = arith.addi %parallel_loop3A_356, %iota3A : vector<16xi32>
          %parallel_loop3A_358 = arith.constant 31 : i32
          %parallel_loop3A_359 = vector.broadcast %parallel_loop3A_358 : i32 to vector<16xi32>
          %parallel_loop3A_360 = arith.andi %parallel_loop3A_357, %parallel_loop3A_359 : vector<16xi32>
          %parallel_loop3A_361 = arith.constant 32 : i32
          %parallel_loop3A_362 = arith.muli %select_n3A_193, %parallel_loop3A_361 : i32
          %parallel_loop3A_363 = vector.broadcast %parallel_loop3A_362 : i32 to vector<16xi32>
          %parallel_loop3A_364 = arith.addi %parallel_loop3A_363, %parallel_loop3A_360 : vector<16xi32>
          %parallel_loop3A_365 = tpu.vector_load_idx %arg8[%parallel_loop3A_364, %parallel_loop3A_242] : memref<128x128xf32, #tpu.memory_space<vmem>>[vector<16xi32>, vector<16xi32>], vector<16xf32>,
          %parallel_loop3A_366 = arith.addi %parallel_loop3A_246, %parallel_loop3A_360 : vector<16xi32>
          tpu.vector_store_idx %arg9[%broadcast_in_dim3A, %parallel_loop3A_366], %parallel_loop3A_365 : memref<4x4096xf32, #tpu.memory_space<vmem>>[vector<16xi32>, vector<16xi32>], vector<16xf32>,
          %parallel_loop3A_367 = arith.constant 10 : i32
          %parallel_loop3A_368 = vector.broadcast %parallel_loop3A_367 : i32 to vector<16xi32>
          %parallel_loop3A_369 = arith.addi %parallel_loop3A_368, %iota3A : vector<16xi32>
          %parallel_loop3A_370 = arith.constant 31 : i32
          %parallel_loop3A_371 = vector.broadcast %parallel_loop3A_370 : i32 to vector<16xi32>
          %parallel_loop3A_372 = arith.andi %parallel_loop3A_369, %parallel_loop3A_371 : vector<16xi32>
          %parallel_loop3A_373 = arith.constant 32 : i32
          %parallel_loop3A_374 = arith.muli %select_n3A_193, %parallel_loop3A_373 : i32
          %parallel_loop3A_375 = vector.broadcast %parallel_loop3A_374 : i32 to vector<16xi32>
          %parallel_loop3A_376 = arith.addi %parallel_loop3A_375, %parallel_loop3A_372 : vector<16xi32>
          %parallel_loop3A_377 = tpu.vector_load_idx %arg8[%parallel_loop3A_376, %parallel_loop3A_242] : memref<128x128xf32, #tpu.memory_space<vmem>>[vector<16xi32>, vector<16xi32>], vector<16xf32>,
          %parallel_loop3A_378 = arith.addi %parallel_loop3A_246, %parallel_loop3A_372 : vector<16xi32>
          tpu.vector_store_idx %arg9[%broadcast_in_dim3A, %parallel_loop3A_378], %parallel_loop3A_377 : memref<4x4096xf32, #tpu.memory_space<vmem>>[vector<16xi32>, vector<16xi32>], vector<16xf32>,
          %parallel_loop3A_379 = arith.constant 11 : i32
          %parallel_loop3A_380 = vector.broadcast %parallel_loop3A_379 : i32 to vector<16xi32>
          %parallel_loop3A_381 = arith.addi %parallel_loop3A_380, %iota3A : vector<16xi32>
          %parallel_loop3A_382 = arith.constant 31 : i32
          %parallel_loop3A_383 = vector.broadcast %parallel_loop3A_382 : i32 to vector<16xi32>
          %parallel_loop3A_384 = arith.andi %parallel_loop3A_381, %parallel_loop3A_383 : vector<16xi32>
          %parallel_loop3A_385 = arith.constant 32 : i32
          %parallel_loop3A_386 = arith.muli %select_n3A_193, %parallel_loop3A_385 : i32
          %parallel_loop3A_387 = vector.broadcast %parallel_loop3A_386 : i32 to vector<16xi32>
          %parallel_loop3A_388 = arith.addi %parallel_loop3A_387, %parallel_loop3A_384 : vector<16xi32>
          %parallel_loop3A_389 = tpu.vector_load_idx %arg8[%parallel_loop3A_388, %parallel_loop3A_242] : memref<128x128xf32, #tpu.memory_space<vmem>>[vector<16xi32>, vector<16xi32>], vector<16xf32>,
          %parallel_loop3A_390 = arith.addi %parallel_loop3A_246, %parallel_loop3A_384 : vector<16xi32>
          tpu.vector_store_idx %arg9[%broadcast_in_dim3A, %parallel_loop3A_390], %parallel_loop3A_389 : memref<4x4096xf32, #tpu.memory_space<vmem>>[vector<16xi32>, vector<16xi32>], vector<16xf32>,
          %parallel_loop3A_391 = arith.constant 12 : i32
          %parallel_loop3A_392 = vector.broadcast %parallel_loop3A_391 : i32 to vector<16xi32>
          %parallel_loop3A_393 = arith.addi %parallel_loop3A_392, %iota3A : vector<16xi32>
          %parallel_loop3A_394 = arith.constant 31 : i32
          %parallel_loop3A_395 = vector.broadcast %parallel_loop3A_394 : i32 to vector<16xi32>
          %parallel_loop3A_396 = arith.andi %parallel_loop3A_393, %parallel_loop3A_395 : vector<16xi32>
          %parallel_loop3A_397 = arith.constant 32 : i32
          %parallel_loop3A_398 = arith.muli %select_n3A_193, %parallel_loop3A_397 : i32
          %parallel_loop3A_399 = vector.broadcast %parallel_loop3A_398 : i32 to vector<16xi32>
          %parallel_loop3A_400 = arith.addi %parallel_loop3A_399, %parallel_loop3A_396 : vector<16xi32>
          %parallel_loop3A_401 = tpu.vector_load_idx %arg8[%parallel_loop3A_400, %parallel_loop3A_242] : memref<128x128xf32, #tpu.memory_space<vmem>>[vector<16xi32>, vector<16xi32>], vector<16xf32>,
          %parallel_loop3A_402 = arith.addi %parallel_loop3A_246, %parallel_loop3A_396 : vector<16xi32>
          tpu.vector_store_idx %arg9[%broadcast_in_dim3A, %parallel_loop3A_402], %parallel_loop3A_401 : memref<4x4096xf32, #tpu.memory_space<vmem>>[vector<16xi32>, vector<16xi32>], vector<16xf32>,
          %parallel_loop3A_403 = arith.constant 13 : i32
          %parallel_loop3A_404 = vector.broadcast %parallel_loop3A_403 : i32 to vector<16xi32>
          %parallel_loop3A_405 = arith.addi %parallel_loop3A_404, %iota3A : vector<16xi32>
          %parallel_loop3A_406 = arith.constant 31 : i32
          %parallel_loop3A_407 = vector.broadcast %parallel_loop3A_406 : i32 to vector<16xi32>
          %parallel_loop3A_408 = arith.andi %parallel_loop3A_405, %parallel_loop3A_407 : vector<16xi32>
          %parallel_loop3A_409 = arith.constant 32 : i32
          %parallel_loop3A_410 = arith.muli %select_n3A_193, %parallel_loop3A_409 : i32
          %parallel_loop3A_411 = vector.broadcast %parallel_loop3A_410 : i32 to vector<16xi32>
          %parallel_loop3A_412 = arith.addi %parallel_loop3A_411, %parallel_loop3A_408 : vector<16xi32>
          %parallel_loop3A_413 = tpu.vector_load_idx %arg8[%parallel_loop3A_412, %parallel_loop3A_242] : memref<128x128xf32, #tpu.memory_space<vmem>>[vector<16xi32>, vector<16xi32>], vector<16xf32>,
          %parallel_loop3A_414 = arith.addi %parallel_loop3A_246, %parallel_loop3A_408 : vector<16xi32>
          tpu.vector_store_idx %arg9[%broadcast_in_dim3A, %parallel_loop3A_414], %parallel_loop3A_413 : memref<4x4096xf32, #tpu.memory_space<vmem>>[vector<16xi32>, vector<16xi32>], vector<16xf32>,
          %parallel_loop3A_415 = arith.constant 14 : i32
          %parallel_loop3A_416 = vector.broadcast %parallel_loop3A_415 : i32 to vector<16xi32>
          %parallel_loop3A_417 = arith.addi %parallel_loop3A_416, %iota3A : vector<16xi32>
          %parallel_loop3A_418 = arith.constant 31 : i32
          %parallel_loop3A_419 = vector.broadcast %parallel_loop3A_418 : i32 to vector<16xi32>
          %parallel_loop3A_420 = arith.andi %parallel_loop3A_417, %parallel_loop3A_419 : vector<16xi32>
          %parallel_loop3A_421 = arith.constant 32 : i32
          %parallel_loop3A_422 = arith.muli %select_n3A_193, %parallel_loop3A_421 : i32
          %parallel_loop3A_423 = vector.broadcast %parallel_loop3A_422 : i32 to vector<16xi32>
          %parallel_loop3A_424 = arith.addi %parallel_loop3A_423, %parallel_loop3A_420 : vector<16xi32>
          %parallel_loop3A_425 = tpu.vector_load_idx %arg8[%parallel_loop3A_424, %parallel_loop3A_242] : memref<128x128xf32, #tpu.memory_space<vmem>>[vector<16xi32>, vector<16xi32>], vector<16xf32>,
          %parallel_loop3A_426 = arith.addi %parallel_loop3A_246, %parallel_loop3A_420 : vector<16xi32>
          tpu.vector_store_idx %arg9[%broadcast_in_dim3A, %parallel_loop3A_426], %parallel_loop3A_425 : memref<4x4096xf32, #tpu.memory_space<vmem>>[vector<16xi32>, vector<16xi32>], vector<16xf32>,
          %parallel_loop3A_427 = arith.constant 15 : i32
          %parallel_loop3A_428 = vector.broadcast %parallel_loop3A_427 : i32 to vector<16xi32>
          %parallel_loop3A_429 = arith.addi %parallel_loop3A_428, %iota3A : vector<16xi32>
          %parallel_loop3A_430 = arith.constant 31 : i32
          %parallel_loop3A_431 = vector.broadcast %parallel_loop3A_430 : i32 to vector<16xi32>
          %parallel_loop3A_432 = arith.andi %parallel_loop3A_429, %parallel_loop3A_431 : vector<16xi32>
          %parallel_loop3A_433 = arith.constant 32 : i32
          %parallel_loop3A_434 = arith.muli %select_n3A_193, %parallel_loop3A_433 : i32
          %parallel_loop3A_435 = vector.broadcast %parallel_loop3A_434 : i32 to vector<16xi32>
          %parallel_loop3A_436 = arith.addi %parallel_loop3A_435, %parallel_loop3A_432 : vector<16xi32>
          %parallel_loop3A_437 = tpu.vector_load_idx %arg8[%parallel_loop3A_436, %parallel_loop3A_242] : memref<128x128xf32, #tpu.memory_space<vmem>>[vector<16xi32>, vector<16xi32>], vector<16xf32>,
          %parallel_loop3A_438 = arith.addi %parallel_loop3A_246, %parallel_loop3A_432 : vector<16xi32>
          tpu.vector_store_idx %arg9[%broadcast_in_dim3A, %parallel_loop3A_438], %parallel_loop3A_437 : memref<4x4096xf32, #tpu.memory_space<vmem>>[vector<16xi32>, vector<16xi32>], vector<16xf32>,
          %parallel_loop3A_439 = arith.constant 16 : i32
          %parallel_loop3A_440 = vector.broadcast %parallel_loop3A_439 : i32 to vector<16xi32>
          %parallel_loop3A_441 = arith.addi %parallel_loop3A_440, %iota3A : vector<16xi32>
          %parallel_loop3A_442 = arith.constant 31 : i32
          %parallel_loop3A_443 = vector.broadcast %parallel_loop3A_442 : i32 to vector<16xi32>
          %parallel_loop3A_444 = arith.andi %parallel_loop3A_441, %parallel_loop3A_443 : vector<16xi32>
          %parallel_loop3A_445 = arith.constant 32 : i32
          %parallel_loop3A_446 = arith.muli %select_n3A_193, %parallel_loop3A_445 : i32
          %parallel_loop3A_447 = vector.broadcast %parallel_loop3A_446 : i32 to vector<16xi32>
          %parallel_loop3A_448 = arith.addi %parallel_loop3A_447, %parallel_loop3A_444 : vector<16xi32>
          %parallel_loop3A_449 = tpu.vector_load_idx %arg8[%parallel_loop3A_448, %parallel_loop3A_242] : memref<128x128xf32, #tpu.memory_space<vmem>>[vector<16xi32>, vector<16xi32>], vector<16xf32>,
          %parallel_loop3A_450 = arith.addi %parallel_loop3A_246, %parallel_loop3A_444 : vector<16xi32>
          tpu.vector_store_idx %arg9[%broadcast_in_dim3A, %parallel_loop3A_450], %parallel_loop3A_449 : memref<4x4096xf32, #tpu.memory_space<vmem>>[vector<16xi32>, vector<16xi32>], vector<16xf32>,
          %parallel_loop3A_451 = arith.constant 17 : i32
          %parallel_loop3A_452 = vector.broadcast %parallel_loop3A_451 : i32 to vector<16xi32>
          %parallel_loop3A_453 = arith.addi %parallel_loop3A_452, %iota3A : vector<16xi32>
          %parallel_loop3A_454 = arith.constant 31 : i32
          %parallel_loop3A_455 = vector.broadcast %parallel_loop3A_454 : i32 to vector<16xi32>
          %parallel_loop3A_456 = arith.andi %parallel_loop3A_453, %parallel_loop3A_455 : vector<16xi32>
          %parallel_loop3A_457 = arith.constant 32 : i32
          %parallel_loop3A_458 = arith.muli %select_n3A_193, %parallel_loop3A_457 : i32
          %parallel_loop3A_459 = vector.broadcast %parallel_loop3A_458 : i32 to vector<16xi32>
          %parallel_loop3A_460 = arith.addi %parallel_loop3A_459, %parallel_loop3A_456 : vector<16xi32>
          %parallel_loop3A_461 = tpu.vector_load_idx %arg8[%parallel_loop3A_460, %parallel_loop3A_242] : memref<128x128xf32, #tpu.memory_space<vmem>>[vector<16xi32>, vector<16xi32>], vector<16xf32>,
          %parallel_loop3A_462 = arith.addi %parallel_loop3A_246, %parallel_loop3A_456 : vector<16xi32>
          tpu.vector_store_idx %arg9[%broadcast_in_dim3A, %parallel_loop3A_462], %parallel_loop3A_461 : memref<4x4096xf32, #tpu.memory_space<vmem>>[vector<16xi32>, vector<16xi32>], vector<16xf32>,
          %parallel_loop3A_463 = arith.constant 18 : i32
          %parallel_loop3A_464 = vector.broadcast %parallel_loop3A_463 : i32 to vector<16xi32>
          %parallel_loop3A_465 = arith.addi %parallel_loop3A_464, %iota3A : vector<16xi32>
          %parallel_loop3A_466 = arith.constant 31 : i32
          %parallel_loop3A_467 = vector.broadcast %parallel_loop3A_466 : i32 to vector<16xi32>
          %parallel_loop3A_468 = arith.andi %parallel_loop3A_465, %parallel_loop3A_467 : vector<16xi32>
          %parallel_loop3A_469 = arith.constant 32 : i32
          %parallel_loop3A_470 = arith.muli %select_n3A_193, %parallel_loop3A_469 : i32
          %parallel_loop3A_471 = vector.broadcast %parallel_loop3A_470 : i32 to vector<16xi32>
          %parallel_loop3A_472 = arith.addi %parallel_loop3A_471, %parallel_loop3A_468 : vector<16xi32>
          %parallel_loop3A_473 = tpu.vector_load_idx %arg8[%parallel_loop3A_472, %parallel_loop3A_242] : memref<128x128xf32, #tpu.memory_space<vmem>>[vector<16xi32>, vector<16xi32>], vector<16xf32>,
          %parallel_loop3A_474 = arith.addi %parallel_loop3A_246, %parallel_loop3A_468 : vector<16xi32>
          tpu.vector_store_idx %arg9[%broadcast_in_dim3A, %parallel_loop3A_474], %parallel_loop3A_473 : memref<4x4096xf32, #tpu.memory_space<vmem>>[vector<16xi32>, vector<16xi32>], vector<16xf32>,
          %parallel_loop3A_475 = arith.constant 19 : i32
          %parallel_loop3A_476 = vector.broadcast %parallel_loop3A_475 : i32 to vector<16xi32>
          %parallel_loop3A_477 = arith.addi %parallel_loop3A_476, %iota3A : vector<16xi32>
          %parallel_loop3A_478 = arith.constant 31 : i32
          %parallel_loop3A_479 = vector.broadcast %parallel_loop3A_478 : i32 to vector<16xi32>
          %parallel_loop3A_480 = arith.andi %parallel_loop3A_477, %parallel_loop3A_479 : vector<16xi32>
          %parallel_loop3A_481 = arith.constant 32 : i32
          %parallel_loop3A_482 = arith.muli %select_n3A_193, %parallel_loop3A_481 : i32
          %parallel_loop3A_483 = vector.broadcast %parallel_loop3A_482 : i32 to vector<16xi32>
          %parallel_loop3A_484 = arith.addi %parallel_loop3A_483, %parallel_loop3A_480 : vector<16xi32>
          %parallel_loop3A_485 = tpu.vector_load_idx %arg8[%parallel_loop3A_484, %parallel_loop3A_242] : memref<128x128xf32, #tpu.memory_space<vmem>>[vector<16xi32>, vector<16xi32>], vector<16xf32>,
          %parallel_loop3A_486 = arith.addi %parallel_loop3A_246, %parallel_loop3A_480 : vector<16xi32>
          tpu.vector_store_idx %arg9[%broadcast_in_dim3A, %parallel_loop3A_486], %parallel_loop3A_485 : memref<4x4096xf32, #tpu.memory_space<vmem>>[vector<16xi32>, vector<16xi32>], vector<16xf32>,
          %parallel_loop3A_487 = arith.constant 20 : i32
          %parallel_loop3A_488 = vector.broadcast %parallel_loop3A_487 : i32 to vector<16xi32>
          %parallel_loop3A_489 = arith.addi %parallel_loop3A_488, %iota3A : vector<16xi32>
          %parallel_loop3A_490 = arith.constant 31 : i32
          %parallel_loop3A_491 = vector.broadcast %parallel_loop3A_490 : i32 to vector<16xi32>
          %parallel_loop3A_492 = arith.andi %parallel_loop3A_489, %parallel_loop3A_491 : vector<16xi32>
          %parallel_loop3A_493 = arith.constant 32 : i32
          %parallel_loop3A_494 = arith.muli %select_n3A_193, %parallel_loop3A_493 : i32
          %parallel_loop3A_495 = vector.broadcast %parallel_loop3A_494 : i32 to vector<16xi32>
          %parallel_loop3A_496 = arith.addi %parallel_loop3A_495, %parallel_loop3A_492 : vector<16xi32>
          %parallel_loop3A_497 = tpu.vector_load_idx %arg8[%parallel_loop3A_496, %parallel_loop3A_242] : memref<128x128xf32, #tpu.memory_space<vmem>>[vector<16xi32>, vector<16xi32>], vector<16xf32>,
          %parallel_loop3A_498 = arith.addi %parallel_loop3A_246, %parallel_loop3A_492 : vector<16xi32>
          tpu.vector_store_idx %arg9[%broadcast_in_dim3A, %parallel_loop3A_498], %parallel_loop3A_497 : memref<4x4096xf32, #tpu.memory_space<vmem>>[vector<16xi32>, vector<16xi32>], vector<16xf32>,
          %parallel_loop3A_499 = arith.constant 21 : i32
          %parallel_loop3A_500 = vector.broadcast %parallel_loop3A_499 : i32 to vector<16xi32>
          %parallel_loop3A_501 = arith.addi %parallel_loop3A_500, %iota3A : vector<16xi32>
          %parallel_loop3A_502 = arith.constant 31 : i32
          %parallel_loop3A_503 = vector.broadcast %parallel_loop3A_502 : i32 to vector<16xi32>
          %parallel_loop3A_504 = arith.andi %parallel_loop3A_501, %parallel_loop3A_503 : vector<16xi32>
          %parallel_loop3A_505 = arith.constant 32 : i32
          %parallel_loop3A_506 = arith.muli %select_n3A_193, %parallel_loop3A_505 : i32
          %parallel_loop3A_507 = vector.broadcast %parallel_loop3A_506 : i32 to vector<16xi32>
          %parallel_loop3A_508 = arith.addi %parallel_loop3A_507, %parallel_loop3A_504 : vector<16xi32>
          %parallel_loop3A_509 = tpu.vector_load_idx %arg8[%parallel_loop3A_508, %parallel_loop3A_242] : memref<128x128xf32, #tpu.memory_space<vmem>>[vector<16xi32>, vector<16xi32>], vector<16xf32>,
          %parallel_loop3A_510 = arith.addi %parallel_loop3A_246, %parallel_loop3A_504 : vector<16xi32>
          tpu.vector_store_idx %arg9[%broadcast_in_dim3A, %parallel_loop3A_510], %parallel_loop3A_509 : memref<4x4096xf32, #tpu.memory_space<vmem>>[vector<16xi32>, vector<16xi32>], vector<16xf32>,
          %parallel_loop3A_511 = arith.constant 22 : i32
          %parallel_loop3A_512 = vector.broadcast %parallel_loop3A_511 : i32 to vector<16xi32>
          %parallel_loop3A_513 = arith.addi %parallel_loop3A_512, %iota3A : vector<16xi32>
          %parallel_loop3A_514 = arith.constant 31 : i32
          %parallel_loop3A_515 = vector.broadcast %parallel_loop3A_514 : i32 to vector<16xi32>
          %parallel_loop3A_516 = arith.andi %parallel_loop3A_513, %parallel_loop3A_515 : vector<16xi32>
          %parallel_loop3A_517 = arith.constant 32 : i32
          %parallel_loop3A_518 = arith.muli %select_n3A_193, %parallel_loop3A_517 : i32
          %parallel_loop3A_519 = vector.broadcast %parallel_loop3A_518 : i32 to vector<16xi32>
          %parallel_loop3A_520 = arith.addi %parallel_loop3A_519, %parallel_loop3A_516 : vector<16xi32>
          %parallel_loop3A_521 = tpu.vector_load_idx %arg8[%parallel_loop3A_520, %parallel_loop3A_242] : memref<128x128xf32, #tpu.memory_space<vmem>>[vector<16xi32>, vector<16xi32>], vector<16xf32>,
          %parallel_loop3A_522 = arith.addi %parallel_loop3A_246, %parallel_loop3A_516 : vector<16xi32>
          tpu.vector_store_idx %arg9[%broadcast_in_dim3A, %parallel_loop3A_522], %parallel_loop3A_521 : memref<4x4096xf32, #tpu.memory_space<vmem>>[vector<16xi32>, vector<16xi32>], vector<16xf32>,
          %parallel_loop3A_523 = arith.constant 23 : i32
          %parallel_loop3A_524 = vector.broadcast %parallel_loop3A_523 : i32 to vector<16xi32>
          %parallel_loop3A_525 = arith.addi %parallel_loop3A_524, %iota3A : vector<16xi32>
          %parallel_loop3A_526 = arith.constant 31 : i32
          %parallel_loop3A_527 = vector.broadcast %parallel_loop3A_526 : i32 to vector<16xi32>
          %parallel_loop3A_528 = arith.andi %parallel_loop3A_525, %parallel_loop3A_527 : vector<16xi32>
          %parallel_loop3A_529 = arith.constant 32 : i32
          %parallel_loop3A_530 = arith.muli %select_n3A_193, %parallel_loop3A_529 : i32
          %parallel_loop3A_531 = vector.broadcast %parallel_loop3A_530 : i32 to vector<16xi32>
          %parallel_loop3A_532 = arith.addi %parallel_loop3A_531, %parallel_loop3A_528 : vector<16xi32>
          %parallel_loop3A_533 = tpu.vector_load_idx %arg8[%parallel_loop3A_532, %parallel_loop3A_242] : memref<128x128xf32, #tpu.memory_space<vmem>>[vector<16xi32>, vector<16xi32>], vector<16xf32>,
          %parallel_loop3A_534 = arith.addi %parallel_loop3A_246, %parallel_loop3A_528 : vector<16xi32>
          tpu.vector_store_idx %arg9[%broadcast_in_dim3A, %parallel_loop3A_534], %parallel_loop3A_533 : memref<4x4096xf32, #tpu.memory_space<vmem>>[vector<16xi32>, vector<16xi32>], vector<16xf32>,
          %parallel_loop3A_535 = arith.constant 24 : i32
          %parallel_loop3A_536 = vector.broadcast %parallel_loop3A_535 : i32 to vector<16xi32>
          %parallel_loop3A_537 = arith.addi %parallel_loop3A_536, %iota3A : vector<16xi32>
          %parallel_loop3A_538 = arith.constant 31 : i32
          %parallel_loop3A_539 = vector.broadcast %parallel_loop3A_538 : i32 to vector<16xi32>
          %parallel_loop3A_540 = arith.andi %parallel_loop3A_537, %parallel_loop3A_539 : vector<16xi32>
          %parallel_loop3A_541 = arith.constant 32 : i32
          %parallel_loop3A_542 = arith.muli %select_n3A_193, %parallel_loop3A_541 : i32
          %parallel_loop3A_543 = vector.broadcast %parallel_loop3A_542 : i32 to vector<16xi32>
          %parallel_loop3A_544 = arith.addi %parallel_loop3A_543, %parallel_loop3A_540 : vector<16xi32>
          %parallel_loop3A_545 = tpu.vector_load_idx %arg8[%parallel_loop3A_544, %parallel_loop3A_242] : memref<128x128xf32, #tpu.memory_space<vmem>>[vector<16xi32>, vector<16xi32>], vector<16xf32>,
          %parallel_loop3A_546 = arith.addi %parallel_loop3A_246, %parallel_loop3A_540 : vector<16xi32>
          tpu.vector_store_idx %arg9[%broadcast_in_dim3A, %parallel_loop3A_546], %parallel_loop3A_545 : memref<4x4096xf32, #tpu.memory_space<vmem>>[vector<16xi32>, vector<16xi32>], vector<16xf32>,
          %parallel_loop3A_547 = arith.constant 25 : i32
          %parallel_loop3A_548 = vector.broadcast %parallel_loop3A_547 : i32 to vector<16xi32>
          %parallel_loop3A_549 = arith.addi %parallel_loop3A_548, %iota3A : vector<16xi32>
          %parallel_loop3A_550 = arith.constant 31 : i32
          %parallel_loop3A_551 = vector.broadcast %parallel_loop3A_550 : i32 to vector<16xi32>
          %parallel_loop3A_552 = arith.andi %parallel_loop3A_549, %parallel_loop3A_551 : vector<16xi32>
          %parallel_loop3A_553 = arith.constant 32 : i32
          %parallel_loop3A_554 = arith.muli %select_n3A_193, %parallel_loop3A_553 : i32
          %parallel_loop3A_555 = vector.broadcast %parallel_loop3A_554 : i32 to vector<16xi32>
          %parallel_loop3A_556 = arith.addi %parallel_loop3A_555, %parallel_loop3A_552 : vector<16xi32>
          %parallel_loop3A_557 = tpu.vector_load_idx %arg8[%parallel_loop3A_556, %parallel_loop3A_242] : memref<128x128xf32, #tpu.memory_space<vmem>>[vector<16xi32>, vector<16xi32>], vector<16xf32>,
          %parallel_loop3A_558 = arith.addi %parallel_loop3A_246, %parallel_loop3A_552 : vector<16xi32>
          tpu.vector_store_idx %arg9[%broadcast_in_dim3A, %parallel_loop3A_558], %parallel_loop3A_557 : memref<4x4096xf32, #tpu.memory_space<vmem>>[vector<16xi32>, vector<16xi32>], vector<16xf32>,
          %parallel_loop3A_559 = arith.constant 26 : i32
          %parallel_loop3A_560 = vector.broadcast %parallel_loop3A_559 : i32 to vector<16xi32>
          %parallel_loop3A_561 = arith.addi %parallel_loop3A_560, %iota3A : vector<16xi32>
          %parallel_loop3A_562 = arith.constant 31 : i32
          %parallel_loop3A_563 = vector.broadcast %parallel_loop3A_562 : i32 to vector<16xi32>
          %parallel_loop3A_564 = arith.andi %parallel_loop3A_561, %parallel_loop3A_563 : vector<16xi32>
          %parallel_loop3A_565 = arith.constant 32 : i32
          %parallel_loop3A_566 = arith.muli %select_n3A_193, %parallel_loop3A_565 : i32
          %parallel_loop3A_567 = vector.broadcast %parallel_loop3A_566 : i32 to vector<16xi32>
          %parallel_loop3A_568 = arith.addi %parallel_loop3A_567, %parallel_loop3A_564 : vector<16xi32>
          %parallel_loop3A_569 = tpu.vector_load_idx %arg8[%parallel_loop3A_568, %parallel_loop3A_242] : memref<128x128xf32, #tpu.memory_space<vmem>>[vector<16xi32>, vector<16xi32>], vector<16xf32>,
          %parallel_loop3A_570 = arith.addi %parallel_loop3A_246, %parallel_loop3A_564 : vector<16xi32>
          tpu.vector_store_idx %arg9[%broadcast_in_dim3A, %parallel_loop3A_570], %parallel_loop3A_569 : memref<4x4096xf32, #tpu.memory_space<vmem>>[vector<16xi32>, vector<16xi32>], vector<16xf32>,
          %parallel_loop3A_571 = arith.constant 27 : i32
          %parallel_loop3A_572 = vector.broadcast %parallel_loop3A_571 : i32 to vector<16xi32>
          %parallel_loop3A_573 = arith.addi %parallel_loop3A_572, %iota3A : vector<16xi32>
          %parallel_loop3A_574 = arith.constant 31 : i32
          %parallel_loop3A_575 = vector.broadcast %parallel_loop3A_574 : i32 to vector<16xi32>
          %parallel_loop3A_576 = arith.andi %parallel_loop3A_573, %parallel_loop3A_575 : vector<16xi32>
          %parallel_loop3A_577 = arith.constant 32 : i32
          %parallel_loop3A_578 = arith.muli %select_n3A_193, %parallel_loop3A_577 : i32
          %parallel_loop3A_579 = vector.broadcast %parallel_loop3A_578 : i32 to vector<16xi32>
          %parallel_loop3A_580 = arith.addi %parallel_loop3A_579, %parallel_loop3A_576 : vector<16xi32>
          %parallel_loop3A_581 = tpu.vector_load_idx %arg8[%parallel_loop3A_580, %parallel_loop3A_242] : memref<128x128xf32, #tpu.memory_space<vmem>>[vector<16xi32>, vector<16xi32>], vector<16xf32>,
          %parallel_loop3A_582 = arith.addi %parallel_loop3A_246, %parallel_loop3A_576 : vector<16xi32>
          tpu.vector_store_idx %arg9[%broadcast_in_dim3A, %parallel_loop3A_582], %parallel_loop3A_581 : memref<4x4096xf32, #tpu.memory_space<vmem>>[vector<16xi32>, vector<16xi32>], vector<16xf32>,
          %parallel_loop3A_583 = arith.constant 28 : i32
          %parallel_loop3A_584 = vector.broadcast %parallel_loop3A_583 : i32 to vector<16xi32>
          %parallel_loop3A_585 = arith.addi %parallel_loop3A_584, %iota3A : vector<16xi32>
          %parallel_loop3A_586 = arith.constant 31 : i32
          %parallel_loop3A_587 = vector.broadcast %parallel_loop3A_586 : i32 to vector<16xi32>
          %parallel_loop3A_588 = arith.andi %parallel_loop3A_585, %parallel_loop3A_587 : vector<16xi32>
          %parallel_loop3A_589 = arith.constant 32 : i32
          %parallel_loop3A_590 = arith.muli %select_n3A_193, %parallel_loop3A_589 : i32
          %parallel_loop3A_591 = vector.broadcast %parallel_loop3A_590 : i32 to vector<16xi32>
          %parallel_loop3A_592 = arith.addi %parallel_loop3A_591, %parallel_loop3A_588 : vector<16xi32>
          %parallel_loop3A_593 = tpu.vector_load_idx %arg8[%parallel_loop3A_592, %parallel_loop3A_242] : memref<128x128xf32, #tpu.memory_space<vmem>>[vector<16xi32>, vector<16xi32>], vector<16xf32>,
          %parallel_loop3A_594 = arith.addi %parallel_loop3A_246, %parallel_loop3A_588 : vector<16xi32>
          tpu.vector_store_idx %arg9[%broadcast_in_dim3A, %parallel_loop3A_594], %parallel_loop3A_593 : memref<4x4096xf32, #tpu.memory_space<vmem>>[vector<16xi32>, vector<16xi32>], vector<16xf32>,
          %parallel_loop3A_595 = arith.constant 29 : i32
          %parallel_loop3A_596 = vector.broadcast %parallel_loop3A_595 : i32 to vector<16xi32>
          %parallel_loop3A_597 = arith.addi %parallel_loop3A_596, %iota3A : vector<16xi32>
          %parallel_loop3A_598 = arith.constant 31 : i32
          %parallel_loop3A_599 = vector.broadcast %parallel_loop3A_598 : i32 to vector<16xi32>
          %parallel_loop3A_600 = arith.andi %parallel_loop3A_597, %parallel_loop3A_599 : vector<16xi32>
          %parallel_loop3A_601 = arith.constant 32 : i32
          %parallel_loop3A_602 = arith.muli %select_n3A_193, %parallel_loop3A_601 : i32
          %parallel_loop3A_603 = vector.broadcast %parallel_loop3A_602 : i32 to vector<16xi32>
          %parallel_loop3A_604 = arith.addi %parallel_loop3A_603, %parallel_loop3A_600 : vector<16xi32>
          %parallel_loop3A_605 = tpu.vector_load_idx %arg8[%parallel_loop3A_604, %parallel_loop3A_242] : memref<128x128xf32, #tpu.memory_space<vmem>>[vector<16xi32>, vector<16xi32>], vector<16xf32>,
          %parallel_loop3A_606 = arith.addi %parallel_loop3A_246, %parallel_loop3A_600 : vector<16xi32>
          tpu.vector_store_idx %arg9[%broadcast_in_dim3A, %parallel_loop3A_606], %parallel_loop3A_605 : memref<4x4096xf32, #tpu.memory_space<vmem>>[vector<16xi32>, vector<16xi32>], vector<16xf32>,
          %parallel_loop3A_607 = arith.constant 30 : i32
          %parallel_loop3A_608 = vector.broadcast %parallel_loop3A_607 : i32 to vector<16xi32>
          %parallel_loop3A_609 = arith.addi %parallel_loop3A_608, %iota3A : vector<16xi32>
          %parallel_loop3A_610 = arith.constant 31 : i32
          %parallel_loop3A_611 = vector.broadcast %parallel_loop3A_610 : i32 to vector<16xi32>
          %parallel_loop3A_612 = arith.andi %parallel_loop3A_609, %parallel_loop3A_611 : vector<16xi32>
          %parallel_loop3A_613 = arith.constant 32 : i32
          %parallel_loop3A_614 = arith.muli %select_n3A_193, %parallel_loop3A_613 : i32
          %parallel_loop3A_615 = vector.broadcast %parallel_loop3A_614 : i32 to vector<16xi32>
          %parallel_loop3A_616 = arith.addi %parallel_loop3A_615, %parallel_loop3A_612 : vector<16xi32>
          %parallel_loop3A_617 = tpu.vector_load_idx %arg8[%parallel_loop3A_616, %parallel_loop3A_242] : memref<128x128xf32, #tpu.memory_space<vmem>>[vector<16xi32>, vector<16xi32>], vector<16xf32>,
          %parallel_loop3A_618 = arith.addi %parallel_loop3A_246, %parallel_loop3A_612 : vector<16xi32>
          tpu.vector_store_idx %arg9[%broadcast_in_dim3A, %parallel_loop3A_618], %parallel_loop3A_617 : memref<4x4096xf32, #tpu.memory_space<vmem>>[vector<16xi32>, vector<16xi32>], vector<16xf32>,
          %parallel_loop3A_619 = arith.constant 31 : i32
          %parallel_loop3A_620 = vector.broadcast %parallel_loop3A_619 : i32 to vector<16xi32>
          %parallel_loop3A_621 = arith.addi %parallel_loop3A_620, %iota3A : vector<16xi32>
          %parallel_loop3A_622 = arith.constant 31 : i32
          %parallel_loop3A_623 = vector.broadcast %parallel_loop3A_622 : i32 to vector<16xi32>
          %parallel_loop3A_624 = arith.andi %parallel_loop3A_621, %parallel_loop3A_623 : vector<16xi32>
          %parallel_loop3A_625 = arith.constant 32 : i32
          %parallel_loop3A_626 = arith.muli %select_n3A_193, %parallel_loop3A_625 : i32
          %parallel_loop3A_627 = vector.broadcast %parallel_loop3A_626 : i32 to vector<16xi32>
          %parallel_loop3A_628 = arith.addi %parallel_loop3A_627, %parallel_loop3A_624 : vector<16xi32>
          %parallel_loop3A_629 = tpu.vector_load_idx %arg8[%parallel_loop3A_628, %parallel_loop3A_242] : memref<128x128xf32, #tpu.memory_space<vmem>>[vector<16xi32>, vector<16xi32>], vector<16xf32>,
          %parallel_loop3A_630 = arith.addi %parallel_loop3A_246, %parallel_loop3A_624 : vector<16xi32>
          tpu.vector_store_idx %arg9[%broadcast_in_dim3A, %parallel_loop3A_630], %parallel_loop3A_629 : memref<4x4096xf32, #tpu.memory_space<vmem>>[vector<16xi32>, vector<16xi32>], vector<16xf32>,
        } {sc.loop_unroll_factor = 4 : i64, sc.parallel_access}
        %mul3A_231 = arith.constant 32 : i32
        %mul3A_232 = arith.muli %mul3A_200, %mul3A_231 : i32
        %dma_start3A = arith.constant 0 : i32
        %dma_start3A_233 = tpu.memref_slice %arg9[%select_n3A_193, %dma_start3A] : memref<4x4096xf32, #tpu.memory_space<vmem>> -> memref<1x4096xf32, #tpu.memory_space<vmem>>
        %dma_start3A_234 = tpu.memref_squeeze %dma_start3A_233 : memref<1x4096xf32, #tpu.memory_space<vmem>> -> memref<4096xf32, #tpu.memory_space<vmem>>
        %dma_start3A_235 = tpu.memref_slice %arg6[%mul3A_232] : memref<3200000xf32, #tpu.memory_space<hbm>> -> memref<4096xf32, #tpu.memory_space<hbm>>
        %dma_start3A_236 = tpu.memref_slice %arg6[%mul3A_232] : memref<3200000xf32, #tpu.memory_space<hbm>> -> memref<4096xf32, #tpu.memory_space<hbm>>
        %dma_start3A_237 = arith.constant 0 : i32
        %dma_start3A_238 = tpu.memref_slice %arg9[%select_n3A_193, %dma_start3A_237] : memref<4x4096xf32, #tpu.memory_space<vmem>> -> memref<1x4096xf32, #tpu.memory_space<vmem>>
        %dma_start3A_239 = tpu.memref_squeeze %dma_start3A_238 : memref<1x4096xf32, #tpu.memory_space<vmem>> -> memref<4096xf32, #tpu.memory_space<vmem>>
        tpu.enqueue_dma source(%dma_start3A_239 : memref<4096xf32, #tpu.memory_space<vmem>>) target(%dma_start3A_236 : memref<4096xf32, #tpu.memory_space<hbm>>) target_semaphore(%arg11 : memref<!tpu.dma_semaphore, #tpu.memory_space<semaphore_mem>>)
      } else {
      }
    }
    %scan3A_23 = arith.constant 25 : i32
    %add3A_24 = arith.constant 640 : i32
    %add3A_25 = arith.addi %add3A_24, %add3A : i32
    %lt3A_26 = arith.constant 781 : i32
    %lt3A_27 = arith.cmpi slt, %add3A_25, %lt3A_26 : i32
    %add3A_28 = arith.constant 128 : i32
    %add3A_29 = arith.addi %add3A_25, %add3A_28 : i32
    %ge3A = arith.constant 781 : i32
    %ge3A_30 = arith.cmpi sge, %add3A_29, %ge3A : i32
    %and3A = arith.andi %lt3A_27, %ge3A_30 : i1
    %convert_element_type3A_31 = arith.extui %and3A : i1 to i32
    %cond3A_32 = arith.constant 0 : i32
    %cond3A_33 = arith.cmpi ne, %convert_element_type3A_31, %cond3A_32 : i32
    scf.if %cond3A_33 {
      %mul3A_178 = arith.constant 128 : i32
      %mul3A_179 = arith.muli %add3A_25, %mul3A_178 : i32
      %mul3A_180 = arith.constant 32 : i32
      %mul3A_181 = arith.muli %mul3A_179, %mul3A_180 : i32
      %dma_wait3A = arith.constant 0 : i32
      %dma_wait3A_182 = arith.constant 0 : i32
      %dma_wait3A_183 = tpu.memref_slice %arg9[%dma_wait3A, %dma_wait3A_182] : memref<4x4096xf32, #tpu.memory_space<vmem>> -> memref<1x4096xf32, #tpu.memory_space<vmem>>
      %dma_wait3A_184 = tpu.memref_squeeze %dma_wait3A_183 : memref<1x4096xf32, #tpu.memory_space<vmem>> -> memref<4096xf32, #tpu.memory_space<vmem>>
      %dma_wait3A_185 = tpu.memref_slice %arg6[%mul3A_181] : memref<3200000xf32, #tpu.memory_space<hbm>> -> memref<4096xf32, #tpu.memory_space<hbm>>
      %dma_wait3A_186 = tpu.memref_slice %arg6[%mul3A_181] : memref<3200000xf32, #tpu.memory_space<hbm>> -> memref<4096xf32, #tpu.memory_space<hbm>>
      %dma_wait3A_187 = arith.constant 0 : i32
      %dma_wait3A_188 = tpu.memref_slice %arg9[%dma_wait3A, %dma_wait3A_187] : memref<4x4096xf32, #tpu.memory_space<vmem>> -> memref<1x4096xf32, #tpu.memory_space<vmem>>
      %dma_wait3A_189 = tpu.memref_squeeze %dma_wait3A_188 : memref<1x4096xf32, #tpu.memory_space<vmem>> -> memref<4096xf32, #tpu.memory_space<vmem>>
      tpu.wait_dma2 semaphore(%arg11 : memref<!tpu.dma_semaphore, #tpu.memory_space<semaphore_mem>>) src(%dma_wait3A_189 : memref<4096xf32, #tpu.memory_space<vmem>>) dst(%dma_wait3A_186 : memref<4096xf32, #tpu.memory_space<hbm>>)
    } else {
    }
    %add3A_34 = arith.constant 672 : i32
    %add3A_35 = arith.addi %add3A_34, %add3A : i32
    %lt3A_36 = arith.constant 781 : i32
    %lt3A_37 = arith.cmpi slt, %add3A_35, %lt3A_36 : i32
    %add3A_38 = arith.constant 128 : i32
    %add3A_39 = arith.addi %add3A_35, %add3A_38 : i32
    %ge3A_40 = arith.constant 781 : i32
    %ge3A_41 = arith.cmpi sge, %add3A_39, %ge3A_40 : i32
    %and3A_42 = arith.andi %lt3A_37, %ge3A_41 : i1
    %convert_element_type3A_43 = arith.extui %and3A_42 : i1 to i32
    %cond3A_44 = arith.constant 0 : i32
    %cond3A_45 = arith.cmpi ne, %convert_element_type3A_43, %cond3A_44 : i32
    scf.if %cond3A_45 {
      %mul3A_178 = arith.constant 128 : i32
      %mul3A_179 = arith.muli %add3A_35, %mul3A_178 : i32
      %mul3A_180 = arith.constant 32 : i32
      %mul3A_181 = arith.muli %mul3A_179, %mul3A_180 : i32
      %dma_wait3A = arith.constant 1 : i32
      %dma_wait3A_182 = arith.constant 0 : i32
      %dma_wait3A_183 = tpu.memref_slice %arg9[%dma_wait3A, %dma_wait3A_182] : memref<4x4096xf32, #tpu.memory_space<vmem>> -> memref<1x4096xf32, #tpu.memory_space<vmem>>
      %dma_wait3A_184 = tpu.memref_squeeze %dma_wait3A_183 : memref<1x4096xf32, #tpu.memory_space<vmem>> -> memref<4096xf32, #tpu.memory_space<vmem>>
      %dma_wait3A_185 = tpu.memref_slice %arg6[%mul3A_181] : memref<3200000xf32, #tpu.memory_space<hbm>> -> memref<4096xf32, #tpu.memory_space<hbm>>
      %dma_wait3A_186 = tpu.memref_slice %arg6[%mul3A_181] : memref<3200000xf32, #tpu.memory_space<hbm>> -> memref<4096xf32, #tpu.memory_space<hbm>>
      %dma_wait3A_187 = arith.constant 0 : i32
      %dma_wait3A_188 = tpu.memref_slice %arg9[%dma_wait3A, %dma_wait3A_187] : memref<4x4096xf32, #tpu.memory_space<vmem>> -> memref<1x4096xf32, #tpu.memory_space<vmem>>
      %dma_wait3A_189 = tpu.memref_squeeze %dma_wait3A_188 : memref<1x4096xf32, #tpu.memory_space<vmem>> -> memref<4096xf32, #tpu.memory_space<vmem>>
      tpu.wait_dma2 semaphore(%arg11 : memref<!tpu.dma_semaphore, #tpu.memory_space<semaphore_mem>>) src(%dma_wait3A_189 : memref<4096xf32, #tpu.memory_space<vmem>>) dst(%dma_wait3A_186 : memref<4096xf32, #tpu.memory_space<hbm>>)
    } else {
    }
    %add3A_46 = arith.constant 704 : i32
    %add3A_47 = arith.addi %add3A_46, %add3A : i32
    %lt3A_48 = arith.constant 781 : i32
    %lt3A_49 = arith.cmpi slt, %add3A_47, %lt3A_48 : i32
    %add3A_50 = arith.constant 128 : i32
    %add3A_51 = arith.addi %add3A_47, %add3A_50 : i32
    %ge3A_52 = arith.constant 781 : i32
    %ge3A_53 = arith.cmpi sge, %add3A_51, %ge3A_52 : i32
    %and3A_54 = arith.andi %lt3A_49, %ge3A_53 : i1
    %convert_element_type3A_55 = arith.extui %and3A_54 : i1 to i32
    %cond3A_56 = arith.constant 0 : i32
    %cond3A_57 = arith.cmpi ne, %convert_element_type3A_55, %cond3A_56 : i32
    scf.if %cond3A_57 {
      %mul3A_178 = arith.constant 128 : i32
      %mul3A_179 = arith.muli %add3A_47, %mul3A_178 : i32
      %mul3A_180 = arith.constant 32 : i32
      %mul3A_181 = arith.muli %mul3A_179, %mul3A_180 : i32
      %dma_wait3A = arith.constant 2 : i32
      %dma_wait3A_182 = arith.constant 0 : i32
      %dma_wait3A_183 = tpu.memref_slice %arg9[%dma_wait3A, %dma_wait3A_182] : memref<4x4096xf32, #tpu.memory_space<vmem>> -> memref<1x4096xf32, #tpu.memory_space<vmem>>
      %dma_wait3A_184 = tpu.memref_squeeze %dma_wait3A_183 : memref<1x4096xf32, #tpu.memory_space<vmem>> -> memref<4096xf32, #tpu.memory_space<vmem>>
      %dma_wait3A_185 = tpu.memref_slice %arg6[%mul3A_181] : memref<3200000xf32, #tpu.memory_space<hbm>> -> memref<4096xf32, #tpu.memory_space<hbm>>
      %dma_wait3A_186 = tpu.memref_slice %arg6[%mul3A_181] : memref<3200000xf32, #tpu.memory_space<hbm>> -> memref<4096xf32, #tpu.memory_space<hbm>>
      %dma_wait3A_187 = arith.constant 0 : i32
      %dma_wait3A_188 = tpu.memref_slice %arg9[%dma_wait3A, %dma_wait3A_187] : memref<4x4096xf32, #tpu.memory_space<vmem>> -> memref<1x4096xf32, #tpu.memory_space<vmem>>
      %dma_wait3A_189 = tpu.memref_squeeze %dma_wait3A_188 : memref<1x4096xf32, #tpu.memory_space<vmem>> -> memref<4096xf32, #tpu.memory_space<vmem>>
      tpu.wait_dma2 semaphore(%arg11 : memref<!tpu.dma_semaphore, #tpu.memory_space<semaphore_mem>>) src(%dma_wait3A_189 : memref<4096xf32, #tpu.memory_space<vmem>>) dst(%dma_wait3A_186 : memref<4096xf32, #tpu.memory_space<hbm>>)
    } else {
    }
    %add3A_58 = arith.constant 736 : i32
    %add3A_59 = arith.addi %add3A_58, %add3A : i32
    %lt3A_60 = arith.constant 781 : i32
    %lt3A_61 = arith.cmpi slt, %add3A_59, %lt3A_60 : i32
    %add3A_62 = arith.constant 128 : i32
    %add3A_63 = arith.addi %add3A_59, %add3A_62 : i32
    %ge3A_64 = arith.constant 781 : i32
    %ge3A_65 = arith.cmpi sge, %add3A_63, %ge3A_64 : i32
    %and3A_66 = arith.andi %lt3A_61, %ge3A_65 : i1
    %convert_element_type3A_67 = arith.extui %and3A_66 : i1 to i32
    %cond3A_68 = arith.constant 0 : i32
    %cond3A_69 = arith.cmpi ne, %convert_element_type3A_67, %cond3A_68 : i32
    scf.if %cond3A_69 {
      %mul3A_178 = arith.constant 128 : i32
      %mul3A_179 = arith.muli %add3A_59, %mul3A_178 : i32
      %mul3A_180 = arith.constant 32 : i32
      %mul3A_181 = arith.muli %mul3A_179, %mul3A_180 : i32
      %dma_wait3A = arith.constant 3 : i32
      %dma_wait3A_182 = arith.constant 0 : i32
      %dma_wait3A_183 = tpu.memref_slice %arg9[%dma_wait3A, %dma_wait3A_182] : memref<4x4096xf32, #tpu.memory_space<vmem>> -> memref<1x4096xf32, #tpu.memory_space<vmem>>
      %dma_wait3A_184 = tpu.memref_squeeze %dma_wait3A_183 : memref<1x4096xf32, #tpu.memory_space<vmem>> -> memref<4096xf32, #tpu.memory_space<vmem>>
      %dma_wait3A_185 = tpu.memref_slice %arg6[%mul3A_181] : memref<3200000xf32, #tpu.memory_space<hbm>> -> memref<4096xf32, #tpu.memory_space<hbm>>
      %dma_wait3A_186 = tpu.memref_slice %arg6[%mul3A_181] : memref<3200000xf32, #tpu.memory_space<hbm>> -> memref<4096xf32, #tpu.memory_space<hbm>>
      %dma_wait3A_187 = arith.constant 0 : i32
      %dma_wait3A_188 = tpu.memref_slice %arg9[%dma_wait3A, %dma_wait3A_187] : memref<4x4096xf32, #tpu.memory_space<vmem>> -> memref<1x4096xf32, #tpu.memory_space<vmem>>
      %dma_wait3A_189 = tpu.memref_squeeze %dma_wait3A_188 : memref<1x4096xf32, #tpu.memory_space<vmem>> -> memref<4096xf32, #tpu.memory_space<vmem>>
      tpu.wait_dma2 semaphore(%arg11 : memref<!tpu.dma_semaphore, #tpu.memory_space<semaphore_mem>>) src(%dma_wait3A_189 : memref<4096xf32, #tpu.memory_space<vmem>>) dst(%dma_wait3A_186 : memref<4096xf32, #tpu.memory_space<hbm>>)
    } else {
    }
    %add3A_70 = arith.constant 768 : i32
    %add3A_71 = arith.addi %add3A_70, %add3A : i32
    %lt3A_72 = arith.constant 781 : i32
    %lt3A_73 = arith.cmpi slt, %add3A_71, %lt3A_72 : i32
    %add3A_74 = arith.constant 128 : i32
    %add3A_75 = arith.addi %add3A_71, %add3A_74 : i32
    %ge3A_76 = arith.constant 781 : i32
    %ge3A_77 = arith.cmpi sge, %add3A_75, %ge3A_76 : i32
    %and3A_78 = arith.andi %lt3A_73, %ge3A_77 : i1
    %convert_element_type3A_79 = arith.extui %and3A_78 : i1 to i32
    %cond3A_80 = arith.constant 0 : i32
    %cond3A_81 = arith.cmpi ne, %convert_element_type3A_79, %cond3A_80 : i32
    scf.if %cond3A_81 {
      %mul3A_178 = arith.constant 128 : i32
      %mul3A_179 = arith.muli %add3A_71, %mul3A_178 : i32
      %mul3A_180 = arith.constant 32 : i32
      %mul3A_181 = arith.muli %mul3A_179, %mul3A_180 : i32
      %dma_wait3A = arith.constant 0 : i32
      %dma_wait3A_182 = arith.constant 0 : i32
      %dma_wait3A_183 = tpu.memref_slice %arg9[%dma_wait3A, %dma_wait3A_182] : memref<4x4096xf32, #tpu.memory_space<vmem>> -> memref<1x4096xf32, #tpu.memory_space<vmem>>
      %dma_wait3A_184 = tpu.memref_squeeze %dma_wait3A_183 : memref<1x4096xf32, #tpu.memory_space<vmem>> -> memref<4096xf32, #tpu.memory_space<vmem>>
      %dma_wait3A_185 = tpu.memref_slice %arg6[%mul3A_181] : memref<3200000xf32, #tpu.memory_space<hbm>> -> memref<4096xf32, #tpu.memory_space<hbm>>
      %dma_wait3A_186 = tpu.memref_slice %arg6[%mul3A_181] : memref<3200000xf32, #tpu.memory_space<hbm>> -> memref<4096xf32, #tpu.memory_space<hbm>>
      %dma_wait3A_187 = arith.constant 0 : i32
      %dma_wait3A_188 = tpu.memref_slice %arg9[%dma_wait3A, %dma_wait3A_187] : memref<4x4096xf32, #tpu.memory_space<vmem>> -> memref<1x4096xf32, #tpu.memory_space<vmem>>
      %dma_wait3A_189 = tpu.memref_squeeze %dma_wait3A_188 : memref<1x4096xf32, #tpu.memory_space<vmem>> -> memref<4096xf32, #tpu.memory_space<vmem>>
      tpu.wait_dma2 semaphore(%arg11 : memref<!tpu.dma_semaphore, #tpu.memory_space<semaphore_mem>>) src(%dma_wait3A_189 : memref<4096xf32, #tpu.memory_space<vmem>>) dst(%dma_wait3A_186 : memref<4096xf32, #tpu.memory_space<hbm>>)
    } else {
    }
    %eq3A = arith.constant 0 : i32
    %eq3A_82 = arith.cmpi eq, %add3A, %eq3A : i32
    %convert_element_type3A_83 = arith.extui %eq3A_82 : i1 to i32
    %cond3A_84 = arith.constant 0 : i32
    %cond3A_85 = arith.cmpi ne, %convert_element_type3A_83, %cond3A_84 : i32
    scf.if %cond3A_85 {
      %run_scoped3A = arith.constant 0 : i32
      "tpu.region"() ({
        %run_scoped3A_179 = tpu.sem_alloc : memref<!tpu.dma_semaphore, #tpu.memory_space<semaphore_mem>>
        %dma_start3A = arith.constant 0 : i32
        %dma_start3A_180 = tpu.memref_slice %arg9[%run_scoped3A, %dma_start3A] : memref<4x4096xf32, #tpu.memory_space<vmem>> -> memref<1x1024xf32, #tpu.memory_space<vmem>>
        %dma_start3A_181 = tpu.memref_squeeze %dma_start3A_180 : memref<1x1024xf32, #tpu.memory_space<vmem>> -> memref<1024xf32, #tpu.memory_space<vmem>>
        %dma_start3A_182 = arith.constant 0 : i32
        %dma_start3A_183 = tpu.memref_slice %arg9[%run_scoped3A, %dma_start3A_182] : memref<4x4096xf32, #tpu.memory_space<vmem>> -> memref<1x1024xf32, #tpu.memory_space<vmem>>
        %dma_start3A_184 = tpu.memref_squeeze %dma_start3A_183 : memref<1x1024xf32, #tpu.memory_space<vmem>> -> memref<1024xf32, #tpu.memory_space<vmem>>
        tpu.enqueue_dma source(%arg4 : memref<1024xf32, #tpu.memory_space<hbm>>) target(%dma_start3A_184 : memref<1024xf32, #tpu.memory_space<vmem>>) target_semaphore(%run_scoped3A_179 : memref<!tpu.dma_semaphore, #tpu.memory_space<semaphore_mem>>)
        %dma_wait3A = arith.constant 0 : i32
        %dma_wait3A_185 = tpu.memref_slice %arg9[%run_scoped3A, %dma_wait3A] : memref<4x4096xf32, #tpu.memory_space<vmem>> -> memref<1x1024xf32, #tpu.memory_space<vmem>>
        %dma_wait3A_186 = tpu.memref_squeeze %dma_wait3A_185 : memref<1x1024xf32, #tpu.memory_space<vmem>> -> memref<1024xf32, #tpu.memory_space<vmem>>
        %dma_wait3A_187 = arith.constant 0 : i32
        %dma_wait3A_188 = tpu.memref_slice %arg9[%run_scoped3A, %dma_wait3A_187] : memref<4x4096xf32, #tpu.memory_space<vmem>> -> memref<1x1024xf32, #tpu.memory_space<vmem>>
        %dma_wait3A_189 = tpu.memref_squeeze %dma_wait3A_188 : memref<1x1024xf32, #tpu.memory_space<vmem>> -> memref<1024xf32, #tpu.memory_space<vmem>>
        tpu.wait_dma2 semaphore(%run_scoped3A_179 : memref<!tpu.dma_semaphore, #tpu.memory_space<semaphore_mem>>) src(%arg4 : memref<1024xf32, #tpu.memory_space<hbm>>) dst(%dma_wait3A_189 : memref<1024xf32, #tpu.memory_space<vmem>>)
        tpu.yield
      }) : () -> ()
      %run_scoped3A_178 = arith.constant 0 : i32
      "tpu.region"() ({
        %run_scoped3A_179 = tpu.sem_alloc : memref<!tpu.dma_semaphore, #tpu.memory_space<semaphore_mem>>
        %dma_start3A = arith.constant 0 : i32
        %dma_start3A_180 = tpu.memref_slice %arg9[%run_scoped3A_178, %dma_start3A] : memref<4x4096xf32, #tpu.memory_space<vmem>> -> memref<1x1024xf32, #tpu.memory_space<vmem>>
        %dma_start3A_181 = tpu.memref_squeeze %dma_start3A_180 : memref<1x1024xf32, #tpu.memory_space<vmem>> -> memref<1024xf32, #tpu.memory_space<vmem>>
        %dma_start3A_182 = arith.constant 3198976 : i32
        %dma_start3A_183 = tpu.memref_slice %arg6[%dma_start3A_182] : memref<3200000xf32, #tpu.memory_space<hbm>> -> memref<1024xf32, #tpu.memory_space<hbm>>
        %dma_start3A_184 = arith.constant 3198976 : i32
        %dma_start3A_185 = tpu.memref_slice %arg6[%dma_start3A_184] : memref<3200000xf32, #tpu.memory_space<hbm>> -> memref<1024xf32, #tpu.memory_space<hbm>>
        %dma_start3A_186 = arith.constant 0 : i32
        %dma_start3A_187 = tpu.memref_slice %arg9[%run_scoped3A_178, %dma_start3A_186] : memref<4x4096xf32, #tpu.memory_space<vmem>> -> memref<1x1024xf32, #tpu.memory_space<vmem>>
        %dma_start3A_188 = tpu.memref_squeeze %dma_start3A_187 : memref<1x1024xf32, #tpu.memory_space<vmem>> -> memref<1024xf32, #tpu.memory_space<vmem>>
        tpu.enqueue_dma source(%dma_start3A_188 : memref<1024xf32, #tpu.memory_space<vmem>>) target(%dma_start3A_185 : memref<1024xf32, #tpu.memory_space<hbm>>) target_semaphore(%run_scoped3A_179 : memref<!tpu.dma_semaphore, #tpu.memory_space<semaphore_mem>>)
        %dma_wait3A = arith.constant 0 : i32
        %dma_wait3A_189 = tpu.memref_slice %arg9[%run_scoped3A_178, %dma_wait3A] : memref<4x4096xf32, #tpu.memory_space<vmem>> -> memref<1x1024xf32, #tpu.memory_space<vmem>>
        %dma_wait3A_190 = tpu.memref_squeeze %dma_wait3A_189 : memref<1x1024xf32, #tpu.memory_space<vmem>> -> memref<1024xf32, #tpu.memory_space<vmem>>
        %dma_wait3A_191 = arith.constant 3198976 : i32
        %dma_wait3A_192 = tpu.memref_slice %arg6[%dma_wait3A_191] : memref<3200000xf32, #tpu.memory_space<hbm>> -> memref<1024xf32, #tpu.memory_space<hbm>>
        %dma_wait3A_193 = arith.constant 3198976 : i32
        %dma_wait3A_194 = tpu.memref_slice %arg6[%dma_wait3A_193] : memref<3200000xf32, #tpu.memory_space<hbm>> -> memref<1024xf32, #tpu.memory_space<hbm>>
        %dma_wait3A_195 = arith.constant 0 : i32
        %dma_wait3A_196 = tpu.memref_slice %arg9[%run_scoped3A_178, %dma_wait3A_195] : memref<4x4096xf32, #tpu.memory_space<vmem>> -> memref<1x1024xf32, #tpu.memory_space<vmem>>
        %dma_wait3A_197 = tpu.memref_squeeze %dma_wait3A_196 : memref<1x1024xf32, #tpu.memory_space<vmem>> -> memref<1024xf32, #tpu.memory_space<vmem>>
        tpu.wait_dma2 semaphore(%run_scoped3A_179 : memref<!tpu.dma_semaphore, #tpu.memory_space<semaphore_mem>>) src(%dma_wait3A_197 : memref<1024xf32, #tpu.memory_space<vmem>>) dst(%dma_wait3A_194 : memref<1024xf32, #tpu.memory_space<hbm>>)
        tpu.yield
      }) : () -> ()
    } else {
    }
    %add3A_86 = arith.constant 0 : i32
    %add3A_87 = arith.addi %add3A_86, %add3A : i32
    %lt3A_88 = arith.constant 781 : i32
    %lt3A_89 = arith.cmpi slt, %add3A_87, %lt3A_88 : i32
    %convert_element_type3A_90 = arith.extui %lt3A_89 : i1 to i32
    %cond3A_91 = arith.constant 0 : i32
    %cond3A_92 = arith.cmpi ne, %convert_element_type3A_90, %cond3A_91 : i32
    scf.if %cond3A_92 {
      %mul3A_178 = arith.constant 128 : i32
      %mul3A_179 = arith.muli %add3A_87, %mul3A_178 : i32
      %dma_start3A = arith.constant 0 : i32
      %dma_start3A_180 = arith.constant 0 : i32
      %dma_start3A_181 = tpu.memref_slice %arg8[%dma_start3A, %dma_start3A_180] : memref<128x128xf32, #tpu.memory_space<vmem>> -> memref<32x128xf32, #tpu.memory_space<vmem>>
      %dma_start3A_182 = arith.constant 0 : i32
      %dma_start3A_183 = tpu.memref_slice %arg3[%dma_start3A_182, %mul3A_179] : memref<32x100000xf32, #tpu.memory_space<hbm>> -> memref<32x128xf32, #tpu.memory_space<hbm>>
      %dma_start3A_184 = arith.constant 0 : i32
      %dma_start3A_185 = arith.constant 0 : i32
      %dma_start3A_186 = tpu.memref_slice %arg8[%dma_start3A_184, %dma_start3A_185] : memref<128x128xf32, #tpu.memory_space<vmem>> -> memref<32x128xf32, #tpu.memory_space<vmem>>
      %dma_start3A_187 = arith.constant 0 : i32
      %dma_start3A_188 = tpu.memref_slice %arg3[%dma_start3A_187, %mul3A_179] : memref<32x100000xf32, #tpu.memory_space<hbm>> -> memref<32x128xf32, #tpu.memory_space<hbm>>
      tpu.enqueue_dma source(%dma_start3A_188 : memref<32x128xf32, #tpu.memory_space<hbm>>) target(%dma_start3A_186 : memref<32x128xf32, #tpu.memory_space<vmem>>) target_semaphore(%arg10 : memref<!tpu.dma_semaphore, #tpu.memory_space<semaphore_mem>>)
    } else {
    }
    %add3A_93 = arith.constant 32 : i32
    %add3A_94 = arith.addi %add3A_93, %add3A : i32
    %lt3A_95 = arith.constant 781 : i32
    %lt3A_96 = arith.cmpi slt, %add3A_94, %lt3A_95 : i32
    %convert_element_type3A_97 = arith.extui %lt3A_96 : i1 to i32
    %cond3A_98 = arith.constant 0 : i32
    %cond3A_99 = arith.cmpi ne, %convert_element_type3A_97, %cond3A_98 : i32
    scf.if %cond3A_99 {
      %mul3A_178 = arith.constant 128 : i32
      %mul3A_179 = arith.muli %add3A_94, %mul3A_178 : i32
      %dma_start3A = arith.constant 32 : i32
      %dma_start3A_180 = arith.constant 0 : i32
      %dma_start3A_181 = tpu.memref_slice %arg8[%dma_start3A, %dma_start3A_180] : memref<128x128xf32, #tpu.memory_space<vmem>> -> memref<32x128xf32, #tpu.memory_space<vmem>>
      %dma_start3A_182 = arith.constant 0 : i32
      %dma_start3A_183 = tpu.memref_slice %arg3[%dma_start3A_182, %mul3A_179] : memref<32x100000xf32, #tpu.memory_space<hbm>> -> memref<32x128xf32, #tpu.memory_space<hbm>>
      %dma_start3A_184 = arith.constant 32 : i32
      %dma_start3A_185 = arith.constant 0 : i32
      %dma_start3A_186 = tpu.memref_slice %arg8[%dma_start3A_184, %dma_start3A_185] : memref<128x128xf32, #tpu.memory_space<vmem>> -> memref<32x128xf32, #tpu.memory_space<vmem>>
      %dma_start3A_187 = arith.constant 0 : i32
      %dma_start3A_188 = tpu.memref_slice %arg3[%dma_start3A_187, %mul3A_179] : memref<32x100000xf32, #tpu.memory_space<hbm>> -> memref<32x128xf32, #tpu.memory_space<hbm>>
      tpu.enqueue_dma source(%dma_start3A_188 : memref<32x128xf32, #tpu.memory_space<hbm>>) target(%dma_start3A_186 : memref<32x128xf32, #tpu.memory_space<vmem>>) target_semaphore(%arg10 : memref<!tpu.dma_semaphore, #tpu.memory_space<semaphore_mem>>)
    } else {
    }
    %add3A_100 = arith.constant 64 : i32
    %add3A_101 = arith.addi %add3A_100, %add3A : i32
    %lt3A_102 = arith.constant 781 : i32
    %lt3A_103 = arith.cmpi slt, %add3A_101, %lt3A_102 : i32
    %convert_element_type3A_104 = arith.extui %lt3A_103 : i1 to i32
    %cond3A_105 = arith.constant 0 : i32
    %cond3A_106 = arith.cmpi ne, %convert_element_type3A_104, %cond3A_105 : i32
    scf.if %cond3A_106 {
      %mul3A_178 = arith.constant 128 : i32
      %mul3A_179 = arith.muli %add3A_101, %mul3A_178 : i32
      %dma_start3A = arith.constant 64 : i32
      %dma_start3A_180 = arith.constant 0 : i32
      %dma_start3A_181 = tpu.memref_slice %arg8[%dma_start3A, %dma_start3A_180] : memref<128x128xf32, #tpu.memory_space<vmem>> -> memref<32x128xf32, #tpu.memory_space<vmem>>
      %dma_start3A_182 = arith.constant 0 : i32
      %dma_start3A_183 = tpu.memref_slice %arg3[%dma_start3A_182, %mul3A_179] : memref<32x100000xf32, #tpu.memory_space<hbm>> -> memref<32x128xf32, #tpu.memory_space<hbm>>
      %dma_start3A_184 = arith.constant 64 : i32
      %dma_start3A_185 = arith.constant 0 : i32
      %dma_start3A_186 = tpu.memref_slice %arg8[%dma_start3A_184, %dma_start3A_185] : memref<128x128xf32, #tpu.memory_space<vmem>> -> memref<32x128xf32, #tpu.memory_space<vmem>>
      %dma_start3A_187 = arith.constant 0 : i32
      %dma_start3A_188 = tpu.memref_slice %arg3[%dma_start3A_187, %mul3A_179] : memref<32x100000xf32, #tpu.memory_space<hbm>> -> memref<32x128xf32, #tpu.memory_space<hbm>>
      tpu.enqueue_dma source(%dma_start3A_188 : memref<32x128xf32, #tpu.memory_space<hbm>>) target(%dma_start3A_186 : memref<32x128xf32, #tpu.memory_space<vmem>>) target_semaphore(%arg10 : memref<!tpu.dma_semaphore, #tpu.memory_space<semaphore_mem>>)
    } else {
    }
    %scan3A_107 = arith.constant 0 : i32
    %scan3A_108 = arith.constant 0 : i32
    %scan3A_109 = arith.constant 25 : i32
    %scan3A_110 = arith.addi %scan3A_108, %scan3A_109 : i32
    %scan3A_111 = arith.constant 1 : i32
    scf.for %scan3A_178 = %scan3A_108 to %scan3A_110 step %scan3A_111  : i32 {
      %mul3A_179 = arith.constant 32 : i32
      %mul3A_180 = arith.muli %scan3A_178, %mul3A_179 : i32
      %add3A_181 = arith.addi %mul3A_180, %add3A : i32
      %jit3A = arith.constant 4 : i32
      %eq3A_182 = arith.constant 0 : i32
      %eq3A_183 = arith.cmpi eq, %jit3A, %eq3A_182 : i32
      %jit3A_184 = arith.constant 1 : i32
      %select_n3A = arith.select %eq3A_183, %jit3A_184, %jit3A : i32
      %rem3A = arith.remsi %scan3A_178, %select_n3A : i32
      %ne3A = arith.constant 0 : i32
      %ne3A_185 = arith.cmpi ne, %rem3A, %ne3A : i32
      %lt3A_186 = arith.constant 0 : i32
      %lt3A_187 = arith.cmpi slt, %rem3A, %lt3A_186 : i32
      %lt3A_188 = arith.constant 0 : i32
      %lt3A_189 = arith.cmpi slt, %select_n3A, %lt3A_188 : i32
      %ne3A_190 = arith.xori %lt3A_187, %lt3A_189 : i1
      %and3A_191 = arith.andi %ne3A_190, %ne3A_185 : i1
      %add3A_192 = arith.addi %rem3A, %select_n3A : i32
      %select_n3A_193 = arith.select %and3A_191, %add3A_192, %rem3A : i32
      %lt3A_194 = arith.constant 781 : i32
      %lt3A_195 = arith.cmpi slt, %add3A_181, %lt3A_194 : i32
      %convert_element_type3A_196 = arith.extui %lt3A_195 : i1 to i32
      %cond3A_197 = arith.constant 0 : i32
      %cond3A_198 = arith.cmpi ne, %convert_element_type3A_196, %cond3A_197 : i32
      scf.if %cond3A_198 {
        %mul3A_199 = arith.constant 128 : i32
        %mul3A_200 = arith.muli %add3A_181, %mul3A_199 : i32
        %mul3A_201 = arith.constant 32 : i32
        %mul3A_202 = arith.muli %select_n3A_193, %mul3A_201 : i32
        %dma_wait3A = arith.constant 0 : i32
        %dma_wait3A_203 = tpu.memref_slice %arg8[%mul3A_202, %dma_wait3A] : memref<128x128xf32, #tpu.memory_space<vmem>> -> memref<32x128xf32, #tpu.memory_space<vmem>>
        %dma_wait3A_204 = arith.constant 0 : i32
        %dma_wait3A_205 = tpu.memref_slice %arg3[%dma_wait3A_204, %mul3A_200] : memref<32x100000xf32, #tpu.memory_space<hbm>> -> memref<32x128xf32, #tpu.memory_space<hbm>>
        %dma_wait3A_206 = arith.constant 0 : i32
        %dma_wait3A_207 = tpu.memref_slice %arg8[%mul3A_202, %dma_wait3A_206] : memref<128x128xf32, #tpu.memory_space<vmem>> -> memref<32x128xf32, #tpu.memory_space<vmem>>
        %dma_wait3A_208 = arith.constant 0 : i32
        %dma_wait3A_209 = tpu.memref_slice %arg3[%dma_wait3A_208, %mul3A_200] : memref<32x100000xf32, #tpu.memory_space<hbm>> -> memref<32x128xf32, #tpu.memory_space<hbm>>
        tpu.wait_dma2 semaphore(%arg10 : memref<!tpu.dma_semaphore, #tpu.memory_space<semaphore_mem>>) src(%dma_wait3A_209 : memref<32x128xf32, #tpu.memory_space<hbm>>) dst(%dma_wait3A_207 : memref<32x128xf32, #tpu.memory_space<vmem>>)
        %add3A_210 = arith.constant 4 : i32
        %add3A_211 = arith.addi %scan3A_178, %add3A_210 : i32
        %sub3A = arith.constant 1 : i32
        %sub3A_212 = arith.subi %add3A_211, %sub3A : i32
        %mul3A_213 = arith.constant 32 : i32
        %mul3A_214 = arith.muli %sub3A_212, %mul3A_213 : i32
        %add3A_215 = arith.addi %mul3A_214, %add3A : i32
        %lt3A_216 = arith.constant 781 : i32
        %lt3A_217 = arith.cmpi slt, %add3A_215, %lt3A_216 : i32
        %convert_element_type3A_218 = arith.extui %lt3A_217 : i1 to i32
        %cond3A_219 = arith.constant 0 : i32
        %cond3A_220 = arith.cmpi ne, %convert_element_type3A_218, %cond3A_219 : i32
        scf.if %cond3A_220 {
          %mul3A_240 = arith.constant 128 : i32
          %mul3A_241 = arith.muli %add3A_215, %mul3A_240 : i32
          %jit3A_242 = arith.constant 4 : i32
          %eq3A_243 = arith.constant 0 : i32
          %eq3A_244 = arith.cmpi eq, %jit3A_242, %eq3A_243 : i32
          %jit3A_245 = arith.constant 1 : i32
          %select_n3A_246 = arith.select %eq3A_244, %jit3A_245, %jit3A_242 : i32
          %rem3A_247 = arith.remsi %sub3A_212, %select_n3A_246 : i32
          %ne3A_248 = arith.constant 0 : i32
          %ne3A_249 = arith.cmpi ne, %rem3A_247, %ne3A_248 : i32
          %lt3A_250 = arith.constant 0 : i32
          %lt3A_251 = arith.cmpi slt, %rem3A_247, %lt3A_250 : i32
          %lt3A_252 = arith.constant 0 : i32
          %lt3A_253 = arith.cmpi slt, %select_n3A_246, %lt3A_252 : i32
          %ne3A_254 = arith.xori %lt3A_251, %lt3A_253 : i1
          %and3A_255 = arith.andi %ne3A_254, %ne3A_249 : i1
          %add3A_256 = arith.addi %rem3A_247, %select_n3A_246 : i32
          %select_n3A_257 = arith.select %and3A_255, %add3A_256, %rem3A_247 : i32
          %mul3A_258 = arith.constant 32 : i32
          %mul3A_259 = arith.muli %select_n3A_257, %mul3A_258 : i32
          %dma_start3A_260 = arith.constant 0 : i32
          %dma_start3A_261 = tpu.memref_slice %arg8[%mul3A_259, %dma_start3A_260] : memref<128x128xf32, #tpu.memory_space<vmem>> -> memref<32x128xf32, #tpu.memory_space<vmem>>
          %dma_start3A_262 = arith.constant 0 : i32
          %dma_start3A_263 = tpu.memref_slice %arg3[%dma_start3A_262, %mul3A_241] : memref<32x100000xf32, #tpu.memory_space<hbm>> -> memref<32x128xf32, #tpu.memory_space<hbm>>
          %dma_start3A_264 = arith.constant 0 : i32
          %dma_start3A_265 = tpu.memref_slice %arg8[%mul3A_259, %dma_start3A_264] : memref<128x128xf32, #tpu.memory_space<vmem>> -> memref<32x128xf32, #tpu.memory_space<vmem>>
          %dma_start3A_266 = arith.constant 0 : i32
          %dma_start3A_267 = tpu.memref_slice %arg3[%dma_start3A_266, %mul3A_241] : memref<32x100000xf32, #tpu.memory_space<hbm>> -> memref<32x128xf32, #tpu.memory_space<hbm>>
          tpu.enqueue_dma source(%dma_start3A_267 : memref<32x128xf32, #tpu.memory_space<hbm>>) target(%dma_start3A_265 : memref<32x128xf32, #tpu.memory_space<vmem>>) target_semaphore(%arg10 : memref<!tpu.dma_semaphore, #tpu.memory_space<semaphore_mem>>)
        } else {
        }
        %ge3A_221 = arith.constant 4 : i32
        %ge3A_222 = arith.cmpi sge, %scan3A_178, %ge3A_221 : i32
        %convert_element_type3A_223 = arith.extui %ge3A_222 : i1 to i32
        %cond3A_224 = arith.constant 0 : i32
        %cond3A_225 = arith.cmpi ne, %convert_element_type3A_223, %cond3A_224 : i32
        scf.if %cond3A_225 {
          %sub3A_240 = arith.constant 4 : i32
          %sub3A_241 = arith.subi %scan3A_178, %sub3A_240 : i32
          %mul3A_242 = arith.constant 32 : i32
          %mul3A_243 = arith.muli %sub3A_241, %mul3A_242 : i32
          %add3A_244 = arith.addi %mul3A_243, %add3A : i32
          %mul3A_245 = arith.constant 128 : i32
          %mul3A_246 = arith.muli %add3A_244, %mul3A_245 : i32
          %mul3A_247 = arith.constant 32 : i32
          %mul3A_248 = arith.muli %mul3A_246, %mul3A_247 : i32
          %dma_wait3A_249 = arith.constant 0 : i32
          %dma_wait3A_250 = tpu.memref_slice %arg9[%select_n3A_193, %dma_wait3A_249] : memref<4x4096xf32, #tpu.memory_space<vmem>> -> memref<1x4096xf32, #tpu.memory_space<vmem>>
          %dma_wait3A_251 = tpu.memref_squeeze %dma_wait3A_250 : memref<1x4096xf32, #tpu.memory_space<vmem>> -> memref<4096xf32, #tpu.memory_space<vmem>>
          %dma_wait3A_252 = tpu.memref_slice %arg7[%mul3A_248] : memref<3200000xf32, #tpu.memory_space<hbm>> -> memref<4096xf32, #tpu.memory_space<hbm>>
          %dma_wait3A_253 = tpu.memref_slice %arg7[%mul3A_248] : memref<3200000xf32, #tpu.memory_space<hbm>> -> memref<4096xf32, #tpu.memory_space<hbm>>
          %dma_wait3A_254 = arith.constant 0 : i32
          %dma_wait3A_255 = tpu.memref_slice %arg9[%select_n3A_193, %dma_wait3A_254] : memref<4x4096xf32, #tpu.memory_space<vmem>> -> memref<1x4096xf32, #tpu.memory_space<vmem>>
          %dma_wait3A_256 = tpu.memref_squeeze %dma_wait3A_255 : memref<1x4096xf32, #tpu.memory_space<vmem>> -> memref<4096xf32, #tpu.memory_space<vmem>>
          tpu.wait_dma2 semaphore(%arg11 : memref<!tpu.dma_semaphore, #tpu.memory_space<semaphore_mem>>) src(%dma_wait3A_256 : memref<4096xf32, #tpu.memory_space<vmem>>) dst(%dma_wait3A_253 : memref<4096xf32, #tpu.memory_space<hbm>>)
        } else {
        }
        %broadcast_in_dim3A = vector.broadcast %select_n3A_193 : i32 to vector<16xi32>
        %mul3A_226 = arith.constant 32 : i32
        %mul3A_227 = vector.broadcast %mul3A_226 : i32 to vector<16xi32>
        %mul3A_228 = arith.muli %iota3A, %mul3A_227 : vector<16xi32>
        %parallel_loop3A = arith.constant 0 : i32
        %parallel_loop3A_229 = arith.constant 128 : i32
        %parallel_loop3A_230 = arith.constant 16 : i32
        scf.for %parallel_loop3A_240 = %parallel_loop3A to %parallel_loop3A_229 step %parallel_loop3A_230  : i32 {
          %parallel_loop3A_241 = vector.broadcast %parallel_loop3A_240 : i32 to vector<16xi32>
          %parallel_loop3A_242 = arith.addi %parallel_loop3A_241, %iota3A : vector<16xi32>
          %parallel_loop3A_243 = arith.constant 32 : i32
          %parallel_loop3A_244 = arith.muli %parallel_loop3A_240, %parallel_loop3A_243 : i32
          %parallel_loop3A_245 = vector.broadcast %parallel_loop3A_244 : i32 to vector<16xi32>
          %parallel_loop3A_246 = arith.addi %parallel_loop3A_245, %mul3A_228 : vector<16xi32>
          %parallel_loop3A_247 = arith.constant 0 : i32
          %parallel_loop3A_248 = vector.broadcast %parallel_loop3A_247 : i32 to vector<16xi32>
          %parallel_loop3A_249 = arith.addi %parallel_loop3A_248, %iota3A : vector<16xi32>
          %parallel_loop3A_250 = arith.constant 31 : i32
          %parallel_loop3A_251 = vector.broadcast %parallel_loop3A_250 : i32 to vector<16xi32>
          %parallel_loop3A_252 = arith.andi %parallel_loop3A_249, %parallel_loop3A_251 : vector<16xi32>
          %parallel_loop3A_253 = arith.constant 32 : i32
          %parallel_loop3A_254 = arith.muli %select_n3A_193, %parallel_loop3A_253 : i32
          %parallel_loop3A_255 = vector.broadcast %parallel_loop3A_254 : i32 to vector<16xi32>
          %parallel_loop3A_256 = arith.addi %parallel_loop3A_255, %parallel_loop3A_252 : vector<16xi32>
          %parallel_loop3A_257 = tpu.vector_load_idx %arg8[%parallel_loop3A_256, %parallel_loop3A_242] : memref<128x128xf32, #tpu.memory_space<vmem>>[vector<16xi32>, vector<16xi32>], vector<16xf32>,
          %parallel_loop3A_258 = arith.addi %parallel_loop3A_246, %parallel_loop3A_252 : vector<16xi32>
          tpu.vector_store_idx %arg9[%broadcast_in_dim3A, %parallel_loop3A_258], %parallel_loop3A_257 : memref<4x4096xf32, #tpu.memory_space<vmem>>[vector<16xi32>, vector<16xi32>], vector<16xf32>,
          %parallel_loop3A_259 = arith.constant 1 : i32
          %parallel_loop3A_260 = vector.broadcast %parallel_loop3A_259 : i32 to vector<16xi32>
          %parallel_loop3A_261 = arith.addi %parallel_loop3A_260, %iota3A : vector<16xi32>
          %parallel_loop3A_262 = arith.constant 31 : i32
          %parallel_loop3A_263 = vector.broadcast %parallel_loop3A_262 : i32 to vector<16xi32>
          %parallel_loop3A_264 = arith.andi %parallel_loop3A_261, %parallel_loop3A_263 : vector<16xi32>
          %parallel_loop3A_265 = arith.constant 32 : i32
          %parallel_loop3A_266 = arith.muli %select_n3A_193, %parallel_loop3A_265 : i32
          %parallel_loop3A_267 = vector.broadcast %parallel_loop3A_266 : i32 to vector<16xi32>
          %parallel_loop3A_268 = arith.addi %parallel_loop3A_267, %parallel_loop3A_264 : vector<16xi32>
          %parallel_loop3A_269 = tpu.vector_load_idx %arg8[%parallel_loop3A_268, %parallel_loop3A_242] : memref<128x128xf32, #tpu.memory_space<vmem>>[vector<16xi32>, vector<16xi32>], vector<16xf32>,
          %parallel_loop3A_270 = arith.addi %parallel_loop3A_246, %parallel_loop3A_264 : vector<16xi32>
          tpu.vector_store_idx %arg9[%broadcast_in_dim3A, %parallel_loop3A_270], %parallel_loop3A_269 : memref<4x4096xf32, #tpu.memory_space<vmem>>[vector<16xi32>, vector<16xi32>], vector<16xf32>,
          %parallel_loop3A_271 = arith.constant 2 : i32
          %parallel_loop3A_272 = vector.broadcast %parallel_loop3A_271 : i32 to vector<16xi32>
          %parallel_loop3A_273 = arith.addi %parallel_loop3A_272, %iota3A : vector<16xi32>
          %parallel_loop3A_274 = arith.constant 31 : i32
          %parallel_loop3A_275 = vector.broadcast %parallel_loop3A_274 : i32 to vector<16xi32>
          %parallel_loop3A_276 = arith.andi %parallel_loop3A_273, %parallel_loop3A_275 : vector<16xi32>
          %parallel_loop3A_277 = arith.constant 32 : i32
          %parallel_loop3A_278 = arith.muli %select_n3A_193, %parallel_loop3A_277 : i32
          %parallel_loop3A_279 = vector.broadcast %parallel_loop3A_278 : i32 to vector<16xi32>
          %parallel_loop3A_280 = arith.addi %parallel_loop3A_279, %parallel_loop3A_276 : vector<16xi32>
          %parallel_loop3A_281 = tpu.vector_load_idx %arg8[%parallel_loop3A_280, %parallel_loop3A_242] : memref<128x128xf32, #tpu.memory_space<vmem>>[vector<16xi32>, vector<16xi32>], vector<16xf32>,
          %parallel_loop3A_282 = arith.addi %parallel_loop3A_246, %parallel_loop3A_276 : vector<16xi32>
          tpu.vector_store_idx %arg9[%broadcast_in_dim3A, %parallel_loop3A_282], %parallel_loop3A_281 : memref<4x4096xf32, #tpu.memory_space<vmem>>[vector<16xi32>, vector<16xi32>], vector<16xf32>,
          %parallel_loop3A_283 = arith.constant 3 : i32
          %parallel_loop3A_284 = vector.broadcast %parallel_loop3A_283 : i32 to vector<16xi32>
          %parallel_loop3A_285 = arith.addi %parallel_loop3A_284, %iota3A : vector<16xi32>
          %parallel_loop3A_286 = arith.constant 31 : i32
          %parallel_loop3A_287 = vector.broadcast %parallel_loop3A_286 : i32 to vector<16xi32>
          %parallel_loop3A_288 = arith.andi %parallel_loop3A_285, %parallel_loop3A_287 : vector<16xi32>
          %parallel_loop3A_289 = arith.constant 32 : i32
          %parallel_loop3A_290 = arith.muli %select_n3A_193, %parallel_loop3A_289 : i32
          %parallel_loop3A_291 = vector.broadcast %parallel_loop3A_290 : i32 to vector<16xi32>
          %parallel_loop3A_292 = arith.addi %parallel_loop3A_291, %parallel_loop3A_288 : vector<16xi32>
          %parallel_loop3A_293 = tpu.vector_load_idx %arg8[%parallel_loop3A_292, %parallel_loop3A_242] : memref<128x128xf32, #tpu.memory_space<vmem>>[vector<16xi32>, vector<16xi32>], vector<16xf32>,
          %parallel_loop3A_294 = arith.addi %parallel_loop3A_246, %parallel_loop3A_288 : vector<16xi32>
          tpu.vector_store_idx %arg9[%broadcast_in_dim3A, %parallel_loop3A_294], %parallel_loop3A_293 : memref<4x4096xf32, #tpu.memory_space<vmem>>[vector<16xi32>, vector<16xi32>], vector<16xf32>,
          %parallel_loop3A_295 = arith.constant 4 : i32
          %parallel_loop3A_296 = vector.broadcast %parallel_loop3A_295 : i32 to vector<16xi32>
          %parallel_loop3A_297 = arith.addi %parallel_loop3A_296, %iota3A : vector<16xi32>
          %parallel_loop3A_298 = arith.constant 31 : i32
          %parallel_loop3A_299 = vector.broadcast %parallel_loop3A_298 : i32 to vector<16xi32>
          %parallel_loop3A_300 = arith.andi %parallel_loop3A_297, %parallel_loop3A_299 : vector<16xi32>
          %parallel_loop3A_301 = arith.constant 32 : i32
          %parallel_loop3A_302 = arith.muli %select_n3A_193, %parallel_loop3A_301 : i32
          %parallel_loop3A_303 = vector.broadcast %parallel_loop3A_302 : i32 to vector<16xi32>
          %parallel_loop3A_304 = arith.addi %parallel_loop3A_303, %parallel_loop3A_300 : vector<16xi32>
          %parallel_loop3A_305 = tpu.vector_load_idx %arg8[%parallel_loop3A_304, %parallel_loop3A_242] : memref<128x128xf32, #tpu.memory_space<vmem>>[vector<16xi32>, vector<16xi32>], vector<16xf32>,
          %parallel_loop3A_306 = arith.addi %parallel_loop3A_246, %parallel_loop3A_300 : vector<16xi32>
          tpu.vector_store_idx %arg9[%broadcast_in_dim3A, %parallel_loop3A_306], %parallel_loop3A_305 : memref<4x4096xf32, #tpu.memory_space<vmem>>[vector<16xi32>, vector<16xi32>], vector<16xf32>,
          %parallel_loop3A_307 = arith.constant 5 : i32
          %parallel_loop3A_308 = vector.broadcast %parallel_loop3A_307 : i32 to vector<16xi32>
          %parallel_loop3A_309 = arith.addi %parallel_loop3A_308, %iota3A : vector<16xi32>
          %parallel_loop3A_310 = arith.constant 31 : i32
          %parallel_loop3A_311 = vector.broadcast %parallel_loop3A_310 : i32 to vector<16xi32>
          %parallel_loop3A_312 = arith.andi %parallel_loop3A_309, %parallel_loop3A_311 : vector<16xi32>
          %parallel_loop3A_313 = arith.constant 32 : i32
          %parallel_loop3A_314 = arith.muli %select_n3A_193, %parallel_loop3A_313 : i32
          %parallel_loop3A_315 = vector.broadcast %parallel_loop3A_314 : i32 to vector<16xi32>
          %parallel_loop3A_316 = arith.addi %parallel_loop3A_315, %parallel_loop3A_312 : vector<16xi32>
          %parallel_loop3A_317 = tpu.vector_load_idx %arg8[%parallel_loop3A_316, %parallel_loop3A_242] : memref<128x128xf32, #tpu.memory_space<vmem>>[vector<16xi32>, vector<16xi32>], vector<16xf32>,
          %parallel_loop3A_318 = arith.addi %parallel_loop3A_246, %parallel_loop3A_312 : vector<16xi32>
          tpu.vector_store_idx %arg9[%broadcast_in_dim3A, %parallel_loop3A_318], %parallel_loop3A_317 : memref<4x4096xf32, #tpu.memory_space<vmem>>[vector<16xi32>, vector<16xi32>], vector<16xf32>,
          %parallel_loop3A_319 = arith.constant 6 : i32
          %parallel_loop3A_320 = vector.broadcast %parallel_loop3A_319 : i32 to vector<16xi32>
          %parallel_loop3A_321 = arith.addi %parallel_loop3A_320, %iota3A : vector<16xi32>
          %parallel_loop3A_322 = arith.constant 31 : i32
          %parallel_loop3A_323 = vector.broadcast %parallel_loop3A_322 : i32 to vector<16xi32>
          %parallel_loop3A_324 = arith.andi %parallel_loop3A_321, %parallel_loop3A_323 : vector<16xi32>
          %parallel_loop3A_325 = arith.constant 32 : i32
          %parallel_loop3A_326 = arith.muli %select_n3A_193, %parallel_loop3A_325 : i32
          %parallel_loop3A_327 = vector.broadcast %parallel_loop3A_326 : i32 to vector<16xi32>
          %parallel_loop3A_328 = arith.addi %parallel_loop3A_327, %parallel_loop3A_324 : vector<16xi32>
          %parallel_loop3A_329 = tpu.vector_load_idx %arg8[%parallel_loop3A_328, %parallel_loop3A_242] : memref<128x128xf32, #tpu.memory_space<vmem>>[vector<16xi32>, vector<16xi32>], vector<16xf32>,
          %parallel_loop3A_330 = arith.addi %parallel_loop3A_246, %parallel_loop3A_324 : vector<16xi32>
          tpu.vector_store_idx %arg9[%broadcast_in_dim3A, %parallel_loop3A_330], %parallel_loop3A_329 : memref<4x4096xf32, #tpu.memory_space<vmem>>[vector<16xi32>, vector<16xi32>], vector<16xf32>,
          %parallel_loop3A_331 = arith.constant 7 : i32
          %parallel_loop3A_332 = vector.broadcast %parallel_loop3A_331 : i32 to vector<16xi32>
          %parallel_loop3A_333 = arith.addi %parallel_loop3A_332, %iota3A : vector<16xi32>
          %parallel_loop3A_334 = arith.constant 31 : i32
          %parallel_loop3A_335 = vector.broadcast %parallel_loop3A_334 : i32 to vector<16xi32>
          %parallel_loop3A_336 = arith.andi %parallel_loop3A_333, %parallel_loop3A_335 : vector<16xi32>
          %parallel_loop3A_337 = arith.constant 32 : i32
          %parallel_loop3A_338 = arith.muli %select_n3A_193, %parallel_loop3A_337 : i32
          %parallel_loop3A_339 = vector.broadcast %parallel_loop3A_338 : i32 to vector<16xi32>
          %parallel_loop3A_340 = arith.addi %parallel_loop3A_339, %parallel_loop3A_336 : vector<16xi32>
          %parallel_loop3A_341 = tpu.vector_load_idx %arg8[%parallel_loop3A_340, %parallel_loop3A_242] : memref<128x128xf32, #tpu.memory_space<vmem>>[vector<16xi32>, vector<16xi32>], vector<16xf32>,
          %parallel_loop3A_342 = arith.addi %parallel_loop3A_246, %parallel_loop3A_336 : vector<16xi32>
          tpu.vector_store_idx %arg9[%broadcast_in_dim3A, %parallel_loop3A_342], %parallel_loop3A_341 : memref<4x4096xf32, #tpu.memory_space<vmem>>[vector<16xi32>, vector<16xi32>], vector<16xf32>,
          %parallel_loop3A_343 = arith.constant 8 : i32
          %parallel_loop3A_344 = vector.broadcast %parallel_loop3A_343 : i32 to vector<16xi32>
          %parallel_loop3A_345 = arith.addi %parallel_loop3A_344, %iota3A : vector<16xi32>
          %parallel_loop3A_346 = arith.constant 31 : i32
          %parallel_loop3A_347 = vector.broadcast %parallel_loop3A_346 : i32 to vector<16xi32>
          %parallel_loop3A_348 = arith.andi %parallel_loop3A_345, %parallel_loop3A_347 : vector<16xi32>
          %parallel_loop3A_349 = arith.constant 32 : i32
          %parallel_loop3A_350 = arith.muli %select_n3A_193, %parallel_loop3A_349 : i32
          %parallel_loop3A_351 = vector.broadcast %parallel_loop3A_350 : i32 to vector<16xi32>
          %parallel_loop3A_352 = arith.addi %parallel_loop3A_351, %parallel_loop3A_348 : vector<16xi32>
          %parallel_loop3A_353 = tpu.vector_load_idx %arg8[%parallel_loop3A_352, %parallel_loop3A_242] : memref<128x128xf32, #tpu.memory_space<vmem>>[vector<16xi32>, vector<16xi32>], vector<16xf32>,
          %parallel_loop3A_354 = arith.addi %parallel_loop3A_246, %parallel_loop3A_348 : vector<16xi32>
          tpu.vector_store_idx %arg9[%broadcast_in_dim3A, %parallel_loop3A_354], %parallel_loop3A_353 : memref<4x4096xf32, #tpu.memory_space<vmem>>[vector<16xi32>, vector<16xi32>], vector<16xf32>,
          %parallel_loop3A_355 = arith.constant 9 : i32
          %parallel_loop3A_356 = vector.broadcast %parallel_loop3A_355 : i32 to vector<16xi32>
          %parallel_loop3A_357 = arith.addi %parallel_loop3A_356, %iota3A : vector<16xi32>
          %parallel_loop3A_358 = arith.constant 31 : i32
          %parallel_loop3A_359 = vector.broadcast %parallel_loop3A_358 : i32 to vector<16xi32>
          %parallel_loop3A_360 = arith.andi %parallel_loop3A_357, %parallel_loop3A_359 : vector<16xi32>
          %parallel_loop3A_361 = arith.constant 32 : i32
          %parallel_loop3A_362 = arith.muli %select_n3A_193, %parallel_loop3A_361 : i32
          %parallel_loop3A_363 = vector.broadcast %parallel_loop3A_362 : i32 to vector<16xi32>
          %parallel_loop3A_364 = arith.addi %parallel_loop3A_363, %parallel_loop3A_360 : vector<16xi32>
          %parallel_loop3A_365 = tpu.vector_load_idx %arg8[%parallel_loop3A_364, %parallel_loop3A_242] : memref<128x128xf32, #tpu.memory_space<vmem>>[vector<16xi32>, vector<16xi32>], vector<16xf32>,
          %parallel_loop3A_366 = arith.addi %parallel_loop3A_246, %parallel_loop3A_360 : vector<16xi32>
          tpu.vector_store_idx %arg9[%broadcast_in_dim3A, %parallel_loop3A_366], %parallel_loop3A_365 : memref<4x4096xf32, #tpu.memory_space<vmem>>[vector<16xi32>, vector<16xi32>], vector<16xf32>,
          %parallel_loop3A_367 = arith.constant 10 : i32
          %parallel_loop3A_368 = vector.broadcast %parallel_loop3A_367 : i32 to vector<16xi32>
          %parallel_loop3A_369 = arith.addi %parallel_loop3A_368, %iota3A : vector<16xi32>
          %parallel_loop3A_370 = arith.constant 31 : i32
          %parallel_loop3A_371 = vector.broadcast %parallel_loop3A_370 : i32 to vector<16xi32>
          %parallel_loop3A_372 = arith.andi %parallel_loop3A_369, %parallel_loop3A_371 : vector<16xi32>
          %parallel_loop3A_373 = arith.constant 32 : i32
          %parallel_loop3A_374 = arith.muli %select_n3A_193, %parallel_loop3A_373 : i32
          %parallel_loop3A_375 = vector.broadcast %parallel_loop3A_374 : i32 to vector<16xi32>
          %parallel_loop3A_376 = arith.addi %parallel_loop3A_375, %parallel_loop3A_372 : vector<16xi32>
          %parallel_loop3A_377 = tpu.vector_load_idx %arg8[%parallel_loop3A_376, %parallel_loop3A_242] : memref<128x128xf32, #tpu.memory_space<vmem>>[vector<16xi32>, vector<16xi32>], vector<16xf32>,
          %parallel_loop3A_378 = arith.addi %parallel_loop3A_246, %parallel_loop3A_372 : vector<16xi32>
          tpu.vector_store_idx %arg9[%broadcast_in_dim3A, %parallel_loop3A_378], %parallel_loop3A_377 : memref<4x4096xf32, #tpu.memory_space<vmem>>[vector<16xi32>, vector<16xi32>], vector<16xf32>,
          %parallel_loop3A_379 = arith.constant 11 : i32
          %parallel_loop3A_380 = vector.broadcast %parallel_loop3A_379 : i32 to vector<16xi32>
          %parallel_loop3A_381 = arith.addi %parallel_loop3A_380, %iota3A : vector<16xi32>
          %parallel_loop3A_382 = arith.constant 31 : i32
          %parallel_loop3A_383 = vector.broadcast %parallel_loop3A_382 : i32 to vector<16xi32>
          %parallel_loop3A_384 = arith.andi %parallel_loop3A_381, %parallel_loop3A_383 : vector<16xi32>
          %parallel_loop3A_385 = arith.constant 32 : i32
          %parallel_loop3A_386 = arith.muli %select_n3A_193, %parallel_loop3A_385 : i32
          %parallel_loop3A_387 = vector.broadcast %parallel_loop3A_386 : i32 to vector<16xi32>
          %parallel_loop3A_388 = arith.addi %parallel_loop3A_387, %parallel_loop3A_384 : vector<16xi32>
          %parallel_loop3A_389 = tpu.vector_load_idx %arg8[%parallel_loop3A_388, %parallel_loop3A_242] : memref<128x128xf32, #tpu.memory_space<vmem>>[vector<16xi32>, vector<16xi32>], vector<16xf32>,
          %parallel_loop3A_390 = arith.addi %parallel_loop3A_246, %parallel_loop3A_384 : vector<16xi32>
          tpu.vector_store_idx %arg9[%broadcast_in_dim3A, %parallel_loop3A_390], %parallel_loop3A_389 : memref<4x4096xf32, #tpu.memory_space<vmem>>[vector<16xi32>, vector<16xi32>], vector<16xf32>,
          %parallel_loop3A_391 = arith.constant 12 : i32
          %parallel_loop3A_392 = vector.broadcast %parallel_loop3A_391 : i32 to vector<16xi32>
          %parallel_loop3A_393 = arith.addi %parallel_loop3A_392, %iota3A : vector<16xi32>
          %parallel_loop3A_394 = arith.constant 31 : i32
          %parallel_loop3A_395 = vector.broadcast %parallel_loop3A_394 : i32 to vector<16xi32>
          %parallel_loop3A_396 = arith.andi %parallel_loop3A_393, %parallel_loop3A_395 : vector<16xi32>
          %parallel_loop3A_397 = arith.constant 32 : i32
          %parallel_loop3A_398 = arith.muli %select_n3A_193, %parallel_loop3A_397 : i32
          %parallel_loop3A_399 = vector.broadcast %parallel_loop3A_398 : i32 to vector<16xi32>
          %parallel_loop3A_400 = arith.addi %parallel_loop3A_399, %parallel_loop3A_396 : vector<16xi32>
          %parallel_loop3A_401 = tpu.vector_load_idx %arg8[%parallel_loop3A_400, %parallel_loop3A_242] : memref<128x128xf32, #tpu.memory_space<vmem>>[vector<16xi32>, vector<16xi32>], vector<16xf32>,
          %parallel_loop3A_402 = arith.addi %parallel_loop3A_246, %parallel_loop3A_396 : vector<16xi32>
          tpu.vector_store_idx %arg9[%broadcast_in_dim3A, %parallel_loop3A_402], %parallel_loop3A_401 : memref<4x4096xf32, #tpu.memory_space<vmem>>[vector<16xi32>, vector<16xi32>], vector<16xf32>,
          %parallel_loop3A_403 = arith.constant 13 : i32
          %parallel_loop3A_404 = vector.broadcast %parallel_loop3A_403 : i32 to vector<16xi32>
          %parallel_loop3A_405 = arith.addi %parallel_loop3A_404, %iota3A : vector<16xi32>
          %parallel_loop3A_406 = arith.constant 31 : i32
          %parallel_loop3A_407 = vector.broadcast %parallel_loop3A_406 : i32 to vector<16xi32>
          %parallel_loop3A_408 = arith.andi %parallel_loop3A_405, %parallel_loop3A_407 : vector<16xi32>
          %parallel_loop3A_409 = arith.constant 32 : i32
          %parallel_loop3A_410 = arith.muli %select_n3A_193, %parallel_loop3A_409 : i32
          %parallel_loop3A_411 = vector.broadcast %parallel_loop3A_410 : i32 to vector<16xi32>
          %parallel_loop3A_412 = arith.addi %parallel_loop3A_411, %parallel_loop3A_408 : vector<16xi32>
          %parallel_loop3A_413 = tpu.vector_load_idx %arg8[%parallel_loop3A_412, %parallel_loop3A_242] : memref<128x128xf32, #tpu.memory_space<vmem>>[vector<16xi32>, vector<16xi32>], vector<16xf32>,
          %parallel_loop3A_414 = arith.addi %parallel_loop3A_246, %parallel_loop3A_408 : vector<16xi32>
          tpu.vector_store_idx %arg9[%broadcast_in_dim3A, %parallel_loop3A_414], %parallel_loop3A_413 : memref<4x4096xf32, #tpu.memory_space<vmem>>[vector<16xi32>, vector<16xi32>], vector<16xf32>,
          %parallel_loop3A_415 = arith.constant 14 : i32
          %parallel_loop3A_416 = vector.broadcast %parallel_loop3A_415 : i32 to vector<16xi32>
          %parallel_loop3A_417 = arith.addi %parallel_loop3A_416, %iota3A : vector<16xi32>
          %parallel_loop3A_418 = arith.constant 31 : i32
          %parallel_loop3A_419 = vector.broadcast %parallel_loop3A_418 : i32 to vector<16xi32>
          %parallel_loop3A_420 = arith.andi %parallel_loop3A_417, %parallel_loop3A_419 : vector<16xi32>
          %parallel_loop3A_421 = arith.constant 32 : i32
          %parallel_loop3A_422 = arith.muli %select_n3A_193, %parallel_loop3A_421 : i32
          %parallel_loop3A_423 = vector.broadcast %parallel_loop3A_422 : i32 to vector<16xi32>
          %parallel_loop3A_424 = arith.addi %parallel_loop3A_423, %parallel_loop3A_420 : vector<16xi32>
          %parallel_loop3A_425 = tpu.vector_load_idx %arg8[%parallel_loop3A_424, %parallel_loop3A_242] : memref<128x128xf32, #tpu.memory_space<vmem>>[vector<16xi32>, vector<16xi32>], vector<16xf32>,
          %parallel_loop3A_426 = arith.addi %parallel_loop3A_246, %parallel_loop3A_420 : vector<16xi32>
          tpu.vector_store_idx %arg9[%broadcast_in_dim3A, %parallel_loop3A_426], %parallel_loop3A_425 : memref<4x4096xf32, #tpu.memory_space<vmem>>[vector<16xi32>, vector<16xi32>], vector<16xf32>,
          %parallel_loop3A_427 = arith.constant 15 : i32
          %parallel_loop3A_428 = vector.broadcast %parallel_loop3A_427 : i32 to vector<16xi32>
          %parallel_loop3A_429 = arith.addi %parallel_loop3A_428, %iota3A : vector<16xi32>
          %parallel_loop3A_430 = arith.constant 31 : i32
          %parallel_loop3A_431 = vector.broadcast %parallel_loop3A_430 : i32 to vector<16xi32>
          %parallel_loop3A_432 = arith.andi %parallel_loop3A_429, %parallel_loop3A_431 : vector<16xi32>
          %parallel_loop3A_433 = arith.constant 32 : i32
          %parallel_loop3A_434 = arith.muli %select_n3A_193, %parallel_loop3A_433 : i32
          %parallel_loop3A_435 = vector.broadcast %parallel_loop3A_434 : i32 to vector<16xi32>
          %parallel_loop3A_436 = arith.addi %parallel_loop3A_435, %parallel_loop3A_432 : vector<16xi32>
          %parallel_loop3A_437 = tpu.vector_load_idx %arg8[%parallel_loop3A_436, %parallel_loop3A_242] : memref<128x128xf32, #tpu.memory_space<vmem>>[vector<16xi32>, vector<16xi32>], vector<16xf32>,
          %parallel_loop3A_438 = arith.addi %parallel_loop3A_246, %parallel_loop3A_432 : vector<16xi32>
          tpu.vector_store_idx %arg9[%broadcast_in_dim3A, %parallel_loop3A_438], %parallel_loop3A_437 : memref<4x4096xf32, #tpu.memory_space<vmem>>[vector<16xi32>, vector<16xi32>], vector<16xf32>,
          %parallel_loop3A_439 = arith.constant 16 : i32
          %parallel_loop3A_440 = vector.broadcast %parallel_loop3A_439 : i32 to vector<16xi32>
          %parallel_loop3A_441 = arith.addi %parallel_loop3A_440, %iota3A : vector<16xi32>
          %parallel_loop3A_442 = arith.constant 31 : i32
          %parallel_loop3A_443 = vector.broadcast %parallel_loop3A_442 : i32 to vector<16xi32>
          %parallel_loop3A_444 = arith.andi %parallel_loop3A_441, %parallel_loop3A_443 : vector<16xi32>
          %parallel_loop3A_445 = arith.constant 32 : i32
          %parallel_loop3A_446 = arith.muli %select_n3A_193, %parallel_loop3A_445 : i32
          %parallel_loop3A_447 = vector.broadcast %parallel_loop3A_446 : i32 to vector<16xi32>
          %parallel_loop3A_448 = arith.addi %parallel_loop3A_447, %parallel_loop3A_444 : vector<16xi32>
          %parallel_loop3A_449 = tpu.vector_load_idx %arg8[%parallel_loop3A_448, %parallel_loop3A_242] : memref<128x128xf32, #tpu.memory_space<vmem>>[vector<16xi32>, vector<16xi32>], vector<16xf32>,
          %parallel_loop3A_450 = arith.addi %parallel_loop3A_246, %parallel_loop3A_444 : vector<16xi32>
          tpu.vector_store_idx %arg9[%broadcast_in_dim3A, %parallel_loop3A_450], %parallel_loop3A_449 : memref<4x4096xf32, #tpu.memory_space<vmem>>[vector<16xi32>, vector<16xi32>], vector<16xf32>,
          %parallel_loop3A_451 = arith.constant 17 : i32
          %parallel_loop3A_452 = vector.broadcast %parallel_loop3A_451 : i32 to vector<16xi32>
          %parallel_loop3A_453 = arith.addi %parallel_loop3A_452, %iota3A : vector<16xi32>
          %parallel_loop3A_454 = arith.constant 31 : i32
          %parallel_loop3A_455 = vector.broadcast %parallel_loop3A_454 : i32 to vector<16xi32>
          %parallel_loop3A_456 = arith.andi %parallel_loop3A_453, %parallel_loop3A_455 : vector<16xi32>
          %parallel_loop3A_457 = arith.constant 32 : i32
          %parallel_loop3A_458 = arith.muli %select_n3A_193, %parallel_loop3A_457 : i32
          %parallel_loop3A_459 = vector.broadcast %parallel_loop3A_458 : i32 to vector<16xi32>
          %parallel_loop3A_460 = arith.addi %parallel_loop3A_459, %parallel_loop3A_456 : vector<16xi32>
          %parallel_loop3A_461 = tpu.vector_load_idx %arg8[%parallel_loop3A_460, %parallel_loop3A_242] : memref<128x128xf32, #tpu.memory_space<vmem>>[vector<16xi32>, vector<16xi32>], vector<16xf32>,
          %parallel_loop3A_462 = arith.addi %parallel_loop3A_246, %parallel_loop3A_456 : vector<16xi32>
          tpu.vector_store_idx %arg9[%broadcast_in_dim3A, %parallel_loop3A_462], %parallel_loop3A_461 : memref<4x4096xf32, #tpu.memory_space<vmem>>[vector<16xi32>, vector<16xi32>], vector<16xf32>,
          %parallel_loop3A_463 = arith.constant 18 : i32
          %parallel_loop3A_464 = vector.broadcast %parallel_loop3A_463 : i32 to vector<16xi32>
          %parallel_loop3A_465 = arith.addi %parallel_loop3A_464, %iota3A : vector<16xi32>
          %parallel_loop3A_466 = arith.constant 31 : i32
          %parallel_loop3A_467 = vector.broadcast %parallel_loop3A_466 : i32 to vector<16xi32>
          %parallel_loop3A_468 = arith.andi %parallel_loop3A_465, %parallel_loop3A_467 : vector<16xi32>
          %parallel_loop3A_469 = arith.constant 32 : i32
          %parallel_loop3A_470 = arith.muli %select_n3A_193, %parallel_loop3A_469 : i32
          %parallel_loop3A_471 = vector.broadcast %parallel_loop3A_470 : i32 to vector<16xi32>
          %parallel_loop3A_472 = arith.addi %parallel_loop3A_471, %parallel_loop3A_468 : vector<16xi32>
          %parallel_loop3A_473 = tpu.vector_load_idx %arg8[%parallel_loop3A_472, %parallel_loop3A_242] : memref<128x128xf32, #tpu.memory_space<vmem>>[vector<16xi32>, vector<16xi32>], vector<16xf32>,
          %parallel_loop3A_474 = arith.addi %parallel_loop3A_246, %parallel_loop3A_468 : vector<16xi32>
          tpu.vector_store_idx %arg9[%broadcast_in_dim3A, %parallel_loop3A_474], %parallel_loop3A_473 : memref<4x4096xf32, #tpu.memory_space<vmem>>[vector<16xi32>, vector<16xi32>], vector<16xf32>,
          %parallel_loop3A_475 = arith.constant 19 : i32
          %parallel_loop3A_476 = vector.broadcast %parallel_loop3A_475 : i32 to vector<16xi32>
          %parallel_loop3A_477 = arith.addi %parallel_loop3A_476, %iota3A : vector<16xi32>
          %parallel_loop3A_478 = arith.constant 31 : i32
          %parallel_loop3A_479 = vector.broadcast %parallel_loop3A_478 : i32 to vector<16xi32>
          %parallel_loop3A_480 = arith.andi %parallel_loop3A_477, %parallel_loop3A_479 : vector<16xi32>
          %parallel_loop3A_481 = arith.constant 32 : i32
          %parallel_loop3A_482 = arith.muli %select_n3A_193, %parallel_loop3A_481 : i32
          %parallel_loop3A_483 = vector.broadcast %parallel_loop3A_482 : i32 to vector<16xi32>
          %parallel_loop3A_484 = arith.addi %parallel_loop3A_483, %parallel_loop3A_480 : vector<16xi32>
          %parallel_loop3A_485 = tpu.vector_load_idx %arg8[%parallel_loop3A_484, %parallel_loop3A_242] : memref<128x128xf32, #tpu.memory_space<vmem>>[vector<16xi32>, vector<16xi32>], vector<16xf32>,
          %parallel_loop3A_486 = arith.addi %parallel_loop3A_246, %parallel_loop3A_480 : vector<16xi32>
          tpu.vector_store_idx %arg9[%broadcast_in_dim3A, %parallel_loop3A_486], %parallel_loop3A_485 : memref<4x4096xf32, #tpu.memory_space<vmem>>[vector<16xi32>, vector<16xi32>], vector<16xf32>,
          %parallel_loop3A_487 = arith.constant 20 : i32
          %parallel_loop3A_488 = vector.broadcast %parallel_loop3A_487 : i32 to vector<16xi32>
          %parallel_loop3A_489 = arith.addi %parallel_loop3A_488, %iota3A : vector<16xi32>
          %parallel_loop3A_490 = arith.constant 31 : i32
          %parallel_loop3A_491 = vector.broadcast %parallel_loop3A_490 : i32 to vector<16xi32>
          %parallel_loop3A_492 = arith.andi %parallel_loop3A_489, %parallel_loop3A_491 : vector<16xi32>
          %parallel_loop3A_493 = arith.constant 32 : i32
          %parallel_loop3A_494 = arith.muli %select_n3A_193, %parallel_loop3A_493 : i32
          %parallel_loop3A_495 = vector.broadcast %parallel_loop3A_494 : i32 to vector<16xi32>
          %parallel_loop3A_496 = arith.addi %parallel_loop3A_495, %parallel_loop3A_492 : vector<16xi32>
          %parallel_loop3A_497 = tpu.vector_load_idx %arg8[%parallel_loop3A_496, %parallel_loop3A_242] : memref<128x128xf32, #tpu.memory_space<vmem>>[vector<16xi32>, vector<16xi32>], vector<16xf32>,
          %parallel_loop3A_498 = arith.addi %parallel_loop3A_246, %parallel_loop3A_492 : vector<16xi32>
          tpu.vector_store_idx %arg9[%broadcast_in_dim3A, %parallel_loop3A_498], %parallel_loop3A_497 : memref<4x4096xf32, #tpu.memory_space<vmem>>[vector<16xi32>, vector<16xi32>], vector<16xf32>,
          %parallel_loop3A_499 = arith.constant 21 : i32
          %parallel_loop3A_500 = vector.broadcast %parallel_loop3A_499 : i32 to vector<16xi32>
          %parallel_loop3A_501 = arith.addi %parallel_loop3A_500, %iota3A : vector<16xi32>
          %parallel_loop3A_502 = arith.constant 31 : i32
          %parallel_loop3A_503 = vector.broadcast %parallel_loop3A_502 : i32 to vector<16xi32>
          %parallel_loop3A_504 = arith.andi %parallel_loop3A_501, %parallel_loop3A_503 : vector<16xi32>
          %parallel_loop3A_505 = arith.constant 32 : i32
          %parallel_loop3A_506 = arith.muli %select_n3A_193, %parallel_loop3A_505 : i32
          %parallel_loop3A_507 = vector.broadcast %parallel_loop3A_506 : i32 to vector<16xi32>
          %parallel_loop3A_508 = arith.addi %parallel_loop3A_507, %parallel_loop3A_504 : vector<16xi32>
          %parallel_loop3A_509 = tpu.vector_load_idx %arg8[%parallel_loop3A_508, %parallel_loop3A_242] : memref<128x128xf32, #tpu.memory_space<vmem>>[vector<16xi32>, vector<16xi32>], vector<16xf32>,
          %parallel_loop3A_510 = arith.addi %parallel_loop3A_246, %parallel_loop3A_504 : vector<16xi32>
          tpu.vector_store_idx %arg9[%broadcast_in_dim3A, %parallel_loop3A_510], %parallel_loop3A_509 : memref<4x4096xf32, #tpu.memory_space<vmem>>[vector<16xi32>, vector<16xi32>], vector<16xf32>,
          %parallel_loop3A_511 = arith.constant 22 : i32
          %parallel_loop3A_512 = vector.broadcast %parallel_loop3A_511 : i32 to vector<16xi32>
          %parallel_loop3A_513 = arith.addi %parallel_loop3A_512, %iota3A : vector<16xi32>
          %parallel_loop3A_514 = arith.constant 31 : i32
          %parallel_loop3A_515 = vector.broadcast %parallel_loop3A_514 : i32 to vector<16xi32>
          %parallel_loop3A_516 = arith.andi %parallel_loop3A_513, %parallel_loop3A_515 : vector<16xi32>
          %parallel_loop3A_517 = arith.constant 32 : i32
          %parallel_loop3A_518 = arith.muli %select_n3A_193, %parallel_loop3A_517 : i32
          %parallel_loop3A_519 = vector.broadcast %parallel_loop3A_518 : i32 to vector<16xi32>
          %parallel_loop3A_520 = arith.addi %parallel_loop3A_519, %parallel_loop3A_516 : vector<16xi32>
          %parallel_loop3A_521 = tpu.vector_load_idx %arg8[%parallel_loop3A_520, %parallel_loop3A_242] : memref<128x128xf32, #tpu.memory_space<vmem>>[vector<16xi32>, vector<16xi32>], vector<16xf32>,
          %parallel_loop3A_522 = arith.addi %parallel_loop3A_246, %parallel_loop3A_516 : vector<16xi32>
          tpu.vector_store_idx %arg9[%broadcast_in_dim3A, %parallel_loop3A_522], %parallel_loop3A_521 : memref<4x4096xf32, #tpu.memory_space<vmem>>[vector<16xi32>, vector<16xi32>], vector<16xf32>,
          %parallel_loop3A_523 = arith.constant 23 : i32
          %parallel_loop3A_524 = vector.broadcast %parallel_loop3A_523 : i32 to vector<16xi32>
          %parallel_loop3A_525 = arith.addi %parallel_loop3A_524, %iota3A : vector<16xi32>
          %parallel_loop3A_526 = arith.constant 31 : i32
          %parallel_loop3A_527 = vector.broadcast %parallel_loop3A_526 : i32 to vector<16xi32>
          %parallel_loop3A_528 = arith.andi %parallel_loop3A_525, %parallel_loop3A_527 : vector<16xi32>
          %parallel_loop3A_529 = arith.constant 32 : i32
          %parallel_loop3A_530 = arith.muli %select_n3A_193, %parallel_loop3A_529 : i32
          %parallel_loop3A_531 = vector.broadcast %parallel_loop3A_530 : i32 to vector<16xi32>
          %parallel_loop3A_532 = arith.addi %parallel_loop3A_531, %parallel_loop3A_528 : vector<16xi32>
          %parallel_loop3A_533 = tpu.vector_load_idx %arg8[%parallel_loop3A_532, %parallel_loop3A_242] : memref<128x128xf32, #tpu.memory_space<vmem>>[vector<16xi32>, vector<16xi32>], vector<16xf32>,
          %parallel_loop3A_534 = arith.addi %parallel_loop3A_246, %parallel_loop3A_528 : vector<16xi32>
          tpu.vector_store_idx %arg9[%broadcast_in_dim3A, %parallel_loop3A_534], %parallel_loop3A_533 : memref<4x4096xf32, #tpu.memory_space<vmem>>[vector<16xi32>, vector<16xi32>], vector<16xf32>,
          %parallel_loop3A_535 = arith.constant 24 : i32
          %parallel_loop3A_536 = vector.broadcast %parallel_loop3A_535 : i32 to vector<16xi32>
          %parallel_loop3A_537 = arith.addi %parallel_loop3A_536, %iota3A : vector<16xi32>
          %parallel_loop3A_538 = arith.constant 31 : i32
          %parallel_loop3A_539 = vector.broadcast %parallel_loop3A_538 : i32 to vector<16xi32>
          %parallel_loop3A_540 = arith.andi %parallel_loop3A_537, %parallel_loop3A_539 : vector<16xi32>
          %parallel_loop3A_541 = arith.constant 32 : i32
          %parallel_loop3A_542 = arith.muli %select_n3A_193, %parallel_loop3A_541 : i32
          %parallel_loop3A_543 = vector.broadcast %parallel_loop3A_542 : i32 to vector<16xi32>
          %parallel_loop3A_544 = arith.addi %parallel_loop3A_543, %parallel_loop3A_540 : vector<16xi32>
          %parallel_loop3A_545 = tpu.vector_load_idx %arg8[%parallel_loop3A_544, %parallel_loop3A_242] : memref<128x128xf32, #tpu.memory_space<vmem>>[vector<16xi32>, vector<16xi32>], vector<16xf32>,
          %parallel_loop3A_546 = arith.addi %parallel_loop3A_246, %parallel_loop3A_540 : vector<16xi32>
          tpu.vector_store_idx %arg9[%broadcast_in_dim3A, %parallel_loop3A_546], %parallel_loop3A_545 : memref<4x4096xf32, #tpu.memory_space<vmem>>[vector<16xi32>, vector<16xi32>], vector<16xf32>,
          %parallel_loop3A_547 = arith.constant 25 : i32
          %parallel_loop3A_548 = vector.broadcast %parallel_loop3A_547 : i32 to vector<16xi32>
          %parallel_loop3A_549 = arith.addi %parallel_loop3A_548, %iota3A : vector<16xi32>
          %parallel_loop3A_550 = arith.constant 31 : i32
          %parallel_loop3A_551 = vector.broadcast %parallel_loop3A_550 : i32 to vector<16xi32>
          %parallel_loop3A_552 = arith.andi %parallel_loop3A_549, %parallel_loop3A_551 : vector<16xi32>
          %parallel_loop3A_553 = arith.constant 32 : i32
          %parallel_loop3A_554 = arith.muli %select_n3A_193, %parallel_loop3A_553 : i32
          %parallel_loop3A_555 = vector.broadcast %parallel_loop3A_554 : i32 to vector<16xi32>
          %parallel_loop3A_556 = arith.addi %parallel_loop3A_555, %parallel_loop3A_552 : vector<16xi32>
          %parallel_loop3A_557 = tpu.vector_load_idx %arg8[%parallel_loop3A_556, %parallel_loop3A_242] : memref<128x128xf32, #tpu.memory_space<vmem>>[vector<16xi32>, vector<16xi32>], vector<16xf32>,
          %parallel_loop3A_558 = arith.addi %parallel_loop3A_246, %parallel_loop3A_552 : vector<16xi32>
          tpu.vector_store_idx %arg9[%broadcast_in_dim3A, %parallel_loop3A_558], %parallel_loop3A_557 : memref<4x4096xf32, #tpu.memory_space<vmem>>[vector<16xi32>, vector<16xi32>], vector<16xf32>,
          %parallel_loop3A_559 = arith.constant 26 : i32
          %parallel_loop3A_560 = vector.broadcast %parallel_loop3A_559 : i32 to vector<16xi32>
          %parallel_loop3A_561 = arith.addi %parallel_loop3A_560, %iota3A : vector<16xi32>
          %parallel_loop3A_562 = arith.constant 31 : i32
          %parallel_loop3A_563 = vector.broadcast %parallel_loop3A_562 : i32 to vector<16xi32>
          %parallel_loop3A_564 = arith.andi %parallel_loop3A_561, %parallel_loop3A_563 : vector<16xi32>
          %parallel_loop3A_565 = arith.constant 32 : i32
          %parallel_loop3A_566 = arith.muli %select_n3A_193, %parallel_loop3A_565 : i32
          %parallel_loop3A_567 = vector.broadcast %parallel_loop3A_566 : i32 to vector<16xi32>
          %parallel_loop3A_568 = arith.addi %parallel_loop3A_567, %parallel_loop3A_564 : vector<16xi32>
          %parallel_loop3A_569 = tpu.vector_load_idx %arg8[%parallel_loop3A_568, %parallel_loop3A_242] : memref<128x128xf32, #tpu.memory_space<vmem>>[vector<16xi32>, vector<16xi32>], vector<16xf32>,
          %parallel_loop3A_570 = arith.addi %parallel_loop3A_246, %parallel_loop3A_564 : vector<16xi32>
          tpu.vector_store_idx %arg9[%broadcast_in_dim3A, %parallel_loop3A_570], %parallel_loop3A_569 : memref<4x4096xf32, #tpu.memory_space<vmem>>[vector<16xi32>, vector<16xi32>], vector<16xf32>,
          %parallel_loop3A_571 = arith.constant 27 : i32
          %parallel_loop3A_572 = vector.broadcast %parallel_loop3A_571 : i32 to vector<16xi32>
          %parallel_loop3A_573 = arith.addi %parallel_loop3A_572, %iota3A : vector<16xi32>
          %parallel_loop3A_574 = arith.constant 31 : i32
          %parallel_loop3A_575 = vector.broadcast %parallel_loop3A_574 : i32 to vector<16xi32>
          %parallel_loop3A_576 = arith.andi %parallel_loop3A_573, %parallel_loop3A_575 : vector<16xi32>
          %parallel_loop3A_577 = arith.constant 32 : i32
          %parallel_loop3A_578 = arith.muli %select_n3A_193, %parallel_loop3A_577 : i32
          %parallel_loop3A_579 = vector.broadcast %parallel_loop3A_578 : i32 to vector<16xi32>
          %parallel_loop3A_580 = arith.addi %parallel_loop3A_579, %parallel_loop3A_576 : vector<16xi32>
          %parallel_loop3A_581 = tpu.vector_load_idx %arg8[%parallel_loop3A_580, %parallel_loop3A_242] : memref<128x128xf32, #tpu.memory_space<vmem>>[vector<16xi32>, vector<16xi32>], vector<16xf32>,
          %parallel_loop3A_582 = arith.addi %parallel_loop3A_246, %parallel_loop3A_576 : vector<16xi32>
          tpu.vector_store_idx %arg9[%broadcast_in_dim3A, %parallel_loop3A_582], %parallel_loop3A_581 : memref<4x4096xf32, #tpu.memory_space<vmem>>[vector<16xi32>, vector<16xi32>], vector<16xf32>,
          %parallel_loop3A_583 = arith.constant 28 : i32
          %parallel_loop3A_584 = vector.broadcast %parallel_loop3A_583 : i32 to vector<16xi32>
          %parallel_loop3A_585 = arith.addi %parallel_loop3A_584, %iota3A : vector<16xi32>
          %parallel_loop3A_586 = arith.constant 31 : i32
          %parallel_loop3A_587 = vector.broadcast %parallel_loop3A_586 : i32 to vector<16xi32>
          %parallel_loop3A_588 = arith.andi %parallel_loop3A_585, %parallel_loop3A_587 : vector<16xi32>
          %parallel_loop3A_589 = arith.constant 32 : i32
          %parallel_loop3A_590 = arith.muli %select_n3A_193, %parallel_loop3A_589 : i32
          %parallel_loop3A_591 = vector.broadcast %parallel_loop3A_590 : i32 to vector<16xi32>
          %parallel_loop3A_592 = arith.addi %parallel_loop3A_591, %parallel_loop3A_588 : vector<16xi32>
          %parallel_loop3A_593 = tpu.vector_load_idx %arg8[%parallel_loop3A_592, %parallel_loop3A_242] : memref<128x128xf32, #tpu.memory_space<vmem>>[vector<16xi32>, vector<16xi32>], vector<16xf32>,
          %parallel_loop3A_594 = arith.addi %parallel_loop3A_246, %parallel_loop3A_588 : vector<16xi32>
          tpu.vector_store_idx %arg9[%broadcast_in_dim3A, %parallel_loop3A_594], %parallel_loop3A_593 : memref<4x4096xf32, #tpu.memory_space<vmem>>[vector<16xi32>, vector<16xi32>], vector<16xf32>,
          %parallel_loop3A_595 = arith.constant 29 : i32
          %parallel_loop3A_596 = vector.broadcast %parallel_loop3A_595 : i32 to vector<16xi32>
          %parallel_loop3A_597 = arith.addi %parallel_loop3A_596, %iota3A : vector<16xi32>
          %parallel_loop3A_598 = arith.constant 31 : i32
          %parallel_loop3A_599 = vector.broadcast %parallel_loop3A_598 : i32 to vector<16xi32>
          %parallel_loop3A_600 = arith.andi %parallel_loop3A_597, %parallel_loop3A_599 : vector<16xi32>
          %parallel_loop3A_601 = arith.constant 32 : i32
          %parallel_loop3A_602 = arith.muli %select_n3A_193, %parallel_loop3A_601 : i32
          %parallel_loop3A_603 = vector.broadcast %parallel_loop3A_602 : i32 to vector<16xi32>
          %parallel_loop3A_604 = arith.addi %parallel_loop3A_603, %parallel_loop3A_600 : vector<16xi32>
          %parallel_loop3A_605 = tpu.vector_load_idx %arg8[%parallel_loop3A_604, %parallel_loop3A_242] : memref<128x128xf32, #tpu.memory_space<vmem>>[vector<16xi32>, vector<16xi32>], vector<16xf32>,
          %parallel_loop3A_606 = arith.addi %parallel_loop3A_246, %parallel_loop3A_600 : vector<16xi32>
          tpu.vector_store_idx %arg9[%broadcast_in_dim3A, %parallel_loop3A_606], %parallel_loop3A_605 : memref<4x4096xf32, #tpu.memory_space<vmem>>[vector<16xi32>, vector<16xi32>], vector<16xf32>,
          %parallel_loop3A_607 = arith.constant 30 : i32
          %parallel_loop3A_608 = vector.broadcast %parallel_loop3A_607 : i32 to vector<16xi32>
          %parallel_loop3A_609 = arith.addi %parallel_loop3A_608, %iota3A : vector<16xi32>
          %parallel_loop3A_610 = arith.constant 31 : i32
          %parallel_loop3A_611 = vector.broadcast %parallel_loop3A_610 : i32 to vector<16xi32>
          %parallel_loop3A_612 = arith.andi %parallel_loop3A_609, %parallel_loop3A_611 : vector<16xi32>
          %parallel_loop3A_613 = arith.constant 32 : i32
          %parallel_loop3A_614 = arith.muli %select_n3A_193, %parallel_loop3A_613 : i32
          %parallel_loop3A_615 = vector.broadcast %parallel_loop3A_614 : i32 to vector<16xi32>
          %parallel_loop3A_616 = arith.addi %parallel_loop3A_615, %parallel_loop3A_612 : vector<16xi32>
          %parallel_loop3A_617 = tpu.vector_load_idx %arg8[%parallel_loop3A_616, %parallel_loop3A_242] : memref<128x128xf32, #tpu.memory_space<vmem>>[vector<16xi32>, vector<16xi32>], vector<16xf32>,
          %parallel_loop3A_618 = arith.addi %parallel_loop3A_246, %parallel_loop3A_612 : vector<16xi32>
          tpu.vector_store_idx %arg9[%broadcast_in_dim3A, %parallel_loop3A_618], %parallel_loop3A_617 : memref<4x4096xf32, #tpu.memory_space<vmem>>[vector<16xi32>, vector<16xi32>], vector<16xf32>,
          %parallel_loop3A_619 = arith.constant 31 : i32
          %parallel_loop3A_620 = vector.broadcast %parallel_loop3A_619 : i32 to vector<16xi32>
          %parallel_loop3A_621 = arith.addi %parallel_loop3A_620, %iota3A : vector<16xi32>
          %parallel_loop3A_622 = arith.constant 31 : i32
          %parallel_loop3A_623 = vector.broadcast %parallel_loop3A_622 : i32 to vector<16xi32>
          %parallel_loop3A_624 = arith.andi %parallel_loop3A_621, %parallel_loop3A_623 : vector<16xi32>
          %parallel_loop3A_625 = arith.constant 32 : i32
          %parallel_loop3A_626 = arith.muli %select_n3A_193, %parallel_loop3A_625 : i32
          %parallel_loop3A_627 = vector.broadcast %parallel_loop3A_626 : i32 to vector<16xi32>
          %parallel_loop3A_628 = arith.addi %parallel_loop3A_627, %parallel_loop3A_624 : vector<16xi32>
          %parallel_loop3A_629 = tpu.vector_load_idx %arg8[%parallel_loop3A_628, %parallel_loop3A_242] : memref<128x128xf32, #tpu.memory_space<vmem>>[vector<16xi32>, vector<16xi32>], vector<16xf32>,
          %parallel_loop3A_630 = arith.addi %parallel_loop3A_246, %parallel_loop3A_624 : vector<16xi32>
          tpu.vector_store_idx %arg9[%broadcast_in_dim3A, %parallel_loop3A_630], %parallel_loop3A_629 : memref<4x4096xf32, #tpu.memory_space<vmem>>[vector<16xi32>, vector<16xi32>], vector<16xf32>,
        } {sc.loop_unroll_factor = 4 : i64, sc.parallel_access}
        %mul3A_231 = arith.constant 32 : i32
        %mul3A_232 = arith.muli %mul3A_200, %mul3A_231 : i32
        %dma_start3A = arith.constant 0 : i32
        %dma_start3A_233 = tpu.memref_slice %arg9[%select_n3A_193, %dma_start3A] : memref<4x4096xf32, #tpu.memory_space<vmem>> -> memref<1x4096xf32, #tpu.memory_space<vmem>>
        %dma_start3A_234 = tpu.memref_squeeze %dma_start3A_233 : memref<1x4096xf32, #tpu.memory_space<vmem>> -> memref<4096xf32, #tpu.memory_space<vmem>>
        %dma_start3A_235 = tpu.memref_slice %arg7[%mul3A_232] : memref<3200000xf32, #tpu.memory_space<hbm>> -> memref<4096xf32, #tpu.memory_space<hbm>>
        %dma_start3A_236 = tpu.memref_slice %arg7[%mul3A_232] : memref<3200000xf32, #tpu.memory_space<hbm>> -> memref<4096xf32, #tpu.memory_space<hbm>>
        %dma_start3A_237 = arith.constant 0 : i32
        %dma_start3A_238 = tpu.memref_slice %arg9[%select_n3A_193, %dma_start3A_237] : memref<4x4096xf32, #tpu.memory_space<vmem>> -> memref<1x4096xf32, #tpu.memory_space<vmem>>
        %dma_start3A_239 = tpu.memref_squeeze %dma_start3A_238 : memref<1x4096xf32, #tpu.memory_space<vmem>> -> memref<4096xf32, #tpu.memory_space<vmem>>
        tpu.enqueue_dma source(%dma_start3A_239 : memref<4096xf32, #tpu.memory_space<vmem>>) target(%dma_start3A_236 : memref<4096xf32, #tpu.memory_space<hbm>>) target_semaphore(%arg11 : memref<!tpu.dma_semaphore, #tpu.memory_space<semaphore_mem>>)
      } else {
      }
    }
    %scan3A_112 = arith.constant 25 : i32
    %add3A_113 = arith.constant 640 : i32
    %add3A_114 = arith.addi %add3A_113, %add3A : i32
    %lt3A_115 = arith.constant 781 : i32
    %lt3A_116 = arith.cmpi slt, %add3A_114, %lt3A_115 : i32
    %add3A_117 = arith.constant 128 : i32
    %add3A_118 = arith.addi %add3A_114, %add3A_117 : i32
    %ge3A_119 = arith.constant 781 : i32
    %ge3A_120 = arith.cmpi sge, %add3A_118, %ge3A_119 : i32
    %and3A_121 = arith.andi %lt3A_116, %ge3A_120 : i1
    %convert_element_type3A_122 = arith.extui %and3A_121 : i1 to i32
    %cond3A_123 = arith.constant 0 : i32
    %cond3A_124 = arith.cmpi ne, %convert_element_type3A_122, %cond3A_123 : i32
    scf.if %cond3A_124 {
      %mul3A_178 = arith.constant 128 : i32
      %mul3A_179 = arith.muli %add3A_114, %mul3A_178 : i32
      %mul3A_180 = arith.constant 32 : i32
      %mul3A_181 = arith.muli %mul3A_179, %mul3A_180 : i32
      %dma_wait3A = arith.constant 0 : i32
      %dma_wait3A_182 = arith.constant 0 : i32
      %dma_wait3A_183 = tpu.memref_slice %arg9[%dma_wait3A, %dma_wait3A_182] : memref<4x4096xf32, #tpu.memory_space<vmem>> -> memref<1x4096xf32, #tpu.memory_space<vmem>>
      %dma_wait3A_184 = tpu.memref_squeeze %dma_wait3A_183 : memref<1x4096xf32, #tpu.memory_space<vmem>> -> memref<4096xf32, #tpu.memory_space<vmem>>
      %dma_wait3A_185 = tpu.memref_slice %arg7[%mul3A_181] : memref<3200000xf32, #tpu.memory_space<hbm>> -> memref<4096xf32, #tpu.memory_space<hbm>>
      %dma_wait3A_186 = tpu.memref_slice %arg7[%mul3A_181] : memref<3200000xf32, #tpu.memory_space<hbm>> -> memref<4096xf32, #tpu.memory_space<hbm>>
      %dma_wait3A_187 = arith.constant 0 : i32
      %dma_wait3A_188 = tpu.memref_slice %arg9[%dma_wait3A, %dma_wait3A_187] : memref<4x4096xf32, #tpu.memory_space<vmem>> -> memref<1x4096xf32, #tpu.memory_space<vmem>>
      %dma_wait3A_189 = tpu.memref_squeeze %dma_wait3A_188 : memref<1x4096xf32, #tpu.memory_space<vmem>> -> memref<4096xf32, #tpu.memory_space<vmem>>
      tpu.wait_dma2 semaphore(%arg11 : memref<!tpu.dma_semaphore, #tpu.memory_space<semaphore_mem>>) src(%dma_wait3A_189 : memref<4096xf32, #tpu.memory_space<vmem>>) dst(%dma_wait3A_186 : memref<4096xf32, #tpu.memory_space<hbm>>)
    } else {
    }
    %add3A_125 = arith.constant 672 : i32
    %add3A_126 = arith.addi %add3A_125, %add3A : i32
    %lt3A_127 = arith.constant 781 : i32
    %lt3A_128 = arith.cmpi slt, %add3A_126, %lt3A_127 : i32
    %add3A_129 = arith.constant 128 : i32
    %add3A_130 = arith.addi %add3A_126, %add3A_129 : i32
    %ge3A_131 = arith.constant 781 : i32
    %ge3A_132 = arith.cmpi sge, %add3A_130, %ge3A_131 : i32
    %and3A_133 = arith.andi %lt3A_128, %ge3A_132 : i1
    %convert_element_type3A_134 = arith.extui %and3A_133 : i1 to i32
    %cond3A_135 = arith.constant 0 : i32
    %cond3A_136 = arith.cmpi ne, %convert_element_type3A_134, %cond3A_135 : i32
    scf.if %cond3A_136 {
      %mul3A_178 = arith.constant 128 : i32
      %mul3A_179 = arith.muli %add3A_126, %mul3A_178 : i32
      %mul3A_180 = arith.constant 32 : i32
      %mul3A_181 = arith.muli %mul3A_179, %mul3A_180 : i32
      %dma_wait3A = arith.constant 1 : i32
      %dma_wait3A_182 = arith.constant 0 : i32
      %dma_wait3A_183 = tpu.memref_slice %arg9[%dma_wait3A, %dma_wait3A_182] : memref<4x4096xf32, #tpu.memory_space<vmem>> -> memref<1x4096xf32, #tpu.memory_space<vmem>>
      %dma_wait3A_184 = tpu.memref_squeeze %dma_wait3A_183 : memref<1x4096xf32, #tpu.memory_space<vmem>> -> memref<4096xf32, #tpu.memory_space<vmem>>
      %dma_wait3A_185 = tpu.memref_slice %arg7[%mul3A_181] : memref<3200000xf32, #tpu.memory_space<hbm>> -> memref<4096xf32, #tpu.memory_space<hbm>>
      %dma_wait3A_186 = tpu.memref_slice %arg7[%mul3A_181] : memref<3200000xf32, #tpu.memory_space<hbm>> -> memref<4096xf32, #tpu.memory_space<hbm>>
      %dma_wait3A_187 = arith.constant 0 : i32
      %dma_wait3A_188 = tpu.memref_slice %arg9[%dma_wait3A, %dma_wait3A_187] : memref<4x4096xf32, #tpu.memory_space<vmem>> -> memref<1x4096xf32, #tpu.memory_space<vmem>>
      %dma_wait3A_189 = tpu.memref_squeeze %dma_wait3A_188 : memref<1x4096xf32, #tpu.memory_space<vmem>> -> memref<4096xf32, #tpu.memory_space<vmem>>
      tpu.wait_dma2 semaphore(%arg11 : memref<!tpu.dma_semaphore, #tpu.memory_space<semaphore_mem>>) src(%dma_wait3A_189 : memref<4096xf32, #tpu.memory_space<vmem>>) dst(%dma_wait3A_186 : memref<4096xf32, #tpu.memory_space<hbm>>)
    } else {
    }
    %add3A_137 = arith.constant 704 : i32
    %add3A_138 = arith.addi %add3A_137, %add3A : i32
    %lt3A_139 = arith.constant 781 : i32
    %lt3A_140 = arith.cmpi slt, %add3A_138, %lt3A_139 : i32
    %add3A_141 = arith.constant 128 : i32
    %add3A_142 = arith.addi %add3A_138, %add3A_141 : i32
    %ge3A_143 = arith.constant 781 : i32
    %ge3A_144 = arith.cmpi sge, %add3A_142, %ge3A_143 : i32
    %and3A_145 = arith.andi %lt3A_140, %ge3A_144 : i1
    %convert_element_type3A_146 = arith.extui %and3A_145 : i1 to i32
    %cond3A_147 = arith.constant 0 : i32
    %cond3A_148 = arith.cmpi ne, %convert_element_type3A_146, %cond3A_147 : i32
    scf.if %cond3A_148 {
      %mul3A_178 = arith.constant 128 : i32
      %mul3A_179 = arith.muli %add3A_138, %mul3A_178 : i32
      %mul3A_180 = arith.constant 32 : i32
      %mul3A_181 = arith.muli %mul3A_179, %mul3A_180 : i32
      %dma_wait3A = arith.constant 2 : i32
      %dma_wait3A_182 = arith.constant 0 : i32
      %dma_wait3A_183 = tpu.memref_slice %arg9[%dma_wait3A, %dma_wait3A_182] : memref<4x4096xf32, #tpu.memory_space<vmem>> -> memref<1x4096xf32, #tpu.memory_space<vmem>>
      %dma_wait3A_184 = tpu.memref_squeeze %dma_wait3A_183 : memref<1x4096xf32, #tpu.memory_space<vmem>> -> memref<4096xf32, #tpu.memory_space<vmem>>
      %dma_wait3A_185 = tpu.memref_slice %arg7[%mul3A_181] : memref<3200000xf32, #tpu.memory_space<hbm>> -> memref<4096xf32, #tpu.memory_space<hbm>>
      %dma_wait3A_186 = tpu.memref_slice %arg7[%mul3A_181] : memref<3200000xf32, #tpu.memory_space<hbm>> -> memref<4096xf32, #tpu.memory_space<hbm>>
      %dma_wait3A_187 = arith.constant 0 : i32
      %dma_wait3A_188 = tpu.memref_slice %arg9[%dma_wait3A, %dma_wait3A_187] : memref<4x4096xf32, #tpu.memory_space<vmem>> -> memref<1x4096xf32, #tpu.memory_space<vmem>>
      %dma_wait3A_189 = tpu.memref_squeeze %dma_wait3A_188 : memref<1x4096xf32, #tpu.memory_space<vmem>> -> memref<4096xf32, #tpu.memory_space<vmem>>
      tpu.wait_dma2 semaphore(%arg11 : memref<!tpu.dma_semaphore, #tpu.memory_space<semaphore_mem>>) src(%dma_wait3A_189 : memref<4096xf32, #tpu.memory_space<vmem>>) dst(%dma_wait3A_186 : memref<4096xf32, #tpu.memory_space<hbm>>)
    } else {
    }
    %add3A_149 = arith.constant 736 : i32
    %add3A_150 = arith.addi %add3A_149, %add3A : i32
    %lt3A_151 = arith.constant 781 : i32
    %lt3A_152 = arith.cmpi slt, %add3A_150, %lt3A_151 : i32
    %add3A_153 = arith.constant 128 : i32
    %add3A_154 = arith.addi %add3A_150, %add3A_153 : i32
    %ge3A_155 = arith.constant 781 : i32
    %ge3A_156 = arith.cmpi sge, %add3A_154, %ge3A_155 : i32
    %and3A_157 = arith.andi %lt3A_152, %ge3A_156 : i1
    %convert_element_type3A_158 = arith.extui %and3A_157 : i1 to i32
    %cond3A_159 = arith.constant 0 : i32
    %cond3A_160 = arith.cmpi ne, %convert_element_type3A_158, %cond3A_159 : i32
    scf.if %cond3A_160 {
      %mul3A_178 = arith.constant 128 : i32
      %mul3A_179 = arith.muli %add3A_150, %mul3A_178 : i32
      %mul3A_180 = arith.constant 32 : i32
      %mul3A_181 = arith.muli %mul3A_179, %mul3A_180 : i32
      %dma_wait3A = arith.constant 3 : i32
      %dma_wait3A_182 = arith.constant 0 : i32
      %dma_wait3A_183 = tpu.memref_slice %arg9[%dma_wait3A, %dma_wait3A_182] : memref<4x4096xf32, #tpu.memory_space<vmem>> -> memref<1x4096xf32, #tpu.memory_space<vmem>>
      %dma_wait3A_184 = tpu.memref_squeeze %dma_wait3A_183 : memref<1x4096xf32, #tpu.memory_space<vmem>> -> memref<4096xf32, #tpu.memory_space<vmem>>
      %dma_wait3A_185 = tpu.memref_slice %arg7[%mul3A_181] : memref<3200000xf32, #tpu.memory_space<hbm>> -> memref<4096xf32, #tpu.memory_space<hbm>>
      %dma_wait3A_186 = tpu.memref_slice %arg7[%mul3A_181] : memref<3200000xf32, #tpu.memory_space<hbm>> -> memref<4096xf32, #tpu.memory_space<hbm>>
      %dma_wait3A_187 = arith.constant 0 : i32
      %dma_wait3A_188 = tpu.memref_slice %arg9[%dma_wait3A, %dma_wait3A_187] : memref<4x4096xf32, #tpu.memory_space<vmem>> -> memref<1x4096xf32, #tpu.memory_space<vmem>>
      %dma_wait3A_189 = tpu.memref_squeeze %dma_wait3A_188 : memref<1x4096xf32, #tpu.memory_space<vmem>> -> memref<4096xf32, #tpu.memory_space<vmem>>
      tpu.wait_dma2 semaphore(%arg11 : memref<!tpu.dma_semaphore, #tpu.memory_space<semaphore_mem>>) src(%dma_wait3A_189 : memref<4096xf32, #tpu.memory_space<vmem>>) dst(%dma_wait3A_186 : memref<4096xf32, #tpu.memory_space<hbm>>)
    } else {
    }
    %add3A_161 = arith.constant 768 : i32
    %add3A_162 = arith.addi %add3A_161, %add3A : i32
    %lt3A_163 = arith.constant 781 : i32
    %lt3A_164 = arith.cmpi slt, %add3A_162, %lt3A_163 : i32
    %add3A_165 = arith.constant 128 : i32
    %add3A_166 = arith.addi %add3A_162, %add3A_165 : i32
    %ge3A_167 = arith.constant 781 : i32
    %ge3A_168 = arith.cmpi sge, %add3A_166, %ge3A_167 : i32
    %and3A_169 = arith.andi %lt3A_164, %ge3A_168 : i1
    %convert_element_type3A_170 = arith.extui %and3A_169 : i1 to i32
    %cond3A_171 = arith.constant 0 : i32
    %cond3A_172 = arith.cmpi ne, %convert_element_type3A_170, %cond3A_171 : i32
    scf.if %cond3A_172 {
      %mul3A_178 = arith.constant 128 : i32
      %mul3A_179 = arith.muli %add3A_162, %mul3A_178 : i32
      %mul3A_180 = arith.constant 32 : i32
      %mul3A_181 = arith.muli %mul3A_179, %mul3A_180 : i32
      %dma_wait3A = arith.constant 0 : i32
      %dma_wait3A_182 = arith.constant 0 : i32
      %dma_wait3A_183 = tpu.memref_slice %arg9[%dma_wait3A, %dma_wait3A_182] : memref<4x4096xf32, #tpu.memory_space<vmem>> -> memref<1x4096xf32, #tpu.memory_space<vmem>>
      %dma_wait3A_184 = tpu.memref_squeeze %dma_wait3A_183 : memref<1x4096xf32, #tpu.memory_space<vmem>> -> memref<4096xf32, #tpu.memory_space<vmem>>
      %dma_wait3A_185 = tpu.memref_slice %arg7[%mul3A_181] : memref<3200000xf32, #tpu.memory_space<hbm>> -> memref<4096xf32, #tpu.memory_space<hbm>>
      %dma_wait3A_186 = tpu.memref_slice %arg7[%mul3A_181] : memref<3200000xf32, #tpu.memory_space<hbm>> -> memref<4096xf32, #tpu.memory_space<hbm>>
      %dma_wait3A_187 = arith.constant 0 : i32
      %dma_wait3A_188 = tpu.memref_slice %arg9[%dma_wait3A, %dma_wait3A_187] : memref<4x4096xf32, #tpu.memory_space<vmem>> -> memref<1x4096xf32, #tpu.memory_space<vmem>>
      %dma_wait3A_189 = tpu.memref_squeeze %dma_wait3A_188 : memref<1x4096xf32, #tpu.memory_space<vmem>> -> memref<4096xf32, #tpu.memory_space<vmem>>
      tpu.wait_dma2 semaphore(%arg11 : memref<!tpu.dma_semaphore, #tpu.memory_space<semaphore_mem>>) src(%dma_wait3A_189 : memref<4096xf32, #tpu.memory_space<vmem>>) dst(%dma_wait3A_186 : memref<4096xf32, #tpu.memory_space<hbm>>)
    } else {
    }
    %eq3A_173 = arith.constant 0 : i32
    %eq3A_174 = arith.cmpi eq, %add3A, %eq3A_173 : i32
    %convert_element_type3A_175 = arith.extui %eq3A_174 : i1 to i32
    %cond3A_176 = arith.constant 0 : i32
    %cond3A_177 = arith.cmpi ne, %convert_element_type3A_175, %cond3A_176 : i32
    scf.if %cond3A_177 {
      %run_scoped3A = arith.constant 0 : i32
      "tpu.region"() ({
        %run_scoped3A_179 = tpu.sem_alloc : memref<!tpu.dma_semaphore, #tpu.memory_space<semaphore_mem>>
        %dma_start3A = arith.constant 0 : i32
        %dma_start3A_180 = tpu.memref_slice %arg9[%run_scoped3A, %dma_start3A] : memref<4x4096xf32, #tpu.memory_space<vmem>> -> memref<1x1024xf32, #tpu.memory_space<vmem>>
        %dma_start3A_181 = tpu.memref_squeeze %dma_start3A_180 : memref<1x1024xf32, #tpu.memory_space<vmem>> -> memref<1024xf32, #tpu.memory_space<vmem>>
        %dma_start3A_182 = arith.constant 0 : i32
        %dma_start3A_183 = tpu.memref_slice %arg9[%run_scoped3A, %dma_start3A_182] : memref<4x4096xf32, #tpu.memory_space<vmem>> -> memref<1x1024xf32, #tpu.memory_space<vmem>>
        %dma_start3A_184 = tpu.memref_squeeze %dma_start3A_183 : memref<1x1024xf32, #tpu.memory_space<vmem>> -> memref<1024xf32, #tpu.memory_space<vmem>>
        tpu.enqueue_dma source(%arg5 : memref<1024xf32, #tpu.memory_space<hbm>>) target(%dma_start3A_184 : memref<1024xf32, #tpu.memory_space<vmem>>) target_semaphore(%run_scoped3A_179 : memref<!tpu.dma_semaphore, #tpu.memory_space<semaphore_mem>>)
        %dma_wait3A = arith.constant 0 : i32
        %dma_wait3A_185 = tpu.memref_slice %arg9[%run_scoped3A, %dma_wait3A] : memref<4x4096xf32, #tpu.memory_space<vmem>> -> memref<1x1024xf32, #tpu.memory_space<vmem>>
        %dma_wait3A_186 = tpu.memref_squeeze %dma_wait3A_185 : memref<1x1024xf32, #tpu.memory_space<vmem>> -> memref<1024xf32, #tpu.memory_space<vmem>>
        %dma_wait3A_187 = arith.constant 0 : i32
        %dma_wait3A_188 = tpu.memref_slice %arg9[%run_scoped3A, %dma_wait3A_187] : memref<4x4096xf32, #tpu.memory_space<vmem>> -> memref<1x1024xf32, #tpu.memory_space<vmem>>
        %dma_wait3A_189 = tpu.memref_squeeze %dma_wait3A_188 : memref<1x1024xf32, #tpu.memory_space<vmem>> -> memref<1024xf32, #tpu.memory_space<vmem>>
        tpu.wait_dma2 semaphore(%run_scoped3A_179 : memref<!tpu.dma_semaphore, #tpu.memory_space<semaphore_mem>>) src(%arg5 : memref<1024xf32, #tpu.memory_space<hbm>>) dst(%dma_wait3A_189 : memref<1024xf32, #tpu.memory_space<vmem>>)
        tpu.yield
      }) : () -> ()
      %run_scoped3A_178 = arith.constant 0 : i32
      "tpu.region"() ({
        %run_scoped3A_179 = tpu.sem_alloc : memref<!tpu.dma_semaphore, #tpu.memory_space<semaphore_mem>>
        %dma_start3A = arith.constant 0 : i32
        %dma_start3A_180 = tpu.memref_slice %arg9[%run_scoped3A_178, %dma_start3A] : memref<4x4096xf32, #tpu.memory_space<vmem>> -> memref<1x1024xf32, #tpu.memory_space<vmem>>
        %dma_start3A_181 = tpu.memref_squeeze %dma_start3A_180 : memref<1x1024xf32, #tpu.memory_space<vmem>> -> memref<1024xf32, #tpu.memory_space<vmem>>
        %dma_start3A_182 = arith.constant 3198976 : i32
        %dma_start3A_183 = tpu.memref_slice %arg7[%dma_start3A_182] : memref<3200000xf32, #tpu.memory_space<hbm>> -> memref<1024xf32, #tpu.memory_space<hbm>>
        %dma_start3A_184 = arith.constant 3198976 : i32
        %dma_start3A_185 = tpu.memref_slice %arg7[%dma_start3A_184] : memref<3200000xf32, #tpu.memory_space<hbm>> -> memref<1024xf32, #tpu.memory_space<hbm>>
        %dma_start3A_186 = arith.constant 0 : i32
        %dma_start3A_187 = tpu.memref_slice %arg9[%run_scoped3A_178, %dma_start3A_186] : memref<4x4096xf32, #tpu.memory_space<vmem>> -> memref<1x1024xf32, #tpu.memory_space<vmem>>
        %dma_start3A_188 = tpu.memref_squeeze %dma_start3A_187 : memref<1x1024xf32, #tpu.memory_space<vmem>> -> memref<1024xf32, #tpu.memory_space<vmem>>
        tpu.enqueue_dma source(%dma_start3A_188 : memref<1024xf32, #tpu.memory_space<vmem>>) target(%dma_start3A_185 : memref<1024xf32, #tpu.memory_space<hbm>>) target_semaphore(%run_scoped3A_179 : memref<!tpu.dma_semaphore, #tpu.memory_space<semaphore_mem>>)
        %dma_wait3A = arith.constant 0 : i32
        %dma_wait3A_189 = tpu.memref_slice %arg9[%run_scoped3A_178, %dma_wait3A] : memref<4x4096xf32, #tpu.memory_space<vmem>> -> memref<1x1024xf32, #tpu.memory_space<vmem>>
        %dma_wait3A_190 = tpu.memref_squeeze %dma_wait3A_189 : memref<1x1024xf32, #tpu.memory_space<vmem>> -> memref<1024xf32, #tpu.memory_space<vmem>>
        %dma_wait3A_191 = arith.constant 3198976 : i32
        %dma_wait3A_192 = tpu.memref_slice %arg7[%dma_wait3A_191] : memref<3200000xf32, #tpu.memory_space<hbm>> -> memref<1024xf32, #tpu.memory_space<hbm>>
        %dma_wait3A_193 = arith.constant 3198976 : i32
        %dma_wait3A_194 = tpu.memref_slice %arg7[%dma_wait3A_193] : memref<3200000xf32, #tpu.memory_space<hbm>> -> memref<1024xf32, #tpu.memory_space<hbm>>
        %dma_wait3A_195 = arith.constant 0 : i32
        %dma_wait3A_196 = tpu.memref_slice %arg9[%run_scoped3A_178, %dma_wait3A_195] : memref<4x4096xf32, #tpu.memory_space<vmem>> -> memref<1x1024xf32, #tpu.memory_space<vmem>>
        %dma_wait3A_197 = tpu.memref_squeeze %dma_wait3A_196 : memref<1x1024xf32, #tpu.memory_space<vmem>> -> memref<1024xf32, #tpu.memory_space<vmem>>
        tpu.wait_dma2 semaphore(%run_scoped3A_179 : memref<!tpu.dma_semaphore, #tpu.memory_space<semaphore_mem>>) src(%dma_wait3A_197 : memref<1024xf32, #tpu.memory_space<vmem>>) dst(%dma_wait3A_194 : memref<1024xf32, #tpu.memory_space<hbm>>)
        tpu.yield
      }) : () -> ()
    } else {
    }
    return
  }
}

#map = affine_map<(d0, d1) -> (0)>
#map1 = affine_map<(d0, d1) -> (0, 0)>
module attributes {stable_mosaic.version = 14 : i64} {
  func.func @_gather_body(%arg0: i32, %arg1: i32, %arg2: memref<16384xi32, #tpu.memory_space<hbm>>, %arg3: memref<16384xi32, #tpu.memory_space<hbm>>, %arg4: memref<16384xi32, #tpu.memory_space<hbm>>, %arg5: memref<100000x32xf32, #tpu.memory_space<hbm>>, %arg6: memref<100000x32xf32, #tpu.memory_space<hbm>>, %arg7: memref<16384xf32, #tpu.memory_space<hbm>>, %arg8: memref<512xi32, #tpu.memory_space<vmem>>, %arg9: memref<512xi32, #tpu.memory_space<vmem>>, %arg10: memref<512xi32, #tpu.memory_space<vmem>>, %arg11: memref<512x32xf32, #tpu.memory_space<vmem>>, %arg12: memref<512x32xf32, #tpu.memory_space<vmem>>, %arg13: memref<512x32xf32, #tpu.memory_space<vmem>>, %arg14: memref<512xf32, #tpu.memory_space<vmem>>, %arg15: memref<!tpu.dma_semaphore, #tpu.memory_space<semaphore_mem>>) attributes {dimension_semantics = [#tpu.dimension_semantics<core_parallel>, #tpu.dimension_semantics<subcore_parallel>], iteration_bounds = array<i64: 2, 16>, scalar_prefetch = 0 : i64, scratch_operands = 8 : i64, tpu.core_type = #tpu.core_type<sc_vector_subcore>, window_params = [{transform_indices = #map}, {transform_indices = #map}, {transform_indices = #map}, {transform_indices = #map1}, {transform_indices = #map1}, {transform_indices = #map}]} {
    %mul3A = arith.constant 2 : i32
    %mul3A_0 = arith.muli %arg1, %mul3A : i32
    %add3A = arith.addi %mul3A_0, %arg0 : i32
    %mul3A_1 = arith.constant 512 : i32
    %mul3A_2 = arith.muli %add3A, %mul3A_1 : i32
    "tpu.region"() ({
      %run_scoped3A = tpu.sem_alloc : memref<!tpu.dma_semaphore, #tpu.memory_space<semaphore_mem>>
      %dma_start3A_198 = tpu.memref_slice %arg2[%mul3A_2] : memref<16384xi32, #tpu.memory_space<hbm>> -> memref<512xi32, #tpu.memory_space<hbm>>
      %dma_start3A_199 = tpu.memref_slice %arg2[%mul3A_2] : memref<16384xi32, #tpu.memory_space<hbm>> -> memref<512xi32, #tpu.memory_space<hbm>>
      tpu.enqueue_dma source(%dma_start3A_199 : memref<512xi32, #tpu.memory_space<hbm>>) target(%arg8 : memref<512xi32, #tpu.memory_space<vmem>>) target_semaphore(%run_scoped3A : memref<!tpu.dma_semaphore, #tpu.memory_space<semaphore_mem>>)
      %dma_wait3A_200 = tpu.memref_slice %arg2[%mul3A_2] : memref<16384xi32, #tpu.memory_space<hbm>> -> memref<512xi32, #tpu.memory_space<hbm>>
      %dma_wait3A_201 = tpu.memref_slice %arg2[%mul3A_2] : memref<16384xi32, #tpu.memory_space<hbm>> -> memref<512xi32, #tpu.memory_space<hbm>>
      tpu.wait_dma2 semaphore(%run_scoped3A : memref<!tpu.dma_semaphore, #tpu.memory_space<semaphore_mem>>) src(%dma_wait3A_201 : memref<512xi32, #tpu.memory_space<hbm>>) dst(%arg8 : memref<512xi32, #tpu.memory_space<vmem>>)
      tpu.yield
    }) : () -> ()
    "tpu.region"() ({
      %run_scoped3A = tpu.sem_alloc : memref<!tpu.dma_semaphore, #tpu.memory_space<semaphore_mem>>
      %dma_start3A_198 = tpu.memref_slice %arg3[%mul3A_2] : memref<16384xi32, #tpu.memory_space<hbm>> -> memref<512xi32, #tpu.memory_space<hbm>>
      %dma_start3A_199 = tpu.memref_slice %arg3[%mul3A_2] : memref<16384xi32, #tpu.memory_space<hbm>> -> memref<512xi32, #tpu.memory_space<hbm>>
      tpu.enqueue_dma source(%dma_start3A_199 : memref<512xi32, #tpu.memory_space<hbm>>) target(%arg9 : memref<512xi32, #tpu.memory_space<vmem>>) target_semaphore(%run_scoped3A : memref<!tpu.dma_semaphore, #tpu.memory_space<semaphore_mem>>)
      %dma_wait3A_200 = tpu.memref_slice %arg3[%mul3A_2] : memref<16384xi32, #tpu.memory_space<hbm>> -> memref<512xi32, #tpu.memory_space<hbm>>
      %dma_wait3A_201 = tpu.memref_slice %arg3[%mul3A_2] : memref<16384xi32, #tpu.memory_space<hbm>> -> memref<512xi32, #tpu.memory_space<hbm>>
      tpu.wait_dma2 semaphore(%run_scoped3A : memref<!tpu.dma_semaphore, #tpu.memory_space<semaphore_mem>>) src(%dma_wait3A_201 : memref<512xi32, #tpu.memory_space<hbm>>) dst(%arg9 : memref<512xi32, #tpu.memory_space<vmem>>)
      tpu.yield
    }) : () -> ()
    "tpu.region"() ({
      %run_scoped3A = tpu.sem_alloc : memref<!tpu.dma_semaphore, #tpu.memory_space<semaphore_mem>>
      %dma_start3A_198 = tpu.memref_slice %arg4[%mul3A_2] : memref<16384xi32, #tpu.memory_space<hbm>> -> memref<512xi32, #tpu.memory_space<hbm>>
      %dma_start3A_199 = tpu.memref_slice %arg4[%mul3A_2] : memref<16384xi32, #tpu.memory_space<hbm>> -> memref<512xi32, #tpu.memory_space<hbm>>
      tpu.enqueue_dma source(%dma_start3A_199 : memref<512xi32, #tpu.memory_space<hbm>>) target(%arg10 : memref<512xi32, #tpu.memory_space<vmem>>) target_semaphore(%run_scoped3A : memref<!tpu.dma_semaphore, #tpu.memory_space<semaphore_mem>>)
      %dma_wait3A_200 = tpu.memref_slice %arg4[%mul3A_2] : memref<16384xi32, #tpu.memory_space<hbm>> -> memref<512xi32, #tpu.memory_space<hbm>>
      %dma_wait3A_201 = tpu.memref_slice %arg4[%mul3A_2] : memref<16384xi32, #tpu.memory_space<hbm>> -> memref<512xi32, #tpu.memory_space<hbm>>
      tpu.wait_dma2 semaphore(%run_scoped3A : memref<!tpu.dma_semaphore, #tpu.memory_space<semaphore_mem>>) src(%dma_wait3A_201 : memref<512xi32, #tpu.memory_space<hbm>>) dst(%arg10 : memref<512xi32, #tpu.memory_space<vmem>>)
      tpu.yield
    }) : () -> ()
    %dma_start3A = arith.constant 0 : i32
    %dma_start3A_3 = arith.constant 0 : i32
    %dma_start3A_4 = tpu.memref_slice %arg11[%dma_start3A, %dma_start3A_3] : memref<512x32xf32, #tpu.memory_space<vmem>> -> memref<128x32xf32, #tpu.memory_space<vmem>>
    %dma_start3A_5 = arith.constant 0 : i32
    %dma_start3A_6 = tpu.memref_slice %arg8[%dma_start3A_5] : memref<512xi32, #tpu.memory_space<vmem>> -> memref<128xi32, #tpu.memory_space<vmem>>
    %dma_start3A_7 = arith.constant 0 : i32
    %dma_start3A_8 = arith.constant 0 : i32
    %dma_start3A_9 = tpu.memref_slice %arg5[%dma_start3A_7, %dma_start3A_8] : memref<100000x32xf32, #tpu.memory_space<hbm>> -> memref<100000x32xf32, #tpu.memory_space<hbm>>
    tpu.enqueue_indirect_dma source(%dma_start3A_9 : memref<100000x32xf32, #tpu.memory_space<hbm>>) target(%dma_start3A_4 : memref<128x32xf32, #tpu.memory_space<vmem>>) offsets(%dma_start3A_6 : memref<128xi32, #tpu.memory_space<vmem>>) semaphore(%arg15 : memref<!tpu.dma_semaphore, #tpu.memory_space<semaphore_mem>>)
    %dma_start3A_10 = arith.constant 0 : i32
    %dma_start3A_11 = arith.constant 0 : i32
    %dma_start3A_12 = tpu.memref_slice %arg12[%dma_start3A_10, %dma_start3A_11] : memref<512x32xf32, #tpu.memory_space<vmem>> -> memref<128x32xf32, #tpu.memory_space<vmem>>
    %dma_start3A_13 = arith.constant 0 : i32
    %dma_start3A_14 = tpu.memref_slice %arg9[%dma_start3A_13] : memref<512xi32, #tpu.memory_space<vmem>> -> memref<128xi32, #tpu.memory_space<vmem>>
    %dma_start3A_15 = arith.constant 0 : i32
    %dma_start3A_16 = arith.constant 0 : i32
    %dma_start3A_17 = tpu.memref_slice %arg6[%dma_start3A_15, %dma_start3A_16] : memref<100000x32xf32, #tpu.memory_space<hbm>> -> memref<100000x32xf32, #tpu.memory_space<hbm>>
    tpu.enqueue_indirect_dma source(%dma_start3A_17 : memref<100000x32xf32, #tpu.memory_space<hbm>>) target(%dma_start3A_12 : memref<128x32xf32, #tpu.memory_space<vmem>>) offsets(%dma_start3A_14 : memref<128xi32, #tpu.memory_space<vmem>>) semaphore(%arg15 : memref<!tpu.dma_semaphore, #tpu.memory_space<semaphore_mem>>)
    %dma_start3A_18 = arith.constant 0 : i32
    %dma_start3A_19 = arith.constant 0 : i32
    %dma_start3A_20 = tpu.memref_slice %arg13[%dma_start3A_18, %dma_start3A_19] : memref<512x32xf32, #tpu.memory_space<vmem>> -> memref<128x32xf32, #tpu.memory_space<vmem>>
    %dma_start3A_21 = arith.constant 0 : i32
    %dma_start3A_22 = tpu.memref_slice %arg10[%dma_start3A_21] : memref<512xi32, #tpu.memory_space<vmem>> -> memref<128xi32, #tpu.memory_space<vmem>>
    %dma_start3A_23 = arith.constant 0 : i32
    %dma_start3A_24 = arith.constant 0 : i32
    %dma_start3A_25 = tpu.memref_slice %arg6[%dma_start3A_23, %dma_start3A_24] : memref<100000x32xf32, #tpu.memory_space<hbm>> -> memref<100000x32xf32, #tpu.memory_space<hbm>>
    tpu.enqueue_indirect_dma source(%dma_start3A_25 : memref<100000x32xf32, #tpu.memory_space<hbm>>) target(%dma_start3A_20 : memref<128x32xf32, #tpu.memory_space<vmem>>) offsets(%dma_start3A_22 : memref<128xi32, #tpu.memory_space<vmem>>) semaphore(%arg15 : memref<!tpu.dma_semaphore, #tpu.memory_space<semaphore_mem>>)
    %dma_start3A_26 = arith.constant 128 : i32
    %dma_start3A_27 = arith.constant 0 : i32
    %dma_start3A_28 = tpu.memref_slice %arg11[%dma_start3A_26, %dma_start3A_27] : memref<512x32xf32, #tpu.memory_space<vmem>> -> memref<128x32xf32, #tpu.memory_space<vmem>>
    %dma_start3A_29 = arith.constant 128 : i32
    %dma_start3A_30 = tpu.memref_slice %arg8[%dma_start3A_29] : memref<512xi32, #tpu.memory_space<vmem>> -> memref<128xi32, #tpu.memory_space<vmem>>
    %dma_start3A_31 = arith.constant 0 : i32
    %dma_start3A_32 = arith.constant 0 : i32
    %dma_start3A_33 = tpu.memref_slice %arg5[%dma_start3A_31, %dma_start3A_32] : memref<100000x32xf32, #tpu.memory_space<hbm>> -> memref<100000x32xf32, #tpu.memory_space<hbm>>
    tpu.enqueue_indirect_dma source(%dma_start3A_33 : memref<100000x32xf32, #tpu.memory_space<hbm>>) target(%dma_start3A_28 : memref<128x32xf32, #tpu.memory_space<vmem>>) offsets(%dma_start3A_30 : memref<128xi32, #tpu.memory_space<vmem>>) semaphore(%arg15 : memref<!tpu.dma_semaphore, #tpu.memory_space<semaphore_mem>>)
    %dma_start3A_34 = arith.constant 128 : i32
    %dma_start3A_35 = arith.constant 0 : i32
    %dma_start3A_36 = tpu.memref_slice %arg12[%dma_start3A_34, %dma_start3A_35] : memref<512x32xf32, #tpu.memory_space<vmem>> -> memref<128x32xf32, #tpu.memory_space<vmem>>
    %dma_start3A_37 = arith.constant 128 : i32
    %dma_start3A_38 = tpu.memref_slice %arg9[%dma_start3A_37] : memref<512xi32, #tpu.memory_space<vmem>> -> memref<128xi32, #tpu.memory_space<vmem>>
    %dma_start3A_39 = arith.constant 0 : i32
    %dma_start3A_40 = arith.constant 0 : i32
    %dma_start3A_41 = tpu.memref_slice %arg6[%dma_start3A_39, %dma_start3A_40] : memref<100000x32xf32, #tpu.memory_space<hbm>> -> memref<100000x32xf32, #tpu.memory_space<hbm>>
    tpu.enqueue_indirect_dma source(%dma_start3A_41 : memref<100000x32xf32, #tpu.memory_space<hbm>>) target(%dma_start3A_36 : memref<128x32xf32, #tpu.memory_space<vmem>>) offsets(%dma_start3A_38 : memref<128xi32, #tpu.memory_space<vmem>>) semaphore(%arg15 : memref<!tpu.dma_semaphore, #tpu.memory_space<semaphore_mem>>)
    %dma_start3A_42 = arith.constant 128 : i32
    %dma_start3A_43 = arith.constant 0 : i32
    %dma_start3A_44 = tpu.memref_slice %arg13[%dma_start3A_42, %dma_start3A_43] : memref<512x32xf32, #tpu.memory_space<vmem>> -> memref<128x32xf32, #tpu.memory_space<vmem>>
    %dma_start3A_45 = arith.constant 128 : i32
    %dma_start3A_46 = tpu.memref_slice %arg10[%dma_start3A_45] : memref<512xi32, #tpu.memory_space<vmem>> -> memref<128xi32, #tpu.memory_space<vmem>>
    %dma_start3A_47 = arith.constant 0 : i32
    %dma_start3A_48 = arith.constant 0 : i32
    %dma_start3A_49 = tpu.memref_slice %arg6[%dma_start3A_47, %dma_start3A_48] : memref<100000x32xf32, #tpu.memory_space<hbm>> -> memref<100000x32xf32, #tpu.memory_space<hbm>>
    tpu.enqueue_indirect_dma source(%dma_start3A_49 : memref<100000x32xf32, #tpu.memory_space<hbm>>) target(%dma_start3A_44 : memref<128x32xf32, #tpu.memory_space<vmem>>) offsets(%dma_start3A_46 : memref<128xi32, #tpu.memory_space<vmem>>) semaphore(%arg15 : memref<!tpu.dma_semaphore, #tpu.memory_space<semaphore_mem>>)
    %dma_start3A_50 = arith.constant 256 : i32
    %dma_start3A_51 = arith.constant 0 : i32
    %dma_start3A_52 = tpu.memref_slice %arg11[%dma_start3A_50, %dma_start3A_51] : memref<512x32xf32, #tpu.memory_space<vmem>> -> memref<128x32xf32, #tpu.memory_space<vmem>>
    %dma_start3A_53 = arith.constant 256 : i32
    %dma_start3A_54 = tpu.memref_slice %arg8[%dma_start3A_53] : memref<512xi32, #tpu.memory_space<vmem>> -> memref<128xi32, #tpu.memory_space<vmem>>
    %dma_start3A_55 = arith.constant 0 : i32
    %dma_start3A_56 = arith.constant 0 : i32
    %dma_start3A_57 = tpu.memref_slice %arg5[%dma_start3A_55, %dma_start3A_56] : memref<100000x32xf32, #tpu.memory_space<hbm>> -> memref<100000x32xf32, #tpu.memory_space<hbm>>
    tpu.enqueue_indirect_dma source(%dma_start3A_57 : memref<100000x32xf32, #tpu.memory_space<hbm>>) target(%dma_start3A_52 : memref<128x32xf32, #tpu.memory_space<vmem>>) offsets(%dma_start3A_54 : memref<128xi32, #tpu.memory_space<vmem>>) semaphore(%arg15 : memref<!tpu.dma_semaphore, #tpu.memory_space<semaphore_mem>>)
    %dma_start3A_58 = arith.constant 256 : i32
    %dma_start3A_59 = arith.constant 0 : i32
    %dma_start3A_60 = tpu.memref_slice %arg12[%dma_start3A_58, %dma_start3A_59] : memref<512x32xf32, #tpu.memory_space<vmem>> -> memref<128x32xf32, #tpu.memory_space<vmem>>
    %dma_start3A_61 = arith.constant 256 : i32
    %dma_start3A_62 = tpu.memref_slice %arg9[%dma_start3A_61] : memref<512xi32, #tpu.memory_space<vmem>> -> memref<128xi32, #tpu.memory_space<vmem>>
    %dma_start3A_63 = arith.constant 0 : i32
    %dma_start3A_64 = arith.constant 0 : i32
    %dma_start3A_65 = tpu.memref_slice %arg6[%dma_start3A_63, %dma_start3A_64] : memref<100000x32xf32, #tpu.memory_space<hbm>> -> memref<100000x32xf32, #tpu.memory_space<hbm>>
    tpu.enqueue_indirect_dma source(%dma_start3A_65 : memref<100000x32xf32, #tpu.memory_space<hbm>>) target(%dma_start3A_60 : memref<128x32xf32, #tpu.memory_space<vmem>>) offsets(%dma_start3A_62 : memref<128xi32, #tpu.memory_space<vmem>>) semaphore(%arg15 : memref<!tpu.dma_semaphore, #tpu.memory_space<semaphore_mem>>)
    %dma_start3A_66 = arith.constant 256 : i32
    %dma_start3A_67 = arith.constant 0 : i32
    %dma_start3A_68 = tpu.memref_slice %arg13[%dma_start3A_66, %dma_start3A_67] : memref<512x32xf32, #tpu.memory_space<vmem>> -> memref<128x32xf32, #tpu.memory_space<vmem>>
    %dma_start3A_69 = arith.constant 256 : i32
    %dma_start3A_70 = tpu.memref_slice %arg10[%dma_start3A_69] : memref<512xi32, #tpu.memory_space<vmem>> -> memref<128xi32, #tpu.memory_space<vmem>>
    %dma_start3A_71 = arith.constant 0 : i32
    %dma_start3A_72 = arith.constant 0 : i32
    %dma_start3A_73 = tpu.memref_slice %arg6[%dma_start3A_71, %dma_start3A_72] : memref<100000x32xf32, #tpu.memory_space<hbm>> -> memref<100000x32xf32, #tpu.memory_space<hbm>>
    tpu.enqueue_indirect_dma source(%dma_start3A_73 : memref<100000x32xf32, #tpu.memory_space<hbm>>) target(%dma_start3A_68 : memref<128x32xf32, #tpu.memory_space<vmem>>) offsets(%dma_start3A_70 : memref<128xi32, #tpu.memory_space<vmem>>) semaphore(%arg15 : memref<!tpu.dma_semaphore, #tpu.memory_space<semaphore_mem>>)
    %dma_start3A_74 = arith.constant 384 : i32
    %dma_start3A_75 = arith.constant 0 : i32
    %dma_start3A_76 = tpu.memref_slice %arg11[%dma_start3A_74, %dma_start3A_75] : memref<512x32xf32, #tpu.memory_space<vmem>> -> memref<128x32xf32, #tpu.memory_space<vmem>>
    %dma_start3A_77 = arith.constant 384 : i32
    %dma_start3A_78 = tpu.memref_slice %arg8[%dma_start3A_77] : memref<512xi32, #tpu.memory_space<vmem>> -> memref<128xi32, #tpu.memory_space<vmem>>
    %dma_start3A_79 = arith.constant 0 : i32
    %dma_start3A_80 = arith.constant 0 : i32
    %dma_start3A_81 = tpu.memref_slice %arg5[%dma_start3A_79, %dma_start3A_80] : memref<100000x32xf32, #tpu.memory_space<hbm>> -> memref<100000x32xf32, #tpu.memory_space<hbm>>
    tpu.enqueue_indirect_dma source(%dma_start3A_81 : memref<100000x32xf32, #tpu.memory_space<hbm>>) target(%dma_start3A_76 : memref<128x32xf32, #tpu.memory_space<vmem>>) offsets(%dma_start3A_78 : memref<128xi32, #tpu.memory_space<vmem>>) semaphore(%arg15 : memref<!tpu.dma_semaphore, #tpu.memory_space<semaphore_mem>>)
    %dma_start3A_82 = arith.constant 384 : i32
    %dma_start3A_83 = arith.constant 0 : i32
    %dma_start3A_84 = tpu.memref_slice %arg12[%dma_start3A_82, %dma_start3A_83] : memref<512x32xf32, #tpu.memory_space<vmem>> -> memref<128x32xf32, #tpu.memory_space<vmem>>
    %dma_start3A_85 = arith.constant 384 : i32
    %dma_start3A_86 = tpu.memref_slice %arg9[%dma_start3A_85] : memref<512xi32, #tpu.memory_space<vmem>> -> memref<128xi32, #tpu.memory_space<vmem>>
    %dma_start3A_87 = arith.constant 0 : i32
    %dma_start3A_88 = arith.constant 0 : i32
    %dma_start3A_89 = tpu.memref_slice %arg6[%dma_start3A_87, %dma_start3A_88] : memref<100000x32xf32, #tpu.memory_space<hbm>> -> memref<100000x32xf32, #tpu.memory_space<hbm>>
    tpu.enqueue_indirect_dma source(%dma_start3A_89 : memref<100000x32xf32, #tpu.memory_space<hbm>>) target(%dma_start3A_84 : memref<128x32xf32, #tpu.memory_space<vmem>>) offsets(%dma_start3A_86 : memref<128xi32, #tpu.memory_space<vmem>>) semaphore(%arg15 : memref<!tpu.dma_semaphore, #tpu.memory_space<semaphore_mem>>)
    %dma_start3A_90 = arith.constant 384 : i32
    %dma_start3A_91 = arith.constant 0 : i32
    %dma_start3A_92 = tpu.memref_slice %arg13[%dma_start3A_90, %dma_start3A_91] : memref<512x32xf32, #tpu.memory_space<vmem>> -> memref<128x32xf32, #tpu.memory_space<vmem>>
    %dma_start3A_93 = arith.constant 384 : i32
    %dma_start3A_94 = tpu.memref_slice %arg10[%dma_start3A_93] : memref<512xi32, #tpu.memory_space<vmem>> -> memref<128xi32, #tpu.memory_space<vmem>>
    %dma_start3A_95 = arith.constant 0 : i32
    %dma_start3A_96 = arith.constant 0 : i32
    %dma_start3A_97 = tpu.memref_slice %arg6[%dma_start3A_95, %dma_start3A_96] : memref<100000x32xf32, #tpu.memory_space<hbm>> -> memref<100000x32xf32, #tpu.memory_space<hbm>>
    tpu.enqueue_indirect_dma source(%dma_start3A_97 : memref<100000x32xf32, #tpu.memory_space<hbm>>) target(%dma_start3A_92 : memref<128x32xf32, #tpu.memory_space<vmem>>) offsets(%dma_start3A_94 : memref<128xi32, #tpu.memory_space<vmem>>) semaphore(%arg15 : memref<!tpu.dma_semaphore, #tpu.memory_space<semaphore_mem>>)
    %dma_wait3A = arith.constant 0 : i32
    %dma_wait3A_98 = arith.constant 0 : i32
    %dma_wait3A_99 = tpu.memref_slice %arg11[%dma_wait3A, %dma_wait3A_98] : memref<512x32xf32, #tpu.memory_space<vmem>> -> memref<128x32xf32, #tpu.memory_space<vmem>>
    %dma_wait3A_100 = arith.constant 0 : i32
    %dma_wait3A_101 = tpu.memref_slice %arg8[%dma_wait3A_100] : memref<512xi32, #tpu.memory_space<vmem>> -> memref<128xi32, #tpu.memory_space<vmem>>
    %dma_wait3A_102 = arith.constant 0 : i32
    %dma_wait3A_103 = arith.constant 0 : i32
    %dma_wait3A_104 = tpu.memref_slice %arg5[%dma_wait3A_102, %dma_wait3A_103] : memref<100000x32xf32, #tpu.memory_space<hbm>> -> memref<100000x32xf32, #tpu.memory_space<hbm>>
    tpu.wait_indirect_dma semaphore(%arg15 : memref<!tpu.dma_semaphore, #tpu.memory_space<semaphore_mem>>) src(%dma_wait3A_104 : memref<100000x32xf32, #tpu.memory_space<hbm>>) dst(%dma_wait3A_99 : memref<128x32xf32, #tpu.memory_space<vmem>>)
    %dma_wait3A_105 = arith.constant 0 : i32
    %dma_wait3A_106 = arith.constant 0 : i32
    %dma_wait3A_107 = tpu.memref_slice %arg12[%dma_wait3A_105, %dma_wait3A_106] : memref<512x32xf32, #tpu.memory_space<vmem>> -> memref<128x32xf32, #tpu.memory_space<vmem>>
    %dma_wait3A_108 = arith.constant 0 : i32
    %dma_wait3A_109 = tpu.memref_slice %arg9[%dma_wait3A_108] : memref<512xi32, #tpu.memory_space<vmem>> -> memref<128xi32, #tpu.memory_space<vmem>>
    %dma_wait3A_110 = arith.constant 0 : i32
    %dma_wait3A_111 = arith.constant 0 : i32
    %dma_wait3A_112 = tpu.memref_slice %arg6[%dma_wait3A_110, %dma_wait3A_111] : memref<100000x32xf32, #tpu.memory_space<hbm>> -> memref<100000x32xf32, #tpu.memory_space<hbm>>
    tpu.wait_indirect_dma semaphore(%arg15 : memref<!tpu.dma_semaphore, #tpu.memory_space<semaphore_mem>>) src(%dma_wait3A_112 : memref<100000x32xf32, #tpu.memory_space<hbm>>) dst(%dma_wait3A_107 : memref<128x32xf32, #tpu.memory_space<vmem>>)
    %dma_wait3A_113 = arith.constant 0 : i32
    %dma_wait3A_114 = arith.constant 0 : i32
    %dma_wait3A_115 = tpu.memref_slice %arg13[%dma_wait3A_113, %dma_wait3A_114] : memref<512x32xf32, #tpu.memory_space<vmem>> -> memref<128x32xf32, #tpu.memory_space<vmem>>
    %dma_wait3A_116 = arith.constant 0 : i32
    %dma_wait3A_117 = tpu.memref_slice %arg10[%dma_wait3A_116] : memref<512xi32, #tpu.memory_space<vmem>> -> memref<128xi32, #tpu.memory_space<vmem>>
    %dma_wait3A_118 = arith.constant 0 : i32
    %dma_wait3A_119 = arith.constant 0 : i32
    %dma_wait3A_120 = tpu.memref_slice %arg6[%dma_wait3A_118, %dma_wait3A_119] : memref<100000x32xf32, #tpu.memory_space<hbm>> -> memref<100000x32xf32, #tpu.memory_space<hbm>>
    tpu.wait_indirect_dma semaphore(%arg15 : memref<!tpu.dma_semaphore, #tpu.memory_space<semaphore_mem>>) src(%dma_wait3A_120 : memref<100000x32xf32, #tpu.memory_space<hbm>>) dst(%dma_wait3A_115 : memref<128x32xf32, #tpu.memory_space<vmem>>)
    %dma_wait3A_121 = arith.constant 128 : i32
    %dma_wait3A_122 = arith.constant 0 : i32
    %dma_wait3A_123 = tpu.memref_slice %arg11[%dma_wait3A_121, %dma_wait3A_122] : memref<512x32xf32, #tpu.memory_space<vmem>> -> memref<128x32xf32, #tpu.memory_space<vmem>>
    %dma_wait3A_124 = arith.constant 128 : i32
    %dma_wait3A_125 = tpu.memref_slice %arg8[%dma_wait3A_124] : memref<512xi32, #tpu.memory_space<vmem>> -> memref<128xi32, #tpu.memory_space<vmem>>
    %dma_wait3A_126 = arith.constant 0 : i32
    %dma_wait3A_127 = arith.constant 0 : i32
    %dma_wait3A_128 = tpu.memref_slice %arg5[%dma_wait3A_126, %dma_wait3A_127] : memref<100000x32xf32, #tpu.memory_space<hbm>> -> memref<100000x32xf32, #tpu.memory_space<hbm>>
    tpu.wait_indirect_dma semaphore(%arg15 : memref<!tpu.dma_semaphore, #tpu.memory_space<semaphore_mem>>) src(%dma_wait3A_128 : memref<100000x32xf32, #tpu.memory_space<hbm>>) dst(%dma_wait3A_123 : memref<128x32xf32, #tpu.memory_space<vmem>>)
    %dma_wait3A_129 = arith.constant 128 : i32
    %dma_wait3A_130 = arith.constant 0 : i32
    %dma_wait3A_131 = tpu.memref_slice %arg12[%dma_wait3A_129, %dma_wait3A_130] : memref<512x32xf32, #tpu.memory_space<vmem>> -> memref<128x32xf32, #tpu.memory_space<vmem>>
    %dma_wait3A_132 = arith.constant 128 : i32
    %dma_wait3A_133 = tpu.memref_slice %arg9[%dma_wait3A_132] : memref<512xi32, #tpu.memory_space<vmem>> -> memref<128xi32, #tpu.memory_space<vmem>>
    %dma_wait3A_134 = arith.constant 0 : i32
    %dma_wait3A_135 = arith.constant 0 : i32
    %dma_wait3A_136 = tpu.memref_slice %arg6[%dma_wait3A_134, %dma_wait3A_135] : memref<100000x32xf32, #tpu.memory_space<hbm>> -> memref<100000x32xf32, #tpu.memory_space<hbm>>
    tpu.wait_indirect_dma semaphore(%arg15 : memref<!tpu.dma_semaphore, #tpu.memory_space<semaphore_mem>>) src(%dma_wait3A_136 : memref<100000x32xf32, #tpu.memory_space<hbm>>) dst(%dma_wait3A_131 : memref<128x32xf32, #tpu.memory_space<vmem>>)
    %dma_wait3A_137 = arith.constant 128 : i32
    %dma_wait3A_138 = arith.constant 0 : i32
    %dma_wait3A_139 = tpu.memref_slice %arg13[%dma_wait3A_137, %dma_wait3A_138] : memref<512x32xf32, #tpu.memory_space<vmem>> -> memref<128x32xf32, #tpu.memory_space<vmem>>
    %dma_wait3A_140 = arith.constant 128 : i32
    %dma_wait3A_141 = tpu.memref_slice %arg10[%dma_wait3A_140] : memref<512xi32, #tpu.memory_space<vmem>> -> memref<128xi32, #tpu.memory_space<vmem>>
    %dma_wait3A_142 = arith.constant 0 : i32
    %dma_wait3A_143 = arith.constant 0 : i32
    %dma_wait3A_144 = tpu.memref_slice %arg6[%dma_wait3A_142, %dma_wait3A_143] : memref<100000x32xf32, #tpu.memory_space<hbm>> -> memref<100000x32xf32, #tpu.memory_space<hbm>>
    tpu.wait_indirect_dma semaphore(%arg15 : memref<!tpu.dma_semaphore, #tpu.memory_space<semaphore_mem>>) src(%dma_wait3A_144 : memref<100000x32xf32, #tpu.memory_space<hbm>>) dst(%dma_wait3A_139 : memref<128x32xf32, #tpu.memory_space<vmem>>)
    %dma_wait3A_145 = arith.constant 256 : i32
    %dma_wait3A_146 = arith.constant 0 : i32
    %dma_wait3A_147 = tpu.memref_slice %arg11[%dma_wait3A_145, %dma_wait3A_146] : memref<512x32xf32, #tpu.memory_space<vmem>> -> memref<128x32xf32, #tpu.memory_space<vmem>>
    %dma_wait3A_148 = arith.constant 256 : i32
    %dma_wait3A_149 = tpu.memref_slice %arg8[%dma_wait3A_148] : memref<512xi32, #tpu.memory_space<vmem>> -> memref<128xi32, #tpu.memory_space<vmem>>
    %dma_wait3A_150 = arith.constant 0 : i32
    %dma_wait3A_151 = arith.constant 0 : i32
    %dma_wait3A_152 = tpu.memref_slice %arg5[%dma_wait3A_150, %dma_wait3A_151] : memref<100000x32xf32, #tpu.memory_space<hbm>> -> memref<100000x32xf32, #tpu.memory_space<hbm>>
    tpu.wait_indirect_dma semaphore(%arg15 : memref<!tpu.dma_semaphore, #tpu.memory_space<semaphore_mem>>) src(%dma_wait3A_152 : memref<100000x32xf32, #tpu.memory_space<hbm>>) dst(%dma_wait3A_147 : memref<128x32xf32, #tpu.memory_space<vmem>>)
    %dma_wait3A_153 = arith.constant 256 : i32
    %dma_wait3A_154 = arith.constant 0 : i32
    %dma_wait3A_155 = tpu.memref_slice %arg12[%dma_wait3A_153, %dma_wait3A_154] : memref<512x32xf32, #tpu.memory_space<vmem>> -> memref<128x32xf32, #tpu.memory_space<vmem>>
    %dma_wait3A_156 = arith.constant 256 : i32
    %dma_wait3A_157 = tpu.memref_slice %arg9[%dma_wait3A_156] : memref<512xi32, #tpu.memory_space<vmem>> -> memref<128xi32, #tpu.memory_space<vmem>>
    %dma_wait3A_158 = arith.constant 0 : i32
    %dma_wait3A_159 = arith.constant 0 : i32
    %dma_wait3A_160 = tpu.memref_slice %arg6[%dma_wait3A_158, %dma_wait3A_159] : memref<100000x32xf32, #tpu.memory_space<hbm>> -> memref<100000x32xf32, #tpu.memory_space<hbm>>
    tpu.wait_indirect_dma semaphore(%arg15 : memref<!tpu.dma_semaphore, #tpu.memory_space<semaphore_mem>>) src(%dma_wait3A_160 : memref<100000x32xf32, #tpu.memory_space<hbm>>) dst(%dma_wait3A_155 : memref<128x32xf32, #tpu.memory_space<vmem>>)
    %dma_wait3A_161 = arith.constant 256 : i32
    %dma_wait3A_162 = arith.constant 0 : i32
    %dma_wait3A_163 = tpu.memref_slice %arg13[%dma_wait3A_161, %dma_wait3A_162] : memref<512x32xf32, #tpu.memory_space<vmem>> -> memref<128x32xf32, #tpu.memory_space<vmem>>
    %dma_wait3A_164 = arith.constant 256 : i32
    %dma_wait3A_165 = tpu.memref_slice %arg10[%dma_wait3A_164] : memref<512xi32, #tpu.memory_space<vmem>> -> memref<128xi32, #tpu.memory_space<vmem>>
    %dma_wait3A_166 = arith.constant 0 : i32
    %dma_wait3A_167 = arith.constant 0 : i32
    %dma_wait3A_168 = tpu.memref_slice %arg6[%dma_wait3A_166, %dma_wait3A_167] : memref<100000x32xf32, #tpu.memory_space<hbm>> -> memref<100000x32xf32, #tpu.memory_space<hbm>>
    tpu.wait_indirect_dma semaphore(%arg15 : memref<!tpu.dma_semaphore, #tpu.memory_space<semaphore_mem>>) src(%dma_wait3A_168 : memref<100000x32xf32, #tpu.memory_space<hbm>>) dst(%dma_wait3A_163 : memref<128x32xf32, #tpu.memory_space<vmem>>)
    %dma_wait3A_169 = arith.constant 384 : i32
    %dma_wait3A_170 = arith.constant 0 : i32
    %dma_wait3A_171 = tpu.memref_slice %arg11[%dma_wait3A_169, %dma_wait3A_170] : memref<512x32xf32, #tpu.memory_space<vmem>> -> memref<128x32xf32, #tpu.memory_space<vmem>>
    %dma_wait3A_172 = arith.constant 384 : i32
    %dma_wait3A_173 = tpu.memref_slice %arg8[%dma_wait3A_172] : memref<512xi32, #tpu.memory_space<vmem>> -> memref<128xi32, #tpu.memory_space<vmem>>
    %dma_wait3A_174 = arith.constant 0 : i32
    %dma_wait3A_175 = arith.constant 0 : i32
    %dma_wait3A_176 = tpu.memref_slice %arg5[%dma_wait3A_174, %dma_wait3A_175] : memref<100000x32xf32, #tpu.memory_space<hbm>> -> memref<100000x32xf32, #tpu.memory_space<hbm>>
    tpu.wait_indirect_dma semaphore(%arg15 : memref<!tpu.dma_semaphore, #tpu.memory_space<semaphore_mem>>) src(%dma_wait3A_176 : memref<100000x32xf32, #tpu.memory_space<hbm>>) dst(%dma_wait3A_171 : memref<128x32xf32, #tpu.memory_space<vmem>>)
    %dma_wait3A_177 = arith.constant 384 : i32
    %dma_wait3A_178 = arith.constant 0 : i32
    %dma_wait3A_179 = tpu.memref_slice %arg12[%dma_wait3A_177, %dma_wait3A_178] : memref<512x32xf32, #tpu.memory_space<vmem>> -> memref<128x32xf32, #tpu.memory_space<vmem>>
    %dma_wait3A_180 = arith.constant 384 : i32
    %dma_wait3A_181 = tpu.memref_slice %arg9[%dma_wait3A_180] : memref<512xi32, #tpu.memory_space<vmem>> -> memref<128xi32, #tpu.memory_space<vmem>>
    %dma_wait3A_182 = arith.constant 0 : i32
    %dma_wait3A_183 = arith.constant 0 : i32
    %dma_wait3A_184 = tpu.memref_slice %arg6[%dma_wait3A_182, %dma_wait3A_183] : memref<100000x32xf32, #tpu.memory_space<hbm>> -> memref<100000x32xf32, #tpu.memory_space<hbm>>
    tpu.wait_indirect_dma semaphore(%arg15 : memref<!tpu.dma_semaphore, #tpu.memory_space<semaphore_mem>>) src(%dma_wait3A_184 : memref<100000x32xf32, #tpu.memory_space<hbm>>) dst(%dma_wait3A_179 : memref<128x32xf32, #tpu.memory_space<vmem>>)
    %dma_wait3A_185 = arith.constant 384 : i32
    %dma_wait3A_186 = arith.constant 0 : i32
    %dma_wait3A_187 = tpu.memref_slice %arg13[%dma_wait3A_185, %dma_wait3A_186] : memref<512x32xf32, #tpu.memory_space<vmem>> -> memref<128x32xf32, #tpu.memory_space<vmem>>
    %dma_wait3A_188 = arith.constant 384 : i32
    %dma_wait3A_189 = tpu.memref_slice %arg10[%dma_wait3A_188] : memref<512xi32, #tpu.memory_space<vmem>> -> memref<128xi32, #tpu.memory_space<vmem>>
    %dma_wait3A_190 = arith.constant 0 : i32
    %dma_wait3A_191 = arith.constant 0 : i32
    %dma_wait3A_192 = tpu.memref_slice %arg6[%dma_wait3A_190, %dma_wait3A_191] : memref<100000x32xf32, #tpu.memory_space<hbm>> -> memref<100000x32xf32, #tpu.memory_space<hbm>>
    tpu.wait_indirect_dma semaphore(%arg15 : memref<!tpu.dma_semaphore, #tpu.memory_space<semaphore_mem>>) src(%dma_wait3A_192 : memref<100000x32xf32, #tpu.memory_space<hbm>>) dst(%dma_wait3A_187 : memref<128x32xf32, #tpu.memory_space<vmem>>)
    %iota3A = tpu.iota {dimensions = array<i32: 0>} : vector<16xi32>
    %scan3A = arith.constant 0 : i32
    %scan3A_193 = arith.constant 0 : i32
    %scan3A_194 = arith.constant 32 : i32
    %scan3A_195 = arith.addi %scan3A_193, %scan3A_194 : i32
    %scan3A_196 = arith.constant 1 : i32
    scf.for %scan3A_198 = %scan3A_193 to %scan3A_195 step %scan3A_196  : i32 {
      %mul3A_199 = arith.constant 16 : i32
      %mul3A_200 = arith.muli %scan3A_198, %mul3A_199 : i32
      %add3A_201 = vector.broadcast %mul3A_200 : i32 to vector<16xi32>
      %add3A_202 = arith.addi %add3A_201, %iota3A : vector<16xi32>
      %broadcast_in_dim3A = arith.constant 0.000000e+00 : f32
      %broadcast_in_dim3A_203 = vector.broadcast %broadcast_in_dim3A : f32 to vector<16xf32>
      %broadcast_in_dim3A_204 = arith.constant 0.000000e+00 : f32
      %broadcast_in_dim3A_205 = vector.broadcast %broadcast_in_dim3A_204 : f32 to vector<16xf32>
      %add3A_206 = arith.constant 0 : i32
      %add3A_207 = vector.broadcast %add3A_206 : i32 to vector<16xi32>
      %add3A_208 = arith.addi %iota3A, %add3A_207 : vector<16xi32>
      %and3A = arith.constant 31 : i32
      %and3A_209 = vector.broadcast %and3A : i32 to vector<16xi32>
      %and3A_210 = arith.andi %add3A_208, %and3A_209 : vector<16xi32>
      %gather3A = tpu.vector_load_idx %arg11[%add3A_202, %and3A_210] : memref<512x32xf32, #tpu.memory_space<vmem>>[vector<16xi32>, vector<16xi32>], vector<16xf32>,
      %gather3A_211 = tpu.vector_load_idx %arg12[%add3A_202, %and3A_210] : memref<512x32xf32, #tpu.memory_space<vmem>>[vector<16xi32>, vector<16xi32>], vector<16xf32>,
      %gather3A_212 = tpu.vector_load_idx %arg13[%add3A_202, %and3A_210] : memref<512x32xf32, #tpu.memory_space<vmem>>[vector<16xi32>, vector<16xi32>], vector<16xf32>,
      %sub3A = arith.subf %gather3A, %gather3A_211 : vector<16xf32>
      %sub3A_213 = arith.subf %gather3A, %gather3A_212 : vector<16xf32>
      %mul3A_214 = arith.mulf %sub3A, %sub3A : vector<16xf32>
      %add3A_215 = arith.addf %broadcast_in_dim3A_203, %mul3A_214 : vector<16xf32>
      %mul3A_216 = arith.mulf %sub3A_213, %sub3A_213 : vector<16xf32>
      %add3A_217 = arith.addf %broadcast_in_dim3A_205, %mul3A_216 : vector<16xf32>
      %add3A_218 = arith.constant 1 : i32
      %add3A_219 = vector.broadcast %add3A_218 : i32 to vector<16xi32>
      %add3A_220 = arith.addi %iota3A, %add3A_219 : vector<16xi32>
      %and3A_221 = arith.constant 31 : i32
      %and3A_222 = vector.broadcast %and3A_221 : i32 to vector<16xi32>
      %and3A_223 = arith.andi %add3A_220, %and3A_222 : vector<16xi32>
      %gather3A_224 = tpu.vector_load_idx %arg11[%add3A_202, %and3A_223] : memref<512x32xf32, #tpu.memory_space<vmem>>[vector<16xi32>, vector<16xi32>], vector<16xf32>,
      %gather3A_225 = tpu.vector_load_idx %arg12[%add3A_202, %and3A_223] : memref<512x32xf32, #tpu.memory_space<vmem>>[vector<16xi32>, vector<16xi32>], vector<16xf32>,
      %gather3A_226 = tpu.vector_load_idx %arg13[%add3A_202, %and3A_223] : memref<512x32xf32, #tpu.memory_space<vmem>>[vector<16xi32>, vector<16xi32>], vector<16xf32>,
      %sub3A_227 = arith.subf %gather3A_224, %gather3A_225 : vector<16xf32>
      %sub3A_228 = arith.subf %gather3A_224, %gather3A_226 : vector<16xf32>
      %mul3A_229 = arith.mulf %sub3A_227, %sub3A_227 : vector<16xf32>
      %add3A_230 = arith.addf %add3A_215, %mul3A_229 : vector<16xf32>
      %mul3A_231 = arith.mulf %sub3A_228, %sub3A_228 : vector<16xf32>
      %add3A_232 = arith.addf %add3A_217, %mul3A_231 : vector<16xf32>
      %add3A_233 = arith.constant 2 : i32
      %add3A_234 = vector.broadcast %add3A_233 : i32 to vector<16xi32>
      %add3A_235 = arith.addi %iota3A, %add3A_234 : vector<16xi32>
      %and3A_236 = arith.constant 31 : i32
      %and3A_237 = vector.broadcast %and3A_236 : i32 to vector<16xi32>
      %and3A_238 = arith.andi %add3A_235, %and3A_237 : vector<16xi32>
      %gather3A_239 = tpu.vector_load_idx %arg11[%add3A_202, %and3A_238] : memref<512x32xf32, #tpu.memory_space<vmem>>[vector<16xi32>, vector<16xi32>], vector<16xf32>,
      %gather3A_240 = tpu.vector_load_idx %arg12[%add3A_202, %and3A_238] : memref<512x32xf32, #tpu.memory_space<vmem>>[vector<16xi32>, vector<16xi32>], vector<16xf32>,
      %gather3A_241 = tpu.vector_load_idx %arg13[%add3A_202, %and3A_238] : memref<512x32xf32, #tpu.memory_space<vmem>>[vector<16xi32>, vector<16xi32>], vector<16xf32>,
      %sub3A_242 = arith.subf %gather3A_239, %gather3A_240 : vector<16xf32>
      %sub3A_243 = arith.subf %gather3A_239, %gather3A_241 : vector<16xf32>
      %mul3A_244 = arith.mulf %sub3A_242, %sub3A_242 : vector<16xf32>
      %add3A_245 = arith.addf %add3A_230, %mul3A_244 : vector<16xf32>
      %mul3A_246 = arith.mulf %sub3A_243, %sub3A_243 : vector<16xf32>
      %add3A_247 = arith.addf %add3A_232, %mul3A_246 : vector<16xf32>
      %add3A_248 = arith.constant 3 : i32
      %add3A_249 = vector.broadcast %add3A_248 : i32 to vector<16xi32>
      %add3A_250 = arith.addi %iota3A, %add3A_249 : vector<16xi32>
      %and3A_251 = arith.constant 31 : i32
      %and3A_252 = vector.broadcast %and3A_251 : i32 to vector<16xi32>
      %and3A_253 = arith.andi %add3A_250, %and3A_252 : vector<16xi32>
      %gather3A_254 = tpu.vector_load_idx %arg11[%add3A_202, %and3A_253] : memref<512x32xf32, #tpu.memory_space<vmem>>[vector<16xi32>, vector<16xi32>], vector<16xf32>,
      %gather3A_255 = tpu.vector_load_idx %arg12[%add3A_202, %and3A_253] : memref<512x32xf32, #tpu.memory_space<vmem>>[vector<16xi32>, vector<16xi32>], vector<16xf32>,
      %gather3A_256 = tpu.vector_load_idx %arg13[%add3A_202, %and3A_253] : memref<512x32xf32, #tpu.memory_space<vmem>>[vector<16xi32>, vector<16xi32>], vector<16xf32>,
      %sub3A_257 = arith.subf %gather3A_254, %gather3A_255 : vector<16xf32>
      %sub3A_258 = arith.subf %gather3A_254, %gather3A_256 : vector<16xf32>
      %mul3A_259 = arith.mulf %sub3A_257, %sub3A_257 : vector<16xf32>
      %add3A_260 = arith.addf %add3A_245, %mul3A_259 : vector<16xf32>
      %mul3A_261 = arith.mulf %sub3A_258, %sub3A_258 : vector<16xf32>
      %add3A_262 = arith.addf %add3A_247, %mul3A_261 : vector<16xf32>
      %add3A_263 = arith.constant 4 : i32
      %add3A_264 = vector.broadcast %add3A_263 : i32 to vector<16xi32>
      %add3A_265 = arith.addi %iota3A, %add3A_264 : vector<16xi32>
      %and3A_266 = arith.constant 31 : i32
      %and3A_267 = vector.broadcast %and3A_266 : i32 to vector<16xi32>
      %and3A_268 = arith.andi %add3A_265, %and3A_267 : vector<16xi32>
      %gather3A_269 = tpu.vector_load_idx %arg11[%add3A_202, %and3A_268] : memref<512x32xf32, #tpu.memory_space<vmem>>[vector<16xi32>, vector<16xi32>], vector<16xf32>,
      %gather3A_270 = tpu.vector_load_idx %arg12[%add3A_202, %and3A_268] : memref<512x32xf32, #tpu.memory_space<vmem>>[vector<16xi32>, vector<16xi32>], vector<16xf32>,
      %gather3A_271 = tpu.vector_load_idx %arg13[%add3A_202, %and3A_268] : memref<512x32xf32, #tpu.memory_space<vmem>>[vector<16xi32>, vector<16xi32>], vector<16xf32>,
      %sub3A_272 = arith.subf %gather3A_269, %gather3A_270 : vector<16xf32>
      %sub3A_273 = arith.subf %gather3A_269, %gather3A_271 : vector<16xf32>
      %mul3A_274 = arith.mulf %sub3A_272, %sub3A_272 : vector<16xf32>
      %add3A_275 = arith.addf %add3A_260, %mul3A_274 : vector<16xf32>
      %mul3A_276 = arith.mulf %sub3A_273, %sub3A_273 : vector<16xf32>
      %add3A_277 = arith.addf %add3A_262, %mul3A_276 : vector<16xf32>
      %add3A_278 = arith.constant 5 : i32
      %add3A_279 = vector.broadcast %add3A_278 : i32 to vector<16xi32>
      %add3A_280 = arith.addi %iota3A, %add3A_279 : vector<16xi32>
      %and3A_281 = arith.constant 31 : i32
      %and3A_282 = vector.broadcast %and3A_281 : i32 to vector<16xi32>
      %and3A_283 = arith.andi %add3A_280, %and3A_282 : vector<16xi32>
      %gather3A_284 = tpu.vector_load_idx %arg11[%add3A_202, %and3A_283] : memref<512x32xf32, #tpu.memory_space<vmem>>[vector<16xi32>, vector<16xi32>], vector<16xf32>,
      %gather3A_285 = tpu.vector_load_idx %arg12[%add3A_202, %and3A_283] : memref<512x32xf32, #tpu.memory_space<vmem>>[vector<16xi32>, vector<16xi32>], vector<16xf32>,
      %gather3A_286 = tpu.vector_load_idx %arg13[%add3A_202, %and3A_283] : memref<512x32xf32, #tpu.memory_space<vmem>>[vector<16xi32>, vector<16xi32>], vector<16xf32>,
      %sub3A_287 = arith.subf %gather3A_284, %gather3A_285 : vector<16xf32>
      %sub3A_288 = arith.subf %gather3A_284, %gather3A_286 : vector<16xf32>
      %mul3A_289 = arith.mulf %sub3A_287, %sub3A_287 : vector<16xf32>
      %add3A_290 = arith.addf %add3A_275, %mul3A_289 : vector<16xf32>
      %mul3A_291 = arith.mulf %sub3A_288, %sub3A_288 : vector<16xf32>
      %add3A_292 = arith.addf %add3A_277, %mul3A_291 : vector<16xf32>
      %add3A_293 = arith.constant 6 : i32
      %add3A_294 = vector.broadcast %add3A_293 : i32 to vector<16xi32>
      %add3A_295 = arith.addi %iota3A, %add3A_294 : vector<16xi32>
      %and3A_296 = arith.constant 31 : i32
      %and3A_297 = vector.broadcast %and3A_296 : i32 to vector<16xi32>
      %and3A_298 = arith.andi %add3A_295, %and3A_297 : vector<16xi32>
      %gather3A_299 = tpu.vector_load_idx %arg11[%add3A_202, %and3A_298] : memref<512x32xf32, #tpu.memory_space<vmem>>[vector<16xi32>, vector<16xi32>], vector<16xf32>,
      %gather3A_300 = tpu.vector_load_idx %arg12[%add3A_202, %and3A_298] : memref<512x32xf32, #tpu.memory_space<vmem>>[vector<16xi32>, vector<16xi32>], vector<16xf32>,
      %gather3A_301 = tpu.vector_load_idx %arg13[%add3A_202, %and3A_298] : memref<512x32xf32, #tpu.memory_space<vmem>>[vector<16xi32>, vector<16xi32>], vector<16xf32>,
      %sub3A_302 = arith.subf %gather3A_299, %gather3A_300 : vector<16xf32>
      %sub3A_303 = arith.subf %gather3A_299, %gather3A_301 : vector<16xf32>
      %mul3A_304 = arith.mulf %sub3A_302, %sub3A_302 : vector<16xf32>
      %add3A_305 = arith.addf %add3A_290, %mul3A_304 : vector<16xf32>
      %mul3A_306 = arith.mulf %sub3A_303, %sub3A_303 : vector<16xf32>
      %add3A_307 = arith.addf %add3A_292, %mul3A_306 : vector<16xf32>
      %add3A_308 = arith.constant 7 : i32
      %add3A_309 = vector.broadcast %add3A_308 : i32 to vector<16xi32>
      %add3A_310 = arith.addi %iota3A, %add3A_309 : vector<16xi32>
      %and3A_311 = arith.constant 31 : i32
      %and3A_312 = vector.broadcast %and3A_311 : i32 to vector<16xi32>
      %and3A_313 = arith.andi %add3A_310, %and3A_312 : vector<16xi32>
      %gather3A_314 = tpu.vector_load_idx %arg11[%add3A_202, %and3A_313] : memref<512x32xf32, #tpu.memory_space<vmem>>[vector<16xi32>, vector<16xi32>], vector<16xf32>,
      %gather3A_315 = tpu.vector_load_idx %arg12[%add3A_202, %and3A_313] : memref<512x32xf32, #tpu.memory_space<vmem>>[vector<16xi32>, vector<16xi32>], vector<16xf32>,
      %gather3A_316 = tpu.vector_load_idx %arg13[%add3A_202, %and3A_313] : memref<512x32xf32, #tpu.memory_space<vmem>>[vector<16xi32>, vector<16xi32>], vector<16xf32>,
      %sub3A_317 = arith.subf %gather3A_314, %gather3A_315 : vector<16xf32>
      %sub3A_318 = arith.subf %gather3A_314, %gather3A_316 : vector<16xf32>
      %mul3A_319 = arith.mulf %sub3A_317, %sub3A_317 : vector<16xf32>
      %add3A_320 = arith.addf %add3A_305, %mul3A_319 : vector<16xf32>
      %mul3A_321 = arith.mulf %sub3A_318, %sub3A_318 : vector<16xf32>
      %add3A_322 = arith.addf %add3A_307, %mul3A_321 : vector<16xf32>
      %add3A_323 = arith.constant 8 : i32
      %add3A_324 = vector.broadcast %add3A_323 : i32 to vector<16xi32>
      %add3A_325 = arith.addi %iota3A, %add3A_324 : vector<16xi32>
      %and3A_326 = arith.constant 31 : i32
      %and3A_327 = vector.broadcast %and3A_326 : i32 to vector<16xi32>
      %and3A_328 = arith.andi %add3A_325, %and3A_327 : vector<16xi32>
      %gather3A_329 = tpu.vector_load_idx %arg11[%add3A_202, %and3A_328] : memref<512x32xf32, #tpu.memory_space<vmem>>[vector<16xi32>, vector<16xi32>], vector<16xf32>,
      %gather3A_330 = tpu.vector_load_idx %arg12[%add3A_202, %and3A_328] : memref<512x32xf32, #tpu.memory_space<vmem>>[vector<16xi32>, vector<16xi32>], vector<16xf32>,
      %gather3A_331 = tpu.vector_load_idx %arg13[%add3A_202, %and3A_328] : memref<512x32xf32, #tpu.memory_space<vmem>>[vector<16xi32>, vector<16xi32>], vector<16xf32>,
      %sub3A_332 = arith.subf %gather3A_329, %gather3A_330 : vector<16xf32>
      %sub3A_333 = arith.subf %gather3A_329, %gather3A_331 : vector<16xf32>
      %mul3A_334 = arith.mulf %sub3A_332, %sub3A_332 : vector<16xf32>
      %add3A_335 = arith.addf %add3A_320, %mul3A_334 : vector<16xf32>
      %mul3A_336 = arith.mulf %sub3A_333, %sub3A_333 : vector<16xf32>
      %add3A_337 = arith.addf %add3A_322, %mul3A_336 : vector<16xf32>
      %add3A_338 = arith.constant 9 : i32
      %add3A_339 = vector.broadcast %add3A_338 : i32 to vector<16xi32>
      %add3A_340 = arith.addi %iota3A, %add3A_339 : vector<16xi32>
      %and3A_341 = arith.constant 31 : i32
      %and3A_342 = vector.broadcast %and3A_341 : i32 to vector<16xi32>
      %and3A_343 = arith.andi %add3A_340, %and3A_342 : vector<16xi32>
      %gather3A_344 = tpu.vector_load_idx %arg11[%add3A_202, %and3A_343] : memref<512x32xf32, #tpu.memory_space<vmem>>[vector<16xi32>, vector<16xi32>], vector<16xf32>,
      %gather3A_345 = tpu.vector_load_idx %arg12[%add3A_202, %and3A_343] : memref<512x32xf32, #tpu.memory_space<vmem>>[vector<16xi32>, vector<16xi32>], vector<16xf32>,
      %gather3A_346 = tpu.vector_load_idx %arg13[%add3A_202, %and3A_343] : memref<512x32xf32, #tpu.memory_space<vmem>>[vector<16xi32>, vector<16xi32>], vector<16xf32>,
      %sub3A_347 = arith.subf %gather3A_344, %gather3A_345 : vector<16xf32>
      %sub3A_348 = arith.subf %gather3A_344, %gather3A_346 : vector<16xf32>
      %mul3A_349 = arith.mulf %sub3A_347, %sub3A_347 : vector<16xf32>
      %add3A_350 = arith.addf %add3A_335, %mul3A_349 : vector<16xf32>
      %mul3A_351 = arith.mulf %sub3A_348, %sub3A_348 : vector<16xf32>
      %add3A_352 = arith.addf %add3A_337, %mul3A_351 : vector<16xf32>
      %add3A_353 = arith.constant 10 : i32
      %add3A_354 = vector.broadcast %add3A_353 : i32 to vector<16xi32>
      %add3A_355 = arith.addi %iota3A, %add3A_354 : vector<16xi32>
      %and3A_356 = arith.constant 31 : i32
      %and3A_357 = vector.broadcast %and3A_356 : i32 to vector<16xi32>
      %and3A_358 = arith.andi %add3A_355, %and3A_357 : vector<16xi32>
      %gather3A_359 = tpu.vector_load_idx %arg11[%add3A_202, %and3A_358] : memref<512x32xf32, #tpu.memory_space<vmem>>[vector<16xi32>, vector<16xi32>], vector<16xf32>,
      %gather3A_360 = tpu.vector_load_idx %arg12[%add3A_202, %and3A_358] : memref<512x32xf32, #tpu.memory_space<vmem>>[vector<16xi32>, vector<16xi32>], vector<16xf32>,
      %gather3A_361 = tpu.vector_load_idx %arg13[%add3A_202, %and3A_358] : memref<512x32xf32, #tpu.memory_space<vmem>>[vector<16xi32>, vector<16xi32>], vector<16xf32>,
      %sub3A_362 = arith.subf %gather3A_359, %gather3A_360 : vector<16xf32>
      %sub3A_363 = arith.subf %gather3A_359, %gather3A_361 : vector<16xf32>
      %mul3A_364 = arith.mulf %sub3A_362, %sub3A_362 : vector<16xf32>
      %add3A_365 = arith.addf %add3A_350, %mul3A_364 : vector<16xf32>
      %mul3A_366 = arith.mulf %sub3A_363, %sub3A_363 : vector<16xf32>
      %add3A_367 = arith.addf %add3A_352, %mul3A_366 : vector<16xf32>
      %add3A_368 = arith.constant 11 : i32
      %add3A_369 = vector.broadcast %add3A_368 : i32 to vector<16xi32>
      %add3A_370 = arith.addi %iota3A, %add3A_369 : vector<16xi32>
      %and3A_371 = arith.constant 31 : i32
      %and3A_372 = vector.broadcast %and3A_371 : i32 to vector<16xi32>
      %and3A_373 = arith.andi %add3A_370, %and3A_372 : vector<16xi32>
      %gather3A_374 = tpu.vector_load_idx %arg11[%add3A_202, %and3A_373] : memref<512x32xf32, #tpu.memory_space<vmem>>[vector<16xi32>, vector<16xi32>], vector<16xf32>,
      %gather3A_375 = tpu.vector_load_idx %arg12[%add3A_202, %and3A_373] : memref<512x32xf32, #tpu.memory_space<vmem>>[vector<16xi32>, vector<16xi32>], vector<16xf32>,
      %gather3A_376 = tpu.vector_load_idx %arg13[%add3A_202, %and3A_373] : memref<512x32xf32, #tpu.memory_space<vmem>>[vector<16xi32>, vector<16xi32>], vector<16xf32>,
      %sub3A_377 = arith.subf %gather3A_374, %gather3A_375 : vector<16xf32>
      %sub3A_378 = arith.subf %gather3A_374, %gather3A_376 : vector<16xf32>
      %mul3A_379 = arith.mulf %sub3A_377, %sub3A_377 : vector<16xf32>
      %add3A_380 = arith.addf %add3A_365, %mul3A_379 : vector<16xf32>
      %mul3A_381 = arith.mulf %sub3A_378, %sub3A_378 : vector<16xf32>
      %add3A_382 = arith.addf %add3A_367, %mul3A_381 : vector<16xf32>
      %add3A_383 = arith.constant 12 : i32
      %add3A_384 = vector.broadcast %add3A_383 : i32 to vector<16xi32>
      %add3A_385 = arith.addi %iota3A, %add3A_384 : vector<16xi32>
      %and3A_386 = arith.constant 31 : i32
      %and3A_387 = vector.broadcast %and3A_386 : i32 to vector<16xi32>
      %and3A_388 = arith.andi %add3A_385, %and3A_387 : vector<16xi32>
      %gather3A_389 = tpu.vector_load_idx %arg11[%add3A_202, %and3A_388] : memref<512x32xf32, #tpu.memory_space<vmem>>[vector<16xi32>, vector<16xi32>], vector<16xf32>,
      %gather3A_390 = tpu.vector_load_idx %arg12[%add3A_202, %and3A_388] : memref<512x32xf32, #tpu.memory_space<vmem>>[vector<16xi32>, vector<16xi32>], vector<16xf32>,
      %gather3A_391 = tpu.vector_load_idx %arg13[%add3A_202, %and3A_388] : memref<512x32xf32, #tpu.memory_space<vmem>>[vector<16xi32>, vector<16xi32>], vector<16xf32>,
      %sub3A_392 = arith.subf %gather3A_389, %gather3A_390 : vector<16xf32>
      %sub3A_393 = arith.subf %gather3A_389, %gather3A_391 : vector<16xf32>
      %mul3A_394 = arith.mulf %sub3A_392, %sub3A_392 : vector<16xf32>
      %add3A_395 = arith.addf %add3A_380, %mul3A_394 : vector<16xf32>
      %mul3A_396 = arith.mulf %sub3A_393, %sub3A_393 : vector<16xf32>
      %add3A_397 = arith.addf %add3A_382, %mul3A_396 : vector<16xf32>
      %add3A_398 = arith.constant 13 : i32
      %add3A_399 = vector.broadcast %add3A_398 : i32 to vector<16xi32>
      %add3A_400 = arith.addi %iota3A, %add3A_399 : vector<16xi32>
      %and3A_401 = arith.constant 31 : i32
      %and3A_402 = vector.broadcast %and3A_401 : i32 to vector<16xi32>
      %and3A_403 = arith.andi %add3A_400, %and3A_402 : vector<16xi32>
      %gather3A_404 = tpu.vector_load_idx %arg11[%add3A_202, %and3A_403] : memref<512x32xf32, #tpu.memory_space<vmem>>[vector<16xi32>, vector<16xi32>], vector<16xf32>,
      %gather3A_405 = tpu.vector_load_idx %arg12[%add3A_202, %and3A_403] : memref<512x32xf32, #tpu.memory_space<vmem>>[vector<16xi32>, vector<16xi32>], vector<16xf32>,
      %gather3A_406 = tpu.vector_load_idx %arg13[%add3A_202, %and3A_403] : memref<512x32xf32, #tpu.memory_space<vmem>>[vector<16xi32>, vector<16xi32>], vector<16xf32>,
      %sub3A_407 = arith.subf %gather3A_404, %gather3A_405 : vector<16xf32>
      %sub3A_408 = arith.subf %gather3A_404, %gather3A_406 : vector<16xf32>
      %mul3A_409 = arith.mulf %sub3A_407, %sub3A_407 : vector<16xf32>
      %add3A_410 = arith.addf %add3A_395, %mul3A_409 : vector<16xf32>
      %mul3A_411 = arith.mulf %sub3A_408, %sub3A_408 : vector<16xf32>
      %add3A_412 = arith.addf %add3A_397, %mul3A_411 : vector<16xf32>
      %add3A_413 = arith.constant 14 : i32
      %add3A_414 = vector.broadcast %add3A_413 : i32 to vector<16xi32>
      %add3A_415 = arith.addi %iota3A, %add3A_414 : vector<16xi32>
      %and3A_416 = arith.constant 31 : i32
      %and3A_417 = vector.broadcast %and3A_416 : i32 to vector<16xi32>
      %and3A_418 = arith.andi %add3A_415, %and3A_417 : vector<16xi32>
      %gather3A_419 = tpu.vector_load_idx %arg11[%add3A_202, %and3A_418] : memref<512x32xf32, #tpu.memory_space<vmem>>[vector<16xi32>, vector<16xi32>], vector<16xf32>,
      %gather3A_420 = tpu.vector_load_idx %arg12[%add3A_202, %and3A_418] : memref<512x32xf32, #tpu.memory_space<vmem>>[vector<16xi32>, vector<16xi32>], vector<16xf32>,
      %gather3A_421 = tpu.vector_load_idx %arg13[%add3A_202, %and3A_418] : memref<512x32xf32, #tpu.memory_space<vmem>>[vector<16xi32>, vector<16xi32>], vector<16xf32>,
      %sub3A_422 = arith.subf %gather3A_419, %gather3A_420 : vector<16xf32>
      %sub3A_423 = arith.subf %gather3A_419, %gather3A_421 : vector<16xf32>
      %mul3A_424 = arith.mulf %sub3A_422, %sub3A_422 : vector<16xf32>
      %add3A_425 = arith.addf %add3A_410, %mul3A_424 : vector<16xf32>
      %mul3A_426 = arith.mulf %sub3A_423, %sub3A_423 : vector<16xf32>
      %add3A_427 = arith.addf %add3A_412, %mul3A_426 : vector<16xf32>
      %add3A_428 = arith.constant 15 : i32
      %add3A_429 = vector.broadcast %add3A_428 : i32 to vector<16xi32>
      %add3A_430 = arith.addi %iota3A, %add3A_429 : vector<16xi32>
      %and3A_431 = arith.constant 31 : i32
      %and3A_432 = vector.broadcast %and3A_431 : i32 to vector<16xi32>
      %and3A_433 = arith.andi %add3A_430, %and3A_432 : vector<16xi32>
      %gather3A_434 = tpu.vector_load_idx %arg11[%add3A_202, %and3A_433] : memref<512x32xf32, #tpu.memory_space<vmem>>[vector<16xi32>, vector<16xi32>], vector<16xf32>,
      %gather3A_435 = tpu.vector_load_idx %arg12[%add3A_202, %and3A_433] : memref<512x32xf32, #tpu.memory_space<vmem>>[vector<16xi32>, vector<16xi32>], vector<16xf32>,
      %gather3A_436 = tpu.vector_load_idx %arg13[%add3A_202, %and3A_433] : memref<512x32xf32, #tpu.memory_space<vmem>>[vector<16xi32>, vector<16xi32>], vector<16xf32>,
      %sub3A_437 = arith.subf %gather3A_434, %gather3A_435 : vector<16xf32>
      %sub3A_438 = arith.subf %gather3A_434, %gather3A_436 : vector<16xf32>
      %mul3A_439 = arith.mulf %sub3A_437, %sub3A_437 : vector<16xf32>
      %add3A_440 = arith.addf %add3A_425, %mul3A_439 : vector<16xf32>
      %mul3A_441 = arith.mulf %sub3A_438, %sub3A_438 : vector<16xf32>
      %add3A_442 = arith.addf %add3A_427, %mul3A_441 : vector<16xf32>
      %add3A_443 = arith.constant 16 : i32
      %add3A_444 = vector.broadcast %add3A_443 : i32 to vector<16xi32>
      %add3A_445 = arith.addi %iota3A, %add3A_444 : vector<16xi32>
      %and3A_446 = arith.constant 31 : i32
      %and3A_447 = vector.broadcast %and3A_446 : i32 to vector<16xi32>
      %and3A_448 = arith.andi %add3A_445, %and3A_447 : vector<16xi32>
      %gather3A_449 = tpu.vector_load_idx %arg11[%add3A_202, %and3A_448] : memref<512x32xf32, #tpu.memory_space<vmem>>[vector<16xi32>, vector<16xi32>], vector<16xf32>,
      %gather3A_450 = tpu.vector_load_idx %arg12[%add3A_202, %and3A_448] : memref<512x32xf32, #tpu.memory_space<vmem>>[vector<16xi32>, vector<16xi32>], vector<16xf32>,
      %gather3A_451 = tpu.vector_load_idx %arg13[%add3A_202, %and3A_448] : memref<512x32xf32, #tpu.memory_space<vmem>>[vector<16xi32>, vector<16xi32>], vector<16xf32>,
      %sub3A_452 = arith.subf %gather3A_449, %gather3A_450 : vector<16xf32>
      %sub3A_453 = arith.subf %gather3A_449, %gather3A_451 : vector<16xf32>
      %mul3A_454 = arith.mulf %sub3A_452, %sub3A_452 : vector<16xf32>
      %add3A_455 = arith.addf %add3A_440, %mul3A_454 : vector<16xf32>
      %mul3A_456 = arith.mulf %sub3A_453, %sub3A_453 : vector<16xf32>
      %add3A_457 = arith.addf %add3A_442, %mul3A_456 : vector<16xf32>
      %add3A_458 = arith.constant 17 : i32
      %add3A_459 = vector.broadcast %add3A_458 : i32 to vector<16xi32>
      %add3A_460 = arith.addi %iota3A, %add3A_459 : vector<16xi32>
      %and3A_461 = arith.constant 31 : i32
      %and3A_462 = vector.broadcast %and3A_461 : i32 to vector<16xi32>
      %and3A_463 = arith.andi %add3A_460, %and3A_462 : vector<16xi32>
      %gather3A_464 = tpu.vector_load_idx %arg11[%add3A_202, %and3A_463] : memref<512x32xf32, #tpu.memory_space<vmem>>[vector<16xi32>, vector<16xi32>], vector<16xf32>,
      %gather3A_465 = tpu.vector_load_idx %arg12[%add3A_202, %and3A_463] : memref<512x32xf32, #tpu.memory_space<vmem>>[vector<16xi32>, vector<16xi32>], vector<16xf32>,
      %gather3A_466 = tpu.vector_load_idx %arg13[%add3A_202, %and3A_463] : memref<512x32xf32, #tpu.memory_space<vmem>>[vector<16xi32>, vector<16xi32>], vector<16xf32>,
      %sub3A_467 = arith.subf %gather3A_464, %gather3A_465 : vector<16xf32>
      %sub3A_468 = arith.subf %gather3A_464, %gather3A_466 : vector<16xf32>
      %mul3A_469 = arith.mulf %sub3A_467, %sub3A_467 : vector<16xf32>
      %add3A_470 = arith.addf %add3A_455, %mul3A_469 : vector<16xf32>
      %mul3A_471 = arith.mulf %sub3A_468, %sub3A_468 : vector<16xf32>
      %add3A_472 = arith.addf %add3A_457, %mul3A_471 : vector<16xf32>
      %add3A_473 = arith.constant 18 : i32
      %add3A_474 = vector.broadcast %add3A_473 : i32 to vector<16xi32>
      %add3A_475 = arith.addi %iota3A, %add3A_474 : vector<16xi32>
      %and3A_476 = arith.constant 31 : i32
      %and3A_477 = vector.broadcast %and3A_476 : i32 to vector<16xi32>
      %and3A_478 = arith.andi %add3A_475, %and3A_477 : vector<16xi32>
      %gather3A_479 = tpu.vector_load_idx %arg11[%add3A_202, %and3A_478] : memref<512x32xf32, #tpu.memory_space<vmem>>[vector<16xi32>, vector<16xi32>], vector<16xf32>,
      %gather3A_480 = tpu.vector_load_idx %arg12[%add3A_202, %and3A_478] : memref<512x32xf32, #tpu.memory_space<vmem>>[vector<16xi32>, vector<16xi32>], vector<16xf32>,
      %gather3A_481 = tpu.vector_load_idx %arg13[%add3A_202, %and3A_478] : memref<512x32xf32, #tpu.memory_space<vmem>>[vector<16xi32>, vector<16xi32>], vector<16xf32>,
      %sub3A_482 = arith.subf %gather3A_479, %gather3A_480 : vector<16xf32>
      %sub3A_483 = arith.subf %gather3A_479, %gather3A_481 : vector<16xf32>
      %mul3A_484 = arith.mulf %sub3A_482, %sub3A_482 : vector<16xf32>
      %add3A_485 = arith.addf %add3A_470, %mul3A_484 : vector<16xf32>
      %mul3A_486 = arith.mulf %sub3A_483, %sub3A_483 : vector<16xf32>
      %add3A_487 = arith.addf %add3A_472, %mul3A_486 : vector<16xf32>
      %add3A_488 = arith.constant 19 : i32
      %add3A_489 = vector.broadcast %add3A_488 : i32 to vector<16xi32>
      %add3A_490 = arith.addi %iota3A, %add3A_489 : vector<16xi32>
      %and3A_491 = arith.constant 31 : i32
      %and3A_492 = vector.broadcast %and3A_491 : i32 to vector<16xi32>
      %and3A_493 = arith.andi %add3A_490, %and3A_492 : vector<16xi32>
      %gather3A_494 = tpu.vector_load_idx %arg11[%add3A_202, %and3A_493] : memref<512x32xf32, #tpu.memory_space<vmem>>[vector<16xi32>, vector<16xi32>], vector<16xf32>,
      %gather3A_495 = tpu.vector_load_idx %arg12[%add3A_202, %and3A_493] : memref<512x32xf32, #tpu.memory_space<vmem>>[vector<16xi32>, vector<16xi32>], vector<16xf32>,
      %gather3A_496 = tpu.vector_load_idx %arg13[%add3A_202, %and3A_493] : memref<512x32xf32, #tpu.memory_space<vmem>>[vector<16xi32>, vector<16xi32>], vector<16xf32>,
      %sub3A_497 = arith.subf %gather3A_494, %gather3A_495 : vector<16xf32>
      %sub3A_498 = arith.subf %gather3A_494, %gather3A_496 : vector<16xf32>
      %mul3A_499 = arith.mulf %sub3A_497, %sub3A_497 : vector<16xf32>
      %add3A_500 = arith.addf %add3A_485, %mul3A_499 : vector<16xf32>
      %mul3A_501 = arith.mulf %sub3A_498, %sub3A_498 : vector<16xf32>
      %add3A_502 = arith.addf %add3A_487, %mul3A_501 : vector<16xf32>
      %add3A_503 = arith.constant 20 : i32
      %add3A_504 = vector.broadcast %add3A_503 : i32 to vector<16xi32>
      %add3A_505 = arith.addi %iota3A, %add3A_504 : vector<16xi32>
      %and3A_506 = arith.constant 31 : i32
      %and3A_507 = vector.broadcast %and3A_506 : i32 to vector<16xi32>
      %and3A_508 = arith.andi %add3A_505, %and3A_507 : vector<16xi32>
      %gather3A_509 = tpu.vector_load_idx %arg11[%add3A_202, %and3A_508] : memref<512x32xf32, #tpu.memory_space<vmem>>[vector<16xi32>, vector<16xi32>], vector<16xf32>,
      %gather3A_510 = tpu.vector_load_idx %arg12[%add3A_202, %and3A_508] : memref<512x32xf32, #tpu.memory_space<vmem>>[vector<16xi32>, vector<16xi32>], vector<16xf32>,
      %gather3A_511 = tpu.vector_load_idx %arg13[%add3A_202, %and3A_508] : memref<512x32xf32, #tpu.memory_space<vmem>>[vector<16xi32>, vector<16xi32>], vector<16xf32>,
      %sub3A_512 = arith.subf %gather3A_509, %gather3A_510 : vector<16xf32>
      %sub3A_513 = arith.subf %gather3A_509, %gather3A_511 : vector<16xf32>
      %mul3A_514 = arith.mulf %sub3A_512, %sub3A_512 : vector<16xf32>
      %add3A_515 = arith.addf %add3A_500, %mul3A_514 : vector<16xf32>
      %mul3A_516 = arith.mulf %sub3A_513, %sub3A_513 : vector<16xf32>
      %add3A_517 = arith.addf %add3A_502, %mul3A_516 : vector<16xf32>
      %add3A_518 = arith.constant 21 : i32
      %add3A_519 = vector.broadcast %add3A_518 : i32 to vector<16xi32>
      %add3A_520 = arith.addi %iota3A, %add3A_519 : vector<16xi32>
      %and3A_521 = arith.constant 31 : i32
      %and3A_522 = vector.broadcast %and3A_521 : i32 to vector<16xi32>
      %and3A_523 = arith.andi %add3A_520, %and3A_522 : vector<16xi32>
      %gather3A_524 = tpu.vector_load_idx %arg11[%add3A_202, %and3A_523] : memref<512x32xf32, #tpu.memory_space<vmem>>[vector<16xi32>, vector<16xi32>], vector<16xf32>,
      %gather3A_525 = tpu.vector_load_idx %arg12[%add3A_202, %and3A_523] : memref<512x32xf32, #tpu.memory_space<vmem>>[vector<16xi32>, vector<16xi32>], vector<16xf32>,
      %gather3A_526 = tpu.vector_load_idx %arg13[%add3A_202, %and3A_523] : memref<512x32xf32, #tpu.memory_space<vmem>>[vector<16xi32>, vector<16xi32>], vector<16xf32>,
      %sub3A_527 = arith.subf %gather3A_524, %gather3A_525 : vector<16xf32>
      %sub3A_528 = arith.subf %gather3A_524, %gather3A_526 : vector<16xf32>
      %mul3A_529 = arith.mulf %sub3A_527, %sub3A_527 : vector<16xf32>
      %add3A_530 = arith.addf %add3A_515, %mul3A_529 : vector<16xf32>
      %mul3A_531 = arith.mulf %sub3A_528, %sub3A_528 : vector<16xf32>
      %add3A_532 = arith.addf %add3A_517, %mul3A_531 : vector<16xf32>
      %add3A_533 = arith.constant 22 : i32
      %add3A_534 = vector.broadcast %add3A_533 : i32 to vector<16xi32>
      %add3A_535 = arith.addi %iota3A, %add3A_534 : vector<16xi32>
      %and3A_536 = arith.constant 31 : i32
      %and3A_537 = vector.broadcast %and3A_536 : i32 to vector<16xi32>
      %and3A_538 = arith.andi %add3A_535, %and3A_537 : vector<16xi32>
      %gather3A_539 = tpu.vector_load_idx %arg11[%add3A_202, %and3A_538] : memref<512x32xf32, #tpu.memory_space<vmem>>[vector<16xi32>, vector<16xi32>], vector<16xf32>,
      %gather3A_540 = tpu.vector_load_idx %arg12[%add3A_202, %and3A_538] : memref<512x32xf32, #tpu.memory_space<vmem>>[vector<16xi32>, vector<16xi32>], vector<16xf32>,
      %gather3A_541 = tpu.vector_load_idx %arg13[%add3A_202, %and3A_538] : memref<512x32xf32, #tpu.memory_space<vmem>>[vector<16xi32>, vector<16xi32>], vector<16xf32>,
      %sub3A_542 = arith.subf %gather3A_539, %gather3A_540 : vector<16xf32>
      %sub3A_543 = arith.subf %gather3A_539, %gather3A_541 : vector<16xf32>
      %mul3A_544 = arith.mulf %sub3A_542, %sub3A_542 : vector<16xf32>
      %add3A_545 = arith.addf %add3A_530, %mul3A_544 : vector<16xf32>
      %mul3A_546 = arith.mulf %sub3A_543, %sub3A_543 : vector<16xf32>
      %add3A_547 = arith.addf %add3A_532, %mul3A_546 : vector<16xf32>
      %add3A_548 = arith.constant 23 : i32
      %add3A_549 = vector.broadcast %add3A_548 : i32 to vector<16xi32>
      %add3A_550 = arith.addi %iota3A, %add3A_549 : vector<16xi32>
      %and3A_551 = arith.constant 31 : i32
      %and3A_552 = vector.broadcast %and3A_551 : i32 to vector<16xi32>
      %and3A_553 = arith.andi %add3A_550, %and3A_552 : vector<16xi32>
      %gather3A_554 = tpu.vector_load_idx %arg11[%add3A_202, %and3A_553] : memref<512x32xf32, #tpu.memory_space<vmem>>[vector<16xi32>, vector<16xi32>], vector<16xf32>,
      %gather3A_555 = tpu.vector_load_idx %arg12[%add3A_202, %and3A_553] : memref<512x32xf32, #tpu.memory_space<vmem>>[vector<16xi32>, vector<16xi32>], vector<16xf32>,
      %gather3A_556 = tpu.vector_load_idx %arg13[%add3A_202, %and3A_553] : memref<512x32xf32, #tpu.memory_space<vmem>>[vector<16xi32>, vector<16xi32>], vector<16xf32>,
      %sub3A_557 = arith.subf %gather3A_554, %gather3A_555 : vector<16xf32>
      %sub3A_558 = arith.subf %gather3A_554, %gather3A_556 : vector<16xf32>
      %mul3A_559 = arith.mulf %sub3A_557, %sub3A_557 : vector<16xf32>
      %add3A_560 = arith.addf %add3A_545, %mul3A_559 : vector<16xf32>
      %mul3A_561 = arith.mulf %sub3A_558, %sub3A_558 : vector<16xf32>
      %add3A_562 = arith.addf %add3A_547, %mul3A_561 : vector<16xf32>
      %add3A_563 = arith.constant 24 : i32
      %add3A_564 = vector.broadcast %add3A_563 : i32 to vector<16xi32>
      %add3A_565 = arith.addi %iota3A, %add3A_564 : vector<16xi32>
      %and3A_566 = arith.constant 31 : i32
      %and3A_567 = vector.broadcast %and3A_566 : i32 to vector<16xi32>
      %and3A_568 = arith.andi %add3A_565, %and3A_567 : vector<16xi32>
      %gather3A_569 = tpu.vector_load_idx %arg11[%add3A_202, %and3A_568] : memref<512x32xf32, #tpu.memory_space<vmem>>[vector<16xi32>, vector<16xi32>], vector<16xf32>,
      %gather3A_570 = tpu.vector_load_idx %arg12[%add3A_202, %and3A_568] : memref<512x32xf32, #tpu.memory_space<vmem>>[vector<16xi32>, vector<16xi32>], vector<16xf32>,
      %gather3A_571 = tpu.vector_load_idx %arg13[%add3A_202, %and3A_568] : memref<512x32xf32, #tpu.memory_space<vmem>>[vector<16xi32>, vector<16xi32>], vector<16xf32>,
      %sub3A_572 = arith.subf %gather3A_569, %gather3A_570 : vector<16xf32>
      %sub3A_573 = arith.subf %gather3A_569, %gather3A_571 : vector<16xf32>
      %mul3A_574 = arith.mulf %sub3A_572, %sub3A_572 : vector<16xf32>
      %add3A_575 = arith.addf %add3A_560, %mul3A_574 : vector<16xf32>
      %mul3A_576 = arith.mulf %sub3A_573, %sub3A_573 : vector<16xf32>
      %add3A_577 = arith.addf %add3A_562, %mul3A_576 : vector<16xf32>
      %add3A_578 = arith.constant 25 : i32
      %add3A_579 = vector.broadcast %add3A_578 : i32 to vector<16xi32>
      %add3A_580 = arith.addi %iota3A, %add3A_579 : vector<16xi32>
      %and3A_581 = arith.constant 31 : i32
      %and3A_582 = vector.broadcast %and3A_581 : i32 to vector<16xi32>
      %and3A_583 = arith.andi %add3A_580, %and3A_582 : vector<16xi32>
      %gather3A_584 = tpu.vector_load_idx %arg11[%add3A_202, %and3A_583] : memref<512x32xf32, #tpu.memory_space<vmem>>[vector<16xi32>, vector<16xi32>], vector<16xf32>,
      %gather3A_585 = tpu.vector_load_idx %arg12[%add3A_202, %and3A_583] : memref<512x32xf32, #tpu.memory_space<vmem>>[vector<16xi32>, vector<16xi32>], vector<16xf32>,
      %gather3A_586 = tpu.vector_load_idx %arg13[%add3A_202, %and3A_583] : memref<512x32xf32, #tpu.memory_space<vmem>>[vector<16xi32>, vector<16xi32>], vector<16xf32>,
      %sub3A_587 = arith.subf %gather3A_584, %gather3A_585 : vector<16xf32>
      %sub3A_588 = arith.subf %gather3A_584, %gather3A_586 : vector<16xf32>
      %mul3A_589 = arith.mulf %sub3A_587, %sub3A_587 : vector<16xf32>
      %add3A_590 = arith.addf %add3A_575, %mul3A_589 : vector<16xf32>
      %mul3A_591 = arith.mulf %sub3A_588, %sub3A_588 : vector<16xf32>
      %add3A_592 = arith.addf %add3A_577, %mul3A_591 : vector<16xf32>
      %add3A_593 = arith.constant 26 : i32
      %add3A_594 = vector.broadcast %add3A_593 : i32 to vector<16xi32>
      %add3A_595 = arith.addi %iota3A, %add3A_594 : vector<16xi32>
      %and3A_596 = arith.constant 31 : i32
      %and3A_597 = vector.broadcast %and3A_596 : i32 to vector<16xi32>
      %and3A_598 = arith.andi %add3A_595, %and3A_597 : vector<16xi32>
      %gather3A_599 = tpu.vector_load_idx %arg11[%add3A_202, %and3A_598] : memref<512x32xf32, #tpu.memory_space<vmem>>[vector<16xi32>, vector<16xi32>], vector<16xf32>,
      %gather3A_600 = tpu.vector_load_idx %arg12[%add3A_202, %and3A_598] : memref<512x32xf32, #tpu.memory_space<vmem>>[vector<16xi32>, vector<16xi32>], vector<16xf32>,
      %gather3A_601 = tpu.vector_load_idx %arg13[%add3A_202, %and3A_598] : memref<512x32xf32, #tpu.memory_space<vmem>>[vector<16xi32>, vector<16xi32>], vector<16xf32>,
      %sub3A_602 = arith.subf %gather3A_599, %gather3A_600 : vector<16xf32>
      %sub3A_603 = arith.subf %gather3A_599, %gather3A_601 : vector<16xf32>
      %mul3A_604 = arith.mulf %sub3A_602, %sub3A_602 : vector<16xf32>
      %add3A_605 = arith.addf %add3A_590, %mul3A_604 : vector<16xf32>
      %mul3A_606 = arith.mulf %sub3A_603, %sub3A_603 : vector<16xf32>
      %add3A_607 = arith.addf %add3A_592, %mul3A_606 : vector<16xf32>
      %add3A_608 = arith.constant 27 : i32
      %add3A_609 = vector.broadcast %add3A_608 : i32 to vector<16xi32>
      %add3A_610 = arith.addi %iota3A, %add3A_609 : vector<16xi32>
      %and3A_611 = arith.constant 31 : i32
      %and3A_612 = vector.broadcast %and3A_611 : i32 to vector<16xi32>
      %and3A_613 = arith.andi %add3A_610, %and3A_612 : vector<16xi32>
      %gather3A_614 = tpu.vector_load_idx %arg11[%add3A_202, %and3A_613] : memref<512x32xf32, #tpu.memory_space<vmem>>[vector<16xi32>, vector<16xi32>], vector<16xf32>,
      %gather3A_615 = tpu.vector_load_idx %arg12[%add3A_202, %and3A_613] : memref<512x32xf32, #tpu.memory_space<vmem>>[vector<16xi32>, vector<16xi32>], vector<16xf32>,
      %gather3A_616 = tpu.vector_load_idx %arg13[%add3A_202, %and3A_613] : memref<512x32xf32, #tpu.memory_space<vmem>>[vector<16xi32>, vector<16xi32>], vector<16xf32>,
      %sub3A_617 = arith.subf %gather3A_614, %gather3A_615 : vector<16xf32>
      %sub3A_618 = arith.subf %gather3A_614, %gather3A_616 : vector<16xf32>
      %mul3A_619 = arith.mulf %sub3A_617, %sub3A_617 : vector<16xf32>
      %add3A_620 = arith.addf %add3A_605, %mul3A_619 : vector<16xf32>
      %mul3A_621 = arith.mulf %sub3A_618, %sub3A_618 : vector<16xf32>
      %add3A_622 = arith.addf %add3A_607, %mul3A_621 : vector<16xf32>
      %add3A_623 = arith.constant 28 : i32
      %add3A_624 = vector.broadcast %add3A_623 : i32 to vector<16xi32>
      %add3A_625 = arith.addi %iota3A, %add3A_624 : vector<16xi32>
      %and3A_626 = arith.constant 31 : i32
      %and3A_627 = vector.broadcast %and3A_626 : i32 to vector<16xi32>
      %and3A_628 = arith.andi %add3A_625, %and3A_627 : vector<16xi32>
      %gather3A_629 = tpu.vector_load_idx %arg11[%add3A_202, %and3A_628] : memref<512x32xf32, #tpu.memory_space<vmem>>[vector<16xi32>, vector<16xi32>], vector<16xf32>,
      %gather3A_630 = tpu.vector_load_idx %arg12[%add3A_202, %and3A_628] : memref<512x32xf32, #tpu.memory_space<vmem>>[vector<16xi32>, vector<16xi32>], vector<16xf32>,
      %gather3A_631 = tpu.vector_load_idx %arg13[%add3A_202, %and3A_628] : memref<512x32xf32, #tpu.memory_space<vmem>>[vector<16xi32>, vector<16xi32>], vector<16xf32>,
      %sub3A_632 = arith.subf %gather3A_629, %gather3A_630 : vector<16xf32>
      %sub3A_633 = arith.subf %gather3A_629, %gather3A_631 : vector<16xf32>
      %mul3A_634 = arith.mulf %sub3A_632, %sub3A_632 : vector<16xf32>
      %add3A_635 = arith.addf %add3A_620, %mul3A_634 : vector<16xf32>
      %mul3A_636 = arith.mulf %sub3A_633, %sub3A_633 : vector<16xf32>
      %add3A_637 = arith.addf %add3A_622, %mul3A_636 : vector<16xf32>
      %add3A_638 = arith.constant 29 : i32
      %add3A_639 = vector.broadcast %add3A_638 : i32 to vector<16xi32>
      %add3A_640 = arith.addi %iota3A, %add3A_639 : vector<16xi32>
      %and3A_641 = arith.constant 31 : i32
      %and3A_642 = vector.broadcast %and3A_641 : i32 to vector<16xi32>
      %and3A_643 = arith.andi %add3A_640, %and3A_642 : vector<16xi32>
      %gather3A_644 = tpu.vector_load_idx %arg11[%add3A_202, %and3A_643] : memref<512x32xf32, #tpu.memory_space<vmem>>[vector<16xi32>, vector<16xi32>], vector<16xf32>,
      %gather3A_645 = tpu.vector_load_idx %arg12[%add3A_202, %and3A_643] : memref<512x32xf32, #tpu.memory_space<vmem>>[vector<16xi32>, vector<16xi32>], vector<16xf32>,
      %gather3A_646 = tpu.vector_load_idx %arg13[%add3A_202, %and3A_643] : memref<512x32xf32, #tpu.memory_space<vmem>>[vector<16xi32>, vector<16xi32>], vector<16xf32>,
      %sub3A_647 = arith.subf %gather3A_644, %gather3A_645 : vector<16xf32>
      %sub3A_648 = arith.subf %gather3A_644, %gather3A_646 : vector<16xf32>
      %mul3A_649 = arith.mulf %sub3A_647, %sub3A_647 : vector<16xf32>
      %add3A_650 = arith.addf %add3A_635, %mul3A_649 : vector<16xf32>
      %mul3A_651 = arith.mulf %sub3A_648, %sub3A_648 : vector<16xf32>
      %add3A_652 = arith.addf %add3A_637, %mul3A_651 : vector<16xf32>
      %add3A_653 = arith.constant 30 : i32
      %add3A_654 = vector.broadcast %add3A_653 : i32 to vector<16xi32>
      %add3A_655 = arith.addi %iota3A, %add3A_654 : vector<16xi32>
      %and3A_656 = arith.constant 31 : i32
      %and3A_657 = vector.broadcast %and3A_656 : i32 to vector<16xi32>
      %and3A_658 = arith.andi %add3A_655, %and3A_657 : vector<16xi32>
      %gather3A_659 = tpu.vector_load_idx %arg11[%add3A_202, %and3A_658] : memref<512x32xf32, #tpu.memory_space<vmem>>[vector<16xi32>, vector<16xi32>], vector<16xf32>,
      %gather3A_660 = tpu.vector_load_idx %arg12[%add3A_202, %and3A_658] : memref<512x32xf32, #tpu.memory_space<vmem>>[vector<16xi32>, vector<16xi32>], vector<16xf32>,
      %gather3A_661 = tpu.vector_load_idx %arg13[%add3A_202, %and3A_658] : memref<512x32xf32, #tpu.memory_space<vmem>>[vector<16xi32>, vector<16xi32>], vector<16xf32>,
      %sub3A_662 = arith.subf %gather3A_659, %gather3A_660 : vector<16xf32>
      %sub3A_663 = arith.subf %gather3A_659, %gather3A_661 : vector<16xf32>
      %mul3A_664 = arith.mulf %sub3A_662, %sub3A_662 : vector<16xf32>
      %add3A_665 = arith.addf %add3A_650, %mul3A_664 : vector<16xf32>
      %mul3A_666 = arith.mulf %sub3A_663, %sub3A_663 : vector<16xf32>
      %add3A_667 = arith.addf %add3A_652, %mul3A_666 : vector<16xf32>
      %add3A_668 = arith.constant 31 : i32
      %add3A_669 = vector.broadcast %add3A_668 : i32 to vector<16xi32>
      %add3A_670 = arith.addi %iota3A, %add3A_669 : vector<16xi32>
      %and3A_671 = arith.constant 31 : i32
      %and3A_672 = vector.broadcast %and3A_671 : i32 to vector<16xi32>
      %and3A_673 = arith.andi %add3A_670, %and3A_672 : vector<16xi32>
      %gather3A_674 = tpu.vector_load_idx %arg11[%add3A_202, %and3A_673] : memref<512x32xf32, #tpu.memory_space<vmem>>[vector<16xi32>, vector<16xi32>], vector<16xf32>,
      %gather3A_675 = tpu.vector_load_idx %arg12[%add3A_202, %and3A_673] : memref<512x32xf32, #tpu.memory_space<vmem>>[vector<16xi32>, vector<16xi32>], vector<16xf32>,
      %gather3A_676 = tpu.vector_load_idx %arg13[%add3A_202, %and3A_673] : memref<512x32xf32, #tpu.memory_space<vmem>>[vector<16xi32>, vector<16xi32>], vector<16xf32>,
      %sub3A_677 = arith.subf %gather3A_674, %gather3A_675 : vector<16xf32>
      %sub3A_678 = arith.subf %gather3A_674, %gather3A_676 : vector<16xf32>
      %mul3A_679 = arith.mulf %sub3A_677, %sub3A_677 : vector<16xf32>
      %add3A_680 = arith.addf %add3A_665, %mul3A_679 : vector<16xf32>
      %mul3A_681 = arith.mulf %sub3A_678, %sub3A_678 : vector<16xf32>
      %add3A_682 = arith.addf %add3A_667, %mul3A_681 : vector<16xf32>
      %sub3A_683 = arith.subf %add3A_682, %add3A_680 : vector<16xf32>
      %neg3A = arith.constant 0.000000e+00 : f32
      %neg3A_684 = vector.broadcast %neg3A : f32 to vector<16xf32>
      %neg3A_685 = arith.subf %neg3A_684, %sub3A_683 : vector<16xf32>
      %exp3A = math.exp %neg3A_685 : vector<16xf32>
      %add3A_686 = arith.constant 1.000000e+00 : f32
      %add3A_687 = vector.broadcast %add3A_686 : f32 to vector<16xf32>
      %add3A_688 = arith.addf %add3A_687, %exp3A : vector<16xf32>
      %div3A = arith.constant 1.000000e+00 : f32
      %div3A_689 = vector.broadcast %div3A : f32 to vector<16xf32>
      %div3A_690 = arith.divf %div3A_689, %add3A_688 : vector<16xf32>
      %swap3A = arith.index_cast %mul3A_200 : i32 to index
      %swap3A_691 = tpu.vector_load %arg14[%swap3A] {strides = array<i32>} : memref<512xf32, #tpu.memory_space<vmem>>, vector<16xf32>,
      tpu.vector_store %arg14[%swap3A], %div3A_690 {strides = array<i32>} : memref<512xf32, #tpu.memory_space<vmem>>, vector<16xf32>,
    }
    %scan3A_197 = arith.constant 32 : i32
    "tpu.region"() ({
      %run_scoped3A = tpu.sem_alloc : memref<!tpu.dma_semaphore, #tpu.memory_space<semaphore_mem>>
      %dma_start3A_198 = tpu.memref_slice %arg7[%mul3A_2] : memref<16384xf32, #tpu.memory_space<hbm>> -> memref<512xf32, #tpu.memory_space<hbm>>
      %dma_start3A_199 = tpu.memref_slice %arg7[%mul3A_2] : memref<16384xf32, #tpu.memory_space<hbm>> -> memref<512xf32, #tpu.memory_space<hbm>>
      tpu.enqueue_dma source(%arg14 : memref<512xf32, #tpu.memory_space<vmem>>) target(%dma_start3A_199 : memref<512xf32, #tpu.memory_space<hbm>>) target_semaphore(%run_scoped3A : memref<!tpu.dma_semaphore, #tpu.memory_space<semaphore_mem>>)
      %dma_wait3A_200 = tpu.memref_slice %arg7[%mul3A_2] : memref<16384xf32, #tpu.memory_space<hbm>> -> memref<512xf32, #tpu.memory_space<hbm>>
      %dma_wait3A_201 = tpu.memref_slice %arg7[%mul3A_2] : memref<16384xf32, #tpu.memory_space<hbm>> -> memref<512xf32, #tpu.memory_space<hbm>>
      tpu.wait_dma2 semaphore(%run_scoped3A : memref<!tpu.dma_semaphore, #tpu.memory_space<semaphore_mem>>) src(%arg14 : memref<512xf32, #tpu.memory_space<vmem>>) dst(%dma_wait3A_201 : memref<512xf32, #tpu.memory_space<hbm>>)
      tpu.yield
    }) : () -> ()
    return
  }
}

</mosaic_0001>

<sc_bundles>
// kernel: kernel.4.cloned.1.call-start
scs
__scs_entry_jumppad:
0x0: {  	(pc) =	sbr.rel $0x88, $3  }
0x1: {  	(tag) =	ssettag $0x0;
	lr =	simm.s32 $0x1  }
0x2: {  	[smem:$0x3F9C] =	sst lr;
	_ =	strace $0xD0000000  }
0x3: {  	_ = 	snop  }
0x4: {  	_ = 	snop  }
0x5: {  	_ = 	snop  }
0x6: {  	_ = 	snop  }
0x7: {  	_ = 	snop  }
__scs_overlays_trampoline_lowered:
0x8: {  	[smem:$0x3FAB] =	sst s0  }
0x9: {  	[smem:$0x3FAC] =	sst s1  }
0xa: {  	[smem:$0x3FAD] =	sst s2  }
0xb: {  	[smem:$0x3FAE] =	sst s3  }
0xc: {  	[smem:$0x3FAF] =	sst s4  }
0xd: {  	[smem:$0x3FB0] =	sst s5  }
0xe: {  	[smem:$0x3FB1] =	sst s6  }
0xf: {  	[smem:$0x3FB2] =	sst s7  }
0x10: {  	[smem:$0x3FB3] =	sst s8  }
0x11: {  	[smem:$0x3FB4] =	sst s9;
	s0 =	simm.s32 @!p0 $0x0  }
0x12: {  	s1 =	sld [smem:$0x3F9A];
	s0 =	simm.s32 @p0 $0x1  }
0x13: {  	[smem:$0x3FB5] =	sst s0;
	s0 =	simm.s32 @!p1 $0x0  }
0x14: {  	s2 =	sld [smem:$0x3F99];
	s0 =	simm.s32 @p1 $0x1  }
0x15: {  	[smem:$0x3FB6] =	sst s0;
	s0 =	simm.s32 @!p2 $0x0  }
0x16: {  	s3 =	sld [smem:$0x3FDB];
	s0 =	simm.s32 @p2 $0x1  }
0x17: {  	s4 =	simm.s32 $0x1BF5;
	[smem:$0x3FB8] =	sst s0  }
0x18: {  	s0 =	sld [smem:$0x3F9B];
	_ =	swait.ge [sflag:s4], $0x0  }
0x19: {  	s7 =	sld [smem:$0x3F9C]  }
0x1a: {  	s8 =	sadd.s32 $0xFFFFE003, lr  }
0x1b: {  	s9 =	sadd.s32 $0xFFFFFEF7, lr;
	s5 =	simm.s32 $0xFFFFFFFF;
	p2 =	slt.u32 s8, $0xFFFFF086  }
0x1c: {  	p1 =	slt.u32 s9, $0xF7A;
	s5 =	simm.s32 @!p2 $0x0  }
0x1d: {  	s5 =	simm.s32 @p1 $0x1;
	p0 =	seq.s32 s7, s2  }
0x1e: {  	s7 =	smul.u32 @!p0 $0xF7A, s2;
	p2 =	seq.s32 @!p0 s5, $0x0  }
0x1f: {  	s9 =	smul.u32 $0xF7A, s1;
	s8 =	simm.s32 @!p0 $0x1BF5;
	p2 =	por !p2, p0  }
0x20: {  	[sflag:s8] =	ssyncset.s32 @!p0 $0xFFFFF086;
	s6 =	sadd.s32 @!p0 s3, s7;
	s7 =	simm.s32 @!p0 $0x108  }
0x21: {  	s3 =	sadd.s32 s3, s9;
	s6 =	sadd.s32 @!p0 $0x88, s6;
	s7 =	simm.s32 @p2 $0x1082  }
0x22: {  	[simem:s7], [sflag:s8] =	dma.local @!p0 [hbm:s6], $0xF7A  }
0x23: {  	s9 =	sor.u32 $0xD0000000, s2;
	s6 =	simm.s32 $0x108;
	_ =	swait.ge @!p0 [sflag:s8], $0x0  }
0x24: {  	s3 =	sadd.s32 $0x88, s3;
	s6 =	simm.s32 @!p1 $0x1082;
	[sflag:s4] =	ssyncset.s32 $0xFFFFF086  }
0x25: {  	[simem:s6], [sflag:s4] =	dma.local [hbm:s3], $0xF7A  }
0x26: {  	[smem:$0x3F9C] =	sst s1;
	(tag) =	ssettag s2;
	_ =	strace s9  }
0x27: {  	s1 =	sld [smem:$0x3FAC]  }
0x28: {  	s2 =	sld [smem:$0x3FAD]  }
0x29: {  	s4 =	sld [smem:$0x3FAF]  }
0x2a: {  	p0 =	seq.s32 s5, $0x0;
	s5 =	sld [smem:$0x3FB0]  }
0x2b: {  	s6 =	sld [smem:$0x3FB1]  }
0x2c: {  	s7 =	sld [smem:$0x3FB2]  }
0x2d: {  	s3 =	simm.s32 $0x108;
	s8 =	sld [smem:$0x3FB3]  }
0x2e: {  	s3 =	simm.s32 @!p0 $0x1082;
	s9 =	sld [smem:$0x3FB4]  }
0x2f: {  	lr =	sadd.s32 s0, s3;
	s0 =	sld [smem:$0x3FAB]  }
0x30: {  	s3 =	sld [smem:$0x3FAE]  }
0x31: {  	[smem:$0x3FB7] =	sst s10  }
0x32: {  	s10 =	sld [smem:$0x3FB5];
	_ =	sdelay $0x3  }
0x33: {  	p0 =	seq.s32 s10, $0x1;
	s10 =	sld [smem:$0x3FB7];
	_ =	sdelay $0x3  }
0x34: {  	[smem:$0x3FB7] =	sst s10  }
0x35: {  	s10 =	sld [smem:$0x3FB6];
	_ =	sdelay $0x3  }
0x36: {  	p1 =	seq.s32 s10, $0x1;
	s10 =	sld [smem:$0x3FB7];
	_ =	sdelay $0x3  }
0x37: {  	[smem:$0x3FB7] =	sst s10  }
0x38: {  	s10 =	sld [smem:$0x3FB8]  }
0x39: {  	_ = 	snop;
	(pc) =	sbr.ind lr, $3  }
0x3a: {  	_ = 	snop  }
0x3b: {  	_ = 	snop  }
0x3c: {  	p2 =	seq.s32 s10, $0x1;
	s10 =	sld [smem:$0x3FB7]  }
0x3d: {  	_ =	shalt  }
0x3e: {  	_ =	shalt  }
0x3f: {  	_ =	shalt  }
0x40: {  	_ =	shalt  }
0x41: {  	_ =	shalt  }
0x42: {  	_ =	shalt  }
0x43: {  	_ =	shalt  }
0x44: {  	_ =	shalt  }
0x45: {  	_ =	shalt  }
0x46: {  	_ =	shalt  }
0x47: {  	_ =	shalt  }
0x48: {  	_ =	shalt  }
0x49: {  	_ =	shalt  }
0x4a: {  	_ =	shalt  }
0x4b: {  	_ =	shalt  }
0x4c: {  	_ =	shalt  }
0x4d: {  	_ =	shalt  }
0x4e: {  	_ =	shalt  }
0x4f: {  	_ =	shalt  }
0x50: {  	_ =	shalt  }
0x51: {  	_ =	shalt  }
0x52: {  	_ =	shalt  }
0x53: {  	_ =	shalt  }
0x54: {  	_ =	shalt  }
0x55: {  	_ =	shalt  }
0x56: {  	_ =	shalt  }
0x57: {  	_ =	shalt  }
0x58: {  	_ =	shalt  }
0x59: {  	_ =	shalt  }
0x5a: {  	_ =	shalt  }
0x5b: {  	_ =	shalt  }
0x5c: {  	_ =	shalt  }
0x5d: {  	_ =	shalt  }
0x5e: {  	_ =	shalt  }
0x5f: {  	_ =	shalt  }
0x60: {  	_ =	shalt  }
0x61: {  	_ =	shalt  }
0x62: {  	_ =	shalt  }
0x63: {  	_ =	shalt  }
0x64: {  	_ =	shalt  }
0x65: {  	_ =	shalt  }
0x66: {  	_ =	shalt  }
0x67: {  	_ =	shalt  }
0x68: {  	_ =	shalt  }
0x69: {  	_ =	shalt  }
0x6a: {  	_ =	shalt  }
0x6b: {  	_ =	shalt  }
0x6c: {  	_ =	shalt  }
0x6d: {  	_ =	shalt  }
0x6e: {  	_ =	shalt  }
0x6f: {  	_ =	shalt  }
0x70: {  	_ =	shalt  }
0x71: {  	_ =	shalt  }
0x72: {  	_ =	shalt  }
0x73: {  	_ =	shalt  }
0x74: {  	_ =	shalt  }
0x75: {  	_ =	shalt  }
0x76: {  	_ =	shalt  }
0x77: {  	_ =	shalt  }
0x78: {  	_ =	shalt  }
0x79: {  	_ =	shalt  }
0x7a: {  	_ =	shalt  }
0x7b: {  	_ =	shalt  }
0x7c: {  	_ =	shalt  }
0x7d: {  	_ =	shalt  }
0x7e: {  	_ =	shalt  }
0x7f: {  	_ =	shalt  }
0x80: {  	_ =	shalt  }
0x81: {  	_ =	shalt  }
0x82: {  	_ =	shalt  }
0x83: {  	_ =	shalt  }
0x84: {  	_ =	shalt  }
0x85: {  	_ =	shalt  }
0x86: {  	_ =	shalt  }
0x87: {  	_ =	shalt  }
.Lfunc_end0:
.L_simem_size_0:
called_computation_lowered:
.L_overlay_start_0:
0x88: {  	s2 =	sld [smem:$0x3FD9]  }
0x89: {  	s3 =	sld [smem:$0x3FFE];
	_ =	sdelay $0x1  }
0x8a: {  	s1 =	srdreg.scid  }
0x8b: {  	s0 =	sand.u32 $0x1, s1  }
0x8c: {  	s17 =	sshll.u32 s0, $0xA;
	s2 =	sadd.s32 s3, s2  }
0x8d: {  	s2 =	sadd.s32 s2, s17  }
0x8e: {  	[smem:$0x3FC3] =	sst s2  }
0x8f: {  	_ = 	snop  }
0x90: {  	s2 =	sld [smem:$0x3FC6]  }
0x91: {  	s18 =	sld [smem:$0x3FC5]  }
0x92: {  	s4 =	sld [smem:$0x3FD0];
	(tm) =	ssettm $0x1  }
0x93: {  	s5 =	sld [smem:$0x3FFB];
	_ =	sdelay $0x3  }
0x94: {  	_ =	strace s5  }
0x95: {  	s5 =	sld [smem:$0x3FFC];
	_ =	sdelay $0x3  }
0x96: {  	_ =	strace s5  }
0x97: {  	s5 =	sld [smem:$0x3FFD];
	_ =	sdelay $0x3  }
0x98: {  	_ =	strace s5  }
0x99: {  	_ =	strace $0x8FFFFFFF  }
0x9a: {  	s19 =	sld [smem:$0x3FDB];
	_ =	sdelay $0x1  }
0x9b: {  	s6 =	simm.s32 $_scs_section_size  }
0x9c: {  	s7 =	simm.s32 $_size__tile_overlayer_lowered;
	s8 =	simm.s32 $_tile_overlayer_lowered  }
0x9d: {  	s22 =	simm.s32 $0x1BFF;
	s21 =	sshll.u32 s8, $0x1;
	s5 =	sadd.s32 s6, s19  }
0x9e: {  	s9 =	simm.s32 $0x0;
	s20 =	sshll.u32 s7, $0x1;
	s7 =	sadd.s32 s21, s5  }
0x9f: {  	[timem:s9], [sflag:s22] =	dma.local [hbm:s7], s20  }
0xa0: {  	_ =	swait.ge [sflag:s22], s20  }
0xa1: {  	s6 =	ssub.s32 $0x0, s20;
	[sflag:s22] =	ssyncset.done $0x0  }
0xa2: {  	[sflag:s22] =	ssyncadd.s32 s6;
	_ =	sdelay $0x1  }
0xa3: {  	s23 =	simm.s32 $0x1B8B  }
0xa4: {  	_ =	swait.ge [sflag:s23], $0x1  }
0xa5: {  	[sflag:s23] =	ssyncset.done $0x0  }
0xa6: {  	s25 =	simm.s32 $0x1B8E;
	s24 =	sld [smem:$0x3FFE];
	[sflag:s23] =	ssyncadd.s32 $0xFFFFFFFF  }
0xa7: {  	s26 =	simm.s32 $execute0_lowered;
	[smem:$0x3FD2] =	sst s25  }
0xa8: {  	s7 =	sshll.u32 s26, $0x1;
	_ =	strace $0x80000046;
	[dreg:$0x1] =	wrdreg $0xFFFFFFFF  }
0xa9: {  	s28 =	simm.s32 $_size_execute0_lowered;
	s5 =	sadd.s32 s5, s7;
	[dreg:$0x0] =	wrdreg $0x0  }
0xaa: {  	s7 =	sshll.u32 s28, $0x1;
	[dreg:$0x2] =	wrdreg s5  }
0xab: {  	[dreg:$0x3] =	wrdreg s7  }
0xac: {  	[dreg:$0x4] =	wrdreg $0xC0  }
0xad: {  	_ =	task [dreg:s9], $0x5FFFF  }
0xae: {  	[dreg:$0x1] =	wrdreg $0xFFFFFFFF  }
0xaf: {  	[dreg:$0x0] =	wrdreg $0x60  }
0xb0: {  	[dreg:$0x2] =	wrdreg s2  }
0xb1: {  	[dreg:$0x3] =	wrdreg s18  }
0xb2: {  	[dreg:$0x4] =	wrdreg s4  }
0xb3: {  	[dreg:$0x5] =	wrdreg s24  }
0xb4: {  	[dreg:$0x6] =	wrdreg $0x9  }
0xb5: {  	_ =	task.clear_ibuf [dreg:s9], $0x7FFFF;
	_ =	strace $0x90000046  }
0xb6: {  	s29 =	simm.s32 $0x9;
	_ =	strace $0x80000048  }
0xb7: {  	_ =	swait.ge [sflag:s29], $0x1  }
0xb8: {  	[sflag:s29] =	ssyncadd.s32 $0xFFFFFFFF  }
0xb9: {  	_ =	strace $0x90000048  }
0xba: {  	_ =	sfence  }
0xbb: {  	s30 =	sld [smem:$0x0];
	_ =	sdelay $0x2  }
0xbc: {  	s31 =	sshll.u32 s1, $0xD;
	s1 =	sshrl.u32 s1, $0x2  }
0xbd: {  	s3 =	sand.u32 $0x4000, s31;
	s1 =	sadd.s32 s1, s30  }
0xbe: {  	s0 =	sor.u32 s3, s0;
	s1 =	sshll.u32 s1, $0x11  }
0xbf: {  	s0 =	sor.u32 s1, s0  }
0xc0: {  	s0 =	sadd.s32 $0x8F2B, s0  }
0xc1: {  	[sflag:s0] =	ssyncadd.remote.s32 $0x1  }
0xc2: {  	_ =	sfence.sel $0xFFFF  }
0xc3: {  	[dreg:$0x0] =	wrdreg $0xFFFFFFFF;
	(pc) =	sbr.abs _section_cstart, $3  }
0xc4: {  	[dreg:$0x1] =	wrdreg $0xFFFFFFFF  }
0xc5: {  	_ =	task.clear_ibuf [dreg:s9], $0x2FFFF;
	_ =	strace $0x9FFFFFFF  }
0xc6: {  	(tm) =	ssettm $0x7FFFFFFF  }
0xc7: {  	_ =	shalt  }
tec
execute0_lowered:
.L_overlay_start_1:
0x0: {  	(tag) =	ssettag $0x1  }
0x1: {  	v0 =	vimm.s32 $0x700;
	vm15 =	vcmask $0x300;
	vm14 =	vcmask $0x704  }
0x2: {  	vm13 =	vcmask $0xB08;
	vm12 =	vcmask $0xF0C;
	vm11 =	vcmask $0x1310  }
0x3: {  	vm10 =	vcmask $0x1714;
	vm9 =	vcmask $0x1B18;
	v14 =	vlaneseq.u32  }
0x4: {  	vm8 =	vcmask $0x1F1C;
	vm6 =	vcmask $0x2320;
	v1 =	vimm.s32 $0x680  }
0x5: {  	v2 =	vimm.s32 $0x600;
	vm1 =	vcmask $0x2724;
	vm2 =	vcmask $0x2B28  }
0x6: {  	vm3 =	vcmask $0x2F2C;
	vm4 =	vcmask $0x3330;
	vm7 =	vcmask $0x3734  }
0x7: {  	vm5 =	vcmask $0x3B38;
	v11 =	vimm.s32 $0x580;
	v19 =	vimm.s32 $0x500  }
0x8: {  	v20 =	vimm.s32 $0x480;
	v23 =	vimm.s32 $0x400;
	v35 =	vimm.s32 $0x380  }
0x9: {  	v36 =	vimm.s32 $0x300;
	v39 =	vimm.s32 $0x280;
	v43 =	vimm.s32 $0x200  }
0xa: {  	v44 =	vimm.s32 $0x180;
	v47 =	vimm.s32 $0x100;
	v51 =	vimm.s32 $0x80  }
0xb: {  	v52 =	vimm.s32 $0x0;
	v55 =	vimm.s32 $0x6F4E2D0C;
	v3 =	vimm.s32 $0x6B4A2908  }
0xc: {  	v4 =	vimm.s32 $0x63422100;
	v5 =	vimm.s32 $0x67462504;
	vm0 =	vcmask $0x1F10  }
0xd: {  	v58 =	vimm.s32 $0x704F2E0D;
	v59 =	vimm.s32 $0x6C4B2A09;
	v60 =	vimm.s32 $0x64432201  }
0xe: {  	v61 =	vimm.s32 $0x68472605;
	v62 =	vimm.s32 $0x71502F0E;
	v63 =	vimm.s32 $0x6D4C2B0A  }
0xf: {  	v0 =	vsel vm15, $0xF80, v0;
	v1 =	vsel vm15, $0xF00, v1;
	v2 =	vsel vm15, $0xE80, v2  }
0x10: {  	v17 =	vsel vm15, $0xE00, v11;
	v33 =	vsel vm15, $0xC80, v23;
	v41 =	vsel vm15, $0xB00, v39  }
0x11: {  	v49 =	vsel vm15, $0x980, v47;
	v3 =	vunpack.c.0.s8.s32 v3;
	v6 =	vunpack.c.0.s8.s32 v4  }
0x12: {  	v56 =	vunpack.c.0.s8.s32 v5;
	v11 =	vunpack.c.0.s8.s32 v60;
	v12 =	vunpack.c.0.s8.s32 v61  }
0x13: {  	v13 =	vunpack.c.0.s8.s32 v62;
	v15 =	vunpack.c.0.s8.s32 v63;
	v5 =	vimm.s32 $0x65442302  }
0x14: {  	v23 =	vimm.s32 $0x66452403;
	v39 =	vimm.s32 $0x79583716;
	v47 =	vimm.s32 $0x7F5E3D1C  }
0x15: {  	v60 =	vimm.s32 $0x7A4;
	v63 =	vimm.s32 $0x7A0;
	v31 =	vmul.u32 $0x80, v14  }
0x16: {  	v0 =	vsel vm14, $0x0, v0;
	v1 =	vsel vm14, $0xF80, v1;
	v2 =	vsel vm14, $0xF00, v2  }
0x17: {  	v18 =	vsel vm14, $0xE80, v17;
	v34 =	vsel vm14, $0xD00, v33;
	v42 =	vsel vm14, $0xB80, v41  }
0x18: {  	v50 =	vsel vm14, $0xA00, v49;
	v33 =	vimm.s32 $0x74533211;
	v41 =	vimm.s32 $0x7A593817  }
0x19: {  	v49 =	vimm.s32 $0x605F3E1D;
	v0 =	vsel vm13, $0x80, v0;
	v1 =	vsel vm13, $0x0, v1  }
0x1a: {  	v2 =	vsel vm13, $0xF80, v2;
	[tilespmem:$0x1FB40] =	vst v6;
	v8 =	vsel vm0, v56, v6;
	v6 =	vimm.s32 $0x69482706  }
0x1b: {  	v0 =	vsel vm12, $0x100, v0;
	v1 =	vsel vm12, $0x80, v1;
	v2 =	vsel vm12, $0x0, v2  }
0x1c: {  	v17 =	vunpack.c.0.s8.s32 v6;
	v0 =	vsel vm11, $0x180, v0;
	v1 =	vsel vm11, $0x100, v1  }
0x1d: {  	v2 =	vsel vm11, $0x80, v2;
	v0 =	vsel vm10, $0x200, v0;
	v1 =	vsel vm10, $0x180, v1  }
0x1e: {  	v2 =	vsel vm10, $0x100, v2;
	v0 =	vsel vm9, $0x280, v0;
	v1 =	vsel vm9, $0x200, v1  }
0x1f: {  	v2 =	vsel vm9, $0x180, v2;
	v0 =	vsel vm8, $0x300, v0;
	v1 =	vsel vm8, $0x280, v1  }
0x20: {  	v2 =	vsel vm8, $0x200, v2;
	v0 =	vsel vm6, $0x380, v0;
	v1 =	vsel vm6, $0x300, v1  }
0x21: {  	v2 =	vsel vm6, $0x280, v2;
	v0 =	vsel vm1, $0x400, v0;
	v1 =	vsel vm1, $0x380, v1  }
0x22: {  	v2 =	vsel vm1, $0x300, v2;
	v0 =	vsel vm2, $0x480, v0;
	v1 =	vsel vm2, $0x400, v1  }
0x23: {  	v2 =	vsel vm2, $0x380, v2;
	v0 =	vsel vm3, $0x500, v0;
	v1 =	vsel vm3, $0x480, v1  }
0x24: {  	v10 =	vsel vm3, $0x400, v2;
	v2 =	vsel vm15, $0xD00, v20;
	v20 =	vimm.s32 $0x7251300F  }
0x25: {  	v0 =	vsel vm4, $0x580, v0;
	v9 =	vsel vm4, $0x500, v1;
	v1 =	vsel vm4, $0x480, v10  }
0x26: {  	v2 =	vsel vm14, $0xD80, v2;
	v10 =	vunpack.c.0.s8.s32 v59;
	v59 =	vimm.s32 $0x7A8  }
0x27: {  	v0 =	vsel vm7, $0x600, v0;
	v16 =	vsel vm7, $0x500, v1;
	v1 =	vsel vm15, $0xD80, v19  }
0x28: {  	v2 =	vsel vm13, $0xE00, v2;
	v0 =	vsel vm5, $0x680, v0;
	v1 =	vsel vm14, $0xE00, v1  }
0x29: {  	v2 =	vsel vm12, $0xE80, v2;
	[tilespmem:$0x1FA50] =	vst v0;
	v0 =	vsel vm7, $0x580, v9;
	v1 =	vsel vm13, $0xE80, v1  }
0x2a: {  	v2 =	vsel vm11, $0xF00, v2;
	v9 =	vunpack.c.0.s8.s32 v58;
	v58 =	vimm.s32 $0x7AC  }
0x2b: {  	v0 =	vsel vm5, $0x600, v0;
	v1 =	vsel vm12, $0xF00, v1;
	v2 =	vsel vm10, $0xF80, v2  }
0x2c: {  	[tilespmem:$0x1FA60] =	vst v0;
	v0 =	vsel vm5, $0x580, v16;
	v1 =	vsel vm11, $0xF80, v1;
	v2 =	vsel vm9, $0x0, v2  }
0x2d: {  	v16 =	vunpack.c.0.s8.s32 v5;
	v5 =	vunpack.c.0.s8.s32 v23;
	[tilespmem:$0x1FA70] =	vst v0;
	v0 =	vsel vm13, $0xF00, v18  }
0x2e: {  	v1 =	vsel vm10, $0x0, v1;
	v2 =	vsel vm8, $0x80, v2;
	v0 =	vsel vm12, $0xF80, v0  }
0x2f: {  	v18 =	vunpack.c.0.s8.s32 v20;
	v1 =	vsel vm9, $0x80, v1;
	v0 =	vsel vm11, $0x0, v0  }
0x30: {  	v2 =	vsel vm6, $0x100, v2;
	v1 =	vsel vm8, $0x100, v1;
	v0 =	vsel vm10, $0x80, v0  }
0x31: {  	v2 =	vsel vm1, $0x180, v2;
	v1 =	vsel vm6, $0x180, v1;
	v0 =	vsel vm9, $0x100, v0  }
0x32: {  	v2 =	vsel vm2, $0x200, v2;
	v1 =	vsel vm1, $0x200, v1;
	v0 =	vsel vm8, $0x180, v0  }
0x33: {  	v22 =	vsel vm3, $0x280, v2;
	v2 =	vsel vm15, $0xB80, v36;
	v0 =	vsel vm6, $0x200, v0  }
0x34: {  	v1 =	vsel vm2, $0x280, v1;
	v2 =	vsel vm14, $0xC00, v2;
	v0 =	vsel vm1, $0x280, v0  }
0x35: {  	v1 =	vsel vm3, $0x300, v1;
	v2 =	vsel vm13, $0xC80, v2;
	v0 =	vsel vm2, $0x300, v0  }
0x36: {  	v21 =	vsel vm4, $0x380, v1;
	v1 =	vsel vm4, $0x300, v22;
	v0 =	vsel vm3, $0x380, v0  }
0x37: {  	v2 =	vsel vm12, $0xD00, v2;
	v32 =	vsel vm7, $0x380, v1;
	v0 =	vsel vm4, $0x400, v0  }
0x38: {  	v1 =	vsel vm15, $0xC00, v35;
	v35 =	vimm.s32 $0x76553413;
	v0 =	vsel vm7, $0x480, v0  }
0x39: {  	v22 =	vimm.s32 $0x73523110;
	v36 =	vunpack.c.0.s8.s32 v35;
	v0 =	vsel vm5, $0x500, v0  }
0x3a: {  	v2 =	vsel vm11, $0xD80, v2;
	v1 =	vsel vm14, $0xC80, v1;
	[tilespmem:$0x1FA80] =	vst v0;
	v0 =	vsel vm7, $0x400, v21  }
0x3b: {  	v2 =	vsel vm10, $0xE00, v2;
	v1 =	vsel vm13, $0xD00, v1;
	[tilespmem:$0x1FB80] =	vst v36;
	v0 =	vsel vm5, $0x480, v0  }
0x3c: {  	v2 =	vsel vm9, $0xE80, v2;
	v1 =	vsel vm12, $0xD80, v1;
	[tilespmem:$0x1FA90] =	vst v0;
	v0 =	vsel vm5, $0x400, v32  }
0x3d: {  	v2 =	vsel vm8, $0xF00, v2;
	v36 =	vimm.s32 $0x794;
	[tilespmem:$0x1FAA0] =	vst v0;
	v0 =	vsel vm13, $0xD80, v34  }
0x3e: {  	v1 =	vsel vm11, $0xE00, v1;
	v2 =	vsel vm6, $0xF80, v2;
	v0 =	vsel vm12, $0xE00, v0  }
0x3f: {  	v1 =	vsel vm10, $0xE80, v1;
	v2 =	vsel vm1, $0x0, v2;
	v0 =	vsel vm11, $0xE80, v0  }
0x40: {  	v21 =	vimm.s32 $0x6E4D2C0B;
	v1 =	vsel vm9, $0xF00, v1;
	v0 =	vsel vm10, $0xF00, v0  }
0x41: {  	v2 =	vsel vm2, $0x80, v2;
	v19 =	vunpack.c.0.s8.s32 v21;
	v0 =	vsel vm9, $0xF80, v0  }
0x42: {  	v1 =	vsel vm8, $0xF80, v1;
	v38 =	vsel vm3, $0x100, v2;
	v0 =	vsel vm8, $0x0, v0  }
0x43: {  	v2 =	vsel vm15, $0xA00, v44;
	v32 =	vimm.s32 $0x6A492807;
	v0 =	vsel vm6, $0x80, v0  }
0x44: {  	v1 =	vsel vm6, $0x0, v1;
	v2 =	vsel vm14, $0xA80, v2;
	v0 =	vsel vm1, $0x100, v0  }
0x45: {  	v6 =	vunpack.c.0.s8.s32 v32;
	v34 =	vimm.s32 $0x75543312;
	v0 =	vsel vm2, $0x180, v0  }
0x46: {  	v32 =	vimm.s32 $0x79C;
	v1 =	vsel vm1, $0x80, v1;
	v0 =	vsel vm3, $0x200, v0  }
0x47: {  	v2 =	vsel vm13, $0xB00, v2;
	v1 =	vsel vm2, $0x100, v1;
	v0 =	vsel vm4, $0x280, v0  }
0x48: {  	v2 =	vsel vm12, $0xB80, v2;
	v1 =	vsel vm3, $0x180, v1;
	v0 =	vsel vm7, $0x300, v0  }
0x49: {  	v2 =	vsel vm11, $0xC00, v2;
	v37 =	vsel vm4, $0x200, v1;
	v0 =	vsel vm5, $0x380, v0  }
0x4a: {  	v1 =	vsel vm4, $0x180, v38;
	v2 =	vsel vm10, $0xC80, v2;
	[tilespmem:$0x1FAB0] =	vst v0;
	v0 =	vsel vm7, $0x280, v37  }
0x4b: {  	v38 =	vimm.s32 $0x78573615;
	v40 =	vsel vm7, $0x200, v1;
	v0 =	vsel vm5, $0x300, v0  }
0x4c: {  	v1 =	vsel vm15, $0xA80, v43;
	v2 =	vsel vm9, $0xD00, v2;
	[tilespmem:$0x1FAC0] =	vst v0;
	v0 =	vsel vm5, $0x280, v40  }
0x4d: {  	v43 =	vimm.s32 $0x7C5B3A19;
	v1 =	vsel vm14, $0xB00, v1;
	[tilespmem:$0x1FAD0] =	vst v0;
	v0 =	vsel vm13, $0xC00, v42  }
0x4e: {  	v2 =	vsel vm8, $0xD80, v2;
	v44 =	vunpack.c.0.s8.s32 v43;
	v0 =	vsel vm12, $0xC80, v0  }
0x4f: {  	v43 =	vimm.s32 $0x780;
	v1 =	vsel vm13, $0xB80, v1;
	v0 =	vsel vm11, $0xD00, v0  }
0x50: {  	v2 =	vsel vm6, $0xE00, v2;
	v1 =	vsel vm12, $0xC00, v1;
	v0 =	vsel vm10, $0xD80, v0  }
0x51: {  	v2 =	vsel vm1, $0xE80, v2;
	v1 =	vsel vm11, $0xC80, v1;
	v0 =	vsel vm9, $0xE00, v0  }
0x52: {  	[tilespmem:$0x1FBE0] =	vst v44;
	v44 =	vadd.s32 $0x780, v31;
	v1 =	vsel vm10, $0xD00, v1;
	v0 =	vsel vm8, $0xE80, v0  }
0x53: {  	v2 =	vsel vm2, $0xF00, v2;
	v1 =	vsel vm9, $0xD80, v1;
	v0 =	vsel vm6, $0xF00, v0  }
0x54: {  	v46 =	vsel vm3, $0xF80, v2;
	v1 =	vsel vm8, $0xE00, v1;
	v0 =	vsel vm1, $0xF80, v0  }
0x55: {  	v2 =	vsel vm15, $0x880, v52;
	v1 =	vsel vm6, $0xE80, v1;
	v0 =	vsel vm2, $0x0, v0  }
0x56: {  	v2 =	vsel vm14, $0x900, v2;
	v1 =	vsel vm1, $0xF00, v1;
	v0 =	vsel vm3, $0x80, v0  }
0x57: {  	v2 =	vsel vm13, $0x980, v2;
	v1 =	vsel vm2, $0xF80, v1;
	v0 =	vsel vm4, $0x100, v0  }
0x58: {  	v2 =	vsel vm12, $0xA00, v2;
	v1 =	vsel vm3, $0x0, v1;
	v0 =	vsel vm7, $0x180, v0  }
0x59: {  	v37 =	vimm.s32 $0x77563514;
	v45 =	vsel vm4, $0x80, v1;
	v0 =	vsel vm5, $0x200, v0  }
0x5a: {  	v2 =	vsel vm11, $0xA80, v2;
	v1 =	vsel vm4, $0x0, v46;
	[tilespmem:$0x1FAE0] =	vst v0;
	v0 =	vsel vm7, $0x100, v45  }
0x5b: {  	v2 =	vsel vm10, $0xB00, v2;
	v48 =	vsel vm7, $0x80, v1;
	v0 =	vsel vm5, $0x180, v0  }
0x5c: {  	v40 =	vunpack.c.0.s8.s32 v39;
	v2 =	vsel vm9, $0xB80, v2;
	[tilespmem:$0x1FAF0] =	vst v0;
	v0 =	vsel vm5, $0x100, v48  }
0x5d: {  	v42 =	vimm.s32 $0x7B5A3918;
	v1 =	vsel vm15, $0x900, v51;
	[tilespmem:$0x1FB00] =	vst v0;
	v0 =	vsel vm13, $0xA80, v50  }
0x5e: {  	v2 =	vsel vm8, $0xC00, v2;
	v1 =	vsel vm14, $0x980, v1;
	v0 =	vsel vm12, $0xB00, v0  }
0x5f: {  	v46 =	vimm.s32 $0x7E5D3C1B;
	v1 =	vsel vm13, $0xA00, v1;
	v0 =	vsel vm11, $0xB80, v0  }
0x60: {  	v2 =	vsel vm6, $0xC80, v2;
	v1 =	vsel vm12, $0xA80, v1;
	v0 =	vsel vm10, $0xC00, v0  }
0x61: {  	v51 =	vimm.s32 $0x6241201F;
	v1 =	vsel vm11, $0xB00, v1;
	v0 =	vsel vm9, $0xC80, v0  }
0x62: {  	v2 =	vsel vm1, $0xD00, v2;
	v1 =	vsel vm10, $0xB80, v1;
	v0 =	vsel vm8, $0xD00, v0  }
0x63: {  	v52 =	vunpack.c.0.s8.s32 v51;
	v1 =	vsel vm9, $0xC00, v1;
	v0 =	vsel vm6, $0xD80, v0  }
0x64: {  	v51 =	vadd.s32 $0x400, v31;
	v1 =	vsel vm8, $0xC80, v1;
	v0 =	vsel vm1, $0xE00, v0  }
0x65: {  	v2 =	vsel vm2, $0xD80, v2;
	v1 =	vsel vm6, $0xD00, v1;
	v0 =	vsel vm2, $0xE80, v0  }
0x66: {  	v54 =	vsel vm3, $0xE00, v2;
	v1 =	vsel vm1, $0xD80, v1;
	v0 =	vsel vm3, $0xF00, v0  }
0x67: {  	v2 =	vunpack.c.0.s8.s32 v55;
	v1 =	vsel vm2, $0xE00, v1;
	v0 =	vsel vm4, $0xF80, v0  }
0x68: {  	v55 =	vimm.s32 $0x7B0;
	v1 =	vsel vm3, $0xE80, v1;
	v0 =	vsel vm7, $0x0, v0  }
0x69: {  	[tilespmem:$0x1FC40] =	vst v52;
	v53 =	vsel vm4, $0xF00, v1;
	v1 =	vsel vm4, $0xE80, v54;
	v0 =	vsel vm5, $0x80, v0  }
0x6a: {  	v52 =	vadd.s32 $0x380, v31;
	v1 =	vsel vm7, $0xF00, v1;
	[tilespmem:$0x1FB10] =	vst v0;
	v0 =	vsel vm7, $0xF80, v53  }
0x6b: {  	v57 =	vsel vm5, $0xF80, v1;
	v1 =	vunpack.c.0.s8.s32 v22;
	v0 =	vsel vm5, $0x0, v0  }
0x6c: {  	v7 =	vsel vm0, v2, v3;
	v3 =	vsel vm0, v3, v56;
	[tilespmem:$0x1FB20] =	vst v0;
	v0 =	vunpack.c.0.s8.s32 v33  }
0x6d: {  	v45 =	vimm.s32 $0x7D5C3B1A;
	v54 =	vimm.s32 $0x7B4;
	[tilespmem:$0x1FB50] =	vst v1;
	v20 =	vsel vm0, v1, v2  }
0x6e: {  	v1 =	vsel vm15, $0x78, v54;
	v2 =	vsel vm15, $0x74, v55;
	[tilespmem:$0x1FB60] =	vst v0;
	v0 =	vunpack.c.0.s8.s32 v34  }
0x6f: {  	v48 =	vunpack.c.0.s8.s32 v47;
	v1 =	vsel vm14, $0xFC, v1;
	v2 =	vsel vm14, $0xF8, v2  }
0x70: {  	v1 =	vsel vm13, $0x100, v1;
	v2 =	vsel vm13, $0x17C, v2;
	[tilespmem:$0x1FB70] =	vst v0;
	v0 =	vunpack.c.0.s8.s32 v37  }
0x71: {  	v47 =	vadd.s32 $0x600, v31;
	v1 =	vsel vm12, $0x184, v1;
	v2 =	vsel vm12, $0x180, v2  }
0x72: {  	v1 =	vsel vm11, $0x208, v1;
	v2 =	vsel vm11, $0x204, v2;
	[tilespmem:$0x1FB90] =	vst v0;
	v0 =	vunpack.c.0.s8.s32 v38  }
0x73: {  	v50 =	vimm.s32 $0x61403F1E;
	v1 =	vsel vm10, $0x28C, v1;
	v2 =	vsel vm10, $0x288, v2  }
0x74: {  	v1 =	vsel vm9, $0x310, v1;
	v2 =	vsel vm9, $0x30C, v2;
	[tilespmem:$0x1FBA0] =	vst v0;
	v0 =	vunpack.c.0.s8.s32 v41  }
0x75: {  	[tilespmem:$0x1FC10] =	vst v48;
	v48 =	vadd.s32 $0x580, v31;
	v1 =	vsel vm8, $0x394, v1;
	v2 =	vsel vm8, $0x390, v2  }
0x76: {  	v1 =	vsel vm6, $0x418, v1;
	v2 =	vsel vm6, $0x414, v2;
	[tilespmem:$0x1FBC0] =	vst v0;
	v0 =	vunpack.c.0.s8.s32 v42  }
0x77: {  	v54 =	vadd.s32 $0x280, v31;
	v1 =	vsel vm1, $0x49C, v1;
	v2 =	vsel vm1, $0x498, v2  }
0x78: {  	v1 =	vsel vm2, $0x520, v1;
	v2 =	vsel vm2, $0x51C, v2;
	[tilespmem:$0x1FBD0] =	vst v0;
	v0 =	vunpack.c.0.s8.s32 v45  }
0x79: {  	v55 =	vadd.s32 $0x200, v31;
	v1 =	vsel vm3, $0x5A4, v1;
	v2 =	vsel vm3, $0x5A0, v2  }
0x7a: {  	v1 =	vsel vm4, $0x628, v1;
	v2 =	vsel vm4, $0x624, v2;
	[tilespmem:$0x1FBF0] =	vst v0;
	v0 =	vunpack.c.0.s8.s32 v46  }
0x7b: {  	[tilespmem:$0x1FB30] =	vst v57;
	v53 =	vimm.s32 $0x7B8;
	v56 =	vsel vm7, $0x6AC, v1;
	v57 =	vsel vm7, $0x6A8, v2  }
0x7c: {  	v1 =	vsel vm15, $0x6C, v59;
	v2 =	vsel vm15, $0x68, v60;
	[tilespmem:$0x1FC00] =	vst v0;
	v0 =	vunpack.c.0.s8.s32 v49  }
0x7d: {  	v33 =	vimm.s32 $0x798;
	v59 =	vsel vm0, v12, v11;
	v60 =	vsel vm0, v13, v15  }
0x7e: {  	v4 =	vsel vm5, $0x730, v56;
	v21 =	vsel vm5, $0x72C, v57;
	[tilespmem:$0x1FC20] =	vst v0;
	v0 =	vunpack.c.0.s8.s32 v50  }
0x7f: {  	v1 =	vsel vm14, $0xF0, v1;
	v2 =	vsel vm14, $0xEC, v2;
	v56 =	vadd.s32 $0x180, v31  }
0x80: {  	v57 =	vadd.s32 $0x100, v31;
	v1 =	vsel vm13, $0x174, v1;
	[tilespmem:$0x1FC30] =	vst v0;
	v0 =	vsel vm15, $0x7C, v53  }
0x81: {  	v2 =	vsel vm13, $0x170, v2;
	v1 =	vsel vm12, $0x1F8, v1;
	v0 =	vsel vm14, $0x80, v0  }
0x82: {  	v2 =	vsel vm12, $0x1F4, v2;
	v1 =	vsel vm11, $0x27C, v1;
	v0 =	vsel vm13, $0x104, v0  }
0x83: {  	v2 =	vsel vm11, $0x278, v2;
	v37 =	vimm.s32 $0x790;
	v0 =	vsel vm12, $0x188, v0  }
0x84: {  	v1 =	vsel vm10, $0x280, v1;
	v2 =	vsel vm10, $0x2FC, v2;
	v0 =	vsel vm11, $0x20C, v0  }
0x85: {  	v1 =	vsel vm9, $0x304, v1;
	v2 =	vsel vm9, $0x300, v2;
	v0 =	vsel vm10, $0x290, v0  }
0x86: {  	v38 =	vimm.s32 $0x78C;
	v1 =	vsel vm8, $0x388, v1;
	v0 =	vsel vm9, $0x314, v0  }
0x87: {  	v2 =	vsel vm8, $0x384, v2;
	v1 =	vsel vm6, $0x40C, v1;
	v0 =	vsel vm8, $0x398, v0  }
0x88: {  	v2 =	vsel vm6, $0x408, v2;
	v41 =	vimm.s32 $0x788;
	v0 =	vsel vm6, $0x41C, v0  }
0x89: {  	v1 =	vsel vm1, $0x490, v1;
	v2 =	vsel vm1, $0x48C, v2;
	v0 =	vsel vm1, $0x4A0, v0  }
0x8a: {  	v1 =	vsel vm2, $0x514, v1;
	v2 =	vsel vm2, $0x510, v2;
	v0 =	vsel vm2, $0x524, v0  }
0x8b: {  	v42 =	vimm.s32 $0x784;
	v1 =	vsel vm3, $0x598, v1;
	v0 =	vsel vm3, $0x5A8, v0  }
0x8c: {  	s0 =	rddreg [dreg:$0x0];
	v2 =	vsel vm3, $0x594, v2;
	v1 =	vsel vm4, $0x61C, v1;
	v0 =	vsel vm4, $0x62C, v0  }
0x8d: {  	s1 =	rddreg [dreg:$0x1];
	v2 =	vsel vm4, $0x618, v2;
	v45 =	vadd.s32 $0x700, v31;
	v0 =	vsel vm7, $0x6B0, v0  }
0x8e: {  	s11 =	rddreg [dreg:$0x2];
	s4 =	simm.s32 $0x0;
	[tilespmem:$0x1FBB0] =	vst v40;
	v61 =	vsel vm7, $0x6A0, v1;
	v62 =	vsel vm7, $0x69C, v2;
	v0 =	vsel vm5, $0x734, v0  }
0x8f: {  	[smem:$0x7FF] =	sst s4;
	v1 =	vsel vm15, $0x60, v32;
	v2 =	vsel vm15, $0x5C, v33;
	v32 =	vor.u32 $0x800, v31;
	[tilespmem:$0x1FC50] =	vst v0  }
0x90: {  	s2 =	rddreg [dreg:$0x3];
	v23 =	vsel vm5, $0x724, v61;
	v24 =	vsel vm5, $0x720, v62;
	v0 =	vsel vm15, $0x70, v58;
	_ =	strace $0x80000047;
	[tilespmem:$0x1FC60] =	vst v32  }
0x91: {  	v1 =	vsel vm14, $0xE4, v1;
	v2 =	vsel vm14, $0xE0, v2;
	v0 =	vsel vm14, $0xF4, v0;
	[tilespmem:$0x1FC70] =	vst v44  }
0x92: {  	v46 =	vadd.s32 $0x680, v31;
	v61 =	vsel vm0, v17, v16;
	[tilespmem:$0x1FC80] =	vst v45;
	v0 =	vsel vm13, $0x178, v0  }
0x93: {  	v62 =	vsel vm0, v18, v19;
	v1 =	vsel vm13, $0x168, v1;
	[tilespmem:$0x1FC90] =	vst v46;
	v0 =	vsel vm12, $0x1FC, v0  }
0x94: {  	v2 =	vsel vm13, $0x164, v2;
	v1 =	vsel vm12, $0x1EC, v1;
	[tilespmem:$0x1FCA0] =	vst v47;
	v0 =	vsel vm11, $0x200, v0  }
0x95: {  	v2 =	vsel vm12, $0x1E8, v2;
	v49 =	vadd.s32 $0x500, v31;
	[tilespmem:$0x1FCB0] =	vst v48;
	v0 =	vsel vm10, $0x284, v0  }
0x96: {  	v1 =	vsel vm11, $0x270, v1;
	v50 =	vadd.s32 $0x480, v31;
	[tilespmem:$0x1FCC0] =	vst v49;
	v0 =	vsel vm9, $0x308, v0  }
0x97: {  	v2 =	vsel vm11, $0x26C, v2;
	v1 =	vsel vm10, $0x2F4, v1;
	[tilespmem:$0x1FCD0] =	vst v50;
	v0 =	vsel vm8, $0x38C, v0  }
0x98: {  	v2 =	vsel vm10, $0x2F0, v2;
	v1 =	vsel vm9, $0x378, v1;
	[tilespmem:$0x1FCE0] =	vst v51;
	v0 =	vsel vm6, $0x410, v0  }
0x99: {  	v2 =	vsel vm9, $0x374, v2;
	v53 =	vadd.s32 $0x300, v31;
	[tilespmem:$0x1FCF0] =	vst v52;
	v0 =	vsel vm1, $0x494, v0  }
0x9a: {  	v1 =	vsel vm8, $0x3FC, v1;
	v2 =	vsel vm8, $0x3F8, v2;
	[tilespmem:$0x1FD00] =	vst v53;
	v0 =	vsel vm2, $0x518, v0  }
0x9b: {  	v1 =	vsel vm6, $0x400, v1;
	v2 =	vsel vm6, $0x47C, v2;
	[tilespmem:$0x1FD10] =	vst v54;
	v0 =	vsel vm3, $0x59C, v0  }
0x9c: {  	v1 =	vsel vm1, $0x484, v1;
	v2 =	vsel vm1, $0x480, v2;
	[tilespmem:$0x1FD20] =	vst v55;
	v0 =	vsel vm4, $0x620, v0  }
0x9d: {  	v1 =	vsel vm2, $0x508, v1;
	v2 =	vsel vm2, $0x504, v2;
	[tilespmem:$0x1FD30] =	vst v56;
	v0 =	vsel vm7, $0x6A4, v0  }
0x9e: {  	v1 =	vsel vm3, $0x58C, v1;
	[tilespmem:$0x1FD40] =	vst v57;
	v22 =	vsel vm5, $0x728, v0;
	v0 =	vsel vm15, $0x64, v63  }
0x9f: {  	v2 =	vsel vm3, $0x588, v2;
	v1 =	vsel vm4, $0x610, v1;
	[tilespmem:$0x1FD50] =	vst v7;
	v0 =	vsel vm14, $0xE8, v0  }
0xa0: {  	v2 =	vsel vm4, $0x60C, v2;
	v34 =	vsel vm7, $0x694, v1;
	[tilespmem:$0x1FD60] =	vst v8;
	v0 =	vsel vm13, $0x16C, v0  }
0xa1: {  	v35 =	vsel vm7, $0x690, v2;
	v1 =	vsel vm15, $0x54, v37;
	[tilespmem:$0x1FD80] =	vst v9;
	v0 =	vsel vm12, $0x1F0, v0  }
0xa2: {  	v2 =	vsel vm15, $0x50, v38;
	v26 =	vsel vm5, $0x718, v34;
	[tilespmem:$0x1FD90] =	vst v10;
	v0 =	vsel vm11, $0x274, v0  }
0xa3: {  	v27 =	vsel vm5, $0x714, v35;
	v1 =	vsel vm14, $0xD8, v1;
	[tilespmem:$0x1FDA0] =	vst v11;
	v0 =	vsel vm10, $0x2F8, v0  }
0xa4: {  	v2 =	vsel vm14, $0xD4, v2;
	v58 =	vsel vm0, v9, v10;
	[tilespmem:$0x1FDB0] =	vst v12;
	v0 =	vsel vm9, $0x37C, v0  }
0xa5: {  	v1 =	vsel vm13, $0x15C, v1;
	v2 =	vsel vm13, $0x158, v2;
	[tilespmem:$0x1FDC0] =	vst v58;
	v0 =	vsel vm8, $0x380, v0  }
0xa6: {  	v1 =	vsel vm12, $0x1E0, v1;
	v2 =	vsel vm12, $0x1DC, v2;
	[tilespmem:$0x1FDD0] =	vst v59;
	v0 =	vsel vm6, $0x404, v0  }
0xa7: {  	v1 =	vsel vm11, $0x264, v1;
	v2 =	vsel vm11, $0x260, v2;
	[tilespmem:$0x1FDF0] =	vst v13;
	v0 =	vsel vm1, $0x488, v0  }
0xa8: {  	v1 =	vsel vm10, $0x2E8, v1;
	v2 =	vsel vm10, $0x2E4, v2;
	[tilespmem:$0x1FE00] =	vst v15;
	v0 =	vsel vm2, $0x50C, v0  }
0xa9: {  	v1 =	vsel vm9, $0x36C, v1;
	v2 =	vsel vm9, $0x368, v2;
	[tilespmem:$0x1FE10] =	vst v16;
	v0 =	vsel vm3, $0x590, v0  }
0xaa: {  	v1 =	vsel vm8, $0x3F0, v1;
	v2 =	vsel vm8, $0x3EC, v2;
	[tilespmem:$0x1FE20] =	vst v17;
	v0 =	vsel vm4, $0x614, v0  }
0xab: {  	v1 =	vsel vm6, $0x474, v1;
	v2 =	vsel vm6, $0x470, v2;
	[tilespmem:$0x1FE30] =	vst v60;
	v0 =	vsel vm7, $0x698, v0  }
0xac: {  	v1 =	vsel vm1, $0x4F8, v1;
	[tilespmem:$0x1FE40] =	vst v61;
	v25 =	vsel vm5, $0x71C, v0;
	v0 =	vsel vm15, $0x58, v36  }
0xad: {  	v2 =	vsel vm1, $0x4F4, v2;
	v1 =	vsel vm2, $0x57C, v1;
	[tilespmem:$0x1FE60] =	vst v18;
	v0 =	vsel vm14, $0xDC, v0  }
0xae: {  	v2 =	vsel vm2, $0x578, v2;
	v7 =	vcombine.low v8, v7;
	[tilespmem:$0x1FE80] =	vst v5;
	v0 =	vsel vm13, $0x160, v0  }
0xaf: {  	v5 =	vsel vm0, v6, v5;
	[tilespmem:$0x1FF00] =	vst v3;
	v3 =	vcombine.low v3, v20;
	v0 =	vsel vm12, $0x1E4, v0  }
0xb0: {  	[tilespmem:$0x1FE70] =	vst v19;
	v1 =	vsel vm3, $0x580, v1;
	v2 =	vsel vm3, $0x5FC, v2;
	v0 =	vsel vm11, $0x268, v0  }
0xb1: {  	[tilespmem:$0x1FED0] =	vst v5;
	v5 =	vcombine.low v5, v62;
	v1 =	vsel vm4, $0x604, v1;
	v0 =	vsel vm10, $0x2EC, v0  }
0xb2: {  	v2 =	vsel vm4, $0x600, v2;
	[tilespmem:$0x1FD70] =	vst v7;
	v7 =	vcombine.low v59, v58;
	v0 =	vsel vm9, $0x370, v0  }
0xb3: {  	[tilespmem:$0x1FE90] =	vst v6;
	v39 =	vsel vm7, $0x688, v1;
	v40 =	vsel vm7, $0x684, v2;
	v0 =	vsel vm8, $0x3F4, v0  }
0xb4: {  	s3 =	srdreg.scid;
	[tilespmem:$0x1FEA0] =	vst v31;
	v1 =	vsel vm15, $0x48, v42;
	v2 =	vsel vm15, $0x44, v43;
	v0 =	vsel vm6, $0x478, v0  }
0xb5: {  	s5 =	stileid.u32;
	s6 =	sadd.s32 $0xC00, s2;
	s3 =	sand.u32 $0x1, s3;
	[tilespmem:$0x1FEC0] =	vst v62;
	v29 =	vsel vm5, $0x70C, v39;
	v30 =	vsel vm5, $0x708, v40;
	v0 =	vsel vm1, $0x4FC, v0  }
0xb6: {  	s5 =	sshll.u32 s5, $0x1;
	s7 =	sadd.s32 $0xE00, s2;
	s9 =	sadd.s32 $0x62A00, s2;
	[tilespmem:$0x1FEF0] =	vst v20;
	v1 =	vsel vm14, $0xCC, v1;
	v2 =	vsel vm14, $0xC8, v2;
	v0 =	vsel vm2, $0x500, v0  }
0xb7: {  	s13 =	sadd.s32 $0x62800, s2;
	s21 =	sadd.s32 $0xC10, s2;
	s22 =	sadd.s32 $0xC20, s2;
	[tilespmem:$0x1FDE0] =	vst v7;
	v7 =	vcombine.low v61, v60;
	v1 =	vsel vm13, $0x150, v1;
	v0 =	vsel vm3, $0x584, v0  }
0xb8: {  	s23 =	sadd.s32 $0xC30, s2;
	s24 =	sadd.s32 $0xC40, s2;
	s8 =	sor.u32 s3, s5;
	[tilespmem:$0x1FF20] =	vst v4;
	v2 =	vsel vm13, $0x14C, v2;
	v1 =	vsel vm12, $0x1D4, v1;
	v0 =	vsel vm4, $0x608, v0  }
0xb9: {  	s25 =	sadd.s32 $0xC50, s2;
	s26 =	sadd.s32 $0xC60, s2;
	s5 =	sshll.u32 s8, $0x7;
	[tilespmem:$0x1FF30] =	vst v21;
	v2 =	vsel vm12, $0x1D0, v2;
	v1 =	vsel vm11, $0x258, v1;
	v0 =	vsel vm7, $0x68C, v0  }
0xba: {  	s16 =	sor.u32 $0x1000, s5;
	s12 =	sadd.s32 s0, s5;
	[dreg:$0x5] =	wrdreg s6;
	[tilespmem:$0x1FF50] =	vst v23;
	v2 =	vsel vm11, $0x254, v2;
	v28 =	vsel vm5, $0x710, v0;
	v0 =	vsel vm15, $0x4C, v41  }
0xbb: {  	s10 =	sor.u32 $0x2000, s5;
	s17 =	sadd.s32 s0, s16;
	[dreg:$0x6] =	wrdreg s12;
	[tilespmem:$0x1FF60] =	vst v24;
	v1 =	vsel vm10, $0x2DC, v1;
	v2 =	vsel vm10, $0x2D8, v2;
	v0 =	vsel vm14, $0xD0, v0  }
0xbc: {  	s28 =	sadd.s32 $0x20, s11;
	s18 =	sadd.s32 s0, s10;
	[dreg:$0x7] =	wrdreg s17;
	[tilespmem:$0x1FF80] =	vst v26;
	v1 =	vsel vm9, $0x360, v1;
	v2 =	vsel vm9, $0x35C, v2;
	v0 =	vsel vm13, $0x154, v0  }
0xbd: {  	s14 =	ssub.s32 $0x2, s3;
	s5 =	sadd.s32 s1, s5;
	[dreg:$0x8] =	wrdreg s18;
	[tilespmem:$0x1FF90] =	vst v27;
	v1 =	vsel vm8, $0x3E4, v1;
	v2 =	vsel vm8, $0x3E0, v2;
	v0 =	vsel vm12, $0x1D8, v0  }
0xbe: {  	s15 =	sshrl.u32 s14, $0x1;
	s19 =	sadd.s32 s1, s16;
	[dreg:$0x9] =	wrdreg s5;
	[tilespmem:$0x1FF10] =	vst v3;
	v1 =	vsel vm6, $0x468, v1;
	v2 =	vsel vm6, $0x464, v2;
	v0 =	vsel vm11, $0x25C, v0  }
0xbf: {  	s3 =	ssub.s32 s14, s15;
	s20 =	sadd.s32 s1, s10;
	[dreg:$0xa] =	wrdreg s19;
	[tilespmem:$0x1FEE0] =	vst v5;
	v1 =	vsel vm1, $0x4EC, v1;
	v2 =	vsel vm1, $0x4E8, v2;
	v0 =	vsel vm10, $0x2E0, v0  }
0xc0: {  	s29 =	sadd.s32 $0x30, s11;
	s3 =	smax.u32 s3, $0x1;
	[dreg:$0xb] =	wrdreg s20;
	[tilespmem:$0x1FFB0] =	vst v29;
	v1 =	vsel vm2, $0x570, v1;
	v2 =	vsel vm2, $0x56C, v2;
	v0 =	vsel vm9, $0x364, v0  }
0xc1: {  	s30 =	sadd.s32 $0x40, s11;
	s31 =	sadd.s32 $0x50, s11;
	[dreg:$0xc] =	wrdreg s3;
	[tilespmem:$0x1FFC0] =	vst v30;
	v63 =	vadd.s32 $0x80, v31;
	v1 =	vsel vm3, $0x5F4, v1;
	v0 =	vsel vm8, $0x3E8, v0  }
0xc2: {  	p0 =	sgt.u32 s8, $0xC;
	p1 =	slt.u32 s8, $0xD;
	[dreg:$0xd] =	wrdreg s21;
	[tilespmem:$0x1FE50] =	vst v7;
	v2 =	vsel vm3, $0x5F0, v2;
	v1 =	vsel vm4, $0x678, v1;
	v0 =	vsel vm6, $0x46C, v0  }
0xc3: {  	p3 =	sne.s32 @!p0 s8, $0x0;
	s14 =	simm.s32 $0x4000;
	[dreg:$0xe] =	wrdreg s22;
	[tilespmem:$0x1FEB0] =	vst v63;
	v2 =	vsel vm4, $0x674, v2;
	v1 =	vsel vm7, $0x6FC, v1;
	v0 =	vsel vm1, $0x4F0, v0  }
0xc4: {  	s15 =	simm.s32 $0x2;
	p2 =	por p3, p0;
	[dreg:$0xf] =	wrdreg s23;
	[tilespmem:$0x1FF40] =	vst v22;
	v2 =	vsel vm7, $0x6F8, v2;
	v1 =	vsel vm5, $0x700, v1;
	v0 =	vsel vm2, $0x574, v0  }
.Ltmp0:
0xc5: {  	p3 =	por !p3, p0;
	[dreg:$0x10] =	wrdreg s24;
	v2 =	vsel vm5, $0x77C, v2;
	[tilespmem:$0x1FFE0] =	vst v1;
	v0 =	vsel vm3, $0x5F8, v0;
	(pc) =	sbr.rel .LBB2_1-.Ltmp0, $4  }
0xc6: {  	s16 =	simm.s32 $0x0;
	s17 =	sadd.s32 $0xC4400, s2;
	[dreg:$0x11] =	wrdreg s25;
	[tilespmem:$0x1FFF0] =	vst v2;
	v0 =	vsel vm4, $0x67C, v0  }
0xc7: {  	[dreg:$0x12] =	wrdreg s26;
	s2 =	sadd.s32 $0xC70, s2;
	s26 =	sadd.s32 $0x10, s11;
	[tilespmem:$0x1FF70] =	vst v25;
	v0 =	vsel vm7, $0x680, v0  }
0xc8: {  	s3 =	sadd.s32 $0x60, s11;
	s5 =	sadd.s32 $0x70, s11;
	s6 =	simm.s32 $0xC3800;
	[tilespmem:$0x1FFA0] =	vst v28;
	v0 =	vsel vm5, $0x704, v0  }
0xc9: {  	s12 =	simm.s32 $0x1;
	[dreg:$0x13] =	wrdreg s2;
	s2 =	simm.s32 $0x400;
	[tilespmem:$0x1FFD0] =	vst v0  }
.LBB2_17:
0xca: {  	s10 =	simm.s32 @!p1 $0x2  }
0xcb: {  	_ =	swait.ge @!p1 [sflag:s10], $0x1000  }
0xcc: {  	[sflag:s10] =	ssyncset.done @!p1 $0x0  }
0xcd: {  	[sflag:s10] =	ssyncadd.s32 @!p1 $0xFFFFF000  }
0xce: {  	_ =	swait.ge [sflag:s15], $0x1000  }
0xcf: {  	[sflag:s15] =	ssyncset.done $0x0  }
0xd0: {  	[sflag:s15] =	ssyncadd.s32 $0xFFFFF000  }
0xd1: {  	_ =	swait.ge [sflag:s15], $0x1000  }
0xd2: {  	[sflag:s15] =	ssyncset.done $0x0  }
0xd3: {  	[sflag:s15] =	ssyncadd.s32 $0xFFFFF000  }
0xd4: {  	_ =	swait.ge [sflag:s15], $0x1000  }
0xd5: {  	[sflag:s15] =	ssyncset.done $0x0  }
0xd6: {  	s10 =	simm.s32 @!p0 $0x2;
	[sflag:s15] =	ssyncadd.s32 $0xFFFFF000  }
0xd7: {  	_ =	swait.ge @!p0 [sflag:s10], $0x1000  }
0xd8: {  	s11 =	simm.s32 @p4 $0x4000;
	[sflag:s10] =	ssyncset.done @!p0 $0x0  }
0xd9: {  	s18 =	rddreg [dreg:$0x5];
	[sflag:s10] =	ssyncadd.s32 @!p0 $0xFFFFF000;
	s10 =	simm.s32 @p4 $0x0  }
0xda: {  	[tilespmem:s11], [sflag:$0x3] =	stream.linear.gather @p4 [hbm4b:s18+s10], $0x80, $0x38;
	[tilespmem:$0x8000] =	vst v63  }
0xdb: {  	s19 =	rddreg [dreg:$0xd];
	s18 =	simm.s32 @p4 $0x4200  }
0xdc: {  	[tilespmem:s18], [sflag:$0x3] =	stream.linear.gather @p4 [hbm4b:s19+s10], $0x80, $0x38;
	[tilespmem:$0x8000] =	vst v63  }
0xdd: {  	s20 =	rddreg [dreg:$0xe];
	s19 =	simm.s32 @p4 $0x4400  }
0xde: {  	[tilespmem:s19], [sflag:$0x3] =	stream.linear.gather @p4 [hbm4b:s20+s10], $0x80, $0x38;
	[tilespmem:$0x8000] =	vst v63  }
0xdf: {  	s21 =	rddreg [dreg:$0xf];
	s20 =	simm.s32 @p4 $0x4600  }
0xe0: {  	[tilespmem:s20], [sflag:$0x3] =	stream.linear.gather @p4 [hbm4b:s21+s10], $0x80, $0x38;
	[tilespmem:$0x8000] =	vst v63  }
0xe1: {  	s22 =	rddreg [dreg:$0x10];
	s21 =	simm.s32 @p4 $0x4800  }
0xe2: {  	[tilespmem:s21], [sflag:$0x3] =	stream.linear.gather @p4 [hbm4b:s22+s10], $0x80, $0x38;
	[tilespmem:$0x8000] =	vst v63  }
0xe3: {  	s23 =	rddreg [dreg:$0x11];
	s22 =	simm.s32 @p4 $0x4A00  }
0xe4: {  	[tilespmem:s22], [sflag:$0x3] =	stream.linear.gather @p4 [hbm4b:s23+s10], $0x80, $0x38;
	[tilespmem:$0x8000] =	vst v63  }
0xe5: {  	s24 =	rddreg [dreg:$0x12];
	s23 =	simm.s32 @p4 $0x4C00  }
0xe6: {  	[tilespmem:s23], [sflag:$0x3] =	stream.linear.gather @p4 [hbm4b:s24+s10], $0x80, $0x38;
	[tilespmem:$0x8000] =	vst v63  }
0xe7: {  	s25 =	rddreg [dreg:$0x13];
	s24 =	simm.s32 @p4 $0x4E00  }
0xe8: {  	[tilespmem:s24], [sflag:$0x3] =	stream.linear.gather @p4 [hbm4b:s25+s10], $0x80, $0x38;
	[tilespmem:$0x8000] =	vst v63  }
0xe9: {  	s25 =	simm.s32 @p4 $0x3  }
0xea: {  	_ =	swait.ge @p4 [sflag:s25], $0x400  }
0xeb: {  	[sflag:s25] =	ssyncset.done @p4 $0x0  }
0xec: {  	[sflag:s25] =	ssyncadd.s32 @p4 $0xFFFFFC00  }
0xed: {  	[hbm4b:s17+s10] =	stream.linear.scatter @p4 [tilespmem:s11], [sflag:$0x3], $0x80, $0x38;
	[tilespmem:$0x8000] =	vst v63  }
0xee: {  	s11 =	sadd.s32 @p4 $0x10, s17  }
0xef: {  	[hbm4b:s11+s10] =	stream.linear.scatter @p4 [tilespmem:s18], [sflag:$0x3], $0x80, $0x38;
	[tilespmem:$0x8000] =	vst v63  }
0xf0: {  	s11 =	sadd.s32 @p4 $0x20, s17  }
0xf1: {  	[hbm4b:s11+s10] =	stream.linear.scatter @p4 [tilespmem:s19], [sflag:$0x3], $0x80, $0x38;
	[tilespmem:$0x8000] =	vst v63  }
0xf2: {  	s11 =	sadd.s32 @p4 $0x30, s17  }
0xf3: {  	[hbm4b:s11+s10] =	stream.linear.scatter @p4 [tilespmem:s20], [sflag:$0x3], $0x80, $0x38;
	[tilespmem:$0x8000] =	vst v63  }
0xf4: {  	s11 =	sadd.s32 @p4 $0x40, s17  }
0xf5: {  	[hbm4b:s11+s10] =	stream.linear.scatter @p4 [tilespmem:s21], [sflag:$0x3], $0x80, $0x38;
	[tilespmem:$0x8000] =	vst v63  }
0xf6: {  	s11 =	sadd.s32 @p4 $0x50, s17  }
0xf7: {  	[hbm4b:s11+s10] =	stream.linear.scatter @p4 [tilespmem:s22], [sflag:$0x3], $0x80, $0x38;
	[tilespmem:$0x8000] =	vst v63  }
0xf8: {  	s11 =	sadd.s32 @p4 $0x60, s17  }
0xf9: {  	[hbm4b:s11+s10] =	stream.linear.scatter @p4 [tilespmem:s23], [sflag:$0x3], $0x80, $0x38;
	[tilespmem:$0x8000] =	vst v63  }
0xfa: {  	s11 =	sadd.s32 @p4 $0x70, s17  }
0xfb: {  	[hbm4b:s11+s10] =	stream.linear.scatter @p4 [tilespmem:s24], [sflag:$0x3], $0x80, $0x38;
	[tilespmem:$0x8000] =	vst v63  }
0xfc: {  	_ =	swait.ge @p4 [sflag:s25], $0x400  }
0xfd: {  	s16 =	sadd.s32 $0x1, s16;
	s24 =	rddreg [dreg:$0xc]  }
0xfe: {  	p5 =	sne.s32 s16, s24  }
.Ltmp1:
0xff: {  	_ = 	snop;
	(pc) =	sbr.rel @!p5 .LBB2_18-.Ltmp1, $3  }
0x100: {  	_ =	sdelay $0x1  }
0x101: {  	[sflag:s25] =	ssyncset.done @p4 $0x0  }
0x102: {  	[sflag:s25] =	ssyncadd.s32 @p4 $0xFFFFFC00  }
.LBB2_1:
0x103: {  	s10 =	rddreg [dreg:$0x6]  }
0x104: {  	[tilespmem:s4], [sflag:$0x1] =	stream.strided.gather [hbm4b:s10+s2], $0x1000, s6, s2, $0x38;
	[tilespmem:$0x8000] =	vst v63  }
.Ltmp2:
0x105: {  	s23 =	rddreg [dreg:$0x7];
	(pc) =	sbr.rel .LBB2_2-.Ltmp2, $4  }
0x106: {  	s11 =	simm.s32 $0x1000;
	s24 =	rddreg [dreg:$0x8]  }
0x107: {  	[tilespmem:s11], [sflag:$0x1] =	stream.strided.gather [hbm4b:s23+s2], $0x1000, s6, s2, $0x38;
	[tilespmem:$0x8000] =	vst v63  }
0x108: {  	s25 =	simm.s32 $0x2000;
	s18 =	simm.s32 $0x0;
	s19 =	simm.s32 $0x0  }
0x109: {  	[tilespmem:s25], [sflag:$0x1] =	stream.strided.gather [hbm4b:s24+s2], $0x1000, s6, s2, $0x38;
	[tilespmem:$0x8000] =	vst v63  }
.LBB2_8:
0x10a: {  	s19 =	sadd.s32 $0x1, s19  }
0x10b: {  	p4 =	sne.s32 s19, $0x19  }
.Ltmp3:
0x10c: {  	_ = 	snop;
	(pc) =	sbr.rel @!p4 .LBB2_9-.Ltmp3, $2  }
0x10d: {  	_ =	sdelay $0x2  }
0x10e: {  	s18 =	sadd.s32 $0x1, s18  }
.LBB2_2:
0x10f: {  	s10 =	sshll.u32 s19, $0x5  }
0x110: {  	s20 =	sor.u32 s8, s10  }
0x111: {  	p4 =	sgt.u32 s20, $0x30C  }
.Ltmp4:
0x112: {  	_ = 	snop;
	(pc) =	sbr.rel @p4 .LBB2_8-.Ltmp4, $1  }
0x113: {  	_ =	sdelay $0x3  }
0x114: {  	s10 =	sand.u32 $0x3, s19  }
0x115: {  	s21 =	sshll.u32 s10, $0x5  }
0x116: {  	v0 =	vmov s21  }
0x117: {  	v1 =	vshll.u32 v0, $0x7;
	v0 =	vld [tilespmem:$0x1FEA0];
	_ =	sdelay $0x4  }
0x118: {  	v0 =	vor.u32 v0, v1  }
0x119: {  	[tilespmem:$0x1F850] =	vst v0;
	v0 =	vld [tilespmem:$0x1FD70];
	_ =	sdelay $0x3  }
0x11a: {  	s22 =	sshll.u32 s10, $0x7  }
0x11b: {  	v0 =	vor.u32 s22, v0  }
0x11c: {  	[tilespmem:$0x1F860] =	vst v0;
	v0 =	vld [tilespmem:$0x1FEB0];
	_ =	sdelay $0x4  }
0x11d: {  	v8 =	vld [tilespmem:$0x1FB60];
	v0 =	vor.u32 v0, v1  }
0x11e: {  	[tilespmem:$0x1F870] =	vst v0;
	v0 =	vld [tilespmem:$0x1FDE0]  }
0x11f: {  	v2 =	vld [tilespmem:$0x1FD90]  }
0x120: {  	v3 =	vld [tilespmem:$0x1FDB0]  }
0x121: {  	v5 =	vld [tilespmem:$0x1FD20]  }
0x122: {  	v43 =	vld [tilespmem:$0x1FF10]  }
0x123: {  	v44 =	vld [tilespmem:$0x1FD10];
	v0 =	vor.u32 s22, v0  }
0x124: {  	[tilespmem:$0x1F880] =	vst v0;
	v0 =	vld [tilespmem:$0x1FD40]  }
0x125: {  	v9 =	vld [tilespmem:$0x1FB70]  }
0x126: {  	v4 =	vld [tilespmem:$0x1FE00]  }
0x127: {  	v45 =	vld [tilespmem:$0x1FE20]  }
0x128: {  	v6 =	vld [tilespmem:$0x1FE60]  }
0x129: {  	v2 =	vsel vm0, v2, v3;
	v3 =	vld [tilespmem:$0x1FD30];
	v0 =	vor.u32 v0, v1  }
0x12a: {  	[tilespmem:$0x1F890] =	vst v0;
	v0 =	vld [tilespmem:$0x1FE50]  }
0x12b: {  	v10 =	vld [tilespmem:$0x1FB80]  }
0x12c: {  	v46 =	vld [tilespmem:$0x1FE70]  }
0x12d: {  	v7 =	vld [tilespmem:$0x1FE90]  }
0x12e: {  	v47 =	vld [tilespmem:$0x1FD00];
	v3 =	vor.u32 v3, v1  }
0x12f: {  	[tilespmem:$0x1F8B0] =	vst v3;
	v3 =	vld [tilespmem:$0x1FEE0];
	v0 =	vor.u32 s22, v0  }
0x130: {  	[tilespmem:$0x1F8A0] =	vst v0;
	v0 =	vld [tilespmem:$0x1FD80]  }
0x131: {  	v54 =	vld [tilespmem:$0x1FBA0]  }
0x132: {  	v18 =	vld [tilespmem:$0x1FBE0]  }
0x133: {  	v48 =	vld [tilespmem:$0x1FB50]  }
0x134: {  	v49 =	vld [tilespmem:$0x1FB90]  }
0x135: {  	v50 =	vld [tilespmem:$0x1FCF0];
	v3 =	vor.u32 s22, v3;
	v0 =	vsel vm0, v8, v0  }
0x136: {  	v51 =	vld [tilespmem:$0x1FD50];
	v5 =	vor.u32 v5, v1;
	[tilespmem:$0x1F8C0] =	vst v3;
	v3 =	vcombine.low v2, v0  }
0x137: {  	v56 =	vld [tilespmem:$0x1FBB0];
	[tilespmem:$0x1F8D0] =	vst v5;
	v5 =	vor.u32 s22, v43;
	v43 =	vsel vm0, v18, v54  }
0x138: {  	v11 =	vld [tilespmem:$0x1FBF0];
	v0 =	vcombine.low v0, v43;
	v3 =	vor.u32 s22, v3  }
0x139: {  	[tilespmem:$0x1F900] =	vst v3;
	v3 =	vld [tilespmem:$0x1FDF0]  }
0x13a: {  	v59 =	vld [tilespmem:$0x1FBC0];
	v0 =	vor.u32 s22, v0  }
0x13b: {  	[tilespmem:$0x1FA00] =	vst v0;
	v0 =	vld [tilespmem:$0x1FC80]  }
0x13c: {  	v21 =	vld [tilespmem:$0x1FC00]  }
0x13d: {  	v53 =	vld [tilespmem:$0x1FCE0];
	v4 =	vsel vm0, v4, v45  }
0x13e: {  	v55 =	vld [tilespmem:$0x1FDC0];
	[tilespmem:$0x1F8E0] =	vst v5;
	v5 =	vor.u32 v44, v1;
	v44 =	vsel vm0, v11, v56;
	v3 =	vsel vm0, v9, v3  }
0x13f: {  	v57 =	vld [tilespmem:$0x1FCD0];
	[tilespmem:$0x1F8F0] =	vst v5;
	v5 =	vcombine.low v4, v3;
	v3 =	vcombine.low v3, v44  }
0x140: {  	v58 =	vld [tilespmem:$0x1FE30];
	v0 =	vor.u32 v0, v1  }
0x141: {  	v60 =	vld [tilespmem:$0x1FCC0];
	v26 =	vsel vm0, v10, v6;
	[tilespmem:$0x1FA10] =	vst v0;
	v0 =	vsel vm0, v21, v59;
	v3 =	vor.u32 s22, v3  }
0x142: {  	v63 =	vld [tilespmem:$0x1FCB0];
	[tilespmem:$0x1FA20] =	vst v3;
	v3 =	vcombine.low v26, v0  }
0x143: {  	v16 =	vld [tilespmem:$0x1FBD0]  }
0x144: {  	v31 =	vsel vm0, v56, v9;
	v9 =	vor.u32 v57, v1;
	v57 =	vld [tilespmem:$0x1FC20];
	v3 =	vor.u32 s22, v3  }
0x145: {  	v24 =	vmov v25;
	v5 =	vor.u32 s22, v5;
	[tilespmem:$0x1FA40] =	vst v3;
	v3 =	vld [tilespmem:$0x1FC60]  }
0x146: {  	v27 =	vsel vm0, v49, v48;
	v32 =	vsel vm0, v59, v10;
	v59 =	vld [tilespmem:$0x1FC30];
	[tilespmem:$0x1F920] =	vst v5;
	v5 =	vor.u32 v50, v1  }
0x147: {  	v61 =	vld [tilespmem:$0x1FEC0];
	v6 =	vor.u32 v47, v1;
	v30 =	vsel vm0, v54, v8;
	[tilespmem:$0x1F930] =	vst v5;
	v5 =	vcombine.low v51, v27  }
0x148: {  	v19 =	vld [tilespmem:$0x1FCA0];
	v10 =	vor.u32 v63, v1;
	v33 =	vsel vm0, v16, v49;
	[tilespmem:$0x1F910] =	vst v6;
	v6 =	vor.u32 v53, v1  }
0x149: {  	v20 =	vld [tilespmem:$0x1FC90];
	v25 =	vmovc v28;
	v17 =	vcombine.low v58, v31;
	[tilespmem:$0x1F9B0] =	vst v10;
	v49 =	vsel vm0, v57, v18;
	v5 =	vor.u32 s22, v5  }
0x14a: {  	v22 =	vld [tilespmem:$0x1FC10];
	[tilespmem:$0x1F960] =	vst v5;
	v5 =	vcombine.low v55, v30;
	v28 =	vor.u32 v3, v1;
	v3 =	vcombine.low v30, v49  }
0x14b: {  	[tilespmem:$0x1F950] =	vst v6;
	v56 =	vld [tilespmem:$0x1FC70];
	v62 =	vor.u32 s22, v17;
	v30 =	vsel vm0, v59, v11  }
0x14c: {  	v17 =	vld [tilespmem:$0x1FEF0];
	[tilespmem:$0x1F9A0] =	vst v62;
	v5 =	vor.u32 s22, v5;
	v36 =	vor.u32 s22, v3;
	v3 =	vcombine.low v31, v30  }
0x14d: {  	v62 =	vld [tilespmem:$0x1FB40];
	[tilespmem:$0x1F980] =	vst v5;
	v5 =	vor.u32 v60, v1  }
0x14e: {  	v29 =	vsel vm0, v46, v7;
	[tilespmem:$0x1F990] =	vst v5;
	v5 =	vcombine.low v61, v32;
	v38 =	vor.u32 s22, v3;
	v3 =	vld [tilespmem:$0x1FB10]  }
0x14f: {  	v12 =	vcombine.low v29, v26;
	v6 =	vor.u32 v19, v1;
	[tilespmem:$0x1F970] =	vst v9;
	v9 =	vld [tilespmem:$0x1FDA0]  }
0x150: {  	v63 =	vld [tilespmem:$0x1FB00];
	[tilespmem:$0x1F9D0] =	vst v6;
	v5 =	vor.u32 s22, v5  }
0x151: {  	v52 =	vor.u32 s22, v12;
	[tilespmem:$0x1F9C0] =	vst v5;
	v5 =	vcombine.low v17, v33;
	v17 =	vld [tilespmem:$0x1FE10]  }
0x152: {  	v58 =	vld [tilespmem:$0x1FB30];
	[tilespmem:$0x1F940] =	vst v52;
	v6 =	vor.u32 v56, v1;
	v55 =	vsel vm0, v62, v22  }
0x153: {  	v19 =	vld [tilespmem:$0x1FAF0];
	[tilespmem:$0x1FA30] =	vst v6;
	v5 =	vor.u32 s22, v5;
	v39 =	vor.u32 v3, v1;
	v3 =	vcombine.low v33, v55  }
0x154: {  	v23 =	vsel vm0, v22, v16;
	v16 =	vsel vm0, v9, v57;
	v60 =	vld [tilespmem:$0x1FC40];
	[tilespmem:$0x1F9E0] =	vst v5;
	v5 =	vor.u32 v20, v1  }
0x155: {  	v61 =	vld [tilespmem:$0x1FB20];
	[tilespmem:$0x1F9F0] =	vst v5;
	v42 =	vor.u32 s22, v3;
	v3 =	vcombine.low v43, v16  }
0x156: {  	v20 =	vld [tilespmem:$0x1FE80];
	v18 =	vsel vm0, v17, v59;
	_ =	swait.ge [sflag:s12], $0x1000  }
0x157: {  	v46 =	vcombine.low v44, v18;
	v44 =	vor.u32 s22, v3;
	v3 =	vld [tilespmem:$0x1FAE0];
	_ =	sdelay $0x4  }
0x158: {  	v45 =	vor.u32 v3, v1;
	v3 =	vld [tilespmem:$0x1FAD0];
	_ =	sdelay $0x4  }
0x159: {  	v47 =	vor.u32 v3, v1;
	v3 =	vld [tilespmem:$0x1FD60];
	_ =	sdelay $0x1  }
0x15a: {  	v31 =	vsel vm0, v60, v21;
	v21 =	vld [tilespmem:$0x1FDD0];
	_ =	sdelay $0x2  }
0x15b: {  	v3 =	vcombine.low v23, v3;
	_ =	sdelay $0x1  }
0x15c: {  	v5 =	vcombine.low v49, v21;
	v49 =	vor.u32 s22, v3;
	v3 =	vld [tilespmem:$0x1FAB0];
	_ =	sdelay $0x4  }
0x15d: {  	v50 =	vor.u32 v3, v1;
	v3 =	vld [tilespmem:$0x1FE40];
	_ =	sdelay $0x1  }
0x15e: {  	s10 =	sadd.s32 $0x3, s19  }
0x15f: {  	s24 =	sshll.u32 s10, $0x5  }
0x160: {  	s21 =	sor.u32 s8, s24  }
0x161: {  	p4 =	sgt.u32 s21, $0x30C;
	v3 =	vcombine.low v30, v3  }
0x162: {  	s10 =	sshll.u32 @!p4 s10, $0xC;
	s21 =	sshll.u32 @!p4 s21, $0x7;
	v35 =	vor.u32 v58, v1  }
0x163: {  	s23 =	simm.s32 @!p4 $0x400;
	s24 =	simm.s32 @!p4 $0xC3800;
	v32 =	vcombine.low v32, v31;
	[sflag:s12] =	ssyncset.done $0x0;
	v58 =	vsel vm0, v20, v60;
	v53 =	vor.u32 s22, v3;
	v3 =	vld [tilespmem:$0x1FA90]  }
0x164: {  	s10 =	sand.u32 @!p4 $0x3000, s10;
	s21 =	sadd.s32 @!p4 s0, s21;
	v22 =	vld [tilespmem:$0x1FAA0];
	[sflag:s12] =	ssyncadd.s32 $0xFFFFF000;
	v0 =	vcombine.low v0, v58  }
0x165: {  	v40 =	vor.u32 s22, v32;
	v32 =	vld [tilespmem:$0x1FA80];
	[tilespmem:s10], [sflag:$0x1] =	stream.strided.gather @!p4 [hbm4b:s21+s23], $0x1000, s24, s23, $0x38  }
0x166: {  	p4 =	slt.u32 s19, $0x4;
	v48 =	vor.u32 s22, v0;
	v0 =	vld [tilespmem:$0x1FAC0]  }
0x167: {  	v34 =	vcombine.low v27, v23;
	v2 =	vcombine.low v16, v2;
	s23 =	simm.s32 @!p4 $0x2;
	v23 =	vld [tilespmem:$0x1FED0]  }
0x168: {  	v54 =	vor.u32 v3, v1;
	v3 =	vld [tilespmem:$0x1FF00];
	_ =	swait.ge @!p4 [sflag:s23], $0x1000  }
0x169: {  	v59 =	vor.u32 s22, v2;
	v2 =	vld [tilespmem:$0x1FA60];
	_ =	sdelay $0x3  }
0x16a: {  	v34 =	vor.u32 s22, v34;
	v41 =	vor.u32 v63, v1;
	v63 =	vld [tilespmem:$0x1FA70]  }
0x16b: {  	v37 =	vor.u32 v61, v1;
	v43 =	vor.u32 v19, v1;
	v60 =	vor.u32 v2, v1;
	v2 =	vld [tilespmem:$0x1FA50]  }
0x16c: {  	v46 =	vor.u32 s22, v46;
	v33 =	vcombine.low v58, v29;
	v3 =	vcombine.low v55, v3  }
0x16d: {  	s25 =	sand.u32 $0x3, s18;
	v52 =	vor.u32 v22, v1;
	v51 =	vor.u32 s22, v5;
	v5 =	vcombine.low v31, v23  }
0x16e: {  	s10 =	sshll.u32 s25, $0x7;
	v56 =	vor.u32 v32, v1;
	v57 =	vor.u32 s22, v3;
	v3 =	vcombine.low v18, v4  }
0x16f: {  	s21 =	sor.u32 $0x4000, s10;
	v0 =	vor.u32 v0, v1;
	[sflag:s23] =	ssyncset.done @!p4 $0x0;
	v55 =	vor.u32 s22, v5;
	v58 =	vor.u32 v63, v1  }
0x170: {  	[sflag:s23] =	ssyncadd.s32 @!p4 $0xFFFFF000;
	p4 =	por $0x1, $0x1;
	v62 =	vor.u32 s22, v3;
	v63 =	vor.u32 v2, v1;
	v1 =	vor.u32 s22, v33;
	s22 =	simm.s32 $0x0  }
.LBB2_4:
0x171: {  	v16 =	vld [tilespmem:$0x1F850];
	_ =	sdelay $0x3  }
0x172: {  	v30 =	vor.u32 s22, v14  }
0x173: {  	s10 =	sshll.u32 s22, $0x5;
	v19 =	vld [tilespmem:$0x1F860];
	v2 =	vor.u32 v16, v30  }
0x174: {  	v5 =	vmul.u32 $0x84, v14;
	v3 =	vmov s10  }
0x175: {  	v20 =	vld [tilespmem:$0x1F870];
	v29 =	vshll.u32 v3, $0x2  }
0x176: {  	v3 =	vor.u32 v5, v29  }
0x177: {  	v3 =	vand.u32 $0x2600, v3  }
0x178: {  	v3 =	vor.u32 v3, v19;
	v2 =	vld.idx.msk [tilespmem:v2+s4+$0x0], $0xffff  }
0x179: {  	v26 =	vld [tilespmem:$0x1F880]  }
0x17a: {  	v4 =	vor.u32 v20, v30  }
0x17b: {  	s23 =	sor.u32 $0x10, s22;
	v21 =	vld [tilespmem:$0x1F890];
	v6 =	vadd.s32 $0x4, v5  }
0x17c: {  	v31 =	vor.u32 s23, v14;
	s10 =	sshll.u32 s23, $0x5;
	v7 =	vadd.s32 $0x8, v5;
	v32 =	vor.u32 v6, v29  }
0x17d: {  	s24 =	sor.u32 $0x20, s22;
	v33 =	vmov s10;
	v8 =	vor.u32 v16, v31;
	[tilespmem:v3+s14+$0x0] =	vst.idx.msk $0xffff, v2;
	v3 =	vand.u32 $0x2600, v32  }
0x17e: {  	v27 =	vld [tilespmem:$0x1F8B0];
	s10 =	sshll.u32 s24, $0x5;
	v2 =	vor.u32 s24, v14;
	v32 =	vshll.u32 v33, $0x2;
	v9 =	vor.u32 v3, v26  }
0x17f: {  	v11 =	vor.u32 v16, v2;
	v12 =	vld.idx.msk [tilespmem:v4+s4+$0x0], $0xffff;
	v3 =	vmov s10;
	v22 =	vor.u32 v5, v32  }
0x180: {  	s25 =	sor.u32 $0x30, s22;
	v10 =	vor.u32 v21, v30;
	v33 =	vshll.u32 v3, $0x2;
	v4 =	vand.u32 $0x7FFFFE00, v22;
	v22 =	vld [tilespmem:$0x1F8A0]  }
0x181: {  	v13 =	vor.u32 v7, v29;
	v3 =	vor.u32 s25, v14;
	v15 =	vor.u32 v5, v33  }
0x182: {  	v8 =	vld.idx.msk [tilespmem:v8+s4+$0x0], $0xffff;
	s10 =	sshll.u32 s25, $0x5;
	v14 =	vor.u32 v16, v3;
	v16 =	vor.u32 v4, v19;
	v23 =	vand.u32 $0x7FFFFE00, v15  }
0x183: {  	v61 =	vor.u32 v20, v31;
	v15 =	vmov s10;
	v17 =	vor.u32 v23, v19  }
0x184: {  	v18 =	vand.u32 $0x2600, v13;
	v4 =	vshll.u32 v15, $0x2;
	v15 =	vor.u32 v27, v30;
	v11 =	vld.idx.msk [tilespmem:v11+s4+$0x0], $0xffff;
	[tilespmem:v9+s14+$0x0] =	vst.idx.msk $0xffff, v12  }
0x185: {  	v23 =	vor.u32 v6, v33;
	v13 =	vor.u32 v5, v4;
	v10 =	vld.idx.msk [tilespmem:v10+s4+$0x0], $0xffff;
	v9 =	vor.u32 v18, v22  }
0x186: {  	v12 =	vor.u32 v20, v2;
	v13 =	vand.u32 $0x7FFFFE00, v13;
	v18 =	vor.u32 v6, v32  }
0x187: {  	v23 =	vand.u32 $0x7FFFFE00, v23;
	v14 =	vld.idx.msk [tilespmem:v14+s4+$0x0], $0xffff;
	v13 =	vor.u32 v13, v19;
	[tilespmem:v16+s14+$0x0] =	vst.idx.msk $0xffff, v8;
	v8 =	vand.u32 $0x7FFFFE00, v18  }
0x188: {  	v18 =	vor.u32 v20, v3;
	v19 =	vadd.s32 $0xC, v5;
	v61 =	vld.idx.msk [tilespmem:v61+s4+$0x0], $0xffff;
	v8 =	vor.u32 v8, v26  }
0x189: {  	v20 =	vor.u32 v19, v29;
	[tilespmem:v17+s14+$0x0] =	vst.idx.msk $0xffff, v11;
	v11 =	vor.u32 v23, v26;
	v23 =	vld [tilespmem:$0x1F8D0]  }
0x18a: {  	[tilespmem:v9+s14+$0x0] =	vst.idx.msk $0xffff, v10;
	v9 =	vand.u32 $0x2600, v20;
	v20 =	vld [tilespmem:$0x1F8C0]  }
0x18b: {  	v12 =	vld.idx.msk [tilespmem:v12+s4+$0x0], $0xffff  }
0x18c: {  	v6 =	vor.u32 v6, v4;
	v17 =	vor.u32 v21, v31  }
0x18d: {  	v10 =	vor.u32 v21, v2;
	[tilespmem:v13+s14+$0x0] =	vst.idx.msk $0xffff, v14;
	v14 =	vor.u32 v7, v32  }
0x18e: {  	v15 =	vld.idx.msk [tilespmem:v15+s4+$0x0], $0xffff;
	[tilespmem:v8+s14+$0x0] =	vst.idx.msk $0xffff, v61;
	v8 =	vand.u32 $0x7FFFFE00, v14;
	v14 =	vor.u32 v7, v33  }
0x18f: {  	v16 =	vld.idx.msk [tilespmem:v18+s4+$0x0], $0xffff;
	v18 =	vor.u32 v21, v3;
	v21 =	vand.u32 $0x7FFFFE00, v14;
	v9 =	vor.u32 v9, v20  }
0x190: {  	v13 =	vor.u32 v23, v30;
	[tilespmem:v11+s14+$0x0] =	vst.idx.msk $0xffff, v12;
	v11 =	vor.u32 v21, v22;
	v21 =	vld [tilespmem:$0x1F8E0]  }
0x191: {  	v6 =	vand.u32 $0x7FFFFE00, v6  }
0x192: {  	v6 =	vor.u32 v6, v26;
	v61 =	vadd.s32 $0x10, v5  }
0x193: {  	v8 =	vor.u32 v8, v22;
	v17 =	vld.idx.msk [tilespmem:v17+s4+$0x0], $0xffff;
	v12 =	vor.u32 v61, v29  }
0x194: {  	v26 =	vld [tilespmem:$0x1F8F0];
	[tilespmem:v9+s14+$0x0] =	vst.idx.msk $0xffff, v15;
	v9 =	vand.u32 $0x2600, v12  }
0x195: {  	v13 =	vld.idx.msk [tilespmem:v13+s4+$0x0], $0xffff;
	v9 =	vor.u32 v9, v21  }
0x196: {  	v7 =	vor.u32 v7, v4;
	v14 =	vor.u32 v27, v31  }
0x197: {  	v10 =	vld.idx.msk [tilespmem:v10+s4+$0x0], $0xffff;
	[tilespmem:v6+s14+$0x0] =	vst.idx.msk $0xffff, v16;
	v6 =	vand.u32 $0x7FFFFE00, v7;
	v15 =	vor.u32 v19, v32  }
0x198: {  	v16 =	vld.idx.msk [tilespmem:v18+s4+$0x0], $0xffff;
	v6 =	vor.u32 v6, v22;
	v18 =	vadd.s32 $0x14, v5;
	[tilespmem:v8+s14+$0x0] =	vst.idx.msk $0xffff, v17;
	v22 =	vand.u32 $0x7FFFFE00, v15  }
0x199: {  	v12 =	vor.u32 v27, v2;
	v8 =	vor.u32 v22, v20;
	v22 =	vor.u32 v18, v29  }
0x19a: {  	v7 =	vor.u32 v26, v30;
	[tilespmem:v9+s14+$0x0] =	vst.idx.msk $0xffff, v13;
	v9 =	vand.u32 $0x2600, v22;
	v22 =	vld [tilespmem:$0x1F900]  }
0x19b: {  	v17 =	vor.u32 v27, v3;
	v27 =	vld [tilespmem:$0x1F910]  }
0x19c: {  	v14 =	vld.idx.msk [tilespmem:v14+s4+$0x0], $0xffff;
	v15 =	vor.u32 v19, v33  }
0x19d: {  	[tilespmem:v11+s14+$0x0] =	vst.idx.msk $0xffff, v10;
	v10 =	vand.u32 $0x7FFFFE00, v15;
	v15 =	vor.u32 v23, v31  }
0x19e: {  	v10 =	vor.u32 v10, v20;
	v12 =	vld.idx.msk [tilespmem:v12+s4+$0x0], $0xffff;
	v13 =	vor.u32 v19, v4  }
0x19f: {  	[tilespmem:v6+s14+$0x0] =	vst.idx.msk $0xffff, v16;
	v7 =	vld.idx.msk [tilespmem:v7+s4+$0x0], $0xffff;
	v6 =	vand.u32 $0x7FFFFE00, v13;
	v9 =	vor.u32 v9, v22  }
0x1a0: {  	v11 =	vor.u32 v23, v2;
	v13 =	vor.u32 v27, v30;
	v6 =	vor.u32 v6, v20;
	v20 =	vld [tilespmem:$0x1F920]  }
0x1a1: {  	v16 =	vor.u32 v61, v32;
	v17 =	vld.idx.msk [tilespmem:v17+s4+$0x0], $0xffff;
	v19 =	vadd.s32 $0x18, v5;
	[tilespmem:v8+s14+$0x0] =	vst.idx.msk $0xffff, v14  }
0x1a2: {  	v8 =	vand.u32 $0x7FFFFE00, v16;
	v14 =	vor.u32 v61, v33;
	v16 =	vor.u32 v23, v3;
	v15 =	vld.idx.msk [tilespmem:v15+s4+$0x0], $0xffff  }
0x1a3: {  	v8 =	vor.u32 v8, v21;
	v23 =	vand.u32 $0x7FFFFE00, v14;
	[tilespmem:v10+s14+$0x0] =	vst.idx.msk $0xffff, v12;
	v12 =	vor.u32 v19, v29  }
0x1a4: {  	v10 =	vor.u32 v23, v21;
	v23 =	vld [tilespmem:$0x1F930];
	[tilespmem:v9+s14+$0x0] =	vst.idx.msk $0xffff, v7;
	v7 =	vand.u32 $0x2600, v12  }
0x1a5: {  	v13 =	vld.idx.msk [tilespmem:v13+s4+$0x0], $0xffff;
	v7 =	vor.u32 v7, v20  }
0x1a6: {  	v12 =	vor.u32 v61, v4  }
0x1a7: {  	v14 =	vor.u32 v26, v31;
	[tilespmem:v6+s14+$0x0] =	vst.idx.msk $0xffff, v17;
	v61 =	vor.u32 v18, v32;
	v6 =	vand.u32 $0x7FFFFE00, v12  }
0x1a8: {  	v11 =	vld.idx.msk [tilespmem:v11+s4+$0x0], $0xffff;
	[tilespmem:v8+s14+$0x0] =	vst.idx.msk $0xffff, v15;
	v6 =	vor.u32 v6, v21;
	v21 =	vand.u32 $0x7FFFFE00, v61;
	v61 =	vadd.s32 $0x1C, v5  }
0x1a9: {  	v9 =	vor.u32 v26, v2;
	v8 =	vor.u32 v21, v22;
	v21 =	vor.u32 v61, v29  }
0x1aa: {  	v12 =	vor.u32 v23, v30;
	[tilespmem:v7+s14+$0x0] =	vst.idx.msk $0xffff, v13;
	v7 =	vand.u32 $0x2600, v21;
	v21 =	vld [tilespmem:$0x1F940]  }
0x1ab: {  	v16 =	vld.idx.msk [tilespmem:v16+s4+$0x0], $0xffff  }
0x1ac: {  	v15 =	vor.u32 v18, v33;
	v17 =	vor.u32 v26, v3;
	v14 =	vld.idx.msk [tilespmem:v14+s4+$0x0], $0xffff  }
0x1ad: {  	[tilespmem:v10+s14+$0x0] =	vst.idx.msk $0xffff, v11;
	v10 =	vand.u32 $0x7FFFFE00, v15;
	v26 =	vld [tilespmem:$0x1F950]  }
0x1ae: {  	v15 =	vor.u32 v27, v31;
	v10 =	vor.u32 v10, v22;
	v9 =	vld.idx.msk [tilespmem:v9+s4+$0x0], $0xffff  }
0x1af: {  	v13 =	vor.u32 v18, v4;
	v12 =	vld.idx.msk [tilespmem:v12+s4+$0x0], $0xffff;
	v7 =	vor.u32 v7, v21  }
0x1b0: {  	v11 =	vor.u32 v27, v2;
	[tilespmem:v6+s14+$0x0] =	vst.idx.msk $0xffff, v16;
	v6 =	vand.u32 $0x7FFFFE00, v13  }
0x1b1: {  	v18 =	vadd.s32 $0x20, v5;
	v16 =	vor.u32 v19, v32;
	v17 =	vld.idx.msk [tilespmem:v17+s4+$0x0], $0xffff;
	v6 =	vor.u32 v6, v22  }
0x1b2: {  	[tilespmem:v8+s14+$0x0] =	vst.idx.msk $0xffff, v14;
	v22 =	vand.u32 $0x7FFFFE00, v16;
	v14 =	vor.u32 v19, v33;
	v16 =	vor.u32 v27, v3;
	v27 =	vld [tilespmem:$0x1F970]  }
0x1b3: {  	v15 =	vld.idx.msk [tilespmem:v15+s4+$0x0], $0xffff;
	v8 =	vor.u32 v22, v20;
	v22 =	vor.u32 v18, v29;
	[tilespmem:v10+s14+$0x0] =	vst.idx.msk $0xffff, v9  }
0x1b4: {  	v13 =	vor.u32 v26, v30;
	v9 =	vand.u32 $0x7FFFFE00, v14;
	[tilespmem:v7+s14+$0x0] =	vst.idx.msk $0xffff, v12;
	v7 =	vand.u32 $0x2600, v22;
	v22 =	vld [tilespmem:$0x1F960]  }
0x1b5: {  	v11 =	vld.idx.msk [tilespmem:v11+s4+$0x0], $0xffff;
	v9 =	vor.u32 v9, v20  }
0x1b6: {  	v14 =	vor.u32 v23, v31  }
0x1b7: {  	v10 =	vor.u32 v23, v2;
	[tilespmem:v6+s14+$0x0] =	vst.idx.msk $0xffff, v17;
	v12 =	vor.u32 v19, v4  }
0x1b8: {  	v17 =	vor.u32 v61, v32;
	[tilespmem:v8+s14+$0x0] =	vst.idx.msk $0xffff, v15;
	v15 =	vor.u32 v61, v33;
	v6 =	vand.u32 $0x7FFFFE00, v12  }
0x1b9: {  	v13 =	vld.idx.msk [tilespmem:v13+s4+$0x0], $0xffff;
	v6 =	vor.u32 v6, v20;
	v20 =	vand.u32 $0x7FFFFE00, v15;
	v7 =	vor.u32 v7, v22  }
0x1ba: {  	v8 =	vand.u32 $0x7FFFFE00, v17;
	[tilespmem:v9+s14+$0x0] =	vst.idx.msk $0xffff, v11;
	v12 =	vor.u32 v27, v30;
	v9 =	vor.u32 v20, v21;
	v20 =	vld [tilespmem:$0x1F980]  }
0x1bb: {  	v14 =	vld.idx.msk [tilespmem:v14+s4+$0x0], $0xffff;
	v8 =	vor.u32 v8, v21  }
0x1bc: {  	v16 =	vld.idx.msk [tilespmem:v16+s4+$0x0], $0xffff;
	v19 =	vadd.s32 $0x24, v5  }
0x1bd: {  	v17 =	vor.u32 v23, v3;
	v23 =	vor.u32 v19, v29;
	v10 =	vld.idx.msk [tilespmem:v10+s4+$0x0], $0xffff  }
0x1be: {  	[tilespmem:v7+s14+$0x0] =	vst.idx.msk $0xffff, v13;
	v7 =	vand.u32 $0x2600, v23;
	v23 =	vld [tilespmem:$0x1F990]  }
0x1bf: {  	v11 =	vor.u32 v26, v2;
	v12 =	vld.idx.msk [tilespmem:v12+s4+$0x0], $0xffff;
	v7 =	vor.u32 v7, v20  }
0x1c0: {  	v15 =	vor.u32 v26, v31;
	[tilespmem:v8+s14+$0x0] =	vst.idx.msk $0xffff, v14;
	v13 =	vor.u32 v61, v4  }
0x1c1: {  	v14 =	vor.u32 v18, v33;
	[tilespmem:v6+s14+$0x0] =	vst.idx.msk $0xffff, v16;
	v61 =	vor.u32 v18, v32;
	v6 =	vand.u32 $0x7FFFFE00, v13  }
0x1c2: {  	v6 =	vor.u32 v6, v21;
	v21 =	vand.u32 $0x7FFFFE00, v61;
	v61 =	vadd.s32 $0x28, v5  }
0x1c3: {  	[tilespmem:v9+s14+$0x0] =	vst.idx.msk $0xffff, v10;
	v8 =	vor.u32 v21, v22;
	v21 =	vor.u32 v61, v29  }
0x1c4: {  	v9 =	vand.u32 $0x7FFFFE00, v14;
	v13 =	vor.u32 v23, v30;
	[tilespmem:v7+s14+$0x0] =	vst.idx.msk $0xffff, v12;
	v7 =	vand.u32 $0x2600, v21;
	v21 =	vld [tilespmem:$0x1F9A0]  }
0x1c5: {  	v11 =	vld.idx.msk [tilespmem:v11+s4+$0x0], $0xffff;
	v9 =	vor.u32 v9, v22  }
0x1c6: {  	v17 =	vld.idx.msk [tilespmem:v17+s4+$0x0], $0xffff;
	v10 =	vor.u32 v27, v2  }
0x1c7: {  	v16 =	vor.u32 v26, v3;
	v15 =	vld.idx.msk [tilespmem:v15+s4+$0x0], $0xffff  }
0x1c8: {  	v26 =	vld [tilespmem:$0x1F9B0];
	v14 =	vor.u32 v27, v31  }
0x1c9: {  	v13 =	vld.idx.msk [tilespmem:v13+s4+$0x0], $0xffff;
	v7 =	vor.u32 v7, v21  }
0x1ca: {  	[tilespmem:v9+s14+$0x0] =	vst.idx.msk $0xffff, v11;
	v12 =	vor.u32 v18, v4  }
0x1cb: {  	v10 =	vld.idx.msk [tilespmem:v10+s4+$0x0], $0xffff;
	[tilespmem:v6+s14+$0x0] =	vst.idx.msk $0xffff, v17;
	v6 =	vand.u32 $0x7FFFFE00, v12;
	v17 =	vor.u32 v19, v32  }
0x1cc: {  	v18 =	vadd.s32 $0x2C, v5;
	v16 =	vld.idx.msk [tilespmem:v16+s4+$0x0], $0xffff;
	v6 =	vor.u32 v6, v22;
	[tilespmem:v8+s14+$0x0] =	vst.idx.msk $0xffff, v15;
	v22 =	vand.u32 $0x7FFFFE00, v17  }
0x1cd: {  	v15 =	vor.u32 v19, v33;
	v14 =	vld.idx.msk [tilespmem:v14+s4+$0x0], $0xffff;
	v8 =	vor.u32 v22, v20;
	v22 =	vor.u32 v18, v29  }
0x1ce: {  	v12 =	vor.u32 v26, v30;
	v9 =	vand.u32 $0x7FFFFE00, v15;
	[tilespmem:v7+s14+$0x0] =	vst.idx.msk $0xffff, v13;
	v7 =	vand.u32 $0x2600, v22;
	v22 =	vld [tilespmem:$0x1F9C0]  }
0x1cf: {  	v17 =	vor.u32 v27, v3;
	v27 =	vld [tilespmem:$0x1F9D0];
	v9 =	vor.u32 v9, v20;
	_ =	sdelay $0x1  }
0x1d0: {  	[tilespmem:v6+s14+$0x0] =	vst.idx.msk $0xffff, v16;
	v13 =	vor.u32 v19, v4  }
0x1d1: {  	v15 =	vor.u32 v23, v31;
	[tilespmem:v8+s14+$0x0] =	vst.idx.msk $0xffff, v14;
	v14 =	vor.u32 v61, v33;
	v6 =	vand.u32 $0x7FFFFE00, v13  }
0x1d2: {  	v12 =	vld.idx.msk [tilespmem:v12+s4+$0x0], $0xffff;
	v6 =	vor.u32 v6, v20;
	v20 =	vand.u32 $0x7FFFFE00, v14;
	v7 =	vor.u32 v7, v22  }
0x1d3: {  	[tilespmem:v9+s14+$0x0] =	vst.idx.msk $0xffff, v10;
	v13 =	vor.u32 v27, v30;
	v9 =	vor.u32 v20, v21;
	v20 =	vld [tilespmem:$0x1F9E0];
	_ =	sdelay $0x1  }
0x1d4: {  	v11 =	vor.u32 v23, v2;
	v16 =	vor.u32 v61, v32;
	v17 =	vld.idx.msk [tilespmem:v17+s4+$0x0], $0xffff;
	v19 =	vadd.s32 $0x30, v5  }
0x1d5: {  	v8 =	vand.u32 $0x7FFFFE00, v16;
	v16 =	vor.u32 v23, v3;
	v15 =	vld.idx.msk [tilespmem:v15+s4+$0x0], $0xffff;
	v23 =	vor.u32 v19, v29  }
0x1d6: {  	v8 =	vor.u32 v8, v21;
	[tilespmem:v7+s14+$0x0] =	vst.idx.msk $0xffff, v12;
	v7 =	vand.u32 $0x2600, v23;
	v23 =	vld [tilespmem:$0x1F9F0]  }
0x1d7: {  	v13 =	vld.idx.msk [tilespmem:v13+s4+$0x0], $0xffff;
	v7 =	vor.u32 v7, v20  }
0x1d8: {  	v12 =	vor.u32 v61, v4  }
0x1d9: {  	v14 =	vor.u32 v26, v31;
	[tilespmem:v6+s14+$0x0] =	vst.idx.msk $0xffff, v17;
	v61 =	vor.u32 v18, v32;
	v6 =	vand.u32 $0x7FFFFE00, v12  }
0x1da: {  	v6 =	vor.u32 v6, v21;
	v21 =	vand.u32 $0x7FFFFE00, v61;
	v61 =	vadd.s32 $0x34, v5  }
0x1db: {  	[tilespmem:v8+s14+$0x0] =	vst.idx.msk $0xffff, v15;
	v8 =	vor.u32 v21, v22;
	v21 =	vor.u32 v61, v29  }
0x1dc: {  	v12 =	vor.u32 v23, v30;
	[tilespmem:v7+s14+$0x0] =	vst.idx.msk $0xffff, v13;
	v7 =	vand.u32 $0x2600, v21;
	v21 =	vld [tilespmem:$0x1FA00]  }
0x1dd: {  	v11 =	vld.idx.msk [tilespmem:v11+s4+$0x0], $0xffff  }
0x1de: {  	v16 =	vld.idx.msk [tilespmem:v16+s4+$0x0], $0xffff  }
0x1df: {  	v14 =	vld.idx.msk [tilespmem:v14+s4+$0x0], $0xffff  }
0x1e0: {  	v10 =	vor.u32 v26, v2;
	v17 =	vor.u32 v26, v3;
	v26 =	vld [tilespmem:$0x1FA10]  }
0x1e1: {  	v15 =	vor.u32 v18, v33;
	v12 =	vld.idx.msk [tilespmem:v12+s4+$0x0], $0xffff;
	v7 =	vor.u32 v7, v21  }
0x1e2: {  	[tilespmem:v9+s14+$0x0] =	vst.idx.msk $0xffff, v11;
	v9 =	vand.u32 $0x7FFFFE00, v15;
	v15 =	vor.u32 v27, v31;
	v13 =	vor.u32 v18, v4  }
0x1e3: {  	v9 =	vor.u32 v9, v22;
	[tilespmem:v6+s14+$0x0] =	vst.idx.msk $0xffff, v16;
	v6 =	vand.u32 $0x7FFFFE00, v13;
	v16 =	vor.u32 v19, v32  }
0x1e4: {  	v18 =	vadd.s32 $0x38, v5;
	v6 =	vor.u32 v6, v22;
	v22 =	vand.u32 $0x7FFFFE00, v16  }
0x1e5: {  	v10 =	vld.idx.msk [tilespmem:v10+s4+$0x0], $0xffff;
	[tilespmem:v8+s14+$0x0] =	vst.idx.msk $0xffff, v14;
	v8 =	vor.u32 v22, v20;
	v22 =	vor.u32 v18, v29  }
0x1e6: {  	v13 =	vor.u32 v26, v30;
	[tilespmem:v7+s14+$0x0] =	vst.idx.msk $0xffff, v12;
	v7 =	vand.u32 $0x2600, v22;
	v22 =	vld [tilespmem:$0x1FA20]  }
0x1e7: {  	v11 =	vor.u32 v27, v2  }
0x1e8: {  	v17 =	vld.idx.msk [tilespmem:v17+s4+$0x0], $0xffff  }
0x1e9: {  	v16 =	vor.u32 v27, v3;
	v27 =	vld [tilespmem:$0x1FA30]  }
0x1ea: {  	v14 =	vor.u32 v19, v33;
	v15 =	vld.idx.msk [tilespmem:v15+s4+$0x0], $0xffff  }
0x1eb: {  	[tilespmem:v9+s14+$0x0] =	vst.idx.msk $0xffff, v10;
	v9 =	vand.u32 $0x7FFFFE00, v14;
	v13 =	vld.idx.msk [tilespmem:v13+s4+$0x0], $0xffff;
	v7 =	vor.u32 v7, v22  }
0x1ec: {  	v11 =	vld.idx.msk [tilespmem:v11+s4+$0x0], $0xffff;
	v14 =	vor.u32 v23, v31;
	v9 =	vor.u32 v9, v20;
	v12 =	vor.u32 v19, v4  }
0x1ed: {  	v10 =	vor.u32 v23, v2;
	[tilespmem:v6+s14+$0x0] =	vst.idx.msk $0xffff, v17;
	v6 =	vand.u32 $0x7FFFFE00, v12  }
0x1ee: {  	v17 =	vor.u32 v61, v32;
	v16 =	vld.idx.msk [tilespmem:v16+s4+$0x0], $0xffff;
	v19 =	vadd.s32 $0x3C, v5;
	v6 =	vor.u32 v6, v20  }
0x1ef: {  	[tilespmem:v8+s14+$0x0] =	vst.idx.msk $0xffff, v15;
	v8 =	vand.u32 $0x7FFFFE00, v17;
	v17 =	vor.u32 v23, v3;
	v23 =	vor.u32 v19, v29  }
0x1f0: {  	v15 =	vor.u32 v61, v33;
	v12 =	vor.u32 v27, v30;
	[tilespmem:v7+s14+$0x0] =	vst.idx.msk $0xffff, v13;
	v7 =	vand.u32 $0x2600, v23;
	v23 =	vld [tilespmem:$0x1FA40]  }
0x1f1: {  	v14 =	vld.idx.msk [tilespmem:v14+s4+$0x0], $0xffff;
	v8 =	vor.u32 v8, v21;
	[tilespmem:v9+s14+$0x0] =	vst.idx.msk $0xffff, v11;
	v20 =	vand.u32 $0x7FFFFE00, v15  }
0x1f2: {  	v10 =	vld.idx.msk [tilespmem:v10+s4+$0x0], $0xffff;
	v9 =	vor.u32 v20, v21;
	v13 =	vor.u32 v61, v4  }
0x1f3: {  	v15 =	vor.u32 v26, v31;
	[tilespmem:v6+s14+$0x0] =	vst.idx.msk $0xffff, v16;
	v6 =	vand.u32 $0x7FFFFE00, v13  }
0x1f4: {  	v11 =	vor.u32 v26, v2;
	v17 =	vld.idx.msk [tilespmem:v17+s4+$0x0], $0xffff;
	v6 =	vor.u32 v6, v21  }
0x1f5: {  	v16 =	vor.u32 v26, v3;
	v12 =	vld.idx.msk [tilespmem:v12+s4+$0x0], $0xffff;
	v7 =	vor.u32 v7, v23  }
0x1f6: {  	v5 =	vadd.s32 $0x40, v5;
	v20 =	vor.u32 v18, v32;
	[tilespmem:v8+s14+$0x0] =	vst.idx.msk $0xffff, v14;
	v13 =	vor.u32 v28, v30  }
0x1f7: {  	v14 =	vor.u32 v18, v33;
	[tilespmem:v9+s14+$0x0] =	vst.idx.msk $0xffff, v10;
	v10 =	vor.u32 v27, v2;
	v21 =	vand.u32 $0x7FFFFE00, v20  }
0x1f8: {  	v15 =	vld.idx.msk [tilespmem:v15+s4+$0x0], $0xffff;
	v20 =	vand.u32 $0x7FFFFE00, v14;
	v14 =	vor.u32 v27, v31;
	v8 =	vor.u32 v21, v22  }
0x1f9: {  	v11 =	vld.idx.msk [tilespmem:v11+s4+$0x0], $0xffff;
	v21 =	vor.u32 v5, v29;
	v9 =	vor.u32 v20, v22;
	[tilespmem:v6+s14+$0x0] =	vst.idx.msk $0xffff, v17  }
0x1fa: {  	v20 =	vand.u32 $0x2600, v21;
	v16 =	vld.idx.msk [tilespmem:v16+s4+$0x0], $0xffff;
	[tilespmem:v7+s14+$0x0] =	vst.idx.msk $0xffff, v12;
	v12 =	vor.u32 v18, v4  }
0x1fb: {  	v7 =	vor.u32 v20, v34;
	v20 =	vor.u32 v19, v32;
	v13 =	vld.idx.msk [tilespmem:v13+s4+$0x0], $0xffff;
	v21 =	vand.u32 $0x7FFFFE00, v12  }
0x1fc: {  	v12 =	vor.u32 v35, v30;
	v6 =	vor.u32 v21, v22;
	v21 =	vand.u32 $0x7FFFFE00, v20;
	v20 =	vld [tilespmem:$0x1FFF0]  }
0x1fd: {  	v17 =	vor.u32 v27, v3;
	[tilespmem:v8+s14+$0x0] =	vst.idx.msk $0xffff, v15  }
0x1fe: {  	v15 =	vor.u32 v19, v33;
	[tilespmem:v9+s14+$0x0] =	vst.idx.msk $0xffff, v11;
	v11 =	vor.u32 v28, v2  }
0x1ff: {  	v14 =	vld.idx.msk [tilespmem:v14+s4+$0x0], $0xffff;
	v9 =	vand.u32 $0x7FFFFE00, v15;
	v15 =	vor.u32 v28, v31;
	v8 =	vor.u32 v21, v23  }
0x200: {  	v10 =	vld.idx.msk [tilespmem:v10+s4+$0x0], $0xffff;
	v9 =	vor.u32 v9, v23;
	[tilespmem:v7+s14+$0x0] =	vst.idx.msk $0xffff, v13;
	v13 =	vor.u32 v19, v4  }
0x201: {  	v22 =	vor.u32 v20, v29;
	v12 =	vld.idx.msk [tilespmem:v12+s4+$0x0], $0xffff;
	[tilespmem:v6+s14+$0x0] =	vst.idx.msk $0xffff, v16;
	v21 =	vand.u32 $0x7FFFFE00, v13  }
0x202: {  	v18 =	vand.u32 $0x2600, v22;
	v17 =	vld.idx.msk [tilespmem:v17+s4+$0x0], $0xffff;
	v6 =	vor.u32 v21, v23  }
0x203: {  	v16 =	vor.u32 v28, v3;
	v22 =	vor.u32 v5, v32;
	v7 =	vor.u32 v18, v36;
	v18 =	vld [tilespmem:$0x1FFE0]  }
0x204: {  	v13 =	vor.u32 v37, v30;
	[tilespmem:v8+s14+$0x0] =	vst.idx.msk $0xffff, v14;
	v21 =	vand.u32 $0x7FFFFE00, v22  }
0x205: {  	[tilespmem:v9+s14+$0x0] =	vst.idx.msk $0xffff, v10;
	v14 =	vor.u32 v5, v33;
	v15 =	vld.idx.msk [tilespmem:v15+s4+$0x0], $0xffff;
	v8 =	vor.u32 v21, v34  }
0x206: {  	v11 =	vld.idx.msk [tilespmem:v11+s4+$0x0], $0xffff;
	v5 =	vor.u32 v5, v4;
	v22 =	vand.u32 $0x7FFFFE00, v14;
	v14 =	vor.u32 v35, v31  }
0x207: {  	v5 =	vand.u32 $0x7FFFFE00, v5;
	v9 =	vor.u32 v22, v34;
	[tilespmem:v6+s14+$0x0] =	vst.idx.msk $0xffff, v17;
	v17 =	vld [tilespmem:$0x1FFD0]  }
0x208: {  	v21 =	vor.u32 v35, v2;
	v23 =	vor.u32 v18, v29;
	[tilespmem:v7+s14+$0x0] =	vst.idx.msk $0xffff, v12;
	v16 =	vld.idx.msk [tilespmem:v16+s4+$0x0], $0xffff  }
0x209: {  	v5 =	vor.u32 v5, v34;
	v19 =	vand.u32 $0x2600, v23;
	v12 =	vld.idx.msk [tilespmem:v13+s4+$0x0], $0xffff;
	v13 =	vor.u32 v20, v32  }
0x20a: {  	[tilespmem:v8+s14+$0x0] =	vst.idx.msk $0xffff, v15;
	v15 =	vor.u32 v35, v3;
	v7 =	vor.u32 v19, v38;
	v22 =	vand.u32 $0x7FFFFE00, v13  }
0x20b: {  	v6 =	vor.u32 v39, v30;
	v14 =	vld.idx.msk [tilespmem:v14+s4+$0x0], $0xffff;
	v8 =	vor.u32 v22, v36  }
0x20c: {  	[tilespmem:v9+s14+$0x0] =	vst.idx.msk $0xffff, v11;
	v11 =	vor.u32 v37, v2;
	v13 =	vor.u32 v20, v33  }
0x20d: {  	v10 =	vld.idx.msk [tilespmem:v21+s4+$0x0], $0xffff;
	v23 =	vand.u32 $0x7FFFFE00, v13;
	v13 =	vor.u32 v37, v31;
	v19 =	vor.u32 v17, v29  }
0x20e: {  	v9 =	vor.u32 v23, v36;
	v23 =	vor.u32 v18, v32;
	v21 =	vand.u32 $0x2600, v19;
	[tilespmem:v5+s14+$0x0] =	vst.idx.msk $0xffff, v16;
	v19 =	vld [tilespmem:$0x1FFC0]  }
0x20f: {  	v15 =	vld.idx.msk [tilespmem:v15+s4+$0x0], $0xffff;
	[tilespmem:v7+s14+$0x0] =	vst.idx.msk $0xffff, v12;
	v12 =	vor.u32 v20, v4;
	v7 =	vor.u32 v21, v40  }
0x210: {  	v20 =	vand.u32 $0x7FFFFE00, v23;
	v6 =	vld.idx.msk [tilespmem:v6+s4+$0x0], $0xffff;
	v22 =	vand.u32 $0x7FFFFE00, v12;
	[tilespmem:v8+s14+$0x0] =	vst.idx.msk $0xffff, v14;
	v14 =	vor.u32 v18, v33  }
0x211: {  	v8 =	vor.u32 v20, v38;
	v20 =	vor.u32 v18, v4;
	v18 =	vld [tilespmem:$0x1FFB0];
	v5 =	vor.u32 v22, v36  }
0x212: {  	v12 =	vor.u32 v41, v30;
	v13 =	vld.idx.msk [tilespmem:v13+s4+$0x0], $0xffff  }
0x213: {  	v16 =	vor.u32 v37, v3;
	[tilespmem:v9+s14+$0x0] =	vst.idx.msk $0xffff, v10;
	v21 =	vand.u32 $0x7FFFFE00, v14  }
0x214: {  	v14 =	vor.u32 v39, v31;
	v22 =	vor.u32 v19, v29;
	v11 =	vld.idx.msk [tilespmem:v11+s4+$0x0], $0xffff;
	v9 =	vor.u32 v21, v38  }
0x215: {  	v10 =	vor.u32 v43, v30;
	v23 =	vand.u32 $0x2600, v22;
	[tilespmem:v7+s14+$0x0] =	vst.idx.msk $0xffff, v6;
	v7 =	vor.u32 v39, v2  }
0x216: {  	v21 =	vand.u32 $0x7FFFFE00, v20;
	v6 =	vor.u32 v23, v42;
	v20 =	vor.u32 v18, v29;
	[tilespmem:v5+s14+$0x0] =	vst.idx.msk $0xffff, v15  }
0x217: {  	v12 =	vld.idx.msk [tilespmem:v12+s4+$0x0], $0xffff;
	v15 =	vor.u32 v17, v32;
	v5 =	vor.u32 v21, v38;
	[tilespmem:v8+s14+$0x0] =	vst.idx.msk $0xffff, v13  }
0x218: {  	v13 =	vor.u32 v17, v33;
	v16 =	vld.idx.msk [tilespmem:v16+s4+$0x0], $0xffff;
	v22 =	vand.u32 $0x7FFFFE00, v15;
	v15 =	vor.u32 v39, v3  }
0x219: {  	v21 =	vand.u32 $0x2600, v20;
	v14 =	vld.idx.msk [tilespmem:v14+s4+$0x0], $0xffff;
	[tilespmem:v9+s14+$0x0] =	vst.idx.msk $0xffff, v11;
	v23 =	vand.u32 $0x7FFFFE00, v13;
	v8 =	vor.u32 v22, v40  }
0x21a: {  	v13 =	vor.u32 v41, v31;
	v9 =	vor.u32 v23, v40;
	v23 =	vor.u32 v19, v32  }
0x21b: {  	v11 =	vor.u32 v41, v2;
	v20 =	vand.u32 $0x7FFFFE00, v23;
	v23 =	vor.u32 v25, v29;
	v7 =	vld.idx.msk [tilespmem:v7+s4+$0x0], $0xffff  }
0x21c: {  	[tilespmem:v6+s14+$0x0] =	vst.idx.msk $0xffff, v12;
	v12 =	vor.u32 v17, v4;
	v6 =	vor.u32 v21, v44  }
0x21d: {  	v21 =	vor.u32 v41, v3;
	v10 =	vld.idx.msk [tilespmem:v10+s4+$0x0], $0xffff;
	[tilespmem:v5+s14+$0x0] =	vst.idx.msk $0xffff, v16;
	v22 =	vand.u32 $0x7FFFFE00, v12  }
0x21e: {  	v12 =	vor.u32 v45, v30;
	v15 =	vld.idx.msk [tilespmem:v15+s4+$0x0], $0xffff;
	v5 =	vor.u32 v22, v40;
	[tilespmem:v8+s14+$0x0] =	vst.idx.msk $0xffff, v14  }
0x21f: {  	v14 =	vor.u32 v19, v33;
	v8 =	vor.u32 v20, v42;
	v19 =	vor.u32 v19, v4;
	v13 =	vld.idx.msk [tilespmem:v13+s4+$0x0], $0xffff  }
0x220: {  	v22 =	vand.u32 $0x7FFFFE00, v14;
	v14 =	vor.u32 v43, v31;
	v20 =	vand.u32 $0x7FFFFE00, v19;
	v19 =	vld [tilespmem:$0x1FF90];
	[tilespmem:v9+s14+$0x0] =	vst.idx.msk $0xffff, v7  }
0x221: {  	v17 =	vand.u32 $0x2600, v23;
	v7 =	vor.u32 v22, v42;
	v11 =	vld.idx.msk [tilespmem:v11+s4+$0x0], $0xffff  }
0x222: {  	v9 =	vor.u32 v43, v2;
	[tilespmem:v6+s14+$0x0] =	vst.idx.msk $0xffff, v10;
	v6 =	vor.u32 v17, v46  }
0x223: {  	v10 =	vor.u32 v47, v30;
	v12 =	vld.idx.msk [tilespmem:v12+s4+$0x0], $0xffff;
	[tilespmem:v5+s14+$0x0] =	vst.idx.msk $0xffff, v15;
	v15 =	vor.u32 v18, v32  }
0x224: {  	v5 =	vor.u32 v20, v42;
	v16 =	vld.idx.msk [tilespmem:v21+s4+$0x0], $0xffff;
	[tilespmem:v8+s14+$0x0] =	vst.idx.msk $0xffff, v13;
	v21 =	vand.u32 $0x7FFFFE00, v15  }
0x225: {  	v13 =	vor.u32 v18, v33;
	v15 =	vor.u32 v43, v3;
	v23 =	vor.u32 v19, v29;
	v14 =	vld.idx.msk [tilespmem:v14+s4+$0x0], $0xffff  }
0x226: {  	v8 =	vor.u32 v21, v44;
	v22 =	vand.u32 $0x7FFFFE00, v13;
	v13 =	vor.u32 v45, v31;
	[tilespmem:v7+s14+$0x0] =	vst.idx.msk $0xffff, v11  }
0x227: {  	v17 =	vand.u32 $0x2600, v23;
	v21 =	vor.u32 v25, v32;
	v7 =	vor.u32 v22, v44;
	v9 =	vld.idx.msk [tilespmem:v9+s4+$0x0], $0xffff  }
0x228: {  	v11 =	vor.u32 v45, v2;
	[tilespmem:v6+s14+$0x0] =	vst.idx.msk $0xffff, v12;
	v6 =	vor.u32 v17, v48;
	v17 =	vld [tilespmem:$0x1FF80]  }
0x229: {  	v22 =	vand.u32 $0x7FFFFE00, v21;
	v12 =	vor.u32 v18, v4;
	v10 =	vld.idx.msk [tilespmem:v10+s4+$0x0], $0xffff  }
0x22a: {  	[tilespmem:v5+s14+$0x0] =	vst.idx.msk $0xffff, v16;
	v20 =	vand.u32 $0x7FFFFE00, v12;
	v12 =	vor.u32 v0, v30;
	v16 =	vor.u32 v45, v3  }
0x22b: {  	v15 =	vld.idx.msk [tilespmem:v15+s4+$0x0], $0xffff;
	v5 =	vor.u32 v20, v44;
	[tilespmem:v8+s14+$0x0] =	vst.idx.msk $0xffff, v14;
	v14 =	vor.u32 v25, v33  }
0x22c: {  	v8 =	vor.u32 v22, v46;
	v13 =	vld.idx.msk [tilespmem:v13+s4+$0x0], $0xffff;
	v23 =	vand.u32 $0x7FFFFE00, v14;
	[tilespmem:v7+s14+$0x0] =	vst.idx.msk $0xffff, v9  }
0x22d: {  	v14 =	vor.u32 v47, v31;
	v7 =	vor.u32 v23, v46;
	v18 =	vor.u32 v17, v29;
	v11 =	vld.idx.msk [tilespmem:v11+s4+$0x0], $0xffff  }
0x22e: {  	v21 =	vor.u32 v25, v4;
	v9 =	vor.u32 v47, v2;
	[tilespmem:v6+s14+$0x0] =	vst.idx.msk $0xffff, v10;
	v20 =	vand.u32 $0x2600, v18  }
0x22f: {  	v22 =	vand.u32 $0x7FFFFE00, v21;
	v21 =	vor.u32 v24, v29;
	v12 =	vld.idx.msk [tilespmem:v12+s4+$0x0], $0xffff;
	v6 =	vor.u32 v20, v49  }
0x230: {  	v23 =	vor.u32 v50, v30;
	[tilespmem:v5+s14+$0x0] =	vst.idx.msk $0xffff, v15;
	v15 =	vor.u32 v19, v32  }
0x231: {  	v5 =	vor.u32 v22, v46;
	v16 =	vld.idx.msk [tilespmem:v16+s4+$0x0], $0xffff;
	[tilespmem:v8+s14+$0x0] =	vst.idx.msk $0xffff, v13;
	v18 =	vand.u32 $0x7FFFFE00, v15  }
0x232: {  	v13 =	vor.u32 v19, v33;
	v15 =	vor.u32 v47, v3;
	v14 =	vld.idx.msk [tilespmem:v14+s4+$0x0], $0xffff;
	[tilespmem:v7+s14+$0x0] =	vst.idx.msk $0xffff, v11  }
0x233: {  	v8 =	vor.u32 v18, v48;
	v20 =	vand.u32 $0x7FFFFE00, v13;
	v13 =	vor.u32 v0, v31;
	v9 =	vld.idx.msk [tilespmem:v9+s4+$0x0], $0xffff  }
0x234: {  	v22 =	vand.u32 $0x2600, v21;
	v7 =	vor.u32 v20, v48;
	[tilespmem:v6+s14+$0x0] =	vst.idx.msk $0xffff, v12;
	v12 =	vor.u32 v19, v4;
	v19 =	vld [tilespmem:$0x1FF60]  }
0x235: {  	v11 =	vor.u32 v0, v2;
	v6 =	vor.u32 v22, v51;
	v10 =	vld.idx.msk [tilespmem:v23+s4+$0x0], $0xffff  }
0x236: {  	v20 =	vor.u32 v17, v32;
	[tilespmem:v5+s14+$0x0] =	vst.idx.msk $0xffff, v16;
	v23 =	vand.u32 $0x7FFFFE00, v12;
	v12 =	vor.u32 v52, v30  }
0x237: {  	v21 =	vand.u32 $0x7FFFFE00, v20;
	v20 =	vor.u32 v17, v4;
	v15 =	vld.idx.msk [tilespmem:v15+s4+$0x0], $0xffff;
	v5 =	vor.u32 v23, v48  }
0x238: {  	v16 =	vor.u32 v0, v3;
	[tilespmem:v8+s14+$0x0] =	vst.idx.msk $0xffff, v14;
	v14 =	vor.u32 v17, v33  }
0x239: {  	v8 =	vor.u32 v21, v49;
	v13 =	vld.idx.msk [tilespmem:v13+s4+$0x0], $0xffff;
	v22 =	vand.u32 $0x7FFFFE00, v14;
	[tilespmem:v7+s14+$0x0] =	vst.idx.msk $0xffff, v9  }
0x23a: {  	v14 =	vor.u32 v50, v31;
	v23 =	vor.u32 v19, v29;
	v11 =	vld.idx.msk [tilespmem:v11+s4+$0x0], $0xffff;
	[tilespmem:v6+s14+$0x0] =	vst.idx.msk $0xffff, v10  }
0x23b: {  	v7 =	vor.u32 v22, v49;
	v9 =	vor.u32 v50, v2;
	v18 =	vand.u32 $0x2600, v23;
	v12 =	vld.idx.msk [tilespmem:v12+s4+$0x0], $0xffff  }
0x23c: {  	v21 =	vand.u32 $0x7FFFFE00, v20;
	v20 =	vor.u32 v19, v32;
	v6 =	vor.u32 v18, v53;
	[tilespmem:v5+s14+$0x0] =	vst.idx.msk $0xffff, v15;
	v18 =	vld [tilespmem:$0x1FF50]  }
0x23d: {  	v10 =	vor.u32 v54, v30;
	v15 =	vor.u32 v24, v32;
	v5 =	vor.u32 v21, v49;
	v16 =	vld.idx.msk [tilespmem:v16+s4+$0x0], $0xffff  }
0x23e: {  	[tilespmem:v8+s14+$0x0] =	vst.idx.msk $0xffff, v13;
	v22 =	vand.u32 $0x7FFFFE00, v15;
	v13 =	vor.u32 v24, v33;
	v15 =	vor.u32 v50, v3  }
0x23f: {  	v14 =	vld.idx.msk [tilespmem:v14+s4+$0x0], $0xffff;
	v8 =	vor.u32 v22, v51;
	v23 =	vand.u32 $0x7FFFFE00, v13;
	v13 =	vor.u32 v52, v31  }
0x240: {  	v17 =	vld [tilespmem:$0x1FF40];
	[tilespmem:v7+s14+$0x0] =	vst.idx.msk $0xffff, v11;
	v7 =	vor.u32 v23, v51;
	v11 =	vor.u32 v52, v2  }
0x241: {  	v9 =	vld.idx.msk [tilespmem:v9+s4+$0x0], $0xffff;
	v21 =	vor.u32 v18, v29;
	[tilespmem:v6+s14+$0x0] =	vst.idx.msk $0xffff, v12;
	v12 =	vor.u32 v24, v4  }
0x242: {  	v22 =	vand.u32 $0x2600, v21;
	v10 =	vld.idx.msk [tilespmem:v10+s4+$0x0], $0xffff;
	v23 =	vand.u32 $0x7FFFFE00, v12;
	v12 =	vor.u32 v56, v30  }
0x243: {  	[tilespmem:v5+s14+$0x0] =	vst.idx.msk $0xffff, v16;
	v21 =	vand.u32 $0x7FFFFE00, v20;
	v16 =	vor.u32 v52, v3;
	v6 =	vor.u32 v22, v55  }
0x244: {  	v15 =	vld.idx.msk [tilespmem:v15+s4+$0x0], $0xffff;
	v5 =	vor.u32 v23, v51;
	[tilespmem:v8+s14+$0x0] =	vst.idx.msk $0xffff, v14;
	v14 =	vor.u32 v19, v33  }
0x245: {  	v8 =	vor.u32 v21, v53;
	v23 =	vor.u32 v17, v29;
	v21 =	vor.u32 v19, v4  }
0x246: {  	v19 =	vor.u32 v18, v33;
	v13 =	vld.idx.msk [tilespmem:v13+s4+$0x0], $0xffff;
	v22 =	vand.u32 $0x7FFFFE00, v14;
	v14 =	vor.u32 v54, v31  }
0x247: {  	v20 =	vand.u32 $0x2600, v23;
	v23 =	vor.u32 v18, v32;
	[tilespmem:v7+s14+$0x0] =	vst.idx.msk $0xffff, v9;
	v7 =	vor.u32 v22, v53  }
0x248: {  	v9 =	vor.u32 v54, v2;
	v22 =	vand.u32 $0x7FFFFE00, v21;
	v11 =	vld.idx.msk [tilespmem:v11+s4+$0x0], $0xffff;
	[tilespmem:v6+s14+$0x0] =	vst.idx.msk $0xffff, v10  }
0x249: {  	[tilespmem:v5+s14+$0x0] =	vst.idx.msk $0xffff, v15;
	v5 =	vor.u32 v22, v53;
	v22 =	vor.u32 v18, v4;
	v18 =	vld [tilespmem:$0x1FF30]  }
0x24a: {  	v6 =	vor.u32 v20, v57;
	v12 =	vld.idx.msk [tilespmem:v12+s4+$0x0], $0xffff  }
0x24b: {  	v15 =	vld.idx.msk [tilespmem:v16+s4+$0x0], $0xffff  }
0x24c: {  	[tilespmem:v8+s14+$0x0] =	vst.idx.msk $0xffff, v13;
	v16 =	vand.u32 $0x7FFFFE00, v23;
	v13 =	vor.u32 v54, v3  }
0x24d: {  	v20 =	vand.u32 $0x7FFFFE00, v19;
	v14 =	vld.idx.msk [tilespmem:v14+s4+$0x0], $0xffff;
	v8 =	vor.u32 v16, v55;
	[tilespmem:v7+s14+$0x0] =	vst.idx.msk $0xffff, v11  }
0x24e: {  	v21 =	vor.u32 v56, v31;
	v7 =	vor.u32 v20, v55;
	v9 =	vld.idx.msk [tilespmem:v9+s4+$0x0], $0xffff  }
0x24f: {  	[tilespmem:v6+s14+$0x0] =	vst.idx.msk $0xffff, v12;
	v6 =	vor.u32 v56, v2  }
0x250: {  	v23 =	vand.u32 $0x7FFFFE00, v22;
	v19 =	vor.u32 v18, v29;
	v12 =	vor.u32 v58, v30;
	[tilespmem:v5+s14+$0x0] =	vst.idx.msk $0xffff, v15  }
0x251: {  	v15 =	vor.u32 v17, v32;
	v5 =	vor.u32 v23, v55;
	v23 =	vor.u32 v17, v4;
	v13 =	vld.idx.msk [tilespmem:v13+s4+$0x0], $0xffff  }
0x252: {  	[tilespmem:v8+s14+$0x0] =	vst.idx.msk $0xffff, v14;
	v20 =	vand.u32 $0x7FFFFE00, v15;
	v14 =	vor.u32 v17, v33;
	v15 =	vor.u32 v56, v3;
	v17 =	vld [tilespmem:$0x1FF20]  }
0x253: {  	v10 =	vld.idx.msk [tilespmem:v21+s4+$0x0], $0xffff;
	v8 =	vor.u32 v20, v57;
	v21 =	vand.u32 $0x7FFFFE00, v14;
	[tilespmem:v7+s14+$0x0] =	vst.idx.msk $0xffff, v9  }
0x254: {  	v22 =	vand.u32 $0x2600, v19;
	v7 =	vor.u32 v21, v57;
	v6 =	vld.idx.msk [tilespmem:v6+s4+$0x0], $0xffff  }
0x255: {  	v11 =	vor.u32 v58, v31;
	v9 =	vor.u32 v22, v59;
	v12 =	vld.idx.msk [tilespmem:v12+s4+$0x0], $0xffff  }
0x256: {  	v14 =	vor.u32 v58, v2;
	v20 =	vand.u32 $0x7FFFFE00, v23;
	[tilespmem:v5+s14+$0x0] =	vst.idx.msk $0xffff, v13  }
0x257: {  	v23 =	vor.u32 v18, v33;
	v13 =	vor.u32 v60, v30;
	v5 =	vor.u32 v20, v57;
	v15 =	vld.idx.msk [tilespmem:v15+s4+$0x0], $0xffff  }
0x258: {  	v21 =	vor.u32 v18, v32;
	v20 =	vor.u32 v58, v3;
	[tilespmem:v8+s14+$0x0] =	vst.idx.msk $0xffff, v10  }
0x259: {  	v22 =	vand.u32 $0x7FFFFE00, v21;
	v21 =	vand.u32 $0x7FFFFE00, v23;
	[tilespmem:v7+s14+$0x0] =	vst.idx.msk $0xffff, v6  }
0x25a: {  	v23 =	vor.u32 v17, v29;
	v8 =	vor.u32 v22, v59;
	v11 =	vld.idx.msk [tilespmem:v11+s4+$0x0], $0xffff;
	[tilespmem:v9+s14+$0x0] =	vst.idx.msk $0xffff, v12  }
0x25b: {  	v7 =	vor.u32 v60, v31;
	v6 =	vor.u32 v21, v59;
	v22 =	vld.idx.msk [tilespmem:v14+s4+$0x0], $0xffff;
	v14 =	vor.u32 v18, v4  }
0x25c: {  	v12 =	vor.u32 v60, v2;
	v19 =	vld.idx.msk [tilespmem:v13+s4+$0x0], $0xffff;
	[tilespmem:v5+s14+$0x0] =	vst.idx.msk $0xffff, v15;
	v13 =	vand.u32 $0x7FFFFE00, v14  }
0x25d: {  	v10 =	vand.u32 $0x2600, v23;
	v14 =	vor.u32 v17, v32;
	v15 =	vld.idx.msk [tilespmem:v20+s4+$0x0], $0xffff;
	v13 =	vor.u32 v13, v59  }
0x25e: {  	v61 =	vld [tilespmem:$0x1FC50];
	v10 =	vor.u32 v10, v62;
	v20 =	vand.u32 $0x7FFFFE00, v14;
	v14 =	vor.u32 v60, v3  }
0x25f: {  	v21 =	vor.u32 v17, v33;
	[tilespmem:v8+s14+$0x0] =	vst.idx.msk $0xffff, v11  }
0x260: {  	v2 =	vor.u32 v63, v2;
	v23 =	vor.u32 v20, v62;
	[tilespmem:v6+s14+$0x0] =	vst.idx.msk $0xffff, v22;
	v22 =	vld.idx.msk [tilespmem:v7+s4+$0x0], $0xffff  }
0x261: {  	v16 =	vand.u32 $0x7FFFFE00, v21;
	v18 =	vor.u32 v63, v30;
	v9 =	vld.idx.msk [tilespmem:v12+s4+$0x0], $0xffff;
	v12 =	vor.u32 v17, v4  }
0x262: {  	v8 =	vor.u32 v16, v62;
	[tilespmem:v13+s14+$0x0] =	vst.idx.msk $0xffff, v15;
	v13 =	vor.u32 v63, v31;
	v12 =	vand.u32 $0x7FFFFE00, v12  }
0x263: {  	v21 =	vor.u32 v61, v29;
	[tilespmem:v10+s14+$0x0] =	vst.idx.msk $0xffff, v19;
	v19 =	vld.idx.msk [tilespmem:v14+s4+$0x0], $0xffff;
	v20 =	vor.u32 v12, v62  }
0x264: {  	v3 =	vor.u32 v63, v3;
	v6 =	vand.u32 $0x2600, v21  }
0x265: {  	v6 =	vor.u32 v6, v1;
	[tilespmem:v23+s14+$0x0] =	vst.idx.msk $0xffff, v22;
	v22 =	vor.u32 v61, v32  }
0x266: {  	v4 =	vor.u32 v61, v4;
	v23 =	vld.idx.msk [tilespmem:v18+s4+$0x0], $0xffff;
	v32 =	vor.u32 v61, v33;
	v7 =	vand.u32 $0x7FFFFE00, v22  }
0x267: {  	[tilespmem:v8+s14+$0x0] =	vst.idx.msk $0xffff, v9;
	v9 =	vand.u32 $0x7FFFFE00, v32;
	v33 =	vld.idx.msk [tilespmem:v13+s4+$0x0], $0xffff;
	v7 =	vor.u32 v7, v1  }
0x268: {  	v4 =	vand.u32 $0x7FFFFE00, v4;
	v2 =	vld.idx.msk [tilespmem:v2+s4+$0x0], $0xffff;
	v61 =	vor.u32 v9, v1;
	[tilespmem:v20+s14+$0x0] =	vst.idx.msk $0xffff, v19  }
0x269: {  	p5 =	por p4, p4;
	v4 =	vor.u32 v4, v1;
	v3 =	vld.idx.msk [tilespmem:v3+s4+$0x0], $0xffff  }
.Ltmp5:
0x26a: {  	_ = 	snop;
	(pc) =	sbr.rel @p5 .LBB2_4-.Ltmp5, $4  }
0x26b: {  	[tilespmem:v6+s14+$0x0] =	vst.idx.msk $0xffff, v23  }
0x26c: {  	[tilespmem:v7+s14+$0x0] =	vst.idx.msk $0xffff, v33  }
0x26d: {  	[tilespmem:v61+s14+$0x0] =	vst.idx.msk $0xffff, v2  }
0x26e: {  	s22 =	simm.s32 $0x40;
	p4 =	por $0x0, $0x0;
	v14 =	vlaneseq.u32;
	[tilespmem:v4+s14+$0x0] =	vst.idx.msk $0xffff, v3  }
0x26f: {  	s10 =	sshll.u32 s20, $0x9  }
0x270: {  	s20 =	sadd.s32 s7, s10  }
0x271: {  	s22 =	simm.s32 $0x10;
	s23 =	sadd.s32 $0x200, s21;
	s10 =	sadd.s32 $0x0, s20  }
.LBB2_6:
0x272: {  	[hbm4b:s10+s4] =	stream.linear.scatter [tilespmem:s21], [sflag:$0x2], $0x80, $0x38;
	[tilespmem:$0x8000] =	vst v63  }
0x273: {  	s10 =	smov.u32 s22;
	s21 =	smov.u32 s23;
	p4 =	sne.s32 s22, $0x1F0  }
.Ltmp6:
0x274: {  	s22 =	sadd.s32 $0x10, s22;
	(pc) =	sbr.rel @p4 .LBB2_6-.Ltmp6, $2  }
0x275: {  	_ =	sdelay $0x2  }
0x276: {  	s23 =	sadd.s32 $0x200, s23;
	s10 =	sadd.s32 s10, s20  }
.Ltmp7:
0x277: {  	(pc) =	sbr.rel .LBB2_8-.Ltmp7, $3  }
0x278: {  	_ =	sdelay $0x1  }
0x279: {  	v25 =	vld [tilespmem:$0x1FF70]  }
0x27a: {  	[hbm4b:s10+s4] =	stream.linear.scatter [tilespmem:s21], [sflag:$0x2], $0x80, $0x38;
	v28 =	vld [tilespmem:$0x1FFA0]  }
.LBB2_9:
0x27b: {  	s10 =	simm.s32 @!p1 $0x2  }
0x27c: {  	_ =	swait.ge @!p1 [sflag:s10], $0x1000  }
0x27d: {  	[sflag:s10] =	ssyncset.done @!p1 $0x0  }
0x27e: {  	[sflag:s10] =	ssyncadd.s32 @!p1 $0xFFFFF000  }
0x27f: {  	_ =	swait.ge [sflag:s15], $0x1000  }
0x280: {  	[sflag:s15] =	ssyncset.done $0x0  }
0x281: {  	[sflag:s15] =	ssyncadd.s32 $0xFFFFF000  }
0x282: {  	_ =	swait.ge [sflag:s15], $0x1000  }
0x283: {  	[sflag:s15] =	ssyncset.done $0x0  }
0x284: {  	[sflag:s15] =	ssyncadd.s32 $0xFFFFF000  }
0x285: {  	_ =	swait.ge [sflag:s15], $0x1000  }
0x286: {  	[sflag:s15] =	ssyncset.done $0x0  }
0x287: {  	s10 =	simm.s32 @!p0 $0x2;
	[sflag:s15] =	ssyncadd.s32 $0xFFFFF000  }
0x288: {  	_ =	swait.ge @!p0 [sflag:s10], $0x1000  }
0x289: {  	[sflag:s10] =	ssyncset.done @!p0 $0x0  }
0x28a: {  	[sflag:s10] =	ssyncadd.s32 @!p0 $0xFFFFF000  }
0x28b: {  	s18 =	simm.s32 @!p2 $0x4000;
	s10 =	simm.s32 @!p2 $0x0;
	s11 =	rddreg [dreg:$0x2]  }
0x28c: {  	[tilespmem:s18], [sflag:$0x3] =	stream.linear.gather @!p2 [hbm4b:s11+s10], $0x80, $0x38;
	[tilespmem:$0x8000] =	vst v63  }
0x28d: {  	s19 =	simm.s32 @!p2 $0x4200  }
0x28e: {  	[tilespmem:s19], [sflag:$0x3] =	stream.linear.gather @!p2 [hbm4b:s26+s10], $0x80, $0x38;
	[tilespmem:$0x8000] =	vst v63  }
0x28f: {  	s20 =	simm.s32 @!p2 $0x4400  }
0x290: {  	[tilespmem:s20], [sflag:$0x3] =	stream.linear.gather @!p2 [hbm4b:s28+s10], $0x80, $0x38;
	[tilespmem:$0x8000] =	vst v63  }
0x291: {  	s21 =	simm.s32 @!p2 $0x4600  }
0x292: {  	[tilespmem:s21], [sflag:$0x3] =	stream.linear.gather @!p2 [hbm4b:s29+s10], $0x80, $0x38;
	[tilespmem:$0x8000] =	vst v63  }
0x293: {  	s22 =	simm.s32 @!p2 $0x4800  }
0x294: {  	[tilespmem:s22], [sflag:$0x3] =	stream.linear.gather @!p2 [hbm4b:s30+s10], $0x80, $0x38;
	[tilespmem:$0x8000] =	vst v63  }
0x295: {  	s23 =	simm.s32 @!p2 $0x4A00  }
0x296: {  	[tilespmem:s23], [sflag:$0x3] =	stream.linear.gather @!p2 [hbm4b:s31+s10], $0x80, $0x38;
	[tilespmem:$0x8000] =	vst v63  }
0x297: {  	s24 =	simm.s32 @!p2 $0x4C00  }
0x298: {  	[tilespmem:s24], [sflag:$0x3] =	stream.linear.gather @!p2 [hbm4b:s3+s10], $0x80, $0x38;
	[tilespmem:$0x8000] =	vst v63  }
0x299: {  	s25 =	simm.s32 @!p2 $0x3;
	s11 =	simm.s32 @!p2 $0x4E00  }
0x29a: {  	[tilespmem:s11], [sflag:$0x3] =	stream.linear.gather @!p2 [hbm4b:s5+s10], $0x80, $0x38;
	[tilespmem:$0x8000] =	vst v63  }
0x29b: {  	_ =	swait.ge @!p2 [sflag:s25], $0x400  }
0x29c: {  	[sflag:s25] =	ssyncset.done @!p2 $0x0  }
0x29d: {  	[sflag:s25] =	ssyncadd.s32 @!p2 $0xFFFFFC00  }
0x29e: {  	[hbm4b:s13+s10] =	stream.linear.scatter @!p2 [tilespmem:s18], [sflag:$0x3], $0x80, $0x38;
	[tilespmem:$0x8000] =	vst v63  }
0x29f: {  	s18 =	sadd.s32 @!p2 $0x10, s13  }
0x2a0: {  	[hbm4b:s18+s10] =	stream.linear.scatter @!p2 [tilespmem:s19], [sflag:$0x3], $0x80, $0x38;
	[tilespmem:$0x8000] =	vst v63  }
0x2a1: {  	s18 =	sadd.s32 @!p2 $0x20, s13  }
0x2a2: {  	[hbm4b:s18+s10] =	stream.linear.scatter @!p2 [tilespmem:s20], [sflag:$0x3], $0x80, $0x38;
	[tilespmem:$0x8000] =	vst v63  }
0x2a3: {  	s18 =	sadd.s32 @!p2 $0x30, s13  }
0x2a4: {  	[hbm4b:s18+s10] =	stream.linear.scatter @!p2 [tilespmem:s21], [sflag:$0x3], $0x80, $0x38;
	[tilespmem:$0x8000] =	vst v63  }
0x2a5: {  	s18 =	sadd.s32 @!p2 $0x40, s13  }
0x2a6: {  	[hbm4b:s18+s10] =	stream.linear.scatter @!p2 [tilespmem:s22], [sflag:$0x3], $0x80, $0x38;
	[tilespmem:$0x8000] =	vst v63  }
0x2a7: {  	s18 =	sadd.s32 @!p2 $0x50, s13  }
0x2a8: {  	[hbm4b:s18+s10] =	stream.linear.scatter @!p2 [tilespmem:s23], [sflag:$0x3], $0x80, $0x38;
	[tilespmem:$0x8000] =	vst v63  }
0x2a9: {  	s18 =	sadd.s32 @!p2 $0x60, s13  }
0x2aa: {  	[hbm4b:s18+s10] =	stream.linear.scatter @!p2 [tilespmem:s24], [sflag:$0x3], $0x80, $0x38;
	[tilespmem:$0x8000] =	vst v63  }
0x2ab: {  	s18 =	sadd.s32 @!p2 $0x70, s13  }
0x2ac: {  	[hbm4b:s18+s10] =	stream.linear.scatter @!p2 [tilespmem:s11], [sflag:$0x3], $0x80, $0x38;
	[tilespmem:$0x8000] =	vst v63  }
0x2ad: {  	_ =	swait.ge @!p2 [sflag:s25], $0x400  }
0x2ae: {  	p4 =	por @!p0 $0x0, $0x0;
	p5 =	por @!p2 $0x1, $0x1;
	[sflag:s25] =	ssyncset.done @!p2 $0x0  }
0x2af: {  	s18 =	simm.s32 $0x0;
	s21 =	rddreg [dreg:$0x9];
	[sflag:s25] =	ssyncadd.s32 @!p2 $0xFFFFFC00  }
0x2b0: {  	[tilespmem:s18], [sflag:$0x1] =	stream.strided.gather [hbm4b:s21+s2], $0x1000, s6, s2, $0x38;
	[tilespmem:$0x8000] =	vst v63  }
.Ltmp8:
0x2b1: {  	p5 =	por @!p3 p4, p4;
	p4 =	por $0x0, $0x0;
	(pc) =	sbr.rel .LBB2_10-.Ltmp8, $4  }
0x2b2: {  	p4 =	por @!p0 p5, p5;
	s23 =	simm.s32 $0x1000;
	s22 =	rddreg [dreg:$0xa]  }
0x2b3: {  	[tilespmem:s23], [sflag:$0x1] =	stream.strided.gather [hbm4b:s22+s2], $0x1000, s6, s2, $0x38;
	[tilespmem:$0x8000] =	vst v63  }
0x2b4: {  	s19 =	simm.s32 $0x0;
	s24 =	rddreg [dreg:$0xb];
	s25 =	simm.s32 $0x2000  }
0x2b5: {  	[tilespmem:s25], [sflag:$0x1] =	stream.strided.gather [hbm4b:s24+s2], $0x1000, s6, s2, $0x38;
	[tilespmem:$0x8000] =	vst v63  }
.LBB2_16:
0x2b6: {  	s19 =	sadd.s32 $0x1, s19  }
0x2b7: {  	p5 =	sne.s32 s19, $0x19  }
.Ltmp9:
0x2b8: {  	_ = 	snop;
	(pc) =	sbr.rel @!p5 .LBB2_17-.Ltmp9, $2  }
0x2b9: {  	_ =	sdelay $0x2  }
0x2ba: {  	s18 =	sadd.s32 $0x1, s18  }
.LBB2_10:
0x2bb: {  	s10 =	sshll.u32 s19, $0x5  }
0x2bc: {  	s20 =	sor.u32 s8, s10  }
0x2bd: {  	p5 =	sgt.u32 s20, $0x30C  }
.Ltmp10:
0x2be: {  	_ = 	snop;
	(pc) =	sbr.rel @p5 .LBB2_16-.Ltmp10, $1  }
0x2bf: {  	_ =	sdelay $0x3  }
0x2c0: {  	s10 =	sand.u32 $0x3, s19  }
0x2c1: {  	s11 =	sshll.u32 s10, $0x5  }
0x2c2: {  	v0 =	vmov s11  }
0x2c3: {  	v1 =	vshll.u32 v0, $0x7;
	v0 =	vld [tilespmem:$0x1FEA0];
	_ =	sdelay $0x4  }
0x2c4: {  	v0 =	vor.u32 v0, v1  }
0x2c5: {  	[tilespmem:$0x1F650] =	vst v0;
	v0 =	vld [tilespmem:$0x1FD70];
	_ =	sdelay $0x3  }
0x2c6: {  	s22 =	sshll.u32 s10, $0x7  }
0x2c7: {  	v0 =	vor.u32 s22, v0  }
0x2c8: {  	[tilespmem:$0x1F660] =	vst v0;
	v0 =	vld [tilespmem:$0x1FEB0];
	_ =	sdelay $0x4  }
0x2c9: {  	v8 =	vld [tilespmem:$0x1FB60];
	v0 =	vor.u32 v0, v1  }
0x2ca: {  	[tilespmem:$0x1F670] =	vst v0;
	v0 =	vld [tilespmem:$0x1FDE0]  }
0x2cb: {  	v2 =	vld [tilespmem:$0x1FD90]  }
0x2cc: {  	v3 =	vld [tilespmem:$0x1FDB0]  }
0x2cd: {  	v5 =	vld [tilespmem:$0x1FD20]  }
0x2ce: {  	v43 =	vld [tilespmem:$0x1FF10]  }
0x2cf: {  	v44 =	vld [tilespmem:$0x1FD10];
	v0 =	vor.u32 s22, v0  }
0x2d0: {  	[tilespmem:$0x1F680] =	vst v0;
	v0 =	vld [tilespmem:$0x1FD40]  }
0x2d1: {  	v9 =	vld [tilespmem:$0x1FB70]  }
0x2d2: {  	v4 =	vld [tilespmem:$0x1FE00]  }
0x2d3: {  	v45 =	vld [tilespmem:$0x1FE20]  }
0x2d4: {  	v6 =	vld [tilespmem:$0x1FE60]  }
0x2d5: {  	v2 =	vsel vm0, v2, v3;
	v3 =	vld [tilespmem:$0x1FD30];
	v0 =	vor.u32 v0, v1  }
0x2d6: {  	[tilespmem:$0x1F690] =	vst v0;
	v0 =	vld [tilespmem:$0x1FE50]  }
0x2d7: {  	v10 =	vld [tilespmem:$0x1FB80]  }
0x2d8: {  	v46 =	vld [tilespmem:$0x1FE70]  }
0x2d9: {  	v7 =	vld [tilespmem:$0x1FE90]  }
0x2da: {  	v47 =	vld [tilespmem:$0x1FD00];
	v3 =	vor.u32 v3, v1  }
0x2db: {  	[tilespmem:$0x1F6B0] =	vst v3;
	v3 =	vld [tilespmem:$0x1FEE0];
	v0 =	vor.u32 s22, v0  }
0x2dc: {  	[tilespmem:$0x1F6A0] =	vst v0;
	v0 =	vld [tilespmem:$0x1FD80]  }
0x2dd: {  	v54 =	vld [tilespmem:$0x1FBA0]  }
0x2de: {  	v18 =	vld [tilespmem:$0x1FBE0]  }
0x2df: {  	v48 =	vld [tilespmem:$0x1FB50]  }
0x2e0: {  	v49 =	vld [tilespmem:$0x1FB90]  }
0x2e1: {  	v50 =	vld [tilespmem:$0x1FCF0];
	v3 =	vor.u32 s22, v3;
	v0 =	vsel vm0, v8, v0  }
0x2e2: {  	v51 =	vld [tilespmem:$0x1FD50];
	v5 =	vor.u32 v5, v1;
	[tilespmem:$0x1F6C0] =	vst v3;
	v3 =	vcombine.low v2, v0  }
0x2e3: {  	v56 =	vld [tilespmem:$0x1FBB0];
	[tilespmem:$0x1F6D0] =	vst v5;
	v5 =	vor.u32 s22, v43;
	v43 =	vsel vm0, v18, v54  }
0x2e4: {  	v11 =	vld [tilespmem:$0x1FBF0];
	v0 =	vcombine.low v0, v43;
	v3 =	vor.u32 s22, v3  }
0x2e5: {  	[tilespmem:$0x1F700] =	vst v3;
	v3 =	vld [tilespmem:$0x1FDF0]  }
0x2e6: {  	v59 =	vld [tilespmem:$0x1FBC0];
	v0 =	vor.u32 s22, v0  }
0x2e7: {  	[tilespmem:$0x1F800] =	vst v0;
	v0 =	vld [tilespmem:$0x1FC80]  }
0x2e8: {  	v21 =	vld [tilespmem:$0x1FC00]  }
0x2e9: {  	v53 =	vld [tilespmem:$0x1FCE0];
	v4 =	vsel vm0, v4, v45  }
0x2ea: {  	v55 =	vld [tilespmem:$0x1FDC0];
	[tilespmem:$0x1F6E0] =	vst v5;
	v5 =	vor.u32 v44, v1;
	v44 =	vsel vm0, v11, v56;
	v3 =	vsel vm0, v9, v3  }
0x2eb: {  	v57 =	vld [tilespmem:$0x1FCD0];
	[tilespmem:$0x1F6F0] =	vst v5;
	v5 =	vcombine.low v4, v3;
	v3 =	vcombine.low v3, v44  }
0x2ec: {  	v58 =	vld [tilespmem:$0x1FE30];
	v0 =	vor.u32 v0, v1  }
0x2ed: {  	v60 =	vld [tilespmem:$0x1FCC0];
	v26 =	vsel vm0, v10, v6;
	[tilespmem:$0x1F810] =	vst v0;
	v0 =	vsel vm0, v21, v59;
	v3 =	vor.u32 s22, v3  }
0x2ee: {  	v63 =	vld [tilespmem:$0x1FCB0];
	[tilespmem:$0x1F820] =	vst v3;
	v3 =	vcombine.low v26, v0  }
0x2ef: {  	v16 =	vld [tilespmem:$0x1FBD0]  }
0x2f0: {  	v31 =	vsel vm0, v56, v9;
	v9 =	vor.u32 v57, v1;
	v57 =	vld [tilespmem:$0x1FC20];
	v3 =	vor.u32 s22, v3  }
0x2f1: {  	v24 =	vmov v25;
	v5 =	vor.u32 s22, v5;
	[tilespmem:$0x1F840] =	vst v3;
	v3 =	vld [tilespmem:$0x1FC60]  }
0x2f2: {  	v27 =	vsel vm0, v49, v48;
	v32 =	vsel vm0, v59, v10;
	v59 =	vld [tilespmem:$0x1FC30];
	[tilespmem:$0x1F720] =	vst v5;
	v5 =	vor.u32 v50, v1  }
0x2f3: {  	v61 =	vld [tilespmem:$0x1FEC0];
	v6 =	vor.u32 v47, v1;
	v30 =	vsel vm0, v54, v8;
	[tilespmem:$0x1F730] =	vst v5;
	v5 =	vcombine.low v51, v27  }
0x2f4: {  	v19 =	vld [tilespmem:$0x1FCA0];
	v10 =	vor.u32 v63, v1;
	v33 =	vsel vm0, v16, v49;
	[tilespmem:$0x1F710] =	vst v6;
	v6 =	vor.u32 v53, v1  }
0x2f5: {  	v20 =	vld [tilespmem:$0x1FC90];
	v25 =	vmovc v28;
	v17 =	vcombine.low v58, v31;
	[tilespmem:$0x1F7B0] =	vst v10;
	v49 =	vsel vm0, v57, v18;
	v5 =	vor.u32 s22, v5  }
0x2f6: {  	v22 =	vld [tilespmem:$0x1FC10];
	[tilespmem:$0x1F760] =	vst v5;
	v5 =	vcombine.low v55, v30;
	v28 =	vor.u32 v3, v1;
	v3 =	vcombine.low v30, v49  }
0x2f7: {  	[tilespmem:$0x1F750] =	vst v6;
	v56 =	vld [tilespmem:$0x1FC70];
	v62 =	vor.u32 s22, v17;
	v30 =	vsel vm0, v59, v11  }
0x2f8: {  	v17 =	vld [tilespmem:$0x1FEF0];
	[tilespmem:$0x1F7A0] =	vst v62;
	v5 =	vor.u32 s22, v5;
	v36 =	vor.u32 s22, v3;
	v3 =	vcombine.low v31, v30  }
0x2f9: {  	v62 =	vld [tilespmem:$0x1FB40];
	[tilespmem:$0x1F780] =	vst v5;
	v5 =	vor.u32 v60, v1  }
0x2fa: {  	v29 =	vsel vm0, v46, v7;
	[tilespmem:$0x1F790] =	vst v5;
	v5 =	vcombine.low v61, v32;
	v38 =	vor.u32 s22, v3;
	v3 =	vld [tilespmem:$0x1FB10]  }
0x2fb: {  	v12 =	vcombine.low v29, v26;
	v6 =	vor.u32 v19, v1;
	[tilespmem:$0x1F770] =	vst v9;
	v9 =	vld [tilespmem:$0x1FDA0]  }
0x2fc: {  	v63 =	vld [tilespmem:$0x1FB00];
	[tilespmem:$0x1F7D0] =	vst v6;
	v5 =	vor.u32 s22, v5  }
0x2fd: {  	v52 =	vor.u32 s22, v12;
	[tilespmem:$0x1F7C0] =	vst v5;
	v5 =	vcombine.low v17, v33;
	v17 =	vld [tilespmem:$0x1FE10]  }
0x2fe: {  	v58 =	vld [tilespmem:$0x1FB30];
	[tilespmem:$0x1F740] =	vst v52;
	v6 =	vor.u32 v56, v1;
	v55 =	vsel vm0, v62, v22  }
0x2ff: {  	v19 =	vld [tilespmem:$0x1FAF0];
	[tilespmem:$0x1F830] =	vst v6;
	v5 =	vor.u32 s22, v5;
	v39 =	vor.u32 v3, v1;
	v3 =	vcombine.low v33, v55  }
0x300: {  	v23 =	vsel vm0, v22, v16;
	v16 =	vsel vm0, v9, v57;
	v60 =	vld [tilespmem:$0x1FC40];
	[tilespmem:$0x1F7E0] =	vst v5;
	v5 =	vor.u32 v20, v1  }
0x301: {  	v61 =	vld [tilespmem:$0x1FB20];
	[tilespmem:$0x1F7F0] =	vst v5;
	v42 =	vor.u32 s22, v3;
	v3 =	vcombine.low v43, v16  }
0x302: {  	v20 =	vld [tilespmem:$0x1FE80];
	v18 =	vsel vm0, v17, v59;
	_ =	swait.ge [sflag:s12], $0x1000  }
0x303: {  	v46 =	vcombine.low v44, v18;
	v44 =	vor.u32 s22, v3;
	v3 =	vld [tilespmem:$0x1FAE0];
	_ =	sdelay $0x4  }
0x304: {  	v45 =	vor.u32 v3, v1;
	v3 =	vld [tilespmem:$0x1FAD0];
	_ =	sdelay $0x4  }
0x305: {  	v47 =	vor.u32 v3, v1;
	v3 =	vld [tilespmem:$0x1FD60];
	_ =	sdelay $0x1  }
0x306: {  	v31 =	vsel vm0, v60, v21;
	v21 =	vld [tilespmem:$0x1FDD0];
	_ =	sdelay $0x2  }
0x307: {  	v3 =	vcombine.low v23, v3;
	_ =	sdelay $0x1  }
0x308: {  	v5 =	vcombine.low v49, v21;
	v49 =	vor.u32 s22, v3;
	v3 =	vld [tilespmem:$0x1FAB0];
	_ =	sdelay $0x4  }
0x309: {  	v50 =	vor.u32 v3, v1;
	v3 =	vld [tilespmem:$0x1FE40];
	_ =	sdelay $0x1  }
0x30a: {  	s10 =	sadd.s32 $0x3, s19  }
0x30b: {  	s24 =	sshll.u32 s10, $0x5  }
0x30c: {  	s11 =	sor.u32 s8, s24  }
0x30d: {  	p5 =	sgt.u32 s11, $0x30C;
	v3 =	vcombine.low v30, v3  }
0x30e: {  	s10 =	sshll.u32 @!p5 s10, $0xC;
	s11 =	sshll.u32 @!p5 s11, $0x7;
	v35 =	vor.u32 v58, v1  }
0x30f: {  	s21 =	simm.s32 @!p5 $0x400;
	s23 =	simm.s32 @!p5 $0xC3800;
	v32 =	vcombine.low v32, v31;
	[sflag:s12] =	ssyncset.done $0x0;
	v58 =	vsel vm0, v20, v60;
	v53 =	vor.u32 s22, v3;
	v3 =	vld [tilespmem:$0x1FA90]  }
0x310: {  	s10 =	sand.u32 @!p5 $0x3000, s10;
	s11 =	sadd.s32 @!p5 s1, s11;
	v22 =	vld [tilespmem:$0x1FAA0];
	[sflag:s12] =	ssyncadd.s32 $0xFFFFF000;
	v0 =	vcombine.low v0, v58  }
0x311: {  	v40 =	vor.u32 s22, v32;
	v32 =	vld [tilespmem:$0x1FA80];
	[tilespmem:s10], [sflag:$0x1] =	stream.strided.gather @!p5 [hbm4b:s11+s21], $0x1000, s23, s21, $0x38  }
0x312: {  	p5 =	slt.u32 s19, $0x4;
	v48 =	vor.u32 s22, v0;
	v0 =	vld [tilespmem:$0x1FAC0]  }
0x313: {  	v34 =	vcombine.low v27, v23;
	v2 =	vcombine.low v16, v2;
	s11 =	simm.s32 @!p5 $0x2;
	v23 =	vld [tilespmem:$0x1FED0]  }
0x314: {  	v54 =	vor.u32 v3, v1;
	v3 =	vld [tilespmem:$0x1FF00];
	_ =	swait.ge @!p5 [sflag:s11], $0x1000  }
0x315: {  	v59 =	vor.u32 s22, v2;
	v2 =	vld [tilespmem:$0x1FA60];
	_ =	sdelay $0x3  }
0x316: {  	v34 =	vor.u32 s22, v34;
	v41 =	vor.u32 v63, v1;
	v63 =	vld [tilespmem:$0x1FA70]  }
0x317: {  	v37 =	vor.u32 v61, v1;
	v43 =	vor.u32 v19, v1;
	v60 =	vor.u32 v2, v1;
	v2 =	vld [tilespmem:$0x1FA50]  }
0x318: {  	v46 =	vor.u32 s22, v46;
	v33 =	vcombine.low v58, v29;
	v3 =	vcombine.low v55, v3  }
0x319: {  	s25 =	sand.u32 $0x3, s18;
	v52 =	vor.u32 v22, v1;
	v51 =	vor.u32 s22, v5;
	v5 =	vcombine.low v31, v23  }
0x31a: {  	s10 =	sshll.u32 s25, $0x7;
	v56 =	vor.u32 v32, v1;
	v57 =	vor.u32 s22, v3;
	v3 =	vcombine.low v18, v4  }
0x31b: {  	s21 =	sor.u32 $0x4000, s10;
	v0 =	vor.u32 v0, v1;
	[sflag:s11] =	ssyncset.done @!p5 $0x0;
	v55 =	vor.u32 s22, v5;
	v58 =	vor.u32 v63, v1  }
0x31c: {  	[sflag:s11] =	ssyncadd.s32 @!p5 $0xFFFFF000;
	p5 =	por $0x1, $0x1;
	v62 =	vor.u32 s22, v3;
	v63 =	vor.u32 v2, v1;
	v1 =	vor.u32 s22, v33;
	s22 =	simm.s32 $0x0  }
.LBB2_12:
0x31d: {  	v16 =	vld [tilespmem:$0x1F650];
	_ =	sdelay $0x3  }
0x31e: {  	v30 =	vor.u32 s22, v14  }
0x31f: {  	s10 =	sshll.u32 s22, $0x5;
	v19 =	vld [tilespmem:$0x1F660];
	v2 =	vor.u32 v16, v30  }
0x320: {  	v5 =	vmul.u32 $0x84, v14;
	v3 =	vmov s10  }
0x321: {  	v20 =	vld [tilespmem:$0x1F670];
	v29 =	vshll.u32 v3, $0x2  }
0x322: {  	v3 =	vor.u32 v5, v29  }
0x323: {  	v3 =	vand.u32 $0x2600, v3  }
0x324: {  	v3 =	vor.u32 v3, v19;
	v2 =	vld.idx.msk [tilespmem:v2+s4+$0x0], $0xffff  }
0x325: {  	v26 =	vld [tilespmem:$0x1F680]  }
0x326: {  	v4 =	vor.u32 v20, v30  }
0x327: {  	s23 =	sor.u32 $0x10, s22;
	v21 =	vld [tilespmem:$0x1F690];
	v6 =	vadd.s32 $0x4, v5  }
0x328: {  	v31 =	vor.u32 s23, v14;
	s10 =	sshll.u32 s23, $0x5;
	v7 =	vadd.s32 $0x8, v5;
	v32 =	vor.u32 v6, v29  }
0x329: {  	s24 =	sor.u32 $0x20, s22;
	v33 =	vmov s10;
	v8 =	vor.u32 v16, v31;
	[tilespmem:v3+s14+$0x0] =	vst.idx.msk $0xffff, v2;
	v3 =	vand.u32 $0x2600, v32  }
0x32a: {  	v27 =	vld [tilespmem:$0x1F6B0];
	s10 =	sshll.u32 s24, $0x5;
	v2 =	vor.u32 s24, v14;
	v32 =	vshll.u32 v33, $0x2;
	v9 =	vor.u32 v3, v26  }
0x32b: {  	v11 =	vor.u32 v16, v2;
	v12 =	vld.idx.msk [tilespmem:v4+s4+$0x0], $0xffff;
	v3 =	vmov s10;
	v22 =	vor.u32 v5, v32  }
0x32c: {  	s25 =	sor.u32 $0x30, s22;
	v10 =	vor.u32 v21, v30;
	v33 =	vshll.u32 v3, $0x2;
	v4 =	vand.u32 $0x7FFFFE00, v22;
	v22 =	vld [tilespmem:$0x1F6A0]  }
0x32d: {  	v13 =	vor.u32 v7, v29;
	v3 =	vor.u32 s25, v14;
	v15 =	vor.u32 v5, v33  }
0x32e: {  	v8 =	vld.idx.msk [tilespmem:v8+s4+$0x0], $0xffff;
	s10 =	sshll.u32 s25, $0x5;
	v14 =	vor.u32 v16, v3;
	v16 =	vor.u32 v4, v19;
	v23 =	vand.u32 $0x7FFFFE00, v15  }
0x32f: {  	v61 =	vor.u32 v20, v31;
	v15 =	vmov s10;
	v17 =	vor.u32 v23, v19  }
0x330: {  	v18 =	vand.u32 $0x2600, v13;
	v4 =	vshll.u32 v15, $0x2;
	v15 =	vor.u32 v27, v30;
	v11 =	vld.idx.msk [tilespmem:v11+s4+$0x0], $0xffff;
	[tilespmem:v9+s14+$0x0] =	vst.idx.msk $0xffff, v12  }
0x331: {  	v23 =	vor.u32 v6, v33;
	v13 =	vor.u32 v5, v4;
	v10 =	vld.idx.msk [tilespmem:v10+s4+$0x0], $0xffff;
	v9 =	vor.u32 v18, v22  }
0x332: {  	v12 =	vor.u32 v20, v2;
	v13 =	vand.u32 $0x7FFFFE00, v13;
	v18 =	vor.u32 v6, v32  }
0x333: {  	v23 =	vand.u32 $0x7FFFFE00, v23;
	v14 =	vld.idx.msk [tilespmem:v14+s4+$0x0], $0xffff;
	v13 =	vor.u32 v13, v19;
	[tilespmem:v16+s14+$0x0] =	vst.idx.msk $0xffff, v8;
	v8 =	vand.u32 $0x7FFFFE00, v18  }
0x334: {  	v18 =	vor.u32 v20, v3;
	v19 =	vadd.s32 $0xC, v5;
	v61 =	vld.idx.msk [tilespmem:v61+s4+$0x0], $0xffff;
	v8 =	vor.u32 v8, v26  }
0x335: {  	v20 =	vor.u32 v19, v29;
	[tilespmem:v17+s14+$0x0] =	vst.idx.msk $0xffff, v11;
	v11 =	vor.u32 v23, v26;
	v23 =	vld [tilespmem:$0x1F6D0]  }
0x336: {  	[tilespmem:v9+s14+$0x0] =	vst.idx.msk $0xffff, v10;
	v9 =	vand.u32 $0x2600, v20;
	v20 =	vld [tilespmem:$0x1F6C0]  }
0x337: {  	v12 =	vld.idx.msk [tilespmem:v12+s4+$0x0], $0xffff  }
0x338: {  	v6 =	vor.u32 v6, v4;
	v17 =	vor.u32 v21, v31  }
0x339: {  	v10 =	vor.u32 v21, v2;
	[tilespmem:v13+s14+$0x0] =	vst.idx.msk $0xffff, v14;
	v14 =	vor.u32 v7, v32  }
0x33a: {  	v15 =	vld.idx.msk [tilespmem:v15+s4+$0x0], $0xffff;
	[tilespmem:v8+s14+$0x0] =	vst.idx.msk $0xffff, v61;
	v8 =	vand.u32 $0x7FFFFE00, v14;
	v14 =	vor.u32 v7, v33  }
0x33b: {  	v16 =	vld.idx.msk [tilespmem:v18+s4+$0x0], $0xffff;
	v18 =	vor.u32 v21, v3;
	v21 =	vand.u32 $0x7FFFFE00, v14;
	v9 =	vor.u32 v9, v20  }
0x33c: {  	v13 =	vor.u32 v23, v30;
	[tilespmem:v11+s14+$0x0] =	vst.idx.msk $0xffff, v12;
	v11 =	vor.u32 v21, v22;
	v21 =	vld [tilespmem:$0x1F6E0]  }
0x33d: {  	v6 =	vand.u32 $0x7FFFFE00, v6  }
0x33e: {  	v6 =	vor.u32 v6, v26;
	v61 =	vadd.s32 $0x10, v5  }
0x33f: {  	v8 =	vor.u32 v8, v22;
	v17 =	vld.idx.msk [tilespmem:v17+s4+$0x0], $0xffff;
	v12 =	vor.u32 v61, v29  }
0x340: {  	v26 =	vld [tilespmem:$0x1F6F0];
	[tilespmem:v9+s14+$0x0] =	vst.idx.msk $0xffff, v15;
	v9 =	vand.u32 $0x2600, v12  }
0x341: {  	v13 =	vld.idx.msk [tilespmem:v13+s4+$0x0], $0xffff;
	v9 =	vor.u32 v9, v21  }
0x342: {  	v7 =	vor.u32 v7, v4;
	v14 =	vor.u32 v27, v31  }
0x343: {  	v10 =	vld.idx.msk [tilespmem:v10+s4+$0x0], $0xffff;
	[tilespmem:v6+s14+$0x0] =	vst.idx.msk $0xffff, v16;
	v6 =	vand.u32 $0x7FFFFE00, v7;
	v15 =	vor.u32 v19, v32  }
0x344: {  	v16 =	vld.idx.msk [tilespmem:v18+s4+$0x0], $0xffff;
	v6 =	vor.u32 v6, v22;
	v18 =	vadd.s32 $0x14, v5;
	[tilespmem:v8+s14+$0x0] =	vst.idx.msk $0xffff, v17;
	v22 =	vand.u32 $0x7FFFFE00, v15  }
0x345: {  	v12 =	vor.u32 v27, v2;
	v8 =	vor.u32 v22, v20;
	v22 =	vor.u32 v18, v29  }
0x346: {  	v7 =	vor.u32 v26, v30;
	[tilespmem:v9+s14+$0x0] =	vst.idx.msk $0xffff, v13;
	v9 =	vand.u32 $0x2600, v22;
	v22 =	vld [tilespmem:$0x1F700]  }
0x347: {  	v17 =	vor.u32 v27, v3;
	v27 =	vld [tilespmem:$0x1F710]  }
0x348: {  	v14 =	vld.idx.msk [tilespmem:v14+s4+$0x0], $0xffff;
	v15 =	vor.u32 v19, v33  }
0x349: {  	[tilespmem:v11+s14+$0x0] =	vst.idx.msk $0xffff, v10;
	v10 =	vand.u32 $0x7FFFFE00, v15;
	v15 =	vor.u32 v23, v31  }
0x34a: {  	v10 =	vor.u32 v10, v20;
	v12 =	vld.idx.msk [tilespmem:v12+s4+$0x0], $0xffff;
	v13 =	vor.u32 v19, v4  }
0x34b: {  	[tilespmem:v6+s14+$0x0] =	vst.idx.msk $0xffff, v16;
	v7 =	vld.idx.msk [tilespmem:v7+s4+$0x0], $0xffff;
	v6 =	vand.u32 $0x7FFFFE00, v13;
	v9 =	vor.u32 v9, v22  }
0x34c: {  	v11 =	vor.u32 v23, v2;
	v13 =	vor.u32 v27, v30;
	v6 =	vor.u32 v6, v20;
	v20 =	vld [tilespmem:$0x1F720]  }
0x34d: {  	v16 =	vor.u32 v61, v32;
	v17 =	vld.idx.msk [tilespmem:v17+s4+$0x0], $0xffff;
	v19 =	vadd.s32 $0x18, v5;
	[tilespmem:v8+s14+$0x0] =	vst.idx.msk $0xffff, v14  }
0x34e: {  	v8 =	vand.u32 $0x7FFFFE00, v16;
	v14 =	vor.u32 v61, v33;
	v16 =	vor.u32 v23, v3;
	v15 =	vld.idx.msk [tilespmem:v15+s4+$0x0], $0xffff  }
0x34f: {  	v8 =	vor.u32 v8, v21;
	v23 =	vand.u32 $0x7FFFFE00, v14;
	[tilespmem:v10+s14+$0x0] =	vst.idx.msk $0xffff, v12;
	v12 =	vor.u32 v19, v29  }
0x350: {  	v10 =	vor.u32 v23, v21;
	v23 =	vld [tilespmem:$0x1F730];
	[tilespmem:v9+s14+$0x0] =	vst.idx.msk $0xffff, v7;
	v7 =	vand.u32 $0x2600, v12  }
0x351: {  	v13 =	vld.idx.msk [tilespmem:v13+s4+$0x0], $0xffff;
	v7 =	vor.u32 v7, v20  }
0x352: {  	v12 =	vor.u32 v61, v4  }
0x353: {  	v14 =	vor.u32 v26, v31;
	[tilespmem:v6+s14+$0x0] =	vst.idx.msk $0xffff, v17;
	v61 =	vor.u32 v18, v32;
	v6 =	vand.u32 $0x7FFFFE00, v12  }
0x354: {  	v11 =	vld.idx.msk [tilespmem:v11+s4+$0x0], $0xffff;
	[tilespmem:v8+s14+$0x0] =	vst.idx.msk $0xffff, v15;
	v6 =	vor.u32 v6, v21;
	v21 =	vand.u32 $0x7FFFFE00, v61;
	v61 =	vadd.s32 $0x1C, v5  }
0x355: {  	v9 =	vor.u32 v26, v2;
	v8 =	vor.u32 v21, v22;
	v21 =	vor.u32 v61, v29  }
0x356: {  	v12 =	vor.u32 v23, v30;
	[tilespmem:v7+s14+$0x0] =	vst.idx.msk $0xffff, v13;
	v7 =	vand.u32 $0x2600, v21;
	v21 =	vld [tilespmem:$0x1F740]  }
0x357: {  	v16 =	vld.idx.msk [tilespmem:v16+s4+$0x0], $0xffff  }
0x358: {  	v15 =	vor.u32 v18, v33;
	v17 =	vor.u32 v26, v3;
	v14 =	vld.idx.msk [tilespmem:v14+s4+$0x0], $0xffff  }
0x359: {  	[tilespmem:v10+s14+$0x0] =	vst.idx.msk $0xffff, v11;
	v10 =	vand.u32 $0x7FFFFE00, v15;
	v26 =	vld [tilespmem:$0x1F750]  }
0x35a: {  	v15 =	vor.u32 v27, v31;
	v10 =	vor.u32 v10, v22;
	v9 =	vld.idx.msk [tilespmem:v9+s4+$0x0], $0xffff  }
0x35b: {  	v13 =	vor.u32 v18, v4;
	v12 =	vld.idx.msk [tilespmem:v12+s4+$0x0], $0xffff;
	v7 =	vor.u32 v7, v21  }
0x35c: {  	v11 =	vor.u32 v27, v2;
	[tilespmem:v6+s14+$0x0] =	vst.idx.msk $0xffff, v16;
	v6 =	vand.u32 $0x7FFFFE00, v13  }
0x35d: {  	v18 =	vadd.s32 $0x20, v5;
	v16 =	vor.u32 v19, v32;
	v17 =	vld.idx.msk [tilespmem:v17+s4+$0x0], $0xffff;
	v6 =	vor.u32 v6, v22  }
0x35e: {  	[tilespmem:v8+s14+$0x0] =	vst.idx.msk $0xffff, v14;
	v22 =	vand.u32 $0x7FFFFE00, v16;
	v14 =	vor.u32 v19, v33;
	v16 =	vor.u32 v27, v3;
	v27 =	vld [tilespmem:$0x1F770]  }
0x35f: {  	v15 =	vld.idx.msk [tilespmem:v15+s4+$0x0], $0xffff;
	v8 =	vor.u32 v22, v20;
	v22 =	vor.u32 v18, v29;
	[tilespmem:v10+s14+$0x0] =	vst.idx.msk $0xffff, v9  }
0x360: {  	v13 =	vor.u32 v26, v30;
	v9 =	vand.u32 $0x7FFFFE00, v14;
	[tilespmem:v7+s14+$0x0] =	vst.idx.msk $0xffff, v12;
	v7 =	vand.u32 $0x2600, v22;
	v22 =	vld [tilespmem:$0x1F760]  }
0x361: {  	v11 =	vld.idx.msk [tilespmem:v11+s4+$0x0], $0xffff;
	v9 =	vor.u32 v9, v20  }
0x362: {  	v14 =	vor.u32 v23, v31  }
0x363: {  	v10 =	vor.u32 v23, v2;
	[tilespmem:v6+s14+$0x0] =	vst.idx.msk $0xffff, v17;
	v12 =	vor.u32 v19, v4  }
0x364: {  	v17 =	vor.u32 v61, v32;
	[tilespmem:v8+s14+$0x0] =	vst.idx.msk $0xffff, v15;
	v15 =	vor.u32 v61, v33;
	v6 =	vand.u32 $0x7FFFFE00, v12  }
0x365: {  	v13 =	vld.idx.msk [tilespmem:v13+s4+$0x0], $0xffff;
	v6 =	vor.u32 v6, v20;
	v20 =	vand.u32 $0x7FFFFE00, v15;
	v7 =	vor.u32 v7, v22  }
0x366: {  	v8 =	vand.u32 $0x7FFFFE00, v17;
	[tilespmem:v9+s14+$0x0] =	vst.idx.msk $0xffff, v11;
	v12 =	vor.u32 v27, v30;
	v9 =	vor.u32 v20, v21;
	v20 =	vld [tilespmem:$0x1F780]  }
0x367: {  	v14 =	vld.idx.msk [tilespmem:v14+s4+$0x0], $0xffff;
	v8 =	vor.u32 v8, v21  }
0x368: {  	v16 =	vld.idx.msk [tilespmem:v16+s4+$0x0], $0xffff;
	v19 =	vadd.s32 $0x24, v5  }
0x369: {  	v17 =	vor.u32 v23, v3;
	v23 =	vor.u32 v19, v29;
	v10 =	vld.idx.msk [tilespmem:v10+s4+$0x0], $0xffff  }
0x36a: {  	[tilespmem:v7+s14+$0x0] =	vst.idx.msk $0xffff, v13;
	v7 =	vand.u32 $0x2600, v23;
	v23 =	vld [tilespmem:$0x1F790]  }
0x36b: {  	v11 =	vor.u32 v26, v2;
	v12 =	vld.idx.msk [tilespmem:v12+s4+$0x0], $0xffff;
	v7 =	vor.u32 v7, v20  }
0x36c: {  	v15 =	vor.u32 v26, v31;
	[tilespmem:v8+s14+$0x0] =	vst.idx.msk $0xffff, v14;
	v13 =	vor.u32 v61, v4  }
0x36d: {  	v14 =	vor.u32 v18, v33;
	[tilespmem:v6+s14+$0x0] =	vst.idx.msk $0xffff, v16;
	v61 =	vor.u32 v18, v32;
	v6 =	vand.u32 $0x7FFFFE00, v13  }
0x36e: {  	v6 =	vor.u32 v6, v21;
	v21 =	vand.u32 $0x7FFFFE00, v61;
	v61 =	vadd.s32 $0x28, v5  }
0x36f: {  	[tilespmem:v9+s14+$0x0] =	vst.idx.msk $0xffff, v10;
	v8 =	vor.u32 v21, v22;
	v21 =	vor.u32 v61, v29  }
0x370: {  	v9 =	vand.u32 $0x7FFFFE00, v14;
	v13 =	vor.u32 v23, v30;
	[tilespmem:v7+s14+$0x0] =	vst.idx.msk $0xffff, v12;
	v7 =	vand.u32 $0x2600, v21;
	v21 =	vld [tilespmem:$0x1F7A0]  }
0x371: {  	v11 =	vld.idx.msk [tilespmem:v11+s4+$0x0], $0xffff;
	v9 =	vor.u32 v9, v22  }
0x372: {  	v17 =	vld.idx.msk [tilespmem:v17+s4+$0x0], $0xffff;
	v10 =	vor.u32 v27, v2  }
0x373: {  	v16 =	vor.u32 v26, v3;
	v15 =	vld.idx.msk [tilespmem:v15+s4+$0x0], $0xffff  }
0x374: {  	v26 =	vld [tilespmem:$0x1F7B0];
	v14 =	vor.u32 v27, v31  }
0x375: {  	v13 =	vld.idx.msk [tilespmem:v13+s4+$0x0], $0xffff;
	v7 =	vor.u32 v7, v21  }
0x376: {  	[tilespmem:v9+s14+$0x0] =	vst.idx.msk $0xffff, v11;
	v12 =	vor.u32 v18, v4  }
0x377: {  	v10 =	vld.idx.msk [tilespmem:v10+s4+$0x0], $0xffff;
	[tilespmem:v6+s14+$0x0] =	vst.idx.msk $0xffff, v17;
	v6 =	vand.u32 $0x7FFFFE00, v12;
	v17 =	vor.u32 v19, v32  }
0x378: {  	v18 =	vadd.s32 $0x2C, v5;
	v16 =	vld.idx.msk [tilespmem:v16+s4+$0x0], $0xffff;
	v6 =	vor.u32 v6, v22;
	[tilespmem:v8+s14+$0x0] =	vst.idx.msk $0xffff, v15;
	v22 =	vand.u32 $0x7FFFFE00, v17  }
0x379: {  	v15 =	vor.u32 v19, v33;
	v14 =	vld.idx.msk [tilespmem:v14+s4+$0x0], $0xffff;
	v8 =	vor.u32 v22, v20;
	v22 =	vor.u32 v18, v29  }
0x37a: {  	v12 =	vor.u32 v26, v30;
	v9 =	vand.u32 $0x7FFFFE00, v15;
	[tilespmem:v7+s14+$0x0] =	vst.idx.msk $0xffff, v13;
	v7 =	vand.u32 $0x2600, v22;
	v22 =	vld [tilespmem:$0x1F7C0]  }
0x37b: {  	v17 =	vor.u32 v27, v3;
	v27 =	vld [tilespmem:$0x1F7D0];
	v9 =	vor.u32 v9, v20;
	_ =	sdelay $0x1  }
0x37c: {  	[tilespmem:v6+s14+$0x0] =	vst.idx.msk $0xffff, v16;
	v13 =	vor.u32 v19, v4  }
0x37d: {  	v15 =	vor.u32 v23, v31;
	[tilespmem:v8+s14+$0x0] =	vst.idx.msk $0xffff, v14;
	v14 =	vor.u32 v61, v33;
	v6 =	vand.u32 $0x7FFFFE00, v13  }
0x37e: {  	v12 =	vld.idx.msk [tilespmem:v12+s4+$0x0], $0xffff;
	v6 =	vor.u32 v6, v20;
	v20 =	vand.u32 $0x7FFFFE00, v14;
	v7 =	vor.u32 v7, v22  }
0x37f: {  	[tilespmem:v9+s14+$0x0] =	vst.idx.msk $0xffff, v10;
	v13 =	vor.u32 v27, v30;
	v9 =	vor.u32 v20, v21;
	v20 =	vld [tilespmem:$0x1F7E0];
	_ =	sdelay $0x1  }
0x380: {  	v11 =	vor.u32 v23, v2;
	v16 =	vor.u32 v61, v32;
	v17 =	vld.idx.msk [tilespmem:v17+s4+$0x0], $0xffff;
	v19 =	vadd.s32 $0x30, v5  }
0x381: {  	v8 =	vand.u32 $0x7FFFFE00, v16;
	v16 =	vor.u32 v23, v3;
	v15 =	vld.idx.msk [tilespmem:v15+s4+$0x0], $0xffff;
	v23 =	vor.u32 v19, v29  }
0x382: {  	v8 =	vor.u32 v8, v21;
	[tilespmem:v7+s14+$0x0] =	vst.idx.msk $0xffff, v12;
	v7 =	vand.u32 $0x2600, v23;
	v23 =	vld [tilespmem:$0x1F7F0]  }
0x383: {  	v13 =	vld.idx.msk [tilespmem:v13+s4+$0x0], $0xffff;
	v7 =	vor.u32 v7, v20  }
0x384: {  	v12 =	vor.u32 v61, v4  }
0x385: {  	v14 =	vor.u32 v26, v31;
	[tilespmem:v6+s14+$0x0] =	vst.idx.msk $0xffff, v17;
	v61 =	vor.u32 v18, v32;
	v6 =	vand.u32 $0x7FFFFE00, v12  }
0x386: {  	v6 =	vor.u32 v6, v21;
	v21 =	vand.u32 $0x7FFFFE00, v61;
	v61 =	vadd.s32 $0x34, v5  }
0x387: {  	[tilespmem:v8+s14+$0x0] =	vst.idx.msk $0xffff, v15;
	v8 =	vor.u32 v21, v22;
	v21 =	vor.u32 v61, v29  }
0x388: {  	v12 =	vor.u32 v23, v30;
	[tilespmem:v7+s14+$0x0] =	vst.idx.msk $0xffff, v13;
	v7 =	vand.u32 $0x2600, v21;
	v21 =	vld [tilespmem:$0x1F800]  }
0x389: {  	v11 =	vld.idx.msk [tilespmem:v11+s4+$0x0], $0xffff  }
0x38a: {  	v16 =	vld.idx.msk [tilespmem:v16+s4+$0x0], $0xffff  }
0x38b: {  	v14 =	vld.idx.msk [tilespmem:v14+s4+$0x0], $0xffff  }
0x38c: {  	v10 =	vor.u32 v26, v2;
	v17 =	vor.u32 v26, v3;
	v26 =	vld [tilespmem:$0x1F810]  }
0x38d: {  	v15 =	vor.u32 v18, v33;
	v12 =	vld.idx.msk [tilespmem:v12+s4+$0x0], $0xffff;
	v7 =	vor.u32 v7, v21  }
0x38e: {  	[tilespmem:v9+s14+$0x0] =	vst.idx.msk $0xffff, v11;
	v9 =	vand.u32 $0x7FFFFE00, v15;
	v15 =	vor.u32 v27, v31;
	v13 =	vor.u32 v18, v4  }
0x38f: {  	v9 =	vor.u32 v9, v22;
	[tilespmem:v6+s14+$0x0] =	vst.idx.msk $0xffff, v16;
	v6 =	vand.u32 $0x7FFFFE00, v13;
	v16 =	vor.u32 v19, v32  }
0x390: {  	v18 =	vadd.s32 $0x38, v5;
	v6 =	vor.u32 v6, v22;
	v22 =	vand.u32 $0x7FFFFE00, v16  }
0x391: {  	v10 =	vld.idx.msk [tilespmem:v10+s4+$0x0], $0xffff;
	[tilespmem:v8+s14+$0x0] =	vst.idx.msk $0xffff, v14;
	v8 =	vor.u32 v22, v20;
	v22 =	vor.u32 v18, v29  }
0x392: {  	v13 =	vor.u32 v26, v30;
	[tilespmem:v7+s14+$0x0] =	vst.idx.msk $0xffff, v12;
	v7 =	vand.u32 $0x2600, v22;
	v22 =	vld [tilespmem:$0x1F820]  }
0x393: {  	v11 =	vor.u32 v27, v2  }
0x394: {  	v17 =	vld.idx.msk [tilespmem:v17+s4+$0x0], $0xffff  }
0x395: {  	v16 =	vor.u32 v27, v3;
	v27 =	vld [tilespmem:$0x1F830]  }
0x396: {  	v14 =	vor.u32 v19, v33;
	v15 =	vld.idx.msk [tilespmem:v15+s4+$0x0], $0xffff  }
0x397: {  	[tilespmem:v9+s14+$0x0] =	vst.idx.msk $0xffff, v10;
	v9 =	vand.u32 $0x7FFFFE00, v14;
	v13 =	vld.idx.msk [tilespmem:v13+s4+$0x0], $0xffff;
	v7 =	vor.u32 v7, v22  }
0x398: {  	v11 =	vld.idx.msk [tilespmem:v11+s4+$0x0], $0xffff;
	v14 =	vor.u32 v23, v31;
	v9 =	vor.u32 v9, v20;
	v12 =	vor.u32 v19, v4  }
0x399: {  	v10 =	vor.u32 v23, v2;
	[tilespmem:v6+s14+$0x0] =	vst.idx.msk $0xffff, v17;
	v6 =	vand.u32 $0x7FFFFE00, v12  }
0x39a: {  	v17 =	vor.u32 v61, v32;
	v16 =	vld.idx.msk [tilespmem:v16+s4+$0x0], $0xffff;
	v19 =	vadd.s32 $0x3C, v5;
	v6 =	vor.u32 v6, v20  }
0x39b: {  	[tilespmem:v8+s14+$0x0] =	vst.idx.msk $0xffff, v15;
	v8 =	vand.u32 $0x7FFFFE00, v17;
	v17 =	vor.u32 v23, v3;
	v23 =	vor.u32 v19, v29  }
0x39c: {  	v15 =	vor.u32 v61, v33;
	v12 =	vor.u32 v27, v30;
	[tilespmem:v7+s14+$0x0] =	vst.idx.msk $0xffff, v13;
	v7 =	vand.u32 $0x2600, v23;
	v23 =	vld [tilespmem:$0x1F840]  }
0x39d: {  	v14 =	vld.idx.msk [tilespmem:v14+s4+$0x0], $0xffff;
	v8 =	vor.u32 v8, v21;
	[tilespmem:v9+s14+$0x0] =	vst.idx.msk $0xffff, v11;
	v20 =	vand.u32 $0x7FFFFE00, v15  }
0x39e: {  	v10 =	vld.idx.msk [tilespmem:v10+s4+$0x0], $0xffff;
	v9 =	vor.u32 v20, v21;
	v13 =	vor.u32 v61, v4  }
0x39f: {  	v15 =	vor.u32 v26, v31;
	[tilespmem:v6+s14+$0x0] =	vst.idx.msk $0xffff, v16;
	v6 =	vand.u32 $0x7FFFFE00, v13  }
0x3a0: {  	v11 =	vor.u32 v26, v2;
	v17 =	vld.idx.msk [tilespmem:v17+s4+$0x0], $0xffff;
	v6 =	vor.u32 v6, v21  }
0x3a1: {  	v16 =	vor.u32 v26, v3;
	v12 =	vld.idx.msk [tilespmem:v12+s4+$0x0], $0xffff;
	v7 =	vor.u32 v7, v23  }
0x3a2: {  	v5 =	vadd.s32 $0x40, v5;
	v20 =	vor.u32 v18, v32;
	[tilespmem:v8+s14+$0x0] =	vst.idx.msk $0xffff, v14;
	v13 =	vor.u32 v28, v30  }
0x3a3: {  	v14 =	vor.u32 v18, v33;
	[tilespmem:v9+s14+$0x0] =	vst.idx.msk $0xffff, v10;
	v10 =	vor.u32 v27, v2;
	v21 =	vand.u32 $0x7FFFFE00, v20  }
0x3a4: {  	v15 =	vld.idx.msk [tilespmem:v15+s4+$0x0], $0xffff;
	v20 =	vand.u32 $0x7FFFFE00, v14;
	v14 =	vor.u32 v27, v31;
	v8 =	vor.u32 v21, v22  }
0x3a5: {  	v11 =	vld.idx.msk [tilespmem:v11+s4+$0x0], $0xffff;
	v21 =	vor.u32 v5, v29;
	v9 =	vor.u32 v20, v22;
	[tilespmem:v6+s14+$0x0] =	vst.idx.msk $0xffff, v17  }
0x3a6: {  	v20 =	vand.u32 $0x2600, v21;
	v16 =	vld.idx.msk [tilespmem:v16+s4+$0x0], $0xffff;
	[tilespmem:v7+s14+$0x0] =	vst.idx.msk $0xffff, v12;
	v12 =	vor.u32 v18, v4  }
0x3a7: {  	v7 =	vor.u32 v20, v34;
	v20 =	vor.u32 v19, v32;
	v13 =	vld.idx.msk [tilespmem:v13+s4+$0x0], $0xffff;
	v21 =	vand.u32 $0x7FFFFE00, v12  }
0x3a8: {  	v12 =	vor.u32 v35, v30;
	v6 =	vor.u32 v21, v22;
	v21 =	vand.u32 $0x7FFFFE00, v20;
	v20 =	vld [tilespmem:$0x1FFF0]  }
0x3a9: {  	v17 =	vor.u32 v27, v3;
	[tilespmem:v8+s14+$0x0] =	vst.idx.msk $0xffff, v15  }
0x3aa: {  	v15 =	vor.u32 v19, v33;
	[tilespmem:v9+s14+$0x0] =	vst.idx.msk $0xffff, v11;
	v11 =	vor.u32 v28, v2  }
0x3ab: {  	v14 =	vld.idx.msk [tilespmem:v14+s4+$0x0], $0xffff;
	v9 =	vand.u32 $0x7FFFFE00, v15;
	v15 =	vor.u32 v28, v31;
	v8 =	vor.u32 v21, v23  }
0x3ac: {  	v10 =	vld.idx.msk [tilespmem:v10+s4+$0x0], $0xffff;
	v9 =	vor.u32 v9, v23;
	[tilespmem:v7+s14+$0x0] =	vst.idx.msk $0xffff, v13;
	v13 =	vor.u32 v19, v4  }
0x3ad: {  	v22 =	vor.u32 v20, v29;
	v12 =	vld.idx.msk [tilespmem:v12+s4+$0x0], $0xffff;
	[tilespmem:v6+s14+$0x0] =	vst.idx.msk $0xffff, v16;
	v21 =	vand.u32 $0x7FFFFE00, v13  }
0x3ae: {  	v18 =	vand.u32 $0x2600, v22;
	v17 =	vld.idx.msk [tilespmem:v17+s4+$0x0], $0xffff;
	v6 =	vor.u32 v21, v23  }
0x3af: {  	v16 =	vor.u32 v28, v3;
	v22 =	vor.u32 v5, v32;
	v7 =	vor.u32 v18, v36;
	v18 =	vld [tilespmem:$0x1FFE0]  }
0x3b0: {  	v13 =	vor.u32 v37, v30;
	[tilespmem:v8+s14+$0x0] =	vst.idx.msk $0xffff, v14;
	v21 =	vand.u32 $0x7FFFFE00, v22  }
0x3b1: {  	[tilespmem:v9+s14+$0x0] =	vst.idx.msk $0xffff, v10;
	v14 =	vor.u32 v5, v33;
	v15 =	vld.idx.msk [tilespmem:v15+s4+$0x0], $0xffff;
	v8 =	vor.u32 v21, v34  }
0x3b2: {  	v11 =	vld.idx.msk [tilespmem:v11+s4+$0x0], $0xffff;
	v5 =	vor.u32 v5, v4;
	v22 =	vand.u32 $0x7FFFFE00, v14;
	v14 =	vor.u32 v35, v31  }
0x3b3: {  	v5 =	vand.u32 $0x7FFFFE00, v5;
	v9 =	vor.u32 v22, v34;
	[tilespmem:v6+s14+$0x0] =	vst.idx.msk $0xffff, v17;
	v17 =	vld [tilespmem:$0x1FFD0]  }
0x3b4: {  	v21 =	vor.u32 v35, v2;
	v23 =	vor.u32 v18, v29;
	[tilespmem:v7+s14+$0x0] =	vst.idx.msk $0xffff, v12;
	v16 =	vld.idx.msk [tilespmem:v16+s4+$0x0], $0xffff  }
0x3b5: {  	v5 =	vor.u32 v5, v34;
	v19 =	vand.u32 $0x2600, v23;
	v12 =	vld.idx.msk [tilespmem:v13+s4+$0x0], $0xffff;
	v13 =	vor.u32 v20, v32  }
0x3b6: {  	[tilespmem:v8+s14+$0x0] =	vst.idx.msk $0xffff, v15;
	v15 =	vor.u32 v35, v3;
	v7 =	vor.u32 v19, v38;
	v22 =	vand.u32 $0x7FFFFE00, v13  }
0x3b7: {  	v6 =	vor.u32 v39, v30;
	v14 =	vld.idx.msk [tilespmem:v14+s4+$0x0], $0xffff;
	v8 =	vor.u32 v22, v36  }
0x3b8: {  	[tilespmem:v9+s14+$0x0] =	vst.idx.msk $0xffff, v11;
	v11 =	vor.u32 v37, v2;
	v13 =	vor.u32 v20, v33  }
0x3b9: {  	v10 =	vld.idx.msk [tilespmem:v21+s4+$0x0], $0xffff;
	v23 =	vand.u32 $0x7FFFFE00, v13;
	v13 =	vor.u32 v37, v31;
	v19 =	vor.u32 v17, v29  }
0x3ba: {  	v9 =	vor.u32 v23, v36;
	v23 =	vor.u32 v18, v32;
	v21 =	vand.u32 $0x2600, v19;
	[tilespmem:v5+s14+$0x0] =	vst.idx.msk $0xffff, v16;
	v19 =	vld [tilespmem:$0x1FFC0]  }
0x3bb: {  	v15 =	vld.idx.msk [tilespmem:v15+s4+$0x0], $0xffff;
	[tilespmem:v7+s14+$0x0] =	vst.idx.msk $0xffff, v12;
	v12 =	vor.u32 v20, v4;
	v7 =	vor.u32 v21, v40  }
0x3bc: {  	v20 =	vand.u32 $0x7FFFFE00, v23;
	v6 =	vld.idx.msk [tilespmem:v6+s4+$0x0], $0xffff;
	v22 =	vand.u32 $0x7FFFFE00, v12;
	[tilespmem:v8+s14+$0x0] =	vst.idx.msk $0xffff, v14;
	v14 =	vor.u32 v18, v33  }
0x3bd: {  	v8 =	vor.u32 v20, v38;
	v20 =	vor.u32 v18, v4;
	v18 =	vld [tilespmem:$0x1FFB0];
	v5 =	vor.u32 v22, v36  }
0x3be: {  	v12 =	vor.u32 v41, v30;
	v13 =	vld.idx.msk [tilespmem:v13+s4+$0x0], $0xffff  }
0x3bf: {  	v16 =	vor.u32 v37, v3;
	[tilespmem:v9+s14+$0x0] =	vst.idx.msk $0xffff, v10;
	v21 =	vand.u32 $0x7FFFFE00, v14  }
0x3c0: {  	v14 =	vor.u32 v39, v31;
	v22 =	vor.u32 v19, v29;
	v11 =	vld.idx.msk [tilespmem:v11+s4+$0x0], $0xffff;
	v9 =	vor.u32 v21, v38  }
0x3c1: {  	v10 =	vor.u32 v43, v30;
	v23 =	vand.u32 $0x2600, v22;
	[tilespmem:v7+s14+$0x0] =	vst.idx.msk $0xffff, v6;
	v7 =	vor.u32 v39, v2  }
0x3c2: {  	v21 =	vand.u32 $0x7FFFFE00, v20;
	v6 =	vor.u32 v23, v42;
	v20 =	vor.u32 v18, v29;
	[tilespmem:v5+s14+$0x0] =	vst.idx.msk $0xffff, v15  }
0x3c3: {  	v12 =	vld.idx.msk [tilespmem:v12+s4+$0x0], $0xffff;
	v15 =	vor.u32 v17, v32;
	v5 =	vor.u32 v21, v38;
	[tilespmem:v8+s14+$0x0] =	vst.idx.msk $0xffff, v13  }
0x3c4: {  	v13 =	vor.u32 v17, v33;
	v16 =	vld.idx.msk [tilespmem:v16+s4+$0x0], $0xffff;
	v22 =	vand.u32 $0x7FFFFE00, v15;
	v15 =	vor.u32 v39, v3  }
0x3c5: {  	v21 =	vand.u32 $0x2600, v20;
	v14 =	vld.idx.msk [tilespmem:v14+s4+$0x0], $0xffff;
	[tilespmem:v9+s14+$0x0] =	vst.idx.msk $0xffff, v11;
	v23 =	vand.u32 $0x7FFFFE00, v13;
	v8 =	vor.u32 v22, v40  }
0x3c6: {  	v13 =	vor.u32 v41, v31;
	v9 =	vor.u32 v23, v40;
	v23 =	vor.u32 v19, v32  }
0x3c7: {  	v11 =	vor.u32 v41, v2;
	v20 =	vand.u32 $0x7FFFFE00, v23;
	v23 =	vor.u32 v25, v29;
	v7 =	vld.idx.msk [tilespmem:v7+s4+$0x0], $0xffff  }
0x3c8: {  	[tilespmem:v6+s14+$0x0] =	vst.idx.msk $0xffff, v12;
	v12 =	vor.u32 v17, v4;
	v6 =	vor.u32 v21, v44  }
0x3c9: {  	v21 =	vor.u32 v41, v3;
	v10 =	vld.idx.msk [tilespmem:v10+s4+$0x0], $0xffff;
	[tilespmem:v5+s14+$0x0] =	vst.idx.msk $0xffff, v16;
	v22 =	vand.u32 $0x7FFFFE00, v12  }
0x3ca: {  	v12 =	vor.u32 v45, v30;
	v15 =	vld.idx.msk [tilespmem:v15+s4+$0x0], $0xffff;
	v5 =	vor.u32 v22, v40;
	[tilespmem:v8+s14+$0x0] =	vst.idx.msk $0xffff, v14  }
0x3cb: {  	v14 =	vor.u32 v19, v33;
	v8 =	vor.u32 v20, v42;
	v19 =	vor.u32 v19, v4;
	v13 =	vld.idx.msk [tilespmem:v13+s4+$0x0], $0xffff  }
0x3cc: {  	v22 =	vand.u32 $0x7FFFFE00, v14;
	v14 =	vor.u32 v43, v31;
	v20 =	vand.u32 $0x7FFFFE00, v19;
	v19 =	vld [tilespmem:$0x1FF90];
	[tilespmem:v9+s14+$0x0] =	vst.idx.msk $0xffff, v7  }
0x3cd: {  	v17 =	vand.u32 $0x2600, v23;
	v7 =	vor.u32 v22, v42;
	v11 =	vld.idx.msk [tilespmem:v11+s4+$0x0], $0xffff  }
0x3ce: {  	v9 =	vor.u32 v43, v2;
	[tilespmem:v6+s14+$0x0] =	vst.idx.msk $0xffff, v10;
	v6 =	vor.u32 v17, v46  }
0x3cf: {  	v10 =	vor.u32 v47, v30;
	v12 =	vld.idx.msk [tilespmem:v12+s4+$0x0], $0xffff;
	[tilespmem:v5+s14+$0x0] =	vst.idx.msk $0xffff, v15;
	v15 =	vor.u32 v18, v32  }
0x3d0: {  	v5 =	vor.u32 v20, v42;
	v16 =	vld.idx.msk [tilespmem:v21+s4+$0x0], $0xffff;
	[tilespmem:v8+s14+$0x0] =	vst.idx.msk $0xffff, v13;
	v21 =	vand.u32 $0x7FFFFE00, v15  }
0x3d1: {  	v13 =	vor.u32 v18, v33;
	v15 =	vor.u32 v43, v3;
	v23 =	vor.u32 v19, v29;
	v14 =	vld.idx.msk [tilespmem:v14+s4+$0x0], $0xffff  }
0x3d2: {  	v8 =	vor.u32 v21, v44;
	v22 =	vand.u32 $0x7FFFFE00, v13;
	v13 =	vor.u32 v45, v31;
	[tilespmem:v7+s14+$0x0] =	vst.idx.msk $0xffff, v11  }
0x3d3: {  	v17 =	vand.u32 $0x2600, v23;
	v21 =	vor.u32 v25, v32;
	v7 =	vor.u32 v22, v44;
	v9 =	vld.idx.msk [tilespmem:v9+s4+$0x0], $0xffff  }
0x3d4: {  	v11 =	vor.u32 v45, v2;
	[tilespmem:v6+s14+$0x0] =	vst.idx.msk $0xffff, v12;
	v6 =	vor.u32 v17, v48;
	v17 =	vld [tilespmem:$0x1FF80]  }
0x3d5: {  	v22 =	vand.u32 $0x7FFFFE00, v21;
	v12 =	vor.u32 v18, v4;
	v10 =	vld.idx.msk [tilespmem:v10+s4+$0x0], $0xffff  }
0x3d6: {  	[tilespmem:v5+s14+$0x0] =	vst.idx.msk $0xffff, v16;
	v20 =	vand.u32 $0x7FFFFE00, v12;
	v12 =	vor.u32 v0, v30;
	v16 =	vor.u32 v45, v3  }
0x3d7: {  	v15 =	vld.idx.msk [tilespmem:v15+s4+$0x0], $0xffff;
	v5 =	vor.u32 v20, v44;
	[tilespmem:v8+s14+$0x0] =	vst.idx.msk $0xffff, v14;
	v14 =	vor.u32 v25, v33  }
0x3d8: {  	v8 =	vor.u32 v22, v46;
	v13 =	vld.idx.msk [tilespmem:v13+s4+$0x0], $0xffff;
	v23 =	vand.u32 $0x7FFFFE00, v14;
	[tilespmem:v7+s14+$0x0] =	vst.idx.msk $0xffff, v9  }
0x3d9: {  	v14 =	vor.u32 v47, v31;
	v7 =	vor.u32 v23, v46;
	v18 =	vor.u32 v17, v29;
	v11 =	vld.idx.msk [tilespmem:v11+s4+$0x0], $0xffff  }
0x3da: {  	v21 =	vor.u32 v25, v4;
	v9 =	vor.u32 v47, v2;
	[tilespmem:v6+s14+$0x0] =	vst.idx.msk $0xffff, v10;
	v20 =	vand.u32 $0x2600, v18  }
0x3db: {  	v22 =	vand.u32 $0x7FFFFE00, v21;
	v21 =	vor.u32 v24, v29;
	v12 =	vld.idx.msk [tilespmem:v12+s4+$0x0], $0xffff;
	v6 =	vor.u32 v20, v49  }
0x3dc: {  	v23 =	vor.u32 v50, v30;
	[tilespmem:v5+s14+$0x0] =	vst.idx.msk $0xffff, v15;
	v15 =	vor.u32 v19, v32  }
0x3dd: {  	v5 =	vor.u32 v22, v46;
	v16 =	vld.idx.msk [tilespmem:v16+s4+$0x0], $0xffff;
	[tilespmem:v8+s14+$0x0] =	vst.idx.msk $0xffff, v13;
	v18 =	vand.u32 $0x7FFFFE00, v15  }
0x3de: {  	v13 =	vor.u32 v19, v33;
	v15 =	vor.u32 v47, v3;
	v14 =	vld.idx.msk [tilespmem:v14+s4+$0x0], $0xffff;
	[tilespmem:v7+s14+$0x0] =	vst.idx.msk $0xffff, v11  }
0x3df: {  	v8 =	vor.u32 v18, v48;
	v20 =	vand.u32 $0x7FFFFE00, v13;
	v13 =	vor.u32 v0, v31;
	v9 =	vld.idx.msk [tilespmem:v9+s4+$0x0], $0xffff  }
0x3e0: {  	v22 =	vand.u32 $0x2600, v21;
	v7 =	vor.u32 v20, v48;
	[tilespmem:v6+s14+$0x0] =	vst.idx.msk $0xffff, v12;
	v12 =	vor.u32 v19, v4;
	v19 =	vld [tilespmem:$0x1FF60]  }
0x3e1: {  	v11 =	vor.u32 v0, v2;
	v6 =	vor.u32 v22, v51;
	v10 =	vld.idx.msk [tilespmem:v23+s4+$0x0], $0xffff  }
0x3e2: {  	v20 =	vor.u32 v17, v32;
	[tilespmem:v5+s14+$0x0] =	vst.idx.msk $0xffff, v16;
	v23 =	vand.u32 $0x7FFFFE00, v12;
	v12 =	vor.u32 v52, v30  }
0x3e3: {  	v21 =	vand.u32 $0x7FFFFE00, v20;
	v20 =	vor.u32 v17, v4;
	v15 =	vld.idx.msk [tilespmem:v15+s4+$0x0], $0xffff;
	v5 =	vor.u32 v23, v48  }
0x3e4: {  	v16 =	vor.u32 v0, v3;
	[tilespmem:v8+s14+$0x0] =	vst.idx.msk $0xffff, v14;
	v14 =	vor.u32 v17, v33  }
0x3e5: {  	v8 =	vor.u32 v21, v49;
	v13 =	vld.idx.msk [tilespmem:v13+s4+$0x0], $0xffff;
	v22 =	vand.u32 $0x7FFFFE00, v14;
	[tilespmem:v7+s14+$0x0] =	vst.idx.msk $0xffff, v9  }
0x3e6: {  	v14 =	vor.u32 v50, v31;
	v23 =	vor.u32 v19, v29;
	v11 =	vld.idx.msk [tilespmem:v11+s4+$0x0], $0xffff;
	[tilespmem:v6+s14+$0x0] =	vst.idx.msk $0xffff, v10  }
0x3e7: {  	v7 =	vor.u32 v22, v49;
	v9 =	vor.u32 v50, v2;
	v18 =	vand.u32 $0x2600, v23;
	v12 =	vld.idx.msk [tilespmem:v12+s4+$0x0], $0xffff  }
0x3e8: {  	v21 =	vand.u32 $0x7FFFFE00, v20;
	v20 =	vor.u32 v19, v32;
	v6 =	vor.u32 v18, v53;
	[tilespmem:v5+s14+$0x0] =	vst.idx.msk $0xffff, v15;
	v18 =	vld [tilespmem:$0x1FF50]  }
0x3e9: {  	v10 =	vor.u32 v54, v30;
	v15 =	vor.u32 v24, v32;
	v5 =	vor.u32 v21, v49;
	v16 =	vld.idx.msk [tilespmem:v16+s4+$0x0], $0xffff  }
0x3ea: {  	[tilespmem:v8+s14+$0x0] =	vst.idx.msk $0xffff, v13;
	v22 =	vand.u32 $0x7FFFFE00, v15;
	v13 =	vor.u32 v24, v33;
	v15 =	vor.u32 v50, v3  }
0x3eb: {  	v14 =	vld.idx.msk [tilespmem:v14+s4+$0x0], $0xffff;
	v8 =	vor.u32 v22, v51;
	v23 =	vand.u32 $0x7FFFFE00, v13;
	v13 =	vor.u32 v52, v31  }
0x3ec: {  	v17 =	vld [tilespmem:$0x1FF40];
	[tilespmem:v7+s14+$0x0] =	vst.idx.msk $0xffff, v11;
	v7 =	vor.u32 v23, v51;
	v11 =	vor.u32 v52, v2  }
0x3ed: {  	v9 =	vld.idx.msk [tilespmem:v9+s4+$0x0], $0xffff;
	v21 =	vor.u32 v18, v29;
	[tilespmem:v6+s14+$0x0] =	vst.idx.msk $0xffff, v12;
	v12 =	vor.u32 v24, v4  }
0x3ee: {  	v22 =	vand.u32 $0x2600, v21;
	v10 =	vld.idx.msk [tilespmem:v10+s4+$0x0], $0xffff;
	v23 =	vand.u32 $0x7FFFFE00, v12;
	v12 =	vor.u32 v56, v30  }
0x3ef: {  	[tilespmem:v5+s14+$0x0] =	vst.idx.msk $0xffff, v16;
	v21 =	vand.u32 $0x7FFFFE00, v20;
	v16 =	vor.u32 v52, v3;
	v6 =	vor.u32 v22, v55  }
0x3f0: {  	v15 =	vld.idx.msk [tilespmem:v15+s4+$0x0], $0xffff;
	v5 =	vor.u32 v23, v51;
	[tilespmem:v8+s14+$0x0] =	vst.idx.msk $0xffff, v14;
	v14 =	vor.u32 v19, v33  }
0x3f1: {  	v8 =	vor.u32 v21, v53;
	v23 =	vor.u32 v17, v29;
	v21 =	vor.u32 v19, v4  }
0x3f2: {  	v19 =	vor.u32 v18, v33;
	v13 =	vld.idx.msk [tilespmem:v13+s4+$0x0], $0xffff;
	v22 =	vand.u32 $0x7FFFFE00, v14;
	v14 =	vor.u32 v54, v31  }
0x3f3: {  	v20 =	vand.u32 $0x2600, v23;
	v23 =	vor.u32 v18, v32;
	[tilespmem:v7+s14+$0x0] =	vst.idx.msk $0xffff, v9;
	v7 =	vor.u32 v22, v53  }
0x3f4: {  	v9 =	vor.u32 v54, v2;
	v22 =	vand.u32 $0x7FFFFE00, v21;
	v11 =	vld.idx.msk [tilespmem:v11+s4+$0x0], $0xffff;
	[tilespmem:v6+s14+$0x0] =	vst.idx.msk $0xffff, v10  }
0x3f5: {  	[tilespmem:v5+s14+$0x0] =	vst.idx.msk $0xffff, v15;
	v5 =	vor.u32 v22, v53;
	v22 =	vor.u32 v18, v4;
	v18 =	vld [tilespmem:$0x1FF30]  }
0x3f6: {  	v6 =	vor.u32 v20, v57;
	v12 =	vld.idx.msk [tilespmem:v12+s4+$0x0], $0xffff  }
0x3f7: {  	v15 =	vld.idx.msk [tilespmem:v16+s4+$0x0], $0xffff  }
0x3f8: {  	[tilespmem:v8+s14+$0x0] =	vst.idx.msk $0xffff, v13;
	v16 =	vand.u32 $0x7FFFFE00, v23;
	v13 =	vor.u32 v54, v3  }
0x3f9: {  	v20 =	vand.u32 $0x7FFFFE00, v19;
	v14 =	vld.idx.msk [tilespmem:v14+s4+$0x0], $0xffff;
	v8 =	vor.u32 v16, v55;
	[tilespmem:v7+s14+$0x0] =	vst.idx.msk $0xffff, v11  }
0x3fa: {  	v21 =	vor.u32 v56, v31;
	v7 =	vor.u32 v20, v55;
	v9 =	vld.idx.msk [tilespmem:v9+s4+$0x0], $0xffff  }
0x3fb: {  	[tilespmem:v6+s14+$0x0] =	vst.idx.msk $0xffff, v12;
	v6 =	vor.u32 v56, v2  }
0x3fc: {  	v23 =	vand.u32 $0x7FFFFE00, v22;
	v19 =	vor.u32 v18, v29;
	v12 =	vor.u32 v58, v30;
	[tilespmem:v5+s14+$0x0] =	vst.idx.msk $0xffff, v15  }
0x3fd: {  	v15 =	vor.u32 v17, v32;
	v5 =	vor.u32 v23, v55;
	v23 =	vor.u32 v17, v4;
	v13 =	vld.idx.msk [tilespmem:v13+s4+$0x0], $0xffff  }
0x3fe: {  	[tilespmem:v8+s14+$0x0] =	vst.idx.msk $0xffff, v14;
	v20 =	vand.u32 $0x7FFFFE00, v15;
	v14 =	vor.u32 v17, v33;
	v15 =	vor.u32 v56, v3;
	v17 =	vld [tilespmem:$0x1FF20]  }
0x3ff: {  	v10 =	vld.idx.msk [tilespmem:v21+s4+$0x0], $0xffff;
	v8 =	vor.u32 v20, v57;
	v21 =	vand.u32 $0x7FFFFE00, v14;
	[tilespmem:v7+s14+$0x0] =	vst.idx.msk $0xffff, v9  }
0x400: {  	v22 =	vand.u32 $0x2600, v19;
	v7 =	vor.u32 v21, v57;
	v6 =	vld.idx.msk [tilespmem:v6+s4+$0x0], $0xffff  }
0x401: {  	v11 =	vor.u32 v58, v31;
	v9 =	vor.u32 v22, v59;
	v12 =	vld.idx.msk [tilespmem:v12+s4+$0x0], $0xffff  }
0x402: {  	v14 =	vor.u32 v58, v2;
	v20 =	vand.u32 $0x7FFFFE00, v23;
	[tilespmem:v5+s14+$0x0] =	vst.idx.msk $0xffff, v13  }
0x403: {  	v23 =	vor.u32 v18, v33;
	v13 =	vor.u32 v60, v30;
	v5 =	vor.u32 v20, v57;
	v15 =	vld.idx.msk [tilespmem:v15+s4+$0x0], $0xffff  }
0x404: {  	v21 =	vor.u32 v18, v32;
	v20 =	vor.u32 v58, v3;
	[tilespmem:v8+s14+$0x0] =	vst.idx.msk $0xffff, v10  }
0x405: {  	v22 =	vand.u32 $0x7FFFFE00, v21;
	v21 =	vand.u32 $0x7FFFFE00, v23;
	[tilespmem:v7+s14+$0x0] =	vst.idx.msk $0xffff, v6  }
0x406: {  	v23 =	vor.u32 v17, v29;
	v8 =	vor.u32 v22, v59;
	v11 =	vld.idx.msk [tilespmem:v11+s4+$0x0], $0xffff;
	[tilespmem:v9+s14+$0x0] =	vst.idx.msk $0xffff, v12  }
0x407: {  	v7 =	vor.u32 v60, v31;
	v6 =	vor.u32 v21, v59;
	v22 =	vld.idx.msk [tilespmem:v14+s4+$0x0], $0xffff;
	v14 =	vor.u32 v18, v4  }
0x408: {  	v12 =	vor.u32 v60, v2;
	v19 =	vld.idx.msk [tilespmem:v13+s4+$0x0], $0xffff;
	[tilespmem:v5+s14+$0x0] =	vst.idx.msk $0xffff, v15;
	v13 =	vand.u32 $0x7FFFFE00, v14  }
0x409: {  	v10 =	vand.u32 $0x2600, v23;
	v14 =	vor.u32 v17, v32;
	v15 =	vld.idx.msk [tilespmem:v20+s4+$0x0], $0xffff;
	v13 =	vor.u32 v13, v59  }
0x40a: {  	v61 =	vld [tilespmem:$0x1FC50];
	v10 =	vor.u32 v10, v62;
	v20 =	vand.u32 $0x7FFFFE00, v14;
	v14 =	vor.u32 v60, v3  }
0x40b: {  	v21 =	vor.u32 v17, v33;
	[tilespmem:v8+s14+$0x0] =	vst.idx.msk $0xffff, v11  }
0x40c: {  	v2 =	vor.u32 v63, v2;
	v23 =	vor.u32 v20, v62;
	[tilespmem:v6+s14+$0x0] =	vst.idx.msk $0xffff, v22;
	v22 =	vld.idx.msk [tilespmem:v7+s4+$0x0], $0xffff  }
0x40d: {  	v16 =	vand.u32 $0x7FFFFE00, v21;
	v18 =	vor.u32 v63, v30;
	v9 =	vld.idx.msk [tilespmem:v12+s4+$0x0], $0xffff;
	v12 =	vor.u32 v17, v4  }
0x40e: {  	v8 =	vor.u32 v16, v62;
	[tilespmem:v13+s14+$0x0] =	vst.idx.msk $0xffff, v15;
	v13 =	vor.u32 v63, v31;
	v12 =	vand.u32 $0x7FFFFE00, v12  }
0x40f: {  	v21 =	vor.u32 v61, v29;
	[tilespmem:v10+s14+$0x0] =	vst.idx.msk $0xffff, v19;
	v19 =	vld.idx.msk [tilespmem:v14+s4+$0x0], $0xffff;
	v20 =	vor.u32 v12, v62  }
0x410: {  	v3 =	vor.u32 v63, v3;
	v6 =	vand.u32 $0x2600, v21  }
0x411: {  	v6 =	vor.u32 v6, v1;
	[tilespmem:v23+s14+$0x0] =	vst.idx.msk $0xffff, v22;
	v22 =	vor.u32 v61, v32  }
0x412: {  	v4 =	vor.u32 v61, v4;
	v23 =	vld.idx.msk [tilespmem:v18+s4+$0x0], $0xffff;
	v32 =	vor.u32 v61, v33;
	v7 =	vand.u32 $0x7FFFFE00, v22  }
0x413: {  	[tilespmem:v8+s14+$0x0] =	vst.idx.msk $0xffff, v9;
	v9 =	vand.u32 $0x7FFFFE00, v32;
	v33 =	vld.idx.msk [tilespmem:v13+s4+$0x0], $0xffff;
	v7 =	vor.u32 v7, v1  }
0x414: {  	v4 =	vand.u32 $0x7FFFFE00, v4;
	v2 =	vld.idx.msk [tilespmem:v2+s4+$0x0], $0xffff;
	v61 =	vor.u32 v9, v1;
	[tilespmem:v20+s14+$0x0] =	vst.idx.msk $0xffff, v19  }
0x415: {  	p6 =	por p5, p5;
	v4 =	vor.u32 v4, v1;
	v3 =	vld.idx.msk [tilespmem:v3+s4+$0x0], $0xffff  }
.Ltmp11:
0x416: {  	_ = 	snop;
	(pc) =	sbr.rel @p6 .LBB2_12-.Ltmp11, $4  }
0x417: {  	[tilespmem:v6+s14+$0x0] =	vst.idx.msk $0xffff, v23  }
0x418: {  	[tilespmem:v7+s14+$0x0] =	vst.idx.msk $0xffff, v33  }
0x419: {  	[tilespmem:v61+s14+$0x0] =	vst.idx.msk $0xffff, v2  }
0x41a: {  	s22 =	simm.s32 $0x40;
	p5 =	por $0x0, $0x0;
	v14 =	vlaneseq.u32;
	[tilespmem:v4+s14+$0x0] =	vst.idx.msk $0xffff, v3  }
0x41b: {  	s10 =	sshll.u32 s20, $0x9  }
0x41c: {  	s20 =	sadd.s32 s9, s10  }
0x41d: {  	s22 =	simm.s32 $0x10;
	s23 =	sadd.s32 $0x200, s21;
	s10 =	sadd.s32 $0x0, s20  }
.LBB2_14:
0x41e: {  	[hbm4b:s10+s4] =	stream.linear.scatter [tilespmem:s21], [sflag:$0x2], $0x80, $0x38;
	[tilespmem:$0x8000] =	vst v63  }
0x41f: {  	s10 =	smov.u32 s22;
	s21 =	smov.u32 s23;
	p5 =	sne.s32 s22, $0x1F0  }
.Ltmp12:
0x420: {  	s22 =	sadd.s32 $0x10, s22;
	(pc) =	sbr.rel @p5 .LBB2_14-.Ltmp12, $2  }
0x421: {  	_ =	sdelay $0x2  }
0x422: {  	s23 =	sadd.s32 $0x200, s23;
	s10 =	sadd.s32 s10, s20  }
.Ltmp13:
0x423: {  	(pc) =	sbr.rel .LBB2_16-.Ltmp13, $3  }
0x424: {  	_ =	sdelay $0x1  }
0x425: {  	v25 =	vld [tilespmem:$0x1FF70]  }
0x426: {  	[hbm4b:s10+s4] =	stream.linear.scatter [tilespmem:s21], [sflag:$0x2], $0x80, $0x38;
	v28 =	vld [tilespmem:$0x1FFA0]  }
.LBB2_18:
0x427: {  	_ =	sfence.sel $0x180000  }
0x428: {  	[bflag:$0x0] =	sbarrier.arrive $0xFFFF  }
0x429: {  	_ =	strace $0x90000047  }
0x42a: {  	s0 =	stileid.u32;
	[bflag:$0x2] =	sbarrier.arrive $0xFFFF  }
0x42b: {  	p0 =	sne.s32 s0, $0x0;
	s0 =	rddreg [dreg:$0x4]  }
0x42c: {  	s0 =	sadd.s32 @!p0 $0x100000, s0  }
0x42d: {  	[sflag:s0] =	ssyncadd.tile.s32 @!p0 $0x1;
	_ =	shalt  }
.Lfunc_end2:
_tile_overlayer_lowered:
.L_overlay_start_2:
0x42e: {  	(tag) =	ssettag $0x2  }
0x42f: {  	s0 =	rddreg [dreg:$0x0];
	s2 =	stileid.u32  }
0x430: {  	s1 =	rddreg [dreg:$0x1];
	p0 =	sne.s32 s2, $0x0  }
0x431: {  	s3 =	rddreg [dreg:$0x2];
	[bflag:$0x3] =	sbarrier.arrive $0xFFFF;
	s2 =	simm.s32 @!p0 $0x1C03  }
0x432: {  	[timem:s3], [sflag:s2] =	dma.local @!p0 [hbm:s0], s1  }
0x433: {  	s0 =	simm.s32 @!p0 $0x3  }
0x434: {  	_ =	swait.ge @!p0 [sflag:s0], s1  }
0x435: {  	s1 =	ssub.s32 @!p0 $0x0, s1;
	[sflag:s0] =	ssyncset.done @!p0 $0x0  }
0x436: {  	[sflag:s0] =	ssyncadd.s32 @!p0 s1  }
0x437: {  	[bflag:$0x3] =	sbarrier.arrive $0xFFFF  }
0x438: {  	_ =	shalt  }

// kernel: kernel.7.cloned.1.call-start
scs
__scs_entry_jumppad:
0x0: {  	(pc) =	sbr.rel $0x88, $3  }
0x1: {  	(tag) =	ssettag $0x0;
	lr =	simm.s32 $0x1  }
0x2: {  	[smem:$0x3F9C] =	sst lr;
	_ =	strace $0xD0000000  }
0x3: {  	_ = 	snop  }
0x4: {  	_ = 	snop  }
0x5: {  	_ = 	snop  }
0x6: {  	_ = 	snop  }
0x7: {  	_ = 	snop  }
__scs_overlays_trampoline_lowered:
0x8: {  	[smem:$0x3FAB] =	sst s0  }
0x9: {  	[smem:$0x3FAC] =	sst s1  }
0xa: {  	[smem:$0x3FAD] =	sst s2  }
0xb: {  	[smem:$0x3FAE] =	sst s3  }
0xc: {  	[smem:$0x3FAF] =	sst s4  }
0xd: {  	[smem:$0x3FB0] =	sst s5  }
0xe: {  	[smem:$0x3FB1] =	sst s6  }
0xf: {  	[smem:$0x3FB2] =	sst s7  }
0x10: {  	[smem:$0x3FB3] =	sst s8  }
0x11: {  	[smem:$0x3FB4] =	sst s9;
	s0 =	simm.s32 @!p0 $0x0  }
0x12: {  	s1 =	sld [smem:$0x3F9A];
	s0 =	simm.s32 @p0 $0x1  }
0x13: {  	[smem:$0x3FB5] =	sst s0;
	s0 =	simm.s32 @!p1 $0x0  }
0x14: {  	s2 =	sld [smem:$0x3F99];
	s0 =	simm.s32 @p1 $0x1  }
0x15: {  	[smem:$0x3FB6] =	sst s0;
	s0 =	simm.s32 @!p2 $0x0  }
0x16: {  	s3 =	sld [smem:$0x3FDB];
	s0 =	simm.s32 @p2 $0x1  }
0x17: {  	s4 =	simm.s32 $0x1BF5;
	[smem:$0x3FB8] =	sst s0  }
0x18: {  	s0 =	sld [smem:$0x3F9B];
	_ =	swait.ge [sflag:s4], $0x0  }
0x19: {  	s7 =	sld [smem:$0x3F9C]  }
0x1a: {  	s8 =	sadd.s32 $0xFFFFE003, lr  }
0x1b: {  	s9 =	sadd.s32 $0xFFFFFEF7, lr;
	s5 =	simm.s32 $0xFFFFFFFF;
	p2 =	slt.u32 s8, $0xFFFFF086  }
0x1c: {  	p1 =	slt.u32 s9, $0xF7A;
	s5 =	simm.s32 @!p2 $0x0  }
0x1d: {  	s5 =	simm.s32 @p1 $0x1;
	p0 =	seq.s32 s7, s2  }
0x1e: {  	s7 =	smul.u32 @!p0 $0xF7A, s2;
	p2 =	seq.s32 @!p0 s5, $0x0  }
0x1f: {  	s9 =	smul.u32 $0xF7A, s1;
	s8 =	simm.s32 @!p0 $0x1BF5;
	p2 =	por !p2, p0  }
0x20: {  	[sflag:s8] =	ssyncset.s32 @!p0 $0xFFFFF086;
	s6 =	sadd.s32 @!p0 s3, s7;
	s7 =	simm.s32 @!p0 $0x108  }
0x21: {  	s3 =	sadd.s32 s3, s9;
	s6 =	sadd.s32 @!p0 $0x88, s6;
	s7 =	simm.s32 @p2 $0x1082  }
0x22: {  	[simem:s7], [sflag:s8] =	dma.local @!p0 [hbm:s6], $0xF7A  }
0x23: {  	s9 =	sor.u32 $0xD0000000, s2;
	s6 =	simm.s32 $0x108;
	_ =	swait.ge @!p0 [sflag:s8], $0x0  }
0x24: {  	s3 =	sadd.s32 $0x88, s3;
	s6 =	simm.s32 @!p1 $0x1082;
	[sflag:s4] =	ssyncset.s32 $0xFFFFF086  }
0x25: {  	[simem:s6], [sflag:s4] =	dma.local [hbm:s3], $0xF7A  }
0x26: {  	[smem:$0x3F9C] =	sst s1;
	(tag) =	ssettag s2;
	_ =	strace s9  }
0x27: {  	s1 =	sld [smem:$0x3FAC]  }
0x28: {  	s2 =	sld [smem:$0x3FAD]  }
0x29: {  	s4 =	sld [smem:$0x3FAF]  }
0x2a: {  	p0 =	seq.s32 s5, $0x0;
	s5 =	sld [smem:$0x3FB0]  }
0x2b: {  	s6 =	sld [smem:$0x3FB1]  }
0x2c: {  	s7 =	sld [smem:$0x3FB2]  }
0x2d: {  	s3 =	simm.s32 $0x108;
	s8 =	sld [smem:$0x3FB3]  }
0x2e: {  	s3 =	simm.s32 @!p0 $0x1082;
	s9 =	sld [smem:$0x3FB4]  }
0x2f: {  	lr =	sadd.s32 s0, s3;
	s0 =	sld [smem:$0x3FAB]  }
0x30: {  	s3 =	sld [smem:$0x3FAE]  }
0x31: {  	[smem:$0x3FB7] =	sst s10  }
0x32: {  	s10 =	sld [smem:$0x3FB5];
	_ =	sdelay $0x3  }
0x33: {  	p0 =	seq.s32 s10, $0x1;
	s10 =	sld [smem:$0x3FB7];
	_ =	sdelay $0x3  }
0x34: {  	[smem:$0x3FB7] =	sst s10  }
0x35: {  	s10 =	sld [smem:$0x3FB6];
	_ =	sdelay $0x3  }
0x36: {  	p1 =	seq.s32 s10, $0x1;
	s10 =	sld [smem:$0x3FB7];
	_ =	sdelay $0x3  }
0x37: {  	[smem:$0x3FB7] =	sst s10  }
0x38: {  	s10 =	sld [smem:$0x3FB8]  }
0x39: {  	_ = 	snop;
	(pc) =	sbr.ind lr, $3  }
0x3a: {  	_ = 	snop  }
0x3b: {  	_ = 	snop  }
0x3c: {  	p2 =	seq.s32 s10, $0x1;
	s10 =	sld [smem:$0x3FB7]  }
0x3d: {  	_ =	shalt  }
0x3e: {  	_ =	shalt  }
0x3f: {  	_ =	shalt  }
0x40: {  	_ =	shalt  }
0x41: {  	_ =	shalt  }
0x42: {  	_ =	shalt  }
0x43: {  	_ =	shalt  }
0x44: {  	_ =	shalt  }
0x45: {  	_ =	shalt  }
0x46: {  	_ =	shalt  }
0x47: {  	_ =	shalt  }
0x48: {  	_ =	shalt  }
0x49: {  	_ =	shalt  }
0x4a: {  	_ =	shalt  }
0x4b: {  	_ =	shalt  }
0x4c: {  	_ =	shalt  }
0x4d: {  	_ =	shalt  }
0x4e: {  	_ =	shalt  }
0x4f: {  	_ =	shalt  }
0x50: {  	_ =	shalt  }
0x51: {  	_ =	shalt  }
0x52: {  	_ =	shalt  }
0x53: {  	_ =	shalt  }
0x54: {  	_ =	shalt  }
0x55: {  	_ =	shalt  }
0x56: {  	_ =	shalt  }
0x57: {  	_ =	shalt  }
0x58: {  	_ =	shalt  }
0x59: {  	_ =	shalt  }
0x5a: {  	_ =	shalt  }
0x5b: {  	_ =	shalt  }
0x5c: {  	_ =	shalt  }
0x5d: {  	_ =	shalt  }
0x5e: {  	_ =	shalt  }
0x5f: {  	_ =	shalt  }
0x60: {  	_ =	shalt  }
0x61: {  	_ =	shalt  }
0x62: {  	_ =	shalt  }
0x63: {  	_ =	shalt  }
0x64: {  	_ =	shalt  }
0x65: {  	_ =	shalt  }
0x66: {  	_ =	shalt  }
0x67: {  	_ =	shalt  }
0x68: {  	_ =	shalt  }
0x69: {  	_ =	shalt  }
0x6a: {  	_ =	shalt  }
0x6b: {  	_ =	shalt  }
0x6c: {  	_ =	shalt  }
0x6d: {  	_ =	shalt  }
0x6e: {  	_ =	shalt  }
0x6f: {  	_ =	shalt  }
0x70: {  	_ =	shalt  }
0x71: {  	_ =	shalt  }
0x72: {  	_ =	shalt  }
0x73: {  	_ =	shalt  }
0x74: {  	_ =	shalt  }
0x75: {  	_ =	shalt  }
0x76: {  	_ =	shalt  }
0x77: {  	_ =	shalt  }
0x78: {  	_ =	shalt  }
0x79: {  	_ =	shalt  }
0x7a: {  	_ =	shalt  }
0x7b: {  	_ =	shalt  }
0x7c: {  	_ =	shalt  }
0x7d: {  	_ =	shalt  }
0x7e: {  	_ =	shalt  }
0x7f: {  	_ =	shalt  }
0x80: {  	_ =	shalt  }
0x81: {  	_ =	shalt  }
0x82: {  	_ =	shalt  }
0x83: {  	_ =	shalt  }
0x84: {  	_ =	shalt  }
0x85: {  	_ =	shalt  }
0x86: {  	_ =	shalt  }
0x87: {  	_ =	shalt  }
.Lfunc_end0:
.L_simem_size_0:
called_computation.1_lowered:
.L_overlay_start_0:
0x88: {  	s2 =	sld [smem:$0x3FD9]  }
0x89: {  	s3 =	sld [smem:$0x3FFE];
	_ =	sdelay $0x1  }
0x8a: {  	s1 =	srdreg.scid  }
0x8b: {  	s0 =	sand.u32 $0x1, s1  }
0x8c: {  	s17 =	sshll.u32 s0, $0xA;
	s2 =	sadd.s32 s3, s2  }
0x8d: {  	s2 =	sadd.s32 s2, s17  }
0x8e: {  	[smem:$0x3FC3] =	sst s2  }
0x8f: {  	_ = 	snop  }
0x90: {  	s2 =	sld [smem:$0x3FC9]  }
0x91: {  	s18 =	sld [smem:$0x3FC8]  }
0x92: {  	s4 =	sld [smem:$0x3FC7]  }
0x93: {  	s5 =	sld [smem:$0x3FD0];
	(tm) =	ssettm $0x1  }
0x94: {  	s6 =	sld [smem:$0x3FFB];
	_ =	sdelay $0x3  }
0x95: {  	_ =	strace s6  }
0x96: {  	s6 =	sld [smem:$0x3FFC];
	_ =	sdelay $0x3  }
0x97: {  	_ =	strace s6  }
0x98: {  	s6 =	sld [smem:$0x3FFD];
	_ =	sdelay $0x3  }
0x99: {  	_ =	strace s6  }
0x9a: {  	_ =	strace $0x8FFFFFFF  }
0x9b: {  	s19 =	sld [smem:$0x3FDB];
	_ =	sdelay $0x1  }
0x9c: {  	s7 =	simm.s32 $_scs_section_size  }
0x9d: {  	s8 =	simm.s32 $_size__tile_overlayer_lowered;
	s9 =	simm.s32 $_tile_overlayer_lowered  }
0x9e: {  	s22 =	simm.s32 $0x1BFF;
	s21 =	sshll.u32 s9, $0x1;
	s6 =	sadd.s32 s7, s19  }
0x9f: {  	s10 =	simm.s32 $0x0;
	s20 =	sshll.u32 s8, $0x1;
	s8 =	sadd.s32 s21, s6  }
0xa0: {  	[timem:s10], [sflag:s22] =	dma.local [hbm:s8], s20  }
0xa1: {  	_ =	swait.ge [sflag:s22], s20  }
0xa2: {  	s7 =	ssub.s32 $0x0, s20;
	[sflag:s22] =	ssyncset.done $0x0  }
0xa3: {  	[sflag:s22] =	ssyncadd.s32 s7;
	_ =	sdelay $0x1  }
0xa4: {  	s23 =	simm.s32 $0x1B8B  }
0xa5: {  	_ =	swait.ge [sflag:s23], $0x1  }
0xa6: {  	[sflag:s23] =	ssyncset.done $0x0  }
0xa7: {  	s25 =	simm.s32 $0x1B8E;
	s24 =	sld [smem:$0x3FFE];
	[sflag:s23] =	ssyncadd.s32 $0xFFFFFFFF  }
0xa8: {  	s26 =	simm.s32 $execute0_lowered;
	[smem:$0x3FD2] =	sst s25  }
0xa9: {  	s8 =	sshll.u32 s26, $0x1;
	_ =	strace $0x80000049;
	[dreg:$0x1] =	wrdreg $0xFFFFFFFF  }
0xaa: {  	s28 =	simm.s32 $_size_execute0_lowered;
	s6 =	sadd.s32 s6, s8;
	[dreg:$0x0] =	wrdreg $0x0  }
0xab: {  	s8 =	sshll.u32 s28, $0x1;
	[dreg:$0x2] =	wrdreg s6  }
0xac: {  	[dreg:$0x3] =	wrdreg s8  }
0xad: {  	[dreg:$0x4] =	wrdreg $0xC0  }
0xae: {  	_ =	task [dreg:s10], $0x5FFFF  }
0xaf: {  	[dreg:$0x1] =	wrdreg $0xFFFFFFFF  }
0xb0: {  	[dreg:$0x0] =	wrdreg $0x60  }
0xb1: {  	[dreg:$0x2] =	wrdreg s2  }
0xb2: {  	[dreg:$0x3] =	wrdreg s18  }
0xb3: {  	[dreg:$0x4] =	wrdreg s4  }
0xb4: {  	[dreg:$0x5] =	wrdreg s24  }
0xb5: {  	[dreg:$0x6] =	wrdreg s5  }
0xb6: {  	[dreg:$0x7] =	wrdreg $0x9  }
0xb7: {  	_ =	task.clear_ibuf [dreg:s10], $0x8FFFF;
	_ =	strace $0x90000049  }
0xb8: {  	s29 =	simm.s32 $0x9;
	_ =	strace $0x8000004B  }
0xb9: {  	_ =	swait.ge [sflag:s29], $0x1  }
0xba: {  	[sflag:s29] =	ssyncadd.s32 $0xFFFFFFFF  }
0xbb: {  	_ =	strace $0x9000004B  }
0xbc: {  	_ =	sfence  }
0xbd: {  	s30 =	sld [smem:$0x0];
	_ =	sdelay $0x2  }
0xbe: {  	s31 =	sshll.u32 s1, $0xD;
	s1 =	sshrl.u32 s1, $0x2  }
0xbf: {  	s3 =	sand.u32 $0x4000, s31;
	s1 =	sadd.s32 s1, s30  }
0xc0: {  	s0 =	sor.u32 s3, s0;
	s1 =	sshll.u32 s1, $0x11  }
0xc1: {  	s0 =	sor.u32 s1, s0  }
0xc2: {  	s0 =	sadd.s32 $0x8F2B, s0  }
0xc3: {  	[sflag:s0] =	ssyncadd.remote.s32 $0x1  }
0xc4: {  	_ =	sfence.sel $0xFFFF  }
0xc5: {  	[dreg:$0x0] =	wrdreg $0xFFFFFFFF;
	(pc) =	sbr.abs _section_cstart, $3  }
0xc6: {  	[dreg:$0x1] =	wrdreg $0xFFFFFFFF  }
0xc7: {  	_ =	task.clear_ibuf [dreg:s10], $0x2FFFF;
	_ =	strace $0x9FFFFFFF  }
0xc8: {  	(tm) =	ssettm $0x7FFFFFFF  }
0xc9: {  	_ =	shalt  }
tec
execute0_lowered:
.L_overlay_start_1:
0x0: {  	(tag) =	ssettag $0x1  }
0x1: {  	v30 =	vlaneseq.u32  }
0x2: {  	v36 =	vimm.s32 $0x14131211;
	v1 =	vimm.s32 $0x18171615;
	v2 =	vimm.s32 $0x1C1B1A19  }
0x3: {  	v3 =	vimm.s32 $0x1F1E1D;
	v4 =	vimm.s32 $0x15141312;
	v5 =	vimm.s32 $0x19181716  }
0x4: {  	vm0 =	vcmask $0x1F10;
	v7 =	vimm.s32 $0x1D1C1B1A;
	v39 =	vimm.s32 $0x1001F1E  }
0x5: {  	v8 =	vimm.s32 $0x16151413;
	v9 =	vimm.s32 $0x1A191817;
	v10 =	vimm.s32 $0x1E1D1C1B  }
0x6: {  	v11 =	vimm.s32 $0x201001F;
	v12 =	vimm.s32 $0x3020100;
	v13 =	vimm.s32 $0x1F1E1D1C  }
0x7: {  	v14 =	vimm.s32 $0x17161514;
	v15 =	vimm.s32 $0x1B1A1918;
	v18 =	vimm.s32 $0x4030201  }
0x8: {  	v44 =	vimm.s32 $0x76543210;
	v45 =	vimm.s32 $0x87654321;
	v46 =	vimm.s32 $0x98765432  }
0x9: {  	v49 =	vimm.s32 $0xA9876543;
	v55 =	vimm.s32 $0x43218765;
	v56 =	vimm.s32 $0x54329876  }
0xa: {  	v57 =	vimm.s32 $0x6543A987;
	vm15 =	vcmask $0x2F10;
	v58 =	vimm.s32 $0xB0A0908  }
0xb: {  	vm1 =	vcmask $0x3F30;
	v61 =	vimm.s32 $0xC0B0A09;
	v20 =	vmul.u32 $0x20, v30  }
0xc: {  	v29 =	vadd.s32 $0x1, v30;
	v26 =	vadd.s32 $0x2, v30;
	v25 =	vadd.s32 $0x3, v30  }
0xd: {  	v24 =	vadd.s32 $0x4, v30;
	v23 =	vadd.s32 $0x5, v30;
	v22 =	vadd.s32 $0x6, v30  }
0xe: {  	s0 =	rddreg [dreg:$0x0];
	v0 =	vadd.s32 $0x7, v30;
	v34 =	vadd.s32 $0x8, v30;
	v35 =	vadd.s32 $0x9, v30  }
0xf: {  	s2 =	rddreg [dreg:$0x1];
	v63 =	vadd.s32 $0xA, v30;
	v32 =	vadd.s32 $0xB, v30;
	v31 =	vadd.s32 $0xC, v30  }
0x10: {  	s7 =	rddreg [dreg:$0x2];
	v59 =	vadd.s32 $0xD, v30;
	v21 =	vadd.s32 $0xE, v30;
	v27 =	vadd.s32 $0xF, v30;
	[tilespmem:$0x1FE00] =	vst v0  }
0x11: {  	s4 =	rddreg [dreg:$0x3];
	s1 =	simm.s32 $0x0;
	v1 =	vunpack.c.0.s8.s32 v1;
	v2 =	vunpack.c.0.s8.s32 v2;
	v3 =	vunpack.c.0.s8.s32 v3;
	[tilespmem:$0x1FE10] =	vst v34  }
0x12: {  	v4 =	vunpack.c.0.s8.s32 v4;
	v5 =	vunpack.c.0.s8.s32 v5;
	v38 =	vunpack.c.0.s8.s32 v7;
	[smem:$0x7FF] =	sst s1;
	[tilespmem:$0x1FE20] =	vst v35  }
0x13: {  	s8 =	rddreg [dreg:$0x4];
	v7 =	vunpack.c.0.s8.s32 v39;
	v8 =	vunpack.c.0.s8.s32 v8;
	v9 =	vunpack.c.0.s8.s32 v9;
	_ =	strace $0x8000004A;
	[tilespmem:$0x1FEC0] =	vst v21  }
0x14: {  	v10 =	vunpack.c.0.s8.s32 v10;
	v11 =	vunpack.c.0.s8.s32 v11;
	v12 =	vunpack.c.0.s8.s32 v12;
	[tilespmem:$0x1FEE0] =	vst v22  }
0x15: {  	v13 =	vunpack.c.0.s8.s32 v13;
	v14 =	vunpack.c.0.s8.s32 v14;
	v15 =	vunpack.c.0.s8.s32 v15;
	[tilespmem:$0x1FF00] =	vst v23  }
0x16: {  	v48 =	vunpack.c.l.s4.s8 v46;
	v0 =	vunpack.c.0.s8.s32 v36;
	v6 =	vsel vm0, v3, v2;
	[tilespmem:$0x1FF10] =	vst v24  }
0x17: {  	v37 =	vsel vm0, v5, v4;
	v16 =	vsel vm0, v7, v38;
	v8 =	vsel vm0, v9, v8;
	[tilespmem:$0x1FF30] =	vst v27  }
0x18: {  	v17 =	vsel vm0, v11, v10;
	v12 =	vsel vm0, v12, v13;
	v14 =	vsel vm0, v15, v14;
	[tilespmem:$0x1FF40] =	vst v25  }
0x19: {  	v4 =	vsel vm0, v38, v5;
	v43 =	vsel vm0, v10, v9;
	v47 =	vsel vm0, v13, v15;
	[tilespmem:$0x1FF50] =	vst v26  }
0x1a: {  	v5 =	vunpack.c.l.s4.s8 v49;
	[tilespmem:$0x1FF60] =	vst v59;
	v0 =	vsel vm0, v1, v0;
	v41 =	vcombine.low v14, v12  }
0x1b: {  	[tilespmem:$0x1FF80] =	vst v31;
	v12 =	vunpack.c.0.s8.s32 v18;
	v14 =	vimm.s32 $0x5040302;
	v18 =	vcombine.low v37, v16  }
0x1c: {  	[tilespmem:$0x1FFA0] =	vst v32;
	v1 =	vsel vm0, v2, v1;
	v28 =	vcombine.low v8, v17;
	v19 =	vcombine.low v0, v6  }
0x1d: {  	[tilespmem:$0x1FFC0] =	vst v63;
	v40 =	vunpack.c.0.s8.s32 v14;
	v14 =	vimm.s32 $0x6050403;
	v53 =	vunpack.c.0.s8.s32 v5  }
0x1e: {  	[tilespmem:$0x1FFE0] =	vst v20;
	v5 =	vunpack.c.l.s4.s8 v57;
	v42 =	vunpack.c.0.s8.s32 v14;
	v8 =	vsel vm0, v12, v3  }
0x1f: {  	[tilespmem:$0x1FFF0] =	vst v29;
	v2 =	vsel vm0, v40, v7;
	v12 =	vcombine.low v1, v8;
	v1 =	vunpack.c.0.s8.s32 v48  }
0x20: {  	[tilespmem:$0x1FE30] =	vst v41;
	v8 =	vimm.s32 $0x32107654;
	v5 =	vunpack.c.0.s8.s32 v5;
	v14 =	vcombine.low v4, v2  }
0x21: {  	[tilespmem:$0x1FEF0] =	vst v18;
	v0 =	vsel vm0, v42, v11;
	v2 =	vunpack.c.l.s4.s8 v44;
	v4 =	vunpack.c.l.s4.s8 v45  }
0x22: {  	[tilespmem:$0x1FF20] =	vst v28;
	v51 =	vunpack.c.l.s4.s8 v8;
	v8 =	vimm.s32 $0xE0D0C0B;
	v9 =	vcombine.low v43, v0  }
0x23: {  	s5 =	srdreg.scid;
	[tilespmem:$0x1FEA0] =	vst v19;
	v52 =	vand.u32 $0xF, v1;
	v1 =	vand.u32 $0xF, v53;
	v5 =	vand.u32 $0xF, v5  }
0x24: {  	s9 =	stileid.u32;
	s11 =	simm.s32 $0x200;
	s12 =	simm.s32 $0x400;
	v8 =	vunpack.c.0.s8.s32 v8;
	[tilespmem:$0x1FE90] =	vst v12;
	v2 =	vunpack.c.0.s8.s32 v2;
	v4 =	vunpack.c.0.s8.s32 v4  }
0x25: {  	s13 =	simm.s32 $0x600;
	s14 =	simm.s32 $0x4600;
	s15 =	simm.s32 $0x8600;
	v16 =	vcombine.low v16, v52;
	v54 =	vunpack.c.0.s8.s32 v51;
	v5 =	vsel vm15, v5, v11;
	[tilespmem:$0x1FE50] =	vst v14  }
0x26: {  	s22 =	simm.s32 $0x80;
	s23 =	simm.s32 $0x300;
	s24 =	simm.s32 $0x6600;
	v42 =	vcombine.low v17, v1;
	v34 =	vsel vm1, v8, v5;
	[tilespmem:$0x1FE60] =	vst v9;
	v10 =	vcombine.low v47, v2  }
0x27: {  	s25 =	simm.s32 $0x100;
	s26 =	simm.s32 $0x500;
	s28 =	simm.s32 $0xA600;
	v50 =	vand.u32 $0xF, v4;
	v2 =	vunpack.c.l.s4.s8 v55;
	v4 =	vunpack.c.l.s4.s8 v56;
	[tilespmem:$0x1FED0] =	vst v16  }
0x28: {  	s29 =	simm.s32 $0x180;
	s30 =	simm.s32 $0x3600;
	s31 =	simm.s32 $0x380;
	v0 =	vand.u32 $0xF, v54;
	[tilespmem:$0x1FF90] =	vst v42;
	v15 =	vcombine.low v6, v50;
	v6 =	vunpack.c.0.s8.s32 v58  }
0x29: {  	s16 =	simm.s32 $0xB600;
	s17 =	simm.s32 $0x1;
	s18 =	simm.s32 $0xC600;
	[tilespmem:$0x1FFB0] =	vst v34;
	v0 =	vsel vm15, v0, v13;
	v2 =	vunpack.c.0.s8.s32 v2;
	v4 =	vunpack.c.0.s8.s32 v4  }
0x2a: {  	v62 =	vimm.s32 $0xD0C0B0A;
	s19 =	simm.s32 $0x0;
	s3 =	sadd.s32 $0xE00, s4;
	s5 =	sand.u32 $0x1, s5;
	v13 =	vor.u32 $0x10, v30;
	[tilespmem:$0x1FE70] =	vst v10;
	v11 =	vsel vm1, v6, v0  }
0x2b: {  	s9 =	sshll.u32 s9, $0x7;
	s6 =	ssub.s32 $0x2, s5;
	s5 =	sshll.u32 s5, $0x6;
	[tilespmem:$0x1FE80] =	vst v13;
	v2 =	vand.u32 $0xF, v2;
	v60 =	vand.u32 $0xF, v4;
	v4 =	vunpack.c.0.s8.s32 v61  }
0x2c: {  	s4 =	sadd.s32 $0x62A00, s4;
	s10 =	sshrl.u32 s6, $0x1;
	s9 =	sor.u32 s5, s9;
	[tilespmem:$0x1FEB0] =	vst v15;
	v2 =	vsel vm15, v2, v3;
	v3 =	vsel vm15, v60, v7;
	v7 =	vunpack.c.0.s8.s32 v62  }
0x2d: {  	s10 =	ssub.s32 s6, s10;
	s5 =	sadd.s32 s0, s9;
	s6 =	sadd.s32 s2, s9;
	[tilespmem:$0x1FE40] =	vst v11;
	v40 =	vsel vm1, v4, v2  }
0x2e: {  	s7 =	sadd.s32 s7, s9;
	s8 =	sadd.s32 s8, s9;
	s0 =	simm.s32 $0x7600;
	v36 =	vsel vm1, v7, v3;
	[tilespmem:$0x1FF70] =	vst v40  }
0x2f: {  	s2 =	simm.s32 $0x580;
	s9 =	smax.u32 s10, $0x1;
	s10 =	simm.s32 $0x2;
	[tilespmem:$0x1FFD0] =	vst v36  }
.LBB2_1:
0x30: {  	[tilespmem:s1], [sflag:$0x2] =	stream.linear.gather [hbm4b:s5+s1], $0x200, $0x38;
	[tilespmem:$0xC800] =	vst v63  }
0x31: {  	_ =	swait.ge [sflag:s10], $0x200  }
0x32: {  	[sflag:s10] =	ssyncset.done $0x0  }
0x33: {  	[sflag:s10] =	ssyncadd.s32 $0xFFFFFE00  }
0x34: {  	[tilespmem:s11], [sflag:$0x2] =	stream.linear.gather [hbm4b:s6+s1], $0x200, $0x38;
	[tilespmem:$0xC800] =	vst v63  }
0x35: {  	_ =	swait.ge [sflag:s10], $0x200  }
0x36: {  	[sflag:s10] =	ssyncset.done $0x0  }
0x37: {  	[sflag:s10] =	ssyncadd.s32 $0xFFFFFE00  }
0x38: {  	[tilespmem:s12], [sflag:$0x2] =	stream.linear.gather [hbm4b:s7+s1], $0x200, $0x38;
	[tilespmem:$0xC800] =	vst v63  }
0x39: {  	_ =	swait.ge [sflag:s10], $0x200  }
0x3a: {  	[sflag:s10] =	ssyncset.done $0x0  }
0x3b: {  	[sflag:s10] =	ssyncadd.s32 $0xFFFFFE00  }
0x3c: {  	[tilespmem:s13], [sflag:$0x1] =	stream.indirect.gather [hbm4b:s3+s22], $0x20, s1, s22, $0xb8;
	[tilespmem:$0xC800] =	vst v63  }
0x3d: {  	_ = 	snop  }
0x3e: {  	[tilespmem:s14], [sflag:$0x1] =	stream.indirect.gather [hbm4b:s4+s22], $0x20, s11, s22, $0xb8;
	[tilespmem:$0xC800] =	vst v63  }
0x3f: {  	_ = 	snop  }
0x40: {  	[tilespmem:s15], [sflag:$0x1] =	stream.indirect.gather [hbm4b:s4+s22], $0x20, s12, s22, $0xb8;
	[tilespmem:$0xC800] =	vst v63  }
0x41: {  	s20 =	simm.s32 $0x1600  }
0x42: {  	[tilespmem:s20], [sflag:$0x1] =	stream.indirect.gather [hbm4b:s3+s22], $0x20, s22, s22, $0xb8;
	[tilespmem:$0xC800] =	vst v63  }
0x43: {  	s21 =	simm.s32 $0x5600;
	s20 =	simm.s32 $0x280  }
0x44: {  	[tilespmem:s21], [sflag:$0x1] =	stream.indirect.gather [hbm4b:s4+s22], $0x20, s20, s22, $0xb8;
	[tilespmem:$0xC800] =	vst v63  }
0x45: {  	s20 =	simm.s32 $0x480;
	s21 =	simm.s32 $0x9600  }
0x46: {  	[tilespmem:s21], [sflag:$0x1] =	stream.indirect.gather [hbm4b:s4+s22], $0x20, s20, s22, $0xb8;
	[tilespmem:$0xC800] =	vst v63  }
0x47: {  	s21 =	simm.s32 $0x2600  }
0x48: {  	[tilespmem:s21], [sflag:$0x1] =	stream.indirect.gather [hbm4b:s3+s22], $0x20, s25, s22, $0xb8;
	[tilespmem:$0xC800] =	vst v63  }
0x49: {  	_ = 	snop  }
0x4a: {  	[tilespmem:s24], [sflag:$0x1] =	stream.indirect.gather [hbm4b:s4+s22], $0x20, s23, s22, $0xb8;
	[tilespmem:$0xC800] =	vst v63  }
0x4b: {  	_ = 	snop  }
0x4c: {  	[tilespmem:s28], [sflag:$0x1] =	stream.indirect.gather [hbm4b:s4+s22], $0x20, s26, s22, $0xb8;
	[tilespmem:$0xC800] =	vst v63  }
0x4d: {  	_ = 	snop  }
0x4e: {  	[tilespmem:s30], [sflag:$0x1] =	stream.indirect.gather [hbm4b:s3+s22], $0x20, s29, s22, $0xb8;
	[tilespmem:$0xC800] =	vst v63  }
0x4f: {  	_ = 	snop  }
0x50: {  	[tilespmem:s0], [sflag:$0x1] =	stream.indirect.gather [hbm4b:s4+s22], $0x20, s31, s22, $0xb8;
	[tilespmem:$0xC800] =	vst v63  }
0x51: {  	_ = 	snop  }
0x52: {  	[tilespmem:s16], [sflag:$0x1] =	stream.indirect.gather [hbm4b:s4+s22], $0x20, s2, s22, $0xb8;
	[tilespmem:$0xC800] =	vst v63  }
0x53: {  	_ =	swait.ge [sflag:s17], $0x1000  }
0x54: {  	[sflag:s17] =	ssyncset.done $0x0  }
0x55: {  	[sflag:s17] =	ssyncadd.s32 $0xFFFFF000  }
0x56: {  	_ =	swait.ge [sflag:s17], $0x1000  }
0x57: {  	[sflag:s17] =	ssyncset.done $0x0  }
0x58: {  	[sflag:s17] =	ssyncadd.s32 $0xFFFFF000  }
0x59: {  	_ =	swait.ge [sflag:s17], $0x1000  }
0x5a: {  	[sflag:s17] =	ssyncset.done $0x0  }
0x5b: {  	[sflag:s17] =	ssyncadd.s32 $0xFFFFF000  }
0x5c: {  	_ =	swait.ge [sflag:s17], $0x1000  }
0x5d: {  	[sflag:s17] =	ssyncset.done $0x0  }
0x5e: {  	[sflag:s17] =	ssyncadd.s32 $0xFFFFF000  }
0x5f: {  	_ =	swait.ge [sflag:s17], $0x1000  }
0x60: {  	[sflag:s17] =	ssyncset.done $0x0  }
0x61: {  	[sflag:s17] =	ssyncadd.s32 $0xFFFFF000  }
0x62: {  	_ =	swait.ge [sflag:s17], $0x1000  }
0x63: {  	[sflag:s17] =	ssyncset.done $0x0  }
0x64: {  	[sflag:s17] =	ssyncadd.s32 $0xFFFFF000  }
0x65: {  	_ =	swait.ge [sflag:s17], $0x1000  }
0x66: {  	[sflag:s17] =	ssyncset.done $0x0  }
0x67: {  	[sflag:s17] =	ssyncadd.s32 $0xFFFFF000  }
0x68: {  	_ =	swait.ge [sflag:s17], $0x1000  }
0x69: {  	[sflag:s17] =	ssyncset.done $0x0  }
0x6a: {  	[sflag:s17] =	ssyncadd.s32 $0xFFFFF000  }
0x6b: {  	_ =	swait.ge [sflag:s17], $0x1000  }
0x6c: {  	[sflag:s17] =	ssyncset.done $0x0  }
0x6d: {  	[sflag:s17] =	ssyncadd.s32 $0xFFFFF000  }
0x6e: {  	_ =	swait.ge [sflag:s17], $0x1000  }
0x6f: {  	v0 =	vmov s1;
	[sflag:s17] =	ssyncset.done $0x0  }
0x70: {  	v0 =	vshll.u32 v0, $0x5;
	[sflag:s17] =	ssyncadd.s32 $0xFFFFF000  }
0x71: {  	v20 =	vor.u32 v20, v0;
	_ =	swait.ge [sflag:s17], $0x1000  }
0x72: {  	v7 =	vor.u32 v34, v20;
	[sflag:s17] =	ssyncset.done $0x0  }
0x73: {  	[sflag:s17] =	ssyncadd.s32 $0xFFFFF000  }
0x74: {  	_ =	swait.ge [sflag:s17], $0x1000  }
0x75: {  	[sflag:s17] =	ssyncset.done $0x0  }
0x76: {  	[sflag:s17] =	ssyncadd.s32 $0xFFFFF000  }
0x77: {  	v5 =	vor.u32 v36, v20;
	v0 =	vld.idx.msk [tilespmem:v7+s14+$0x0], $0xffff;
	_ =	sdelay $0x4  }
0x78: {  	v6 =	vor.u32 v40, v20;
	[tilespmem:$0x1FDA0] =	vst v0;
	v0 =	vld.idx.msk [tilespmem:v5+s14+$0x0], $0xffff;
	_ =	sdelay $0x4  }
0x79: {  	v8 =	vor.u32 v11, v20;
	[tilespmem:$0x1FD90] =	vst v0;
	v0 =	vld.idx.msk [tilespmem:v6+s14+$0x0], $0xffff;
	_ =	sdelay $0x4  }
0x7a: {  	v33 =	vor.u32 v42, v20;
	[tilespmem:$0x1FD80] =	vst v0;
	v0 =	vld.idx.msk [tilespmem:v8+s14+$0x0], $0xffff;
	_ =	sdelay $0x4  }
0x7b: {  	v35 =	vor.u32 v16, v20;
	[tilespmem:$0x1FD70] =	vst v0;
	v0 =	vld.idx.msk [tilespmem:v33+s14+$0x0], $0xffff;
	_ =	sdelay $0x4  }
0x7c: {  	[tilespmem:$0x1FD60] =	vst v0;
	v0 =	vld.idx.msk [tilespmem:v35+s14+$0x0], $0xffff  }
0x7d: {  	v39 =	vor.u32 v14, v20;
	v14 =	vor.u32 v12, v20  }
0x7e: {  	v43 =	vor.u32 v28, v20  }
0x7f: {  	v45 =	vor.u32 v19, v20  }
0x80: {  	v19 =	vor.u32 v13, v20;
	v28 =	vor.u32 v30, v20;
	v30 =	vld [tilespmem:$0x1FE00]  }
0x81: {  	v11 =	vor.u32 v15, v20;
	[tilespmem:$0x1FD50] =	vst v0;
	v0 =	vld [tilespmem:$0x1FE30]  }
0x82: {  	v21 =	vor.u32 v21, v20;
	v13 =	vld.idx.msk [tilespmem:v14+s14+$0x0], $0xffff  }
0x83: {  	v22 =	vor.u32 v22, v20;
	v15 =	vld.idx.msk [tilespmem:v43+s14+$0x0], $0xffff  }
0x84: {  	v24 =	vor.u32 v24, v20;
	v16 =	vld.idx.msk [tilespmem:v45+s14+$0x0], $0xffff  }
0x85: {  	v25 =	vor.u32 v25, v20;
	v44 =	vld.idx.msk [tilespmem:v19+s14+$0x0], $0xffff  }
0x86: {  	v37 =	vor.u32 v10, v20;
	v41 =	vor.u32 v0, v20;
	v0 =	vld.idx.msk [tilespmem:v11+s14+$0x0], $0xffff  }
0x87: {  	v46 =	vld.idx.msk [tilespmem:v21+s14+$0x0], $0xffff  }
0x88: {  	v47 =	vor.u32 v27, v20;
	v26 =	vor.u32 v26, v20;
	v27 =	vld.idx.msk [tilespmem:v22+s14+$0x0], $0xffff  }
0x89: {  	v49 =	vld.idx.msk [tilespmem:v24+s14+$0x0], $0xffff  }
0x8a: {  	v50 =	vld.idx.msk [tilespmem:v25+s14+$0x0], $0xffff  }
0x8b: {  	v38 =	vor.u32 v9, v20;
	[tilespmem:$0x1FD40] =	vst v0;
	v0 =	vld.idx.msk [tilespmem:v37+s14+$0x0], $0xffff  }
0x8c: {  	v51 =	vld.idx.msk [tilespmem:v25+s15+$0x0], $0xffff  }
0x8d: {  	v52 =	vld.idx.msk [tilespmem:v26+s14+$0x0], $0xffff  }
0x8e: {  	v53 =	vld.idx.msk [tilespmem:v28+s14+$0x0], $0xffff  }
0x8f: {  	v55 =	vld.idx.msk [tilespmem:v28+s15+$0x0], $0xffff  }
0x90: {  	[tilespmem:$0x1FD30] =	vst v0;
	v0 =	vld.idx.msk [tilespmem:v38+s14+$0x0], $0xffff  }
0x91: {  	v28 =	vld.idx.msk [tilespmem:v28+s13+$0x0], $0xffff  }
0x92: {  	v23 =	vor.u32 v23, v20;
	v57 =	vld.idx.msk [tilespmem:v26+s13+$0x0], $0xffff  }
0x93: {  	v26 =	vld.idx.msk [tilespmem:v26+s15+$0x0], $0xffff  }
0x94: {  	v25 =	vld.idx.msk [tilespmem:v25+s13+$0x0], $0xffff  }
0x95: {  	v58 =	vld.idx.msk [tilespmem:v24+s15+$0x0], $0xffff;
	[tilespmem:$0x1FD20] =	vst v0;
	v0 =	vmov v29  }
0x96: {  	v24 =	vld.idx.msk [tilespmem:v24+s13+$0x0], $0xffff;
	v48 =	vor.u32 v0, v20  }
0x97: {  	v61 =	vld.idx.msk [tilespmem:v23+s15+$0x0], $0xffff  }
0x98: {  	v0 =	vld [tilespmem:$0x1FE20]  }
0x99: {  	v2 =	vld.idx.msk [tilespmem:v22+s15+$0x0], $0xffff  }
0x9a: {  	v59 =	vor.u32 v59, v20;
	v22 =	vld.idx.msk [tilespmem:v22+s13+$0x0], $0xffff  }
0x9b: {  	v60 =	vor.u32 v31, v20;
	v54 =	vld.idx.msk [tilespmem:v48+s14+$0x0], $0xffff  }
0x9c: {  	v63 =	vor.u32 v63, v20;
	v56 =	vld.idx.msk [tilespmem:v48+s15+$0x0], $0xffff  }
0x9d: {  	v1 =	vor.u32 v0, v20;
	v0 =	vld [tilespmem:$0x1FE10]  }
0x9e: {  	v48 =	vld.idx.msk [tilespmem:v48+s13+$0x0], $0xffff  }
0x9f: {  	v4 =	vld.idx.msk [tilespmem:v59+s14+$0x0], $0xffff  }
0xa0: {  	v53 =	vsub.f32 v28, v53;
	v28 =	vsub.f32 v28, v55;
	v55 =	vld.idx.msk [tilespmem:v60+s14+$0x0], $0xffff  }
0xa1: {  	v52 =	vsub.f32 v57, v52;
	v26 =	vsub.f32 v57, v26;
	v57 =	vld.idx.msk [tilespmem:v63+s14+$0x0], $0xffff  }
0xa2: {  	v17 =	vor.u32 v18, v20;
	v29 =	vld.idx.msk [tilespmem:v23+s14+$0x0], $0xffff;
	v0 =	vor.u32 v0, v20  }
0xa3: {  	v62 =	vor.u32 v32, v20;
	v23 =	vld.idx.msk [tilespmem:v23+s13+$0x0], $0xffff;
	v20 =	vor.u32 v30, v20;
	v54 =	vsub.f32 v48, v54  }
0xa4: {  	v27 =	vsub.f32 v22, v27;
	v48 =	vsub.f32 v48, v56;
	v3 =	vld.idx.msk [tilespmem:v1+s14+$0x0], $0xffff  }
0xa5: {  	v2 =	vsub.f32 v22, v2;
	v53 =	vmul.f32 v53, v53;
	v22 =	vld.idx.msk [tilespmem:v1+s15+$0x0], $0xffff;
	v54 =	vmul.f32 v54, v54  }
0xa6: {  	v50 =	vsub.f32 v25, v50;
	v28 =	vmul.f32 v28, v28;
	v1 =	vld.idx.msk [tilespmem:v1+s13+$0x0], $0xffff;
	v48 =	vmul.f32 v48, v48  }
0xa7: {  	v25 =	vsub.f32 v25, v51;
	v52 =	vmul.f32 v52, v52;
	v51 =	vadd.f32 v54, v53;
	v53 =	vld.idx.msk [tilespmem:v0+s14+$0x0], $0xffff  }
0xa8: {  	v26 =	vmul.f32 v26, v26;
	v28 =	vadd.f32 v48, v28;
	v48 =	vsub.f32 v24, v49;
	v49 =	vld.idx.msk [tilespmem:v20+s14+$0x0], $0xffff  }
0xa9: {  	v24 =	vsub.f32 v24, v58;
	v51 =	vadd.f32 v52, v51;
	v52 =	vld.idx.msk [tilespmem:v20+s15+$0x0], $0xffff  }
0xaa: {  	v50 =	vmul.f32 v50, v50;
	v25 =	vmul.f32 v25, v25;
	v26 =	vadd.f32 v26, v28;
	v20 =	vld.idx.msk [tilespmem:v20+s13+$0x0], $0xffff  }
0xab: {  	v58 =	vld.idx.msk [tilespmem:v0+s15+$0x0], $0xffff;
	v28 =	vsub.f32 v23, v29;
	v23 =	vsub.f32 v23, v61;
	v24 =	vmul.f32 v24, v24  }
0xac: {  	v0 =	vld.idx.msk [tilespmem:v0+s13+$0x0], $0xffff;
	v29 =	vadd.f32 v50, v51;
	v25 =	vadd.f32 v25, v26;
	v26 =	vmul.f32 v48, v48  }
0xad: {  	v56 =	vld.idx.msk [tilespmem:v62+s14+$0x0], $0xffff;
	v3 =	vsub.f32 v1, v3;
	v1 =	vsub.f32 v1, v22;
	v28 =	vmul.f32 v28, v28  }
0xae: {  	v22 =	vld.idx.msk [tilespmem:v60+s13+$0x0], $0xffff;
	v23 =	vmul.f32 v23, v23;
	v26 =	vadd.f32 v26, v29;
	v24 =	vadd.f32 v24, v25  }
0xaf: {  	v27 =	vmul.f32 v27, v27;
	v61 =	vld.idx.msk [tilespmem:v63+s13+$0x0], $0xffff;
	v29 =	vsub.f32 v20, v49;
	v20 =	vsub.f32 v20, v52  }
0xb0: {  	v2 =	vmul.f32 v2, v2;
	v25 =	vld.idx.msk [tilespmem:v63+s15+$0x0], $0xffff;
	v26 =	vadd.f32 v28, v26;
	v23 =	vadd.f32 v23, v24  }
0xb1: {  	v63 =	vld.idx.msk [tilespmem:v62+s13+$0x0], $0xffff;
	v28 =	vmul.f32 v29, v29;
	v29 =	vsub.f32 v0, v53;
	v0 =	vsub.f32 v0, v58  }
0xb2: {  	v24 =	vld.idx.msk [tilespmem:v62+s15+$0x0], $0xffff;
	v20 =	vmul.f32 v20, v20;
	v26 =	vadd.f32 v27, v26;
	v2 =	vadd.f32 v2, v23  }
0xb3: {  	v23 =	vld.idx.msk [tilespmem:v60+s15+$0x0], $0xffff;
	v27 =	vmul.f32 v29, v29  }
0xb4: {  	v0 =	vmul.f32 v0, v0;
	v29 =	vld.idx.msk [tilespmem:v59+s13+$0x0], $0xffff;
	v26 =	vadd.f32 v28, v26;
	v2 =	vadd.f32 v20, v2  }
0xb5: {  	v3 =	vmul.f32 v3, v3;
	v25 =	vsub.f32 v61, v25;
	v20 =	vld.idx.msk [tilespmem:v59+s15+$0x0], $0xffff;
	v28 =	vsub.f32 v61, v57  }
0xb6: {  	v1 =	vmul.f32 v1, v1;
	v26 =	vadd.f32 v27, v26;
	v0 =	vadd.f32 v0, v2;
	v2 =	vld.idx.msk [tilespmem:v21+s15+$0x0], $0xffff  }
0xb7: {  	v24 =	vsub.f32 v63, v24;
	v27 =	vmul.f32 v28, v28;
	v28 =	vsub.f32 v63, v56;
	v21 =	vld.idx.msk [tilespmem:v21+s13+$0x0], $0xffff  }
0xb8: {  	v18 =	vld.idx.msk [tilespmem:v47+s14+$0x0], $0xffff;
	v3 =	vadd.f32 v3, v26;
	v0 =	vadd.f32 v1, v0;
	v1 =	vmul.f32 v25, v25  }
0xb9: {  	v25 =	vld.idx.msk [tilespmem:v47+s15+$0x0], $0xffff;
	v26 =	vmul.f32 v28, v28;
	v28 =	vsub.f32 v22, v55;
	v22 =	vsub.f32 v22, v23  }
0xba: {  	v23 =	vld.idx.msk [tilespmem:v47+s13+$0x0], $0xffff;
	v4 =	vsub.f32 v29, v4;
	v3 =	vadd.f32 v27, v3  }
0xbb: {  	v20 =	vsub.f32 v29, v20;
	v0 =	vadd.f32 v1, v0;
	v1 =	vmul.f32 v24, v24;
	v24 =	vld.idx.msk [tilespmem:v19+s15+$0x0], $0xffff  }
0xbc: {  	v27 =	vmul.f32 v28, v28;
	v19 =	vld.idx.msk [tilespmem:v19+s13+$0x0], $0xffff;
	v2 =	vsub.f32 v21, v2;
	v3 =	vadd.f32 v26, v3  }
0xbd: {  	v0 =	vadd.f32 v1, v0;
	v1 =	vmul.f32 v22, v22;
	v26 =	vsub.f32 v21, v46;
	v21 =	vld.idx.msk [tilespmem:v45+s13+$0x0], $0xffff  }
0xbe: {  	v4 =	vmul.f32 v4, v4;
	v22 =	vld.idx.msk [tilespmem:v45+s15+$0x0], $0xffff;
	v3 =	vadd.f32 v27, v3  }
0xbf: {  	v9 =	vld.idx.msk [tilespmem:v17+s14+$0x0], $0xffff;
	v18 =	vsub.f32 v23, v18;
	v0 =	vadd.f32 v1, v0;
	v1 =	vmul.f32 v20, v20  }
0xc0: {  	v23 =	vsub.f32 v23, v25;
	v20 =	vld.idx.msk [tilespmem:v17+s15+$0x0], $0xffff;
	v26 =	vmul.f32 v26, v26;
	v3 =	vadd.f32 v4, v3  }
0xc1: {  	v17 =	vld.idx.msk [tilespmem:v17+s13+$0x0], $0xffff;
	v0 =	vadd.f32 v1, v0;
	v4 =	vmul.f32 v18, v18;
	v18 =	vsub.f32 v19, v44  }
0xc2: {  	v1 =	vmul.f32 v2, v2;
	v19 =	vsub.f32 v19, v24;
	v24 =	vld.idx.msk [tilespmem:v43+s13+$0x0], $0xffff;
	v16 =	vsub.f32 v21, v16  }
0xc3: {  	v21 =	vsub.f32 v21, v22;
	v22 =	vld.idx.msk [tilespmem:v41+s13+$0x0], $0xffff;
	v3 =	vadd.f32 v26, v3  }
0xc4: {  	v0 =	vadd.f32 v1, v0;
	v1 =	vmul.f32 v23, v23;
	v23 =	vld.idx.msk [tilespmem:v41+s15+$0x0], $0xffff  }
0xc5: {  	v10 =	vld.idx.msk [tilespmem:v41+s14+$0x0], $0xffff;
	v18 =	vmul.f32 v18, v18;
	v3 =	vadd.f32 v4, v3  }
0xc6: {  	v2 =	vld.idx.msk [tilespmem:v43+s15+$0x0], $0xffff;
	v0 =	vadd.f32 v1, v0;
	v1 =	vmul.f32 v19, v19;
	v19 =	vsub.f32 v17, v9  }
0xc7: {  	v16 =	vmul.f32 v16, v16;
	v4 =	vld.idx.msk [tilespmem:v14+s15+$0x0], $0xffff;
	v17 =	vsub.f32 v17, v20;
	v3 =	vadd.f32 v18, v3  }
0xc8: {  	v14 =	vld.idx.msk [tilespmem:v14+s13+$0x0], $0xffff;
	v15 =	vsub.f32 v24, v15;
	v0 =	vadd.f32 v1, v0;
	v1 =	vmul.f32 v21, v21  }
0xc9: {  	v9 =	vld [tilespmem:$0x1FD20];
	v19 =	vmul.f32 v19, v19;
	v21 =	vsub.f32 v22, v23;
	v3 =	vadd.f32 v16, v3  }
0xca: {  	v0 =	vadd.f32 v1, v0;
	v1 =	vmul.f32 v17, v17;
	v17 =	vsub.f32 v22, v10;
	v22 =	vld.idx.msk [tilespmem:v38+s13+$0x0], $0xffff  }
0xcb: {  	v20 =	vld.idx.msk [tilespmem:v39+s13+$0x0], $0xffff;
	v15 =	vmul.f32 v15, v15;
	v3 =	vadd.f32 v19, v3  }
0xcc: {  	v2 =	vsub.f32 v24, v2;
	v18 =	vld.idx.msk [tilespmem:v39+s15+$0x0], $0xffff  }
0xcd: {  	v16 =	vld.idx.msk [tilespmem:v38+s15+$0x0], $0xffff;
	v13 =	vsub.f32 v14, v13;
	v17 =	vmul.f32 v17, v17;
	v3 =	vadd.f32 v15, v3  }
0xce: {  	v4 =	vsub.f32 v14, v4;
	v14 =	vld.idx.msk [tilespmem:v37+s13+$0x0], $0xffff;
	v0 =	vadd.f32 v1, v0;
	v1 =	vmul.f32 v2, v2  }
0xcf: {  	v3 =	vadd.f32 v17, v3;
	v17 =	vsub.f32 v22, v9;
	v9 =	vld [tilespmem:$0x1FD30]  }
0xd0: {  	v0 =	vadd.f32 v1, v0;
	v1 =	vmul.f32 v21, v21  }
0xd1: {  	v2 =	vld.idx.msk [tilespmem:v37+s15+$0x0], $0xffff  }
0xd2: {  	v18 =	vsub.f32 v20, v18;
	v15 =	vld.idx.msk [tilespmem:v11+s15+$0x0], $0xffff;
	v0 =	vadd.f32 v1, v0;
	v1 =	vmul.f32 v4, v4  }
0xd3: {  	v11 =	vld.idx.msk [tilespmem:v11+s13+$0x0], $0xffff;
	v16 =	vsub.f32 v22, v16  }
0xd4: {  	v0 =	vadd.f32 v1, v0;
	v1 =	vmul.f32 v18, v18;
	v10 =	vsub.f32 v14, v9;
	v9 =	vld [tilespmem:$0x1FD40]  }
0xd5: {  	v12 =	vld.idx.msk [tilespmem:v39+s14+$0x0], $0xffff  }
0xd6: {  	v13 =	vmul.f32 v13, v13;
	v0 =	vadd.f32 v1, v0;
	v1 =	vmul.f32 v16, v16  }
0xd7: {  	v19 =	vld.idx.msk [tilespmem:v35+s13+$0x0], $0xffff;
	v2 =	vsub.f32 v14, v2  }
0xd8: {  	v4 =	vld.idx.msk [tilespmem:v35+s15+$0x0], $0xffff;
	v3 =	vadd.f32 v13, v3;
	v0 =	vadd.f32 v1, v0  }
0xd9: {  	v13 =	vld.idx.msk [tilespmem:v33+s15+$0x0], $0xffff;
	v1 =	vmul.f32 v2, v2;
	v16 =	vsub.f32 v11, v9;
	v11 =	vsub.f32 v11, v15  }
0xda: {  	v12 =	vsub.f32 v20, v12;
	v14 =	vld.idx.msk [tilespmem:v33+s13+$0x0], $0xffff  }
0xdb: {  	v0 =	vadd.f32 v1, v0;
	v1 =	vmul.f32 v11, v11;
	v11 =	vld [tilespmem:$0x1FD60]  }
0xdc: {  	v12 =	vmul.f32 v12, v12;
	_ =	sdelay $0x1  }
0xdd: {  	v3 =	vadd.f32 v12, v3;
	v12 =	vld.idx.msk [tilespmem:v8+s15+$0x0], $0xffff  }
0xde: {  	v17 =	vmul.f32 v17, v17;
	v8 =	vld.idx.msk [tilespmem:v8+s13+$0x0], $0xffff;
	v4 =	vsub.f32 v19, v4  }
0xdf: {  	v13 =	vsub.f32 v14, v13;
	v11 =	vsub.f32 v14, v11;
	v14 =	vld [tilespmem:$0x1FD70]  }
0xe0: {  	v3 =	vadd.f32 v17, v3  }
0xe1: {  	v10 =	vmul.f32 v10, v10;
	v9 =	vld [tilespmem:$0x1FD50];
	v0 =	vadd.f32 v1, v0;
	v1 =	vmul.f32 v4, v4  }
0xe2: {  	v2 =	vld.idx.msk [tilespmem:v6+s15+$0x0], $0xffff  }
0xe3: {  	v6 =	vld.idx.msk [tilespmem:v6+s13+$0x0], $0xffff;
	v3 =	vadd.f32 v10, v3;
	v0 =	vadd.f32 v1, v0  }
0xe4: {  	v10 =	vld.idx.msk [tilespmem:v5+s15+$0x0], $0xffff;
	v1 =	vmul.f32 v13, v13;
	v14 =	vsub.f32 v8, v14;
	v8 =	vsub.f32 v8, v12  }
0xe5: {  	v5 =	vld.idx.msk [tilespmem:v5+s13+$0x0], $0xffff;
	v15 =	vmul.f32 v16, v16  }
0xe6: {  	v9 =	vsub.f32 v19, v9;
	v0 =	vadd.f32 v1, v0;
	v1 =	vmul.f32 v8, v8;
	v8 =	vld [tilespmem:$0x1FD90];
	_ =	sdelay $0x1  }
0xe7: {  	v3 =	vadd.f32 v15, v3;
	v9 =	vmul.f32 v9, v9;
	v12 =	vld [tilespmem:$0x1FD80];
	_ =	sdelay $0x1  }
0xe8: {  	v11 =	vmul.f32 v11, v11;
	v3 =	vadd.f32 v9, v3  }
0xe9: {  	v2 =	vsub.f32 v6, v2;
	v4 =	vld.idx.msk [tilespmem:v7+s15+$0x0], $0xffff;
	v8 =	vsub.f32 v5, v8  }
0xea: {  	v7 =	vld.idx.msk [tilespmem:v7+s13+$0x0], $0xffff;
	v3 =	vadd.f32 v11, v3;
	v9 =	vmul.f32 v14, v14;
	v0 =	vadd.f32 v1, v0  }
0xeb: {  	v1 =	vmul.f32 v2, v2;
	v12 =	vsub.f32 v6, v12;
	v2 =	vmul.f32 v8, v8;
	v8 =	vld [tilespmem:$0x1FDA0];
	_ =	sdelay $0x1  }
0xec: {  	v3 =	vadd.f32 v9, v3;
	v6 =	vmul.f32 v12, v12  }
0xed: {  	v5 =	vsub.f32 v5, v10  }
0xee: {  	v4 =	vsub.f32 v7, v4;
	v3 =	vadd.f32 v6, v3  }
0xef: {  	v0 =	vadd.f32 v1, v0;
	v1 =	vmul.f32 v5, v5;
	v8 =	vsub.f32 v7, v8  }
0xf0: {  	v2 =	vadd.f32 v2, v3  }
0xf1: {  	v0 =	vadd.f32 v1, v0;
	v1 =	vmul.f32 v4, v4;
	v5 =	vmul.f32 v8, v8;
	_ =	sdelay $0x1  }
0xf2: {  	v0 =	vadd.f32 v1, v0;
	v2 =	vadd.f32 v5, v2;
	_ =	sdelay $0x1  }
0xf3: {  	v0 =	vsub.f32 v2, v0;
	_ =	sdelay $0x1  }
0xf4: {  	v0 =	vmul.f32 $1.442695020e+00, v0;
	_ =	sdelay $0x1  }
0xf5: {  	(erf) = vpow2.f32 v0;
	_ =	sdelay $0x8  }
0xf6: {  	v0 =	vpop (erf)  }
0xf7: {  	v0 =	vadd.f32 $1.000000000e+00, v0  }
0xf8: {  	v1 =	vld [tilespmem:$0x1FFE0]  }
0xf9: {  	(erf) = vrcp.f32 v0  }
0xfa: {  	s21 =	simm.s32 $0x10  }
0xfb: {  	v0 =	vmov s21  }
0xfc: {  	v0 =	vshll.u32 v0, $0x5  }
0xfd: {  	v25 =	vor.u32 v1, v0;
	v0 =	vld [tilespmem:$0x1FE40];
	_ =	sdelay $0x4  }
0xfe: {  	v38 =	vor.u32 v40, v25;
	v40 =	vor.u32 v0, v25;
	v0 =	vpop (erf)  }
0xff: {  	v34 =	vor.u32 v34, v25;
	[tilespmem:s18+$0x0] =	vst v0;
	v0 =	vld [tilespmem:$0x1FED0];
	_ =	sdelay $0x4  }
0x100: {  	v44 =	vor.u32 v0, v25;
	v0 =	vld.idx.msk [tilespmem:v34+s14+$0x0], $0xffff;
	_ =	sdelay $0x4  }
0x101: {  	v36 =	vor.u32 v36, v25;
	[tilespmem:$0x1FDB0] =	vst v0;
	v0 =	vld [tilespmem:$0x1FEB0];
	_ =	sdelay $0x4  }
0x102: {  	v46 =	vor.u32 v0, v25;
	v0 =	vld.idx.msk [tilespmem:v36+s14+$0x0], $0xffff;
	_ =	sdelay $0x4  }
0x103: {  	[tilespmem:$0x1FDC0] =	vst v0;
	v0 =	vld [tilespmem:$0x1FE70];
	_ =	sdelay $0x4  }
0x104: {  	v48 =	vor.u32 v0, v25;
	v0 =	vld.idx.msk [tilespmem:v38+s14+$0x0], $0xffff;
	_ =	sdelay $0x4  }
0x105: {  	[tilespmem:$0x1FDD0] =	vst v0;
	v0 =	vld [tilespmem:$0x1FE60];
	_ =	sdelay $0x4  }
0x106: {  	v50 =	vor.u32 v0, v25;
	v0 =	vld.idx.msk [tilespmem:v40+s14+$0x0], $0xffff;
	_ =	sdelay $0x4  }
0x107: {  	v42 =	vor.u32 v42, v25;
	[tilespmem:$0x1FDE0] =	vst v0;
	v0 =	vld [tilespmem:$0x1FE50];
	_ =	sdelay $0x2  }
0x108: {  	v29 =	vld [tilespmem:$0x1FFF0]  }
0x109: {  	v27 =	vld [tilespmem:$0x1FF50]  }
0x10a: {  	v52 =	vor.u32 v0, v25;
	v0 =	vld.idx.msk [tilespmem:v42+s14+$0x0], $0xffff  }
0x10b: {  	v15 =	vld [tilespmem:$0x1FF40]  }
0x10c: {  	v13 =	vld [tilespmem:$0x1FF10]  }
0x10d: {  	v1 =	vld [tilespmem:$0x1FF30]  }
0x10e: {  	v3 =	vld [tilespmem:$0x1FE20]  }
0x10f: {  	[tilespmem:$0x1FDF0] =	vst v0;
	v0 =	vld [tilespmem:$0x1FE90]  }
0x110: {  	v5 =	vld [tilespmem:$0x1FE10];
	v8 =	vor.u32 v31, v25  }
0x111: {  	v9 =	vld [tilespmem:$0x1FEE0];
	v10 =	vor.u32 v32, v25  }
0x112: {  	v2 =	vor.u32 v1, v25;
	v1 =	vld [tilespmem:$0x1FEC0]  }
0x113: {  	v11 =	vld [tilespmem:$0x1FF00];
	v14 =	vor.u32 v3, v25  }
0x114: {  	v54 =	vor.u32 v0, v25;
	v0 =	vld [tilespmem:$0x1FE30]  }
0x115: {  	v16 =	vor.u32 v5, v25;
	v7 =	vld.idx.msk [tilespmem:v8+s14+$0x0], $0xffff  }
0x116: {  	v18 =	vor.u32 v30, v25;
	v20 =	vor.u32 v9, v25;
	v9 =	vld.idx.msk [tilespmem:v10+s14+$0x0], $0xffff  }
0x117: {  	v4 =	vor.u32 v1, v25;
	v1 =	vld [tilespmem:$0x1FF60]  }
0x118: {  	v24 =	vor.u32 v13, v25;
	v13 =	vld.idx.msk [tilespmem:v14+s14+$0x0], $0xffff  }
0x119: {  	v56 =	vor.u32 v0, v25;
	v0 =	vld [tilespmem:$0x1FF20]  }
0x11a: {  	v23 =	vor.u32 v11, v25;
	v26 =	vor.u32 v15, v25;
	v15 =	vld.idx.msk [tilespmem:v16+s14+$0x0], $0xffff  }
0x11b: {  	v17 =	vld.idx.msk [tilespmem:v18+s14+$0x0], $0xffff  }
0x11c: {  	v6 =	vor.u32 v1, v25;
	v1 =	vld [tilespmem:$0x1FFC0]  }
0x11d: {  	v19 =	vld.idx.msk [tilespmem:v20+s14+$0x0], $0xffff  }
0x11e: {  	v58 =	vor.u32 v0, v25;
	v0 =	vld [tilespmem:$0x1FEF0]  }
0x11f: {  	v21 =	vld.idx.msk [tilespmem:v23+s14+$0x0], $0xffff  }
0x120: {  	v22 =	vld.idx.msk [tilespmem:v24+s14+$0x0], $0xffff  }
0x121: {  	v3 =	vld.idx.msk [tilespmem:v4+s14+$0x0], $0xffff;
	v12 =	vor.u32 v1, v25  }
0x122: {  	v43 =	vld.idx.msk [tilespmem:v44+s14+$0x0], $0xffff  }
0x123: {  	v60 =	vor.u32 v0, v25;
	v0 =	vld [tilespmem:$0x1FEA0]  }
0x124: {  	v1 =	vld.idx.msk [tilespmem:v2+s14+$0x0], $0xffff  }
0x125: {  	v5 =	vld.idx.msk [tilespmem:v6+s14+$0x0], $0xffff  }
0x126: {  	v11 =	vld.idx.msk [tilespmem:v12+s14+$0x0], $0xffff  }
0x127: {  	v45 =	vld.idx.msk [tilespmem:v46+s14+$0x0], $0xffff  }
0x128: {  	v62 =	vor.u32 v0, v25;
	v0 =	vld [tilespmem:$0x1FE80]  }
0x129: {  	v47 =	vld.idx.msk [tilespmem:v48+s14+$0x0], $0xffff  }
0x12a: {  	v49 =	vld.idx.msk [tilespmem:v50+s14+$0x0], $0xffff  }
0x12b: {  	v51 =	vld.idx.msk [tilespmem:v52+s14+$0x0], $0xffff  }
0x12c: {  	v53 =	vld.idx.msk [tilespmem:v54+s14+$0x0], $0xffff  }
0x12d: {  	v55 =	vld.idx.msk [tilespmem:v56+s14+$0x0], $0xffff;
	v0 =	vor.u32 v0, v25  }
0x12e: {  	v57 =	vld.idx.msk [tilespmem:v58+s14+$0x0], $0xffff  }
0x12f: {  	v28 =	vlaneseq.u32;
	v27 =	vor.u32 v27, v25;
	v59 =	vld.idx.msk [tilespmem:v60+s14+$0x0], $0xffff  }
0x130: {  	v28 =	vor.u32 v28, v25;
	v61 =	vld.idx.msk [tilespmem:v62+s14+$0x0], $0xffff  }
0x131: {  	v29 =	vor.u32 v29, v25;
	v25 =	vld.idx.msk [tilespmem:v26+s14+$0x0], $0xffff  }
0x132: {  	s20 =	simm.s32 $0xC600;
	s21 =	simm.s32 $0x20;
	v63 =	vld.idx.msk [tilespmem:v0+s14+$0x0], $0xffff  }
.LBB2_2:
0x133: {  	v30 =	vld.idx.msk [tilespmem:v26+s15+$0x0], $0xffff  }
0x134: {  	v31 =	vld.idx.msk [tilespmem:v27+s14+$0x0], $0xffff  }
0x135: {  	v32 =	vld.idx.msk [tilespmem:v28+s14+$0x0], $0xffff  }
0x136: {  	v33 =	vld.idx.msk [tilespmem:v29+s14+$0x0], $0xffff  }
0x137: {  	v35 =	vld.idx.msk [tilespmem:v28+s15+$0x0], $0xffff  }
0x138: {  	v37 =	vld.idx.msk [tilespmem:v29+s15+$0x0], $0xffff  }
0x139: {  	v28 =	vld.idx.msk [tilespmem:v28+s13+$0x0], $0xffff  }
0x13a: {  	v29 =	vld.idx.msk [tilespmem:v29+s13+$0x0], $0xffff  }
0x13b: {  	v39 =	vld.idx.msk [tilespmem:v27+s13+$0x0], $0xffff  }
0x13c: {  	v27 =	vld.idx.msk [tilespmem:v27+s15+$0x0], $0xffff  }
0x13d: {  	v26 =	vld.idx.msk [tilespmem:v26+s13+$0x0], $0xffff  }
0x13e: {  	v41 =	vld.idx.msk [tilespmem:v24+s15+$0x0], $0xffff;
	v32 =	vsub.f32 v28, v32;
	v28 =	vsub.f32 v28, v35  }
0x13f: {  	v24 =	vld.idx.msk [tilespmem:v24+s13+$0x0], $0xffff;
	v33 =	vsub.f32 v29, v33;
	v29 =	vsub.f32 v29, v37  }
0x140: {  	v35 =	vld.idx.msk [tilespmem:v23+s15+$0x0], $0xffff;
	v31 =	vsub.f32 v39, v31;
	v32 =	vmul.f32 v32, v32;
	v28 =	vmul.f32 v28, v28  }
0x141: {  	v23 =	vld.idx.msk [tilespmem:v23+s13+$0x0], $0xffff;
	v27 =	vsub.f32 v39, v27;
	v33 =	vmul.f32 v33, v33;
	v29 =	vmul.f32 v29, v29  }
0x142: {  	v37 =	vld.idx.msk [tilespmem:v20+s15+$0x0], $0xffff;
	v25 =	vsub.f32 v26, v25;
	v26 =	vsub.f32 v26, v30;
	v31 =	vmul.f32 v31, v31  }
0x143: {  	v20 =	vld.idx.msk [tilespmem:v20+s13+$0x0], $0xffff;
	v27 =	vmul.f32 v27, v27;
	v30 =	vadd.f32 v33, v32;
	v28 =	vadd.f32 v29, v28  }
0x144: {  	v22 =	vsub.f32 v24, v22;
	v24 =	vsub.f32 v24, v41;
	v25 =	vmul.f32 v25, v25;
	v29 =	vld.idx.msk [tilespmem:v18+s15+$0x0], $0xffff  }
0x145: {  	v26 =	vmul.f32 v26, v26;
	v18 =	vld.idx.msk [tilespmem:v18+s13+$0x0], $0xffff;
	v30 =	vadd.f32 v31, v30;
	v27 =	vadd.f32 v27, v28  }
0x146: {  	v22 =	vmul.f32 v22, v22;
	v21 =	vsub.f32 v23, v21;
	v23 =	vsub.f32 v23, v35;
	v28 =	vld.idx.msk [tilespmem:v16+s15+$0x0], $0xffff  }
0x147: {  	v24 =	vmul.f32 v24, v24;
	v16 =	vld.idx.msk [tilespmem:v16+s13+$0x0], $0xffff;
	v25 =	vadd.f32 v25, v30;
	v26 =	vadd.f32 v26, v27  }
0x148: {  	v19 =	vsub.f32 v20, v19;
	v20 =	vsub.f32 v20, v37;
	v21 =	vmul.f32 v21, v21;
	v27 =	vld.idx.msk [tilespmem:v14+s15+$0x0], $0xffff  }
0x149: {  	v23 =	vmul.f32 v23, v23;
	v14 =	vld.idx.msk [tilespmem:v14+s13+$0x0], $0xffff;
	v22 =	vadd.f32 v22, v25;
	v24 =	vadd.f32 v24, v26  }
0x14a: {  	v19 =	vmul.f32 v19, v19;
	v17 =	vsub.f32 v18, v17;
	v18 =	vsub.f32 v18, v29;
	v25 =	vld.idx.msk [tilespmem:v12+s15+$0x0], $0xffff  }
0x14b: {  	v20 =	vmul.f32 v20, v20;
	v12 =	vld.idx.msk [tilespmem:v12+s13+$0x0], $0xffff;
	v21 =	vadd.f32 v21, v22;
	v22 =	vadd.f32 v23, v24  }
0x14c: {  	v17 =	vmul.f32 v17, v17;
	v15 =	vsub.f32 v16, v15;
	v16 =	vsub.f32 v16, v28;
	v23 =	vld.idx.msk [tilespmem:v10+s15+$0x0], $0xffff  }
0x14d: {  	v18 =	vmul.f32 v18, v18;
	v10 =	vld.idx.msk [tilespmem:v10+s13+$0x0], $0xffff;
	v19 =	vadd.f32 v19, v21;
	v20 =	vadd.f32 v20, v22  }
0x14e: {  	v15 =	vmul.f32 v15, v15;
	v13 =	vsub.f32 v14, v13;
	v14 =	vsub.f32 v14, v27;
	v21 =	vld.idx.msk [tilespmem:v8+s15+$0x0], $0xffff  }
0x14f: {  	v16 =	vmul.f32 v16, v16;
	v8 =	vld.idx.msk [tilespmem:v8+s13+$0x0], $0xffff;
	v17 =	vadd.f32 v17, v19;
	v18 =	vadd.f32 v18, v20  }
0x150: {  	v13 =	vmul.f32 v13, v13;
	v11 =	vsub.f32 v12, v11;
	v12 =	vsub.f32 v12, v25;
	v19 =	vld.idx.msk [tilespmem:v6+s15+$0x0], $0xffff  }
0x151: {  	v14 =	vmul.f32 v14, v14;
	v6 =	vld.idx.msk [tilespmem:v6+s13+$0x0], $0xffff;
	v15 =	vadd.f32 v15, v17;
	v16 =	vadd.f32 v16, v18  }
0x152: {  	v11 =	vmul.f32 v11, v11;
	v9 =	vsub.f32 v10, v9;
	v10 =	vsub.f32 v10, v23;
	v17 =	vld.idx.msk [tilespmem:v4+s15+$0x0], $0xffff  }
0x153: {  	v12 =	vmul.f32 v12, v12;
	v4 =	vld.idx.msk [tilespmem:v4+s13+$0x0], $0xffff;
	v13 =	vadd.f32 v13, v15;
	v14 =	vadd.f32 v14, v16  }
0x154: {  	v9 =	vmul.f32 v9, v9;
	v7 =	vsub.f32 v8, v7;
	v8 =	vsub.f32 v8, v21;
	v15 =	vld.idx.msk [tilespmem:v2+s15+$0x0], $0xffff  }
0x155: {  	v10 =	vmul.f32 v10, v10;
	v2 =	vld.idx.msk [tilespmem:v2+s13+$0x0], $0xffff;
	v11 =	vadd.f32 v11, v13;
	v12 =	vadd.f32 v12, v14  }
0x156: {  	v7 =	vmul.f32 v7, v7;
	v5 =	vsub.f32 v6, v5;
	v6 =	vsub.f32 v6, v19;
	v13 =	vld.idx.msk [tilespmem:v0+s15+$0x0], $0xffff  }
0x157: {  	v8 =	vmul.f32 v8, v8;
	v0 =	vld.idx.msk [tilespmem:v0+s13+$0x0], $0xffff;
	v9 =	vadd.f32 v9, v11;
	v10 =	vadd.f32 v10, v12  }
0x158: {  	v5 =	vmul.f32 v5, v5;
	v3 =	vsub.f32 v4, v3;
	v4 =	vsub.f32 v4, v17;
	v11 =	vld.idx.msk [tilespmem:v62+s15+$0x0], $0xffff  }
0x159: {  	v6 =	vmul.f32 v6, v6;
	v12 =	vld.idx.msk [tilespmem:v62+s13+$0x0], $0xffff;
	v7 =	vadd.f32 v7, v9;
	v8 =	vadd.f32 v8, v10  }
0x15a: {  	v3 =	vmul.f32 v3, v3;
	v1 =	vsub.f32 v2, v1;
	v2 =	vsub.f32 v2, v15;
	v9 =	vld.idx.msk [tilespmem:v60+s15+$0x0], $0xffff  }
0x15b: {  	v4 =	vmul.f32 v4, v4;
	v10 =	vld.idx.msk [tilespmem:v60+s13+$0x0], $0xffff;
	v5 =	vadd.f32 v5, v7;
	v6 =	vadd.f32 v6, v8  }
0x15c: {  	v1 =	vmul.f32 v1, v1;
	v7 =	vld.idx.msk [tilespmem:v58+s15+$0x0], $0xffff;
	v8 =	vsub.f32 v0, v63;
	v0 =	vsub.f32 v0, v13  }
0x15d: {  	v2 =	vmul.f32 v2, v2;
	v13 =	vld.idx.msk [tilespmem:v58+s13+$0x0], $0xffff;
	v3 =	vadd.f32 v3, v5;
	v4 =	vadd.f32 v4, v6  }
0x15e: {  	v11 =	vsub.f32 v12, v11;
	v6 =	vmul.f32 v8, v8;
	v8 =	vsub.f32 v12, v61  }
0x15f: {  	v12 =	vld.idx.msk [tilespmem:v56+s13+$0x0], $0xffff;
	v0 =	vmul.f32 v0, v0;
	v1 =	vadd.f32 v1, v3;
	v2 =	vadd.f32 v2, v4  }
0x160: {  	v5 =	vld.idx.msk [tilespmem:v56+s15+$0x0], $0xffff;
	v9 =	vsub.f32 v10, v9;
	v4 =	vmul.f32 v8, v8;
	v8 =	vsub.f32 v10, v59  }
0x161: {  	v10 =	vld.idx.msk [tilespmem:v54+s13+$0x0], $0xffff;
	v1 =	vadd.f32 v6, v1;
	v0 =	vadd.f32 v0, v2;
	v2 =	vmul.f32 v11, v11  }
0x162: {  	v3 =	vld.idx.msk [tilespmem:v54+s15+$0x0], $0xffff;
	v7 =	vsub.f32 v13, v7;
	v11 =	vsub.f32 v13, v57  }
0x163: {  	v8 =	vmul.f32 v8, v8;
	v13 =	vld.idx.msk [tilespmem:v52+s13+$0x0], $0xffff;
	v1 =	vadd.f32 v4, v1;
	v0 =	vadd.f32 v2, v0  }
0x164: {  	v6 =	vld.idx.msk [tilespmem:v52+s15+$0x0], $0xffff;
	v2 =	vmul.f32 v9, v9;
	v9 =	vmul.f32 v11, v11;
	v11 =	vsub.f32 v12, v55  }
0x165: {  	v5 =	vsub.f32 v12, v5;
	v12 =	vld.idx.msk [tilespmem:v50+s13+$0x0], $0xffff  }
0x166: {  	v4 =	vld.idx.msk [tilespmem:v50+s15+$0x0], $0xffff;
	v1 =	vadd.f32 v8, v1;
	v8 =	vmul.f32 v11, v11;
	v11 =	vsub.f32 v10, v53  }
0x167: {  	v3 =	vsub.f32 v10, v3;
	v0 =	vadd.f32 v2, v0;
	v2 =	vmul.f32 v7, v7;
	v10 =	vld.idx.msk [tilespmem:v48+s13+$0x0], $0xffff  }
0x168: {  	v1 =	vadd.f32 v9, v1;
	v9 =	vmul.f32 v11, v11;
	v11 =	vsub.f32 v13, v51  }
0x169: {  	v6 =	vsub.f32 v13, v6;
	v0 =	vadd.f32 v2, v0;
	v2 =	vmul.f32 v5, v5;
	v13 =	vld.idx.msk [tilespmem:v46+s13+$0x0], $0xffff  }
0x16a: {  	v7 =	vld.idx.msk [tilespmem:v48+s15+$0x0], $0xffff;
	v1 =	vadd.f32 v8, v1;
	v8 =	vmul.f32 v11, v11;
	v11 =	vsub.f32 v12, v49  }
0x16b: {  	v4 =	vsub.f32 v12, v4;
	v0 =	vadd.f32 v2, v0;
	v2 =	vmul.f32 v3, v3;
	v12 =	vld.idx.msk [tilespmem:v44+s13+$0x0], $0xffff  }
0x16c: {  	v5 =	vld.idx.msk [tilespmem:v46+s15+$0x0], $0xffff;
	v1 =	vadd.f32 v9, v1;
	v9 =	vmul.f32 v11, v11;
	v11 =	vsub.f32 v10, v47  }
0x16d: {  	v0 =	vadd.f32 v2, v0;
	v2 =	vmul.f32 v6, v6  }
0x16e: {  	v3 =	vld.idx.msk [tilespmem:v44+s15+$0x0], $0xffff;
	v1 =	vadd.f32 v8, v1;
	v8 =	vmul.f32 v11, v11;
	v11 =	vsub.f32 v13, v45  }
0x16f: {  	v7 =	vsub.f32 v10, v7;
	v6 =	vld.idx.msk [tilespmem:v42+s15+$0x0], $0xffff;
	v0 =	vadd.f32 v2, v0;
	v2 =	vmul.f32 v4, v4  }
0x170: {  	v10 =	vld.idx.msk [tilespmem:v42+s13+$0x0], $0xffff;
	v1 =	vadd.f32 v9, v1;
	v9 =	vmul.f32 v11, v11;
	v11 =	vsub.f32 v12, v43  }
0x171: {  	v5 =	vsub.f32 v13, v5;
	v4 =	vld.idx.msk [tilespmem:v40+s15+$0x0], $0xffff;
	v0 =	vadd.f32 v2, v0  }
0x172: {  	v2 =	vmul.f32 v7, v7;
	v1 =	vadd.f32 v8, v1;
	v8 =	vmul.f32 v11, v11;
	v11 =	vld [tilespmem:$0x1FDF0]  }
0x173: {  	v13 =	vld.idx.msk [tilespmem:v40+s13+$0x0], $0xffff;
	v3 =	vsub.f32 v12, v3  }
0x174: {  	v7 =	vld.idx.msk [tilespmem:v38+s15+$0x0], $0xffff;
	v0 =	vadd.f32 v2, v0;
	v2 =	vmul.f32 v5, v5;
	v1 =	vadd.f32 v9, v1  }
0x175: {  	v12 =	vld.idx.msk [tilespmem:v38+s13+$0x0], $0xffff;
	v6 =	vsub.f32 v10, v6  }
0x176: {  	v0 =	vadd.f32 v2, v0;
	v2 =	vmul.f32 v3, v3;
	v1 =	vadd.f32 v8, v1;
	v8 =	vld [tilespmem:$0x1FDD0]  }
0x177: {  	v11 =	vsub.f32 v10, v11  }
0x178: {  	v4 =	vsub.f32 v13, v4;
	v0 =	vadd.f32 v2, v0;
	v2 =	vmul.f32 v6, v6  }
0x179: {  	v9 =	vmul.f32 v11, v11;
	v11 =	vld [tilespmem:$0x1FDE0]  }
0x17a: {  	v5 =	vld.idx.msk [tilespmem:v36+s15+$0x0], $0xffff;
	v7 =	vsub.f32 v12, v7;
	v0 =	vadd.f32 v2, v0;
	v2 =	vmul.f32 v4, v4  }
0x17b: {  	v10 =	vld.idx.msk [tilespmem:v36+s13+$0x0], $0xffff;
	v8 =	vsub.f32 v12, v8  }
0x17c: {  	v0 =	vadd.f32 v2, v0;
	v2 =	vmul.f32 v7, v7;
	v7 =	vld [tilespmem:$0x1FDB0]  }
0x17d: {  	v4 =	vmul.f32 v8, v8;
	v8 =	vld [tilespmem:$0x1FDC0]  }
0x17e: {  	v11 =	vsub.f32 v13, v11;
	v13 =	vld.idx.msk [tilespmem:v34+s13+$0x0], $0xffff  }
0x17f: {  	v3 =	vld.idx.msk [tilespmem:v34+s15+$0x0], $0xffff  }
0x180: {  	v1 =	vadd.f32 v9, v1;
	v6 =	vmul.f32 v11, v11  }
0x181: {  	v5 =	vsub.f32 v10, v5  }
0x182: {  	v8 =	vsub.f32 v10, v8;
	v1 =	vadd.f32 v6, v1  }
0x183: {  	v0 =	vadd.f32 v2, v0;
	v2 =	vmul.f32 v5, v5;
	v7 =	vsub.f32 v13, v7  }
0x184: {  	v3 =	vsub.f32 v13, v3;
	v6 =	vmul.f32 v8, v8;
	v1 =	vadd.f32 v4, v1  }
0x185: {  	v0 =	vadd.f32 v2, v0  }
0x186: {  	v4 =	vmul.f32 v7, v7;
	v2 =	vmul.f32 v3, v3;
	v1 =	vadd.f32 v6, v1;
	_ =	sdelay $0x1  }
0x187: {  	v0 =	vadd.f32 v2, v0;
	v1 =	vadd.f32 v4, v1;
	_ =	sdelay $0x1  }
0x188: {  	v0 =	vsub.f32 v1, v0;
	_ =	sdelay $0x1  }
0x189: {  	v0 =	vmul.f32 $1.442695020e+00, v0;
	_ =	sdelay $0x1  }
0x18a: {  	(erf) = vpow2.f32 v0;
	_ =	sdelay $0x8  }
0x18b: {  	v1 =	vld [tilespmem:$0x1FFE0];
	v0 =	vpop (erf)  }
0x18c: {  	v0 =	vadd.f32 $1.000000000e+00, v0;
	_ =	sdelay $0x1  }
0x18d: {  	(erf) = vrcp.f32 v0;
	v0 =	vmov s21  }
0x18e: {  	v0 =	vshll.u32 v0, $0x5  }
0x18f: {  	v22 =	vor.u32 v1, v0;
	v0 =	vld [tilespmem:$0x1FFB0];
	_ =	sdelay $0x4  }
0x190: {  	v34 =	vor.u32 v0, v22;
	v0 =	vld [tilespmem:$0x1FFD0];
	_ =	sdelay $0x4  }
0x191: {  	v36 =	vor.u32 v0, v22;
	v0 =	vld [tilespmem:$0x1FF70];
	_ =	sdelay $0x4  }
0x192: {  	v38 =	vor.u32 v0, v22;
	v0 =	vld [tilespmem:$0x1FE40];
	_ =	sdelay $0x4  }
0x193: {  	s20 =	sadd.s32 $0x10, s20;
	v40 =	vor.u32 v0, v22;
	v0 =	vpop (erf)  }
0x194: {  	[tilespmem:s20+$0x0] =	vst v0;
	v0 =	vld [tilespmem:$0x1FED0];
	_ =	sdelay $0x4  }
0x195: {  	v44 =	vor.u32 v0, v22;
	v0 =	vld.idx.msk [tilespmem:v34+s14+$0x0], $0xffff;
	_ =	sdelay $0x4  }
0x196: {  	[tilespmem:$0x1FDB0] =	vst v0;
	v0 =	vld [tilespmem:$0x1FEB0];
	_ =	sdelay $0x4  }
0x197: {  	v46 =	vor.u32 v0, v22;
	v0 =	vld.idx.msk [tilespmem:v36+s14+$0x0], $0xffff;
	_ =	sdelay $0x4  }
0x198: {  	[tilespmem:$0x1FDC0] =	vst v0;
	v0 =	vld [tilespmem:$0x1FE70];
	_ =	sdelay $0x4  }
0x199: {  	v48 =	vor.u32 v0, v22;
	v0 =	vld.idx.msk [tilespmem:v38+s14+$0x0], $0xffff;
	_ =	sdelay $0x3  }
0x19a: {  	v1 =	vld [tilespmem:$0x1FF90]  }
0x19b: {  	[tilespmem:$0x1FDD0] =	vst v0;
	v0 =	vld [tilespmem:$0x1FE60];
	_ =	sdelay $0x2  }
0x19c: {  	v41 =	vld [tilespmem:$0x1FE30]  }
0x19d: {  	v42 =	vor.u32 v1, v22;
	v1 =	vld [tilespmem:$0x1FF30]  }
0x19e: {  	v50 =	vor.u32 v0, v22;
	v0 =	vld.idx.msk [tilespmem:v40+s14+$0x0], $0xffff  }
0x19f: {  	v25 =	vld [tilespmem:$0x1FFF0]  }
0x1a0: {  	v19 =	vld [tilespmem:$0x1FF50]  }
0x1a1: {  	v15 =	vld [tilespmem:$0x1FF40]  }
0x1a2: {  	v2 =	vor.u32 v1, v22;
	v1 =	vld [tilespmem:$0x1FEC0]  }
0x1a3: {  	[tilespmem:$0x1FDE0] =	vst v0;
	v0 =	vld [tilespmem:$0x1FE50]  }
0x1a4: {  	v9 =	vld [tilespmem:$0x1FEE0]  }
0x1a5: {  	v5 =	vld [tilespmem:$0x1FE10]  }
0x1a6: {  	v3 =	vld [tilespmem:$0x1FE20]  }
0x1a7: {  	v4 =	vor.u32 v1, v22;
	v1 =	vld [tilespmem:$0x1FF60]  }
0x1a8: {  	v52 =	vor.u32 v0, v22;
	v0 =	vld.idx.msk [tilespmem:v42+s14+$0x0], $0xffff  }
0x1a9: {  	v11 =	vld [tilespmem:$0x1FF00];
	v56 =	vor.u32 v41, v22  }
0x1aa: {  	v7 =	vld [tilespmem:$0x1FE00]  }
0x1ab: {  	v13 =	vld [tilespmem:$0x1FF10];
	v14 =	vor.u32 v3, v22  }
0x1ac: {  	v6 =	vor.u32 v1, v22;
	v1 =	vld [tilespmem:$0x1FF80]  }
0x1ad: {  	[tilespmem:$0x1FDF0] =	vst v0;
	v0 =	vld [tilespmem:$0x1FE90]  }
0x1ae: {  	v16 =	vor.u32 v5, v22;
	v55 =	vld.idx.msk [tilespmem:v56+s14+$0x0], $0xffff  }
0x1af: {  	v18 =	vor.u32 v7, v22;
	v3 =	vld.idx.msk [tilespmem:v4+s14+$0x0], $0xffff  }
0x1b0: {  	v20 =	vor.u32 v9, v22;
	v24 =	vor.u32 v13, v22;
	v13 =	vld.idx.msk [tilespmem:v14+s14+$0x0], $0xffff  }
0x1b1: {  	v8 =	vor.u32 v1, v22;
	v1 =	vld [tilespmem:$0x1FFA0]  }
0x1b2: {  	v54 =	vor.u32 v0, v22;
	v0 =	vld [tilespmem:$0x1FF20]  }
0x1b3: {  	v23 =	vor.u32 v11, v22;
	v26 =	vor.u32 v15, v22;
	v15 =	vld.idx.msk [tilespmem:v16+s14+$0x0], $0xffff  }
0x1b4: {  	v17 =	vld.idx.msk [tilespmem:v18+s14+$0x0], $0xffff  }
0x1b5: {  	v27 =	vor.u32 v19, v22;
	v19 =	vld.idx.msk [tilespmem:v20+s14+$0x0], $0xffff  }
0x1b6: {  	v10 =	vor.u32 v1, v22;
	v1 =	vld [tilespmem:$0x1FFC0]  }
0x1b7: {  	v21 =	vlaneseq.u32;
	v58 =	vor.u32 v0, v22;
	v0 =	vld [tilespmem:$0x1FEF0]  }
0x1b8: {  	v28 =	vor.u32 v21, v22;
	v21 =	vld.idx.msk [tilespmem:v23+s14+$0x0], $0xffff  }
0x1b9: {  	v29 =	vor.u32 v25, v22;
	v25 =	vld.idx.msk [tilespmem:v26+s14+$0x0], $0xffff  }
0x1ba: {  	v5 =	vld.idx.msk [tilespmem:v6+s14+$0x0], $0xffff  }
0x1bb: {  	v7 =	vld.idx.msk [tilespmem:v8+s14+$0x0], $0xffff;
	v12 =	vor.u32 v1, v22  }
0x1bc: {  	v60 =	vor.u32 v0, v22;
	v0 =	vld [tilespmem:$0x1FEA0]  }
0x1bd: {  	v43 =	vld.idx.msk [tilespmem:v44+s14+$0x0], $0xffff  }
0x1be: {  	v1 =	vld.idx.msk [tilespmem:v2+s14+$0x0], $0xffff  }
0x1bf: {  	v9 =	vld.idx.msk [tilespmem:v10+s14+$0x0], $0xffff  }
0x1c0: {  	v11 =	vld.idx.msk [tilespmem:v12+s14+$0x0], $0xffff  }
0x1c1: {  	v62 =	vor.u32 v0, v22;
	v0 =	vld [tilespmem:$0x1FE80]  }
0x1c2: {  	v45 =	vld.idx.msk [tilespmem:v46+s14+$0x0], $0xffff  }
0x1c3: {  	v47 =	vld.idx.msk [tilespmem:v48+s14+$0x0], $0xffff  }
0x1c4: {  	v49 =	vld.idx.msk [tilespmem:v50+s14+$0x0], $0xffff  }
0x1c5: {  	v51 =	vld.idx.msk [tilespmem:v52+s14+$0x0], $0xffff  }
0x1c6: {  	p0 =	sne.s32 s21, $0x1F0;
	v53 =	vld.idx.msk [tilespmem:v54+s14+$0x0], $0xffff;
	v0 =	vor.u32 v0, v22  }
.Ltmp0:
0x1c7: {  	v57 =	vld.idx.msk [tilespmem:v58+s14+$0x0], $0xffff;
	(pc) =	sbr.rel @p0 .LBB2_2-.Ltmp0, $4  }
0x1c8: {  	v59 =	vld.idx.msk [tilespmem:v60+s14+$0x0], $0xffff  }
0x1c9: {  	v61 =	vld.idx.msk [tilespmem:v62+s14+$0x0], $0xffff  }
0x1ca: {  	v22 =	vld.idx.msk [tilespmem:v24+s14+$0x0], $0xffff  }
0x1cb: {  	s21 =	sadd.s32 $0x10, s21;
	v63 =	vld.idx.msk [tilespmem:v0+s14+$0x0], $0xffff  }
0x1cc: {  	_ =	sdelay $0x3  }
0x1cd: {  	v30 =	vld.idx.msk [tilespmem:v28+s14+$0x0], $0xffff  }
0x1ce: {  	v31 =	vld.idx.msk [tilespmem:v29+s14+$0x0], $0xffff  }
0x1cf: {  	v32 =	vld.idx.msk [tilespmem:v28+s15+$0x0], $0xffff  }
0x1d0: {  	v28 =	vld.idx.msk [tilespmem:v28+s13+$0x0], $0xffff  }
0x1d1: {  	v33 =	vld.idx.msk [tilespmem:v29+s15+$0x0], $0xffff  }
0x1d2: {  	v29 =	vld.idx.msk [tilespmem:v29+s13+$0x0], $0xffff  }
0x1d3: {  	v35 =	vld.idx.msk [tilespmem:v27+s14+$0x0], $0xffff  }
0x1d4: {  	v37 =	vld.idx.msk [tilespmem:v27+s13+$0x0], $0xffff  }
0x1d5: {  	v27 =	vld.idx.msk [tilespmem:v27+s15+$0x0], $0xffff  }
0x1d6: {  	v39 =	vld.idx.msk [tilespmem:v26+s13+$0x0], $0xffff  }
0x1d7: {  	v26 =	vld.idx.msk [tilespmem:v26+s15+$0x0], $0xffff;
	v30 =	vsub.f32 v28, v30;
	v31 =	vsub.f32 v29, v31  }
0x1d8: {  	v28 =	vsub.f32 v28, v32;
	v29 =	vsub.f32 v29, v33;
	v32 =	vld.idx.msk [tilespmem:v24+s13+$0x0], $0xffff  }
0x1d9: {  	v24 =	vld.idx.msk [tilespmem:v24+s15+$0x0], $0xffff;
	v33 =	vsub.f32 v37, v35;
	v30 =	vmul.f32 v30, v30;
	v31 =	vmul.f32 v31, v31  }
0x1da: {  	v41 =	vld.idx.msk [tilespmem:v23+s13+$0x0], $0xffff;
	v27 =	vsub.f32 v37, v27;
	v28 =	vmul.f32 v28, v28;
	v29 =	vmul.f32 v29, v29  }
0x1db: {  	v23 =	vld.idx.msk [tilespmem:v23+s15+$0x0], $0xffff;
	v25 =	vsub.f32 v39, v25;
	v30 =	vadd.f32 v31, v30;
	v31 =	vmul.f32 v33, v33  }
0x1dc: {  	v26 =	vsub.f32 v39, v26;
	v27 =	vmul.f32 v27, v27;
	v28 =	vadd.f32 v29, v28;
	v29 =	vld.idx.msk [tilespmem:v20+s13+$0x0], $0xffff  }
0x1dd: {  	v25 =	vmul.f32 v25, v25;
	v20 =	vld.idx.msk [tilespmem:v20+s15+$0x0], $0xffff;
	v22 =	vsub.f32 v32, v22;
	v30 =	vadd.f32 v31, v30  }
0x1de: {  	v26 =	vmul.f32 v26, v26;
	v24 =	vsub.f32 v32, v24;
	v27 =	vadd.f32 v27, v28;
	v28 =	vld.idx.msk [tilespmem:v18+s13+$0x0], $0xffff  }
0x1df: {  	v21 =	vsub.f32 v41, v21;
	v18 =	vld.idx.msk [tilespmem:v18+s15+$0x0], $0xffff;
	v22 =	vmul.f32 v22, v22;
	v25 =	vadd.f32 v25, v30  }
0x1e0: {  	v23 =	vsub.f32 v41, v23;
	v24 =	vmul.f32 v24, v24;
	v26 =	vadd.f32 v26, v27;
	v27 =	vld.idx.msk [tilespmem:v16+s13+$0x0], $0xffff  }
0x1e1: {  	v21 =	vmul.f32 v21, v21;
	v16 =	vld.idx.msk [tilespmem:v16+s15+$0x0], $0xffff;
	v19 =	vsub.f32 v29, v19;
	v22 =	vadd.f32 v22, v25  }
0x1e2: {  	v23 =	vmul.f32 v23, v23;
	v20 =	vsub.f32 v29, v20;
	v24 =	vadd.f32 v24, v26;
	v25 =	vld.idx.msk [tilespmem:v14+s13+$0x0], $0xffff  }
0x1e3: {  	v14 =	vld.idx.msk [tilespmem:v14+s15+$0x0], $0xffff;
	v19 =	vmul.f32 v19, v19;
	v17 =	vsub.f32 v28, v17;
	v21 =	vadd.f32 v21, v22  }
0x1e4: {  	v18 =	vsub.f32 v28, v18;
	v20 =	vmul.f32 v20, v20;
	v22 =	vadd.f32 v23, v24;
	v23 =	vld.idx.msk [tilespmem:v12+s13+$0x0], $0xffff  }
0x1e5: {  	v12 =	vld.idx.msk [tilespmem:v12+s15+$0x0], $0xffff;
	v17 =	vmul.f32 v17, v17;
	v15 =	vsub.f32 v27, v15;
	v19 =	vadd.f32 v19, v21  }
0x1e6: {  	v16 =	vsub.f32 v27, v16;
	v18 =	vmul.f32 v18, v18;
	v20 =	vadd.f32 v20, v22;
	v21 =	vld.idx.msk [tilespmem:v10+s13+$0x0], $0xffff  }
0x1e7: {  	v10 =	vld.idx.msk [tilespmem:v10+s15+$0x0], $0xffff;
	v15 =	vmul.f32 v15, v15;
	v13 =	vsub.f32 v25, v13;
	v17 =	vadd.f32 v17, v19  }
0x1e8: {  	v14 =	vsub.f32 v25, v14;
	v16 =	vmul.f32 v16, v16;
	v18 =	vadd.f32 v18, v20;
	v19 =	vld.idx.msk [tilespmem:v8+s13+$0x0], $0xffff  }
0x1e9: {  	v8 =	vld.idx.msk [tilespmem:v8+s15+$0x0], $0xffff;
	v13 =	vmul.f32 v13, v13;
	v11 =	vsub.f32 v23, v11;
	v15 =	vadd.f32 v15, v17  }
0x1ea: {  	v12 =	vsub.f32 v23, v12;
	v14 =	vmul.f32 v14, v14;
	v16 =	vadd.f32 v16, v18;
	v17 =	vld.idx.msk [tilespmem:v6+s13+$0x0], $0xffff  }
0x1eb: {  	v33 =	vld.idx.msk [tilespmem:v6+s15+$0x0], $0xffff;
	v11 =	vmul.f32 v11, v11;
	v9 =	vsub.f32 v21, v9;
	v13 =	vadd.f32 v13, v15  }
0x1ec: {  	v10 =	vsub.f32 v21, v10;
	v12 =	vmul.f32 v12, v12;
	v14 =	vadd.f32 v14, v16;
	v15 =	vld.idx.msk [tilespmem:v4+s13+$0x0], $0xffff  }
0x1ed: {  	v35 =	vld.idx.msk [tilespmem:v4+s15+$0x0], $0xffff;
	v9 =	vmul.f32 v9, v9;
	v7 =	vsub.f32 v19, v7;
	v11 =	vadd.f32 v11, v13  }
0x1ee: {  	v8 =	vsub.f32 v19, v8;
	v10 =	vmul.f32 v10, v10;
	v12 =	vadd.f32 v12, v14;
	v13 =	vld.idx.msk [tilespmem:v2+s13+$0x0], $0xffff  }
0x1ef: {  	v37 =	vld.idx.msk [tilespmem:v2+s15+$0x0], $0xffff;
	v7 =	vmul.f32 v7, v7;
	v5 =	vsub.f32 v17, v5;
	v9 =	vadd.f32 v9, v11  }
0x1f0: {  	v6 =	vsub.f32 v17, v33;
	v8 =	vmul.f32 v8, v8;
	v10 =	vadd.f32 v10, v12;
	v11 =	vld.idx.msk [tilespmem:v0+s13+$0x0], $0xffff  }
0x1f1: {  	v39 =	vld.idx.msk [tilespmem:v0+s15+$0x0], $0xffff;
	v5 =	vmul.f32 v5, v5;
	v3 =	vsub.f32 v15, v3;
	v7 =	vadd.f32 v7, v9  }
0x1f2: {  	v6 =	vmul.f32 v6, v6;
	v8 =	vadd.f32 v8, v10;
	v9 =	vld.idx.msk [tilespmem:v62+s13+$0x0], $0xffff  }
0x1f3: {  	v41 =	vld.idx.msk [tilespmem:v62+s15+$0x0], $0xffff;
	v3 =	vmul.f32 v3, v3;
	v1 =	vsub.f32 v13, v1;
	v5 =	vadd.f32 v5, v7  }
0x1f4: {  	v6 =	vadd.f32 v6, v8;
	v8 =	vld.idx.msk [tilespmem:v60+s13+$0x0], $0xffff  }
0x1f5: {  	v60 =	vld.idx.msk [tilespmem:v60+s15+$0x0], $0xffff;
	v1 =	vmul.f32 v1, v1;
	v10 =	vsub.f32 v11, v63;
	v3 =	vadd.f32 v3, v5  }
0x1f6: {  	v62 =	vld.idx.msk [tilespmem:v58+s13+$0x0], $0xffff;
	v0 =	vsub.f32 v11, v39  }
0x1f7: {  	v10 =	vmul.f32 v10, v10;
	v11 =	vsub.f32 v9, v61;
	v1 =	vadd.f32 v1, v3  }
0x1f8: {  	v32 =	vld.idx.msk [tilespmem:v56+s13+$0x0], $0xffff;
	v4 =	vsub.f32 v15, v35  }
0x1f9: {  	v1 =	vadd.f32 v10, v1;
	v10 =	vmul.f32 v11, v11;
	v11 =	vsub.f32 v8, v59  }
0x1fa: {  	v33 =	vld.idx.msk [tilespmem:v54+s13+$0x0], $0xffff;
	v2 =	vsub.f32 v13, v37;
	v4 =	vmul.f32 v4, v4;
	v5 =	vsub.f32 v8, v60  }
0x1fb: {  	v8 =	vld.idx.msk [tilespmem:v54+s15+$0x0], $0xffff;
	v1 =	vadd.f32 v10, v1;
	v10 =	vmul.f32 v11, v11;
	v11 =	vsub.f32 v62, v57  }
0x1fc: {  	v35 =	vld.idx.msk [tilespmem:v52+s13+$0x0], $0xffff;
	v2 =	vmul.f32 v2, v2;
	v4 =	vadd.f32 v4, v6  }
0x1fd: {  	v1 =	vadd.f32 v10, v1;
	v10 =	vmul.f32 v11, v11;
	v11 =	vsub.f32 v32, v55  }
0x1fe: {  	v39 =	vld.idx.msk [tilespmem:v50+s13+$0x0], $0xffff;
	v7 =	vsub.f32 v9, v41;
	v0 =	vmul.f32 v0, v0;
	v2 =	vadd.f32 v2, v4  }
0x1ff: {  	v1 =	vadd.f32 v10, v1;
	v10 =	vmul.f32 v11, v11;
	v11 =	vsub.f32 v33, v53  }
0x200: {  	v41 =	vld.idx.msk [tilespmem:v48+s13+$0x0], $0xffff;
	v0 =	vadd.f32 v0, v2;
	v2 =	vsub.f32 v33, v8  }
0x201: {  	v8 =	vld.idx.msk [tilespmem:v48+s15+$0x0], $0xffff;
	v1 =	vadd.f32 v10, v1;
	v10 =	vmul.f32 v11, v11;
	v11 =	vsub.f32 v35, v51  }
0x202: {  	v48 =	vld.idx.msk [tilespmem:v46+s13+$0x0], $0xffff  }
0x203: {  	v63 =	vld.idx.msk [tilespmem:v58+s15+$0x0], $0xffff;
	v1 =	vadd.f32 v10, v1;
	v10 =	vmul.f32 v11, v11;
	v11 =	vsub.f32 v39, v49  }
0x204: {  	v51 =	vld.idx.msk [tilespmem:v44+s13+$0x0], $0xffff  }
0x205: {  	v9 =	vld.idx.msk [tilespmem:v56+s15+$0x0], $0xffff;
	v1 =	vadd.f32 v10, v1;
	v10 =	vmul.f32 v11, v11;
	v11 =	vsub.f32 v41, v47;
	_ =	sdelay $0x1  }
0x206: {  	v1 =	vadd.f32 v10, v1;
	v10 =	vmul.f32 v11, v11;
	v11 =	vsub.f32 v48, v45  }
0x207: {  	v37 =	vld.idx.msk [tilespmem:v52+s15+$0x0], $0xffff;
	v7 =	vmul.f32 v7, v7;
	v3 =	vsub.f32 v62, v63  }
0x208: {  	v52 =	vld.idx.msk [tilespmem:v42+s13+$0x0], $0xffff;
	v1 =	vadd.f32 v10, v1;
	v10 =	vmul.f32 v11, v11;
	v11 =	vsub.f32 v51, v43  }
0x209: {  	v5 =	vmul.f32 v5, v5;
	v0 =	vadd.f32 v7, v0;
	v4 =	vsub.f32 v32, v9;
	v9 =	vld.idx.msk [tilespmem:v50+s15+$0x0], $0xffff  }
0x20a: {  	v1 =	vadd.f32 v10, v1;
	v10 =	vmul.f32 v11, v11;
	v11 =	vld [tilespmem:$0x1FDF0]  }
0x20b: {  	v3 =	vmul.f32 v3, v3;
	v0 =	vadd.f32 v5, v0;
	_ =	sdelay $0x1  }
0x20c: {  	v58 =	vld.idx.msk [tilespmem:v34+s15+$0x0], $0xffff;
	v4 =	vmul.f32 v4, v4;
	v0 =	vadd.f32 v3, v0  }
0x20d: {  	v6 =	vsub.f32 v35, v37;
	v50 =	vld.idx.msk [tilespmem:v46+s15+$0x0], $0xffff;
	v5 =	vsub.f32 v39, v9  }
0x20e: {  	v2 =	vmul.f32 v2, v2;
	v9 =	vld.idx.msk [tilespmem:v44+s15+$0x0], $0xffff;
	v0 =	vadd.f32 v4, v0;
	v11 =	vsub.f32 v52, v11  }
0x20f: {  	v6 =	vmul.f32 v6, v6;
	v53 =	vld.idx.msk [tilespmem:v40+s13+$0x0], $0xffff  }
0x210: {  	v0 =	vadd.f32 v2, v0;
	v1 =	vadd.f32 v10, v1;
	v10 =	vmul.f32 v11, v11;
	v11 =	vld [tilespmem:$0x1FDE0]  }
0x211: {  	v3 =	vsub.f32 v41, v8;
	v8 =	vld.idx.msk [tilespmem:v42+s15+$0x0], $0xffff  }
0x212: {  	v55 =	vld.idx.msk [tilespmem:v38+s13+$0x0], $0xffff;
	v5 =	vmul.f32 v5, v5;
	v0 =	vadd.f32 v6, v0  }
0x213: {  	v2 =	vsub.f32 v51, v9;
	v9 =	vld.idx.msk [tilespmem:v38+s15+$0x0], $0xffff  }
0x214: {  	v56 =	vld.idx.msk [tilespmem:v36+s13+$0x0], $0xffff;
	v4 =	vsub.f32 v48, v50;
	v3 =	vmul.f32 v3, v3;
	v0 =	vadd.f32 v5, v0  }
0x215: {  	v54 =	vld.idx.msk [tilespmem:v40+s15+$0x0], $0xffff;
	v11 =	vsub.f32 v53, v11  }
0x216: {  	v4 =	vmul.f32 v4, v4;
	v6 =	vsub.f32 v52, v8;
	v8 =	vld.idx.msk [tilespmem:v36+s15+$0x0], $0xffff;
	v0 =	vadd.f32 v3, v0  }
0x217: {  	v1 =	vadd.f32 v10, v1;
	v10 =	vmul.f32 v11, v11;
	v11 =	vld [tilespmem:$0x1FDD0]  }
0x218: {  	v2 =	vmul.f32 v2, v2;
	v0 =	vadd.f32 v4, v0;
	v3 =	vsub.f32 v55, v9;
	v9 =	vld [tilespmem:$0x1FDC0]  }
0x219: {  	v61 =	vld [tilespmem:$0x1FDB0]  }
0x21a: {  	v57 =	vld.idx.msk [tilespmem:v34+s13+$0x0], $0xffff;
	v5 =	vsub.f32 v53, v54;
	v6 =	vmul.f32 v6, v6;
	v0 =	vadd.f32 v2, v0;
	_ =	sdelay $0x1  }
0x21b: {  	v5 =	vmul.f32 v5, v5;
	v0 =	vadd.f32 v6, v0;
	v11 =	vsub.f32 v55, v11  }
0x21c: {  	v4 =	vsub.f32 v56, v8;
	v3 =	vmul.f32 v3, v3;
	v9 =	vsub.f32 v56, v9  }
0x21d: {  	v0 =	vadd.f32 v5, v0;
	v1 =	vadd.f32 v10, v1;
	v59 =	vmul.f32 v11, v11  }
0x21e: {  	v2 =	vsub.f32 v57, v58;
	v6 =	vsub.f32 v57, v61;
	v62 =	vmul.f32 v4, v4  }
0x21f: {  	v60 =	vmul.f32 v9, v9;
	v0 =	vadd.f32 v3, v0;
	v1 =	vadd.f32 v59, v1  }
0x220: {  	v2 =	vmul.f32 v2, v2  }
0x221: {  	v63 =	vmul.f32 v6, v6;
	v0 =	vadd.f32 v62, v0;
	v1 =	vadd.f32 v60, v1;
	_ =	sdelay $0x1  }
0x222: {  	v0 =	vadd.f32 v2, v0;
	v1 =	vadd.f32 v63, v1;
	_ =	sdelay $0x1  }
0x223: {  	v0 =	vsub.f32 v1, v0;
	_ =	sdelay $0x1  }
0x224: {  	v0 =	vmul.f32 $1.442695020e+00, v0;
	_ =	sdelay $0x1  }
0x225: {  	(erf) = vpow2.f32 v0;
	_ =	sdelay $0x8  }
0x226: {  	v0 =	vpop (erf)  }
0x227: {  	v0 =	vadd.f32 $1.000000000e+00, v0;
	_ =	sdelay $0x1  }
0x228: {  	(erf) = vrcp.f32 v0;
	_ =	sdelay $0x8  }
0x229: {  	s20 =	sadd.s32 $0x10, s20;
	v0 =	vpop (erf)  }
0x22a: {  	[tilespmem:s20+$0x0] =	vst v0  }
0x22b: {  	[hbm4b:s8+s1] =	stream.linear.scatter [tilespmem:s18], [sflag:$0x2], $0x200, $0x38;
	[tilespmem:$0xC800] =	vst v63  }
0x22c: {  	_ =	swait.ge [sflag:s10], $0x200  }
0x22d: {  	v20 =	vld [tilespmem:$0x1FFE0]  }
0x22e: {  	v29 =	vld [tilespmem:$0x1FFF0]  }
0x22f: {  	v26 =	vld [tilespmem:$0x1FF50]  }
0x230: {  	v25 =	vld [tilespmem:$0x1FF40]  }
0x231: {  	v24 =	vld [tilespmem:$0x1FF10]  }
0x232: {  	v23 =	vld [tilespmem:$0x1FF00]  }
0x233: {  	v22 =	vld [tilespmem:$0x1FEE0]  }
0x234: {  	v63 =	vld [tilespmem:$0x1FFC0]  }
0x235: {  	v32 =	vld [tilespmem:$0x1FFA0]  }
0x236: {  	v31 =	vld [tilespmem:$0x1FF80]  }
0x237: {  	v59 =	vld [tilespmem:$0x1FF60]  }
0x238: {  	v21 =	vld [tilespmem:$0x1FEC0]  }
0x239: {  	v27 =	vld [tilespmem:$0x1FF30]  }
0x23a: {  	v19 =	vld [tilespmem:$0x1FEA0]  }
0x23b: {  	v18 =	vld [tilespmem:$0x1FEF0]  }
0x23c: {  	v28 =	vld [tilespmem:$0x1FF20]  }
0x23d: {  	v12 =	vld [tilespmem:$0x1FE90]  }
0x23e: {  	v14 =	vld [tilespmem:$0x1FE50]  }
0x23f: {  	v9 =	vld [tilespmem:$0x1FE60]  }
0x240: {  	v10 =	vld [tilespmem:$0x1FE70]  }
0x241: {  	v15 =	vld [tilespmem:$0x1FEB0]  }
0x242: {  	s19 =	sadd.s32 $0x1, s19;
	v16 =	vld [tilespmem:$0x1FED0]  }
0x243: {  	p0 =	sne.s32 s19, s9;
	v42 =	vld [tilespmem:$0x1FF90]  }
.Ltmp1:
0x244: {  	v13 =	vld [tilespmem:$0x1FE80];
	(pc) =	sbr.rel @p0 .LBB2_1-.Ltmp1, $4  }
0x245: {  	v11 =	vld [tilespmem:$0x1FE40]  }
0x246: {  	v40 =	vld [tilespmem:$0x1FF70]  }
0x247: {  	[sflag:s10] =	ssyncset.done $0x0;
	v36 =	vld [tilespmem:$0x1FFD0]  }
0x248: {  	v30 =	vlaneseq.u32;
	v34 =	vld [tilespmem:$0x1FFB0];
	[sflag:s10] =	ssyncadd.s32 $0xFFFFFE00  }
0x249: {  	_ =	sfence.sel $0x180000  }
0x24a: {  	[bflag:$0x0] =	sbarrier.arrive $0xFFFF  }
0x24b: {  	_ =	strace $0x9000004A  }
0x24c: {  	s0 =	stileid.u32;
	[bflag:$0x2] =	sbarrier.arrive $0xFFFF  }
0x24d: {  	p0 =	sne.s32 s0, $0x0;
	s0 =	rddreg [dreg:$0x5]  }
0x24e: {  	s0 =	sadd.s32 @!p0 $0x100000, s0  }
0x24f: {  	[sflag:s0] =	ssyncadd.tile.s32 @!p0 $0x1;
	_ =	shalt  }
.Lfunc_end2:
_tile_overlayer_lowered:
.L_overlay_start_2:
0x250: {  	(tag) =	ssettag $0x2  }
0x251: {  	s0 =	rddreg [dreg:$0x0];
	s2 =	stileid.u32  }
0x252: {  	s1 =	rddreg [dreg:$0x1];
	p0 =	sne.s32 s2, $0x0  }
0x253: {  	s3 =	rddreg [dreg:$0x2];
	[bflag:$0x3] =	sbarrier.arrive $0xFFFF;
	s2 =	simm.s32 @!p0 $0x1C02  }
0x254: {  	[timem:s3], [sflag:s2] =	dma.local @!p0 [hbm:s0], s1  }
0x255: {  	s0 =	simm.s32 @!p0 $0x2  }
0x256: {  	_ =	swait.ge @!p0 [sflag:s0], s1  }
0x257: {  	s1 =	ssub.s32 @!p0 $0x0, s1;
	[sflag:s0] =	ssyncset.done @!p0 $0x0  }
0x258: {  	[sflag:s0] =	ssyncadd.s32 @!p0 s1  }
0x259: {  	[bflag:$0x3] =	sbarrier.arrive $0xFFFF  }
0x25a: {  	_ =	shalt  }

</sc_bundles>
